<compile_context>
chip_gen: v7x
topology: tpu7x:2x2x1
jax: 0.10.2.dev20260603
libtpu: 0.0.44.dev20260713+nightly
codegen_flags: <defaults>
</compile_context>

<pallas_src>
import functools

import jax
import jax.numpy as jnp
from jax import lax
from jax.experimental import pallas as pl
from jax.experimental.pallas import tpu as pltpu
from jax.experimental.pallas import tpu_sc as plsc

NUM_FIELDS = 26
VOCAB = 1000000
BATCH = 16384

NC = 2
NS = 16
L = 16
NW = NC * NS
BPW = BATCH // NW
NCOL = BPW // L

CHW = 31232
TAIL = VOCAB - NW * CHW


NBUF = 3


def _stage_body(tab_ref, flat_ref, buf0, buf1, buf2, tbuf, semi, semo):
    wid = lax.axis_index("s") * NC + lax.axis_index("c")
    src_off = pl.multiple_of(wid * CHW, 128)
    bufs = [buf0, buf1, buf2]

    def cin(r):
        return pltpu.async_copy(
            tab_ref.at[r, pl.ds(src_off, CHW)], bufs[r % NBUF], semi
        )

    def cout(r):
        dst_off = pl.multiple_of(r * VOCAB + wid * CHW, 8)
        return pltpu.async_copy(
            bufs[r % NBUF], flat_ref.at[pl.ds(dst_off, CHW)], semo
        )

    ins = [cin(r) for r in range(NBUF - 1)]
    outs = []
    for r in range(NUM_FIELDS):
        ins[r].wait()
        if r >= 1:
            outs[r - 1].wait()
        if r + NBUF - 1 < NUM_FIELDS:
            ins.append(cin(r + NBUF - 1))
        outs.append(cout(r))
    outs[NUM_FIELDS - 1].wait()

    for r in range(NUM_FIELDS):

        @pl.when(wid == r)
        def _():
            pltpu.sync_copy(tab_ref.at[r, pl.ds(NW * CHW, TAIL)], tbuf)
            pltpu.sync_copy(tbuf, flat_ref.at[pl.ds(r * VOCAB + NW * CHW, TAIL)])


def _gather_body(x_ref, tab_ref, par_ref, out_ref, xv2, rowsv, outv, parv,
                 sem, *xts):
    wid = lax.axis_index("s") * NC + lax.axis_index("c")
    base_b = wid * BPW

    pltpu.sync_copy(x_ref.at[pl.ds(base_b, BPW), :], xv2)
    pltpu.sync_copy(par_ref, parv)
    iota = lax.iota(jnp.int32, L)

    copies = []
    for i in range(NUM_FIELDS):
        col = jnp.full((L,), i, jnp.int32)

        def trans(j, _, i=i, col=col):
            rows = j * L + iota
            xts[i][pl.ds(j * L, L)] = (
                plsc.load_gather(xv2, [rows, col]) + i * VOCAB
            )
            return 0

        lax.fori_loop(0, NCOL, trans, 0)
        copies.append(
            pltpu.async_copy(
                tab_ref.at[xts[i]], rowsv.at[pl.ds(i * BPW, BPW)], sem
            )
        )
    for c in copies:
        c.wait()

    wvs = [
        plsc.load_gather(parv, [jnp.full((L,), i, jnp.int32)])
        for i in range(NUM_FIELDS)
    ]
    bconst = plsc.load_gather(parv, [jnp.full((L,), NUM_FIELDS, jnp.int32)])

    def col(j, _):
        b0 = j * L
        acc = bconst
        for i in range(NUM_FIELDS):
            acc = acc + wvs[i] * rowsv[pl.ds(i * BPW + b0, L)]
        outv[pl.ds(b0, L)] = 1.0 / (1.0 + jnp.exp(-acc))
        return 0

    lax.fori_loop(0, NCOL, col, 0)

    pltpu.sync_copy(outv, out_ref.at[pl.ds(base_b, BPW)])


@jax.jit
def _run(x, tables, W, b, bias):
    params = jnp.concatenate(
        [
            W.reshape(-1).astype(jnp.float32),
            (b + bias).reshape(-1).astype(jnp.float32),
            jnp.zeros(128 - NUM_FIELDS - 1, jnp.float32),
        ]
    )
    x = x.astype(jnp.int32)
    mesh = plsc.VectorSubcoreMesh(core_axis_name="c", subcore_axis_name="s")

    stage = pl.kernel(
        _stage_body,
        out_type=jax.ShapeDtypeStruct((NUM_FIELDS * VOCAB,), jnp.float32),
        mesh=mesh,
        compiler_params=pltpu.CompilerParams(needs_layout_passes=False),
        scratch_types=[
            pltpu.VMEM((CHW,), jnp.float32),
            pltpu.VMEM((CHW,), jnp.float32),
            pltpu.VMEM((CHW,), jnp.float32),
            pltpu.VMEM((TAIL,), jnp.float32),
            pltpu.SemaphoreType.DMA,
            pltpu.SemaphoreType.DMA,
        ],
    )
    flat = stage(tables)

    gather = pl.kernel(
        _gather_body,
        out_type=jax.ShapeDtypeStruct((BATCH,), jnp.float32),
        mesh=mesh,
        compiler_params=pltpu.CompilerParams(needs_layout_passes=False),
        scratch_types=[
            pltpu.VMEM((BPW, NUM_FIELDS), jnp.int32),
            pltpu.VMEM((NUM_FIELDS * BPW,), jnp.float32),
            pltpu.VMEM((BPW,), jnp.float32),
            pltpu.VMEM((128,), jnp.float32),
            pltpu.SemaphoreType.DMA,
        ]
        + [pltpu.VMEM((BPW,), jnp.int32) for _ in range(NUM_FIELDS)],
    )
    return gather(x, flat, params).reshape(BATCH, 1)


def kernel(x, tables, W, b, bias):
    return _run(x, tables, W, b, bias)

# --- scband reference (transcript-rebuilt; emitter-appended) ---
"""Pipeline reference for scband-logistic-regression-43069932044848 (READ-ONLY COPY).

The authoritative reference and input builder live on the scoring server;
editing this copy changes nothing except your own understanding.
"""

import jax, jax.numpy as jnp
import numpy as np

NUM_FIELDS = 26
VOCAB = 1000000
BATCH = 16384


def setup_inputs(seed: int = 0) -> dict:
    key = jax.random.key(seed)
    k_x, k_t, k_w, k_b = jax.random.split(key, 4)
    x = jax.random.randint(k_x, (BATCH, NUM_FIELDS), 0, VOCAB, dtype=jnp.int64 if jax.config.jax_enable_x64 else jnp.int32)
    # 26 embedding tables of shape [VOCAB, 1], stacked as [NUM_FIELDS, VOCAB]
    # xavier_uniform for shape (VOCAB, 1): bound = sqrt(6/(VOCAB+1))
    bound = np.sqrt(6.0 / (VOCAB + 1))
    tables = jax.random.uniform(k_t, (NUM_FIELDS, VOCAB), minval=-bound, maxval=bound, dtype=jnp.float32)
    # Linear(26 -> 1): kaiming-uniform-ish init as torch default
    lim = 1.0 / np.sqrt(NUM_FIELDS)
    W = jax.random.uniform(k_w, (1, NUM_FIELDS), minval=-lim, maxval=lim, dtype=jnp.float32)
    b = jax.random.uniform(k_b, (1,), minval=-lim, maxval=lim, dtype=jnp.float32)
    bias = jnp.zeros((1,), dtype=jnp.float32)
    return {"x": x, "tables": tables, "W": W, "b": b, "bias": bias}


def reference(x, tables, W, b, bias):
    # per-field 1-d embedding lookup: embed_map[bt, i] = tables[i, x[bt, i]]
    gathered = jnp.take_along_axis(tables, x.T, axis=1)  # [NUM_FIELDS, BATCH]
    embed_map = gathered.T  # [BATCH, NUM_FIELDS]
    out = embed_map @ W.T + b + bias  # [BATCH, 1]
    return jax.nn.sigmoid(out)

if __name__ == "__main__":
    import jax
    _d = setup_inputs()
    print(jax.jit(kernel)(*tuple(_d.values())))

</pallas_src>

<mosaic_0001>
#map = affine_map<(d0, d1) -> (0, 0)>
#map1 = affine_map<(d0, d1) -> (0)>
module attributes {stable_mosaic.version = 14 : i64} {
  func.func @_gather_body(%arg0: i32, %arg1: i32, %arg2: memref<16384x26xi32, #tpu.memory_space<hbm>>, %arg3: memref<26000000xf32, #tpu.memory_space<hbm>>, %arg4: memref<128xf32, #tpu.memory_space<hbm>>, %arg5: memref<16384xf32, #tpu.memory_space<hbm>>, %arg6: memref<512x26xi32, #tpu.memory_space<vmem>>, %arg7: memref<13312xf32, #tpu.memory_space<vmem>>, %arg8: memref<512xf32, #tpu.memory_space<vmem>>, %arg9: memref<128xf32, #tpu.memory_space<vmem>>, %arg10: memref<!tpu.dma_semaphore, #tpu.memory_space<semaphore_mem>>, %arg11: memref<512xi32, #tpu.memory_space<vmem>>, %arg12: memref<512xi32, #tpu.memory_space<vmem>>, %arg13: memref<512xi32, #tpu.memory_space<vmem>>, %arg14: memref<512xi32, #tpu.memory_space<vmem>>, %arg15: memref<512xi32, #tpu.memory_space<vmem>>, %arg16: memref<512xi32, #tpu.memory_space<vmem>>, %arg17: memref<512xi32, #tpu.memory_space<vmem>>, %arg18: memref<512xi32, #tpu.memory_space<vmem>>, %arg19: memref<512xi32, #tpu.memory_space<vmem>>, %arg20: memref<512xi32, #tpu.memory_space<vmem>>, %arg21: memref<512xi32, #tpu.memory_space<vmem>>, %arg22: memref<512xi32, #tpu.memory_space<vmem>>, %arg23: memref<512xi32, #tpu.memory_space<vmem>>, %arg24: memref<512xi32, #tpu.memory_space<vmem>>, %arg25: memref<512xi32, #tpu.memory_space<vmem>>, %arg26: memref<512xi32, #tpu.memory_space<vmem>>, %arg27: memref<512xi32, #tpu.memory_space<vmem>>, %arg28: memref<512xi32, #tpu.memory_space<vmem>>, %arg29: memref<512xi32, #tpu.memory_space<vmem>>, %arg30: memref<512xi32, #tpu.memory_space<vmem>>, %arg31: memref<512xi32, #tpu.memory_space<vmem>>, %arg32: memref<512xi32, #tpu.memory_space<vmem>>, %arg33: memref<512xi32, #tpu.memory_space<vmem>>, %arg34: memref<512xi32, #tpu.memory_space<vmem>>, %arg35: memref<512xi32, #tpu.memory_space<vmem>>, %arg36: memref<512xi32, #tpu.memory_space<vmem>>) attributes {dimension_semantics = [#tpu.dimension_semantics<core_parallel>, #tpu.dimension_semantics<subcore_parallel>], iteration_bounds = array<i64: 2, 16>, scalar_prefetch = 0 : i64, scratch_operands = 31 : i64, tpu.core_type = #tpu.core_type<sc_vector_subcore>, window_params = [{transform_indices = #map}, {transform_indices = #map1}, {transform_indices = #map1}, {transform_indices = #map1}]} {
    %mul3A = arith.constant 2 : i32
    %mul3A_0 = arith.muli %arg1, %mul3A : i32
    %add3A = arith.addi %mul3A_0, %arg0 : i32
    %mul3A_1 = arith.constant 512 : i32
    %mul3A_2 = arith.muli %add3A, %mul3A_1 : i32
    "tpu.region"() ({
      %run_scoped3A = tpu.sem_alloc : memref<!tpu.dma_semaphore, #tpu.memory_space<semaphore_mem>>
      %dma_start3A_528 = arith.constant 0 : i32
      %dma_start3A_529 = tpu.memref_slice %arg2[%mul3A_2, %dma_start3A_528] : memref<16384x26xi32, #tpu.memory_space<hbm>> -> memref<512x26xi32, #tpu.memory_space<hbm>>
      %dma_start3A_530 = arith.constant 0 : i32
      %dma_start3A_531 = tpu.memref_slice %arg2[%mul3A_2, %dma_start3A_530] : memref<16384x26xi32, #tpu.memory_space<hbm>> -> memref<512x26xi32, #tpu.memory_space<hbm>>
      tpu.enqueue_dma source(%dma_start3A_531 : memref<512x26xi32, #tpu.memory_space<hbm>>) target(%arg6 : memref<512x26xi32, #tpu.memory_space<vmem>>) target_semaphore(%run_scoped3A : memref<!tpu.dma_semaphore, #tpu.memory_space<semaphore_mem>>)
      %dma_wait3A_532 = arith.constant 0 : i32
      %dma_wait3A_533 = tpu.memref_slice %arg2[%mul3A_2, %dma_wait3A_532] : memref<16384x26xi32, #tpu.memory_space<hbm>> -> memref<512x26xi32, #tpu.memory_space<hbm>>
      %dma_wait3A_534 = arith.constant 0 : i32
      %dma_wait3A_535 = tpu.memref_slice %arg2[%mul3A_2, %dma_wait3A_534] : memref<16384x26xi32, #tpu.memory_space<hbm>> -> memref<512x26xi32, #tpu.memory_space<hbm>>
      tpu.wait_dma2 semaphore(%run_scoped3A : memref<!tpu.dma_semaphore, #tpu.memory_space<semaphore_mem>>) src(%dma_wait3A_535 : memref<512x26xi32, #tpu.memory_space<hbm>>) dst(%arg6 : memref<512x26xi32, #tpu.memory_space<vmem>>)
      tpu.yield
    }) : () -> ()
    "tpu.region"() ({
      %run_scoped3A = tpu.sem_alloc : memref<!tpu.dma_semaphore, #tpu.memory_space<semaphore_mem>>
      tpu.enqueue_dma source(%arg4 : memref<128xf32, #tpu.memory_space<hbm>>) target(%arg9 : memref<128xf32, #tpu.memory_space<vmem>>) target_semaphore(%run_scoped3A : memref<!tpu.dma_semaphore, #tpu.memory_space<semaphore_mem>>)
      tpu.wait_dma2 semaphore(%run_scoped3A : memref<!tpu.dma_semaphore, #tpu.memory_space<semaphore_mem>>) src(%arg4 : memref<128xf32, #tpu.memory_space<hbm>>) dst(%arg9 : memref<128xf32, #tpu.memory_space<vmem>>)
      tpu.yield
    }) : () -> ()
    %iota3A = tpu.iota {dimensions = array<i32: 0>} : vector<16xi32>
    %broadcast_in_dim3A = arith.constant 0 : i32
    %broadcast_in_dim3A_3 = vector.broadcast %broadcast_in_dim3A : i32 to vector<16xi32>
    %scan3A = arith.constant 0 : i32
    %scan3A_4 = arith.constant 0 : i32
    %scan3A_5 = arith.constant 32 : i32
    %scan3A_6 = arith.addi %scan3A_4, %scan3A_5 : i32
    %scan3A_7 = arith.constant 1 : i32
    %scan3A_8 = scf.for %scan3A_528 = %scan3A_4 to %scan3A_6 step %scan3A_7 iter_args(%scan3A_529 = %scan3A) -> (i32)  : i32 {
      %mul3A_530 = arith.constant 16 : i32
      %mul3A_531 = arith.muli %scan3A_528, %mul3A_530 : i32
      %add3A_532 = vector.broadcast %mul3A_531 : i32 to vector<16xi32>
      %add3A_533 = arith.addi %add3A_532, %iota3A : vector<16xi32>
      %gather3A_534 = tpu.vector_load_idx %arg6[%add3A_533, %broadcast_in_dim3A_3] : memref<512x26xi32, #tpu.memory_space<vmem>>[vector<16xi32>, vector<16xi32>], vector<16xi32>,
      %add3A_535 = arith.constant 0 : i32
      %add3A_536 = vector.broadcast %add3A_535 : i32 to vector<16xi32>
      %add3A_537 = arith.addi %gather3A_534, %add3A_536 : vector<16xi32>
      %mul3A_538 = arith.constant 16 : i32
      %mul3A_539 = arith.muli %scan3A_528, %mul3A_538 : i32
      %swap3A = arith.index_cast %mul3A_539 : i32 to index
      %swap3A_540 = tpu.vector_load %arg11[%swap3A] {strides = array<i32>} : memref<512xi32, #tpu.memory_space<vmem>>, vector<16xi32>,
      tpu.vector_store %arg11[%swap3A], %add3A_537 {strides = array<i32>} : memref<512xi32, #tpu.memory_space<vmem>>, vector<16xi32>,
      %scan3A_541 = arith.constant 0 : i32
      scf.yield %scan3A_541 : i32
    }
    %scan3A_9 = arith.constant 32 : i32
    %dma_start3A = arith.constant 0 : i32
    %dma_start3A_10 = tpu.memref_slice %arg7[%dma_start3A] : memref<13312xf32, #tpu.memory_space<vmem>> -> memref<512xf32, #tpu.memory_space<vmem>>
    %dma_start3A_11 = arith.constant 0 : i32
    %dma_start3A_12 = tpu.memref_slice %arg3[%dma_start3A_11] : memref<26000000xf32, #tpu.memory_space<hbm>> -> memref<26000000xf32, #tpu.memory_space<hbm>>
    tpu.enqueue_indirect_dma source(%dma_start3A_12 : memref<26000000xf32, #tpu.memory_space<hbm>>) target(%dma_start3A_10 : memref<512xf32, #tpu.memory_space<vmem>>) offsets(%arg11 : memref<512xi32, #tpu.memory_space<vmem>>) semaphore(%arg10 : memref<!tpu.dma_semaphore, #tpu.memory_space<semaphore_mem>>)
    %broadcast_in_dim3A_13 = arith.constant 1 : i32
    %broadcast_in_dim3A_14 = vector.broadcast %broadcast_in_dim3A_13 : i32 to vector<16xi32>
    %scan3A_15 = arith.constant 0 : i32
    %scan3A_16 = arith.constant 0 : i32
    %scan3A_17 = arith.constant 32 : i32
    %scan3A_18 = arith.addi %scan3A_16, %scan3A_17 : i32
    %scan3A_19 = arith.constant 1 : i32
    %scan3A_20 = scf.for %scan3A_528 = %scan3A_16 to %scan3A_18 step %scan3A_19 iter_args(%scan3A_529 = %scan3A_15) -> (i32)  : i32 {
      %mul3A_530 = arith.constant 16 : i32
      %mul3A_531 = arith.muli %scan3A_528, %mul3A_530 : i32
      %add3A_532 = vector.broadcast %mul3A_531 : i32 to vector<16xi32>
      %add3A_533 = arith.addi %add3A_532, %iota3A : vector<16xi32>
      %gather3A_534 = tpu.vector_load_idx %arg6[%add3A_533, %broadcast_in_dim3A_14] : memref<512x26xi32, #tpu.memory_space<vmem>>[vector<16xi32>, vector<16xi32>], vector<16xi32>,
      %add3A_535 = arith.constant 1000000 : i32
      %add3A_536 = vector.broadcast %add3A_535 : i32 to vector<16xi32>
      %add3A_537 = arith.addi %gather3A_534, %add3A_536 : vector<16xi32>
      %mul3A_538 = arith.constant 16 : i32
      %mul3A_539 = arith.muli %scan3A_528, %mul3A_538 : i32
      %swap3A = arith.index_cast %mul3A_539 : i32 to index
      %swap3A_540 = tpu.vector_load %arg12[%swap3A] {strides = array<i32>} : memref<512xi32, #tpu.memory_space<vmem>>, vector<16xi32>,
      tpu.vector_store %arg12[%swap3A], %add3A_537 {strides = array<i32>} : memref<512xi32, #tpu.memory_space<vmem>>, vector<16xi32>,
      %scan3A_541 = arith.constant 0 : i32
      scf.yield %scan3A_541 : i32
    }
    %scan3A_21 = arith.constant 32 : i32
    %dma_start3A_22 = arith.constant 512 : i32
    %dma_start3A_23 = tpu.memref_slice %arg7[%dma_start3A_22] : memref<13312xf32, #tpu.memory_space<vmem>> -> memref<512xf32, #tpu.memory_space<vmem>>
    %dma_start3A_24 = arith.constant 0 : i32
    %dma_start3A_25 = tpu.memref_slice %arg3[%dma_start3A_24] : memref<26000000xf32, #tpu.memory_space<hbm>> -> memref<26000000xf32, #tpu.memory_space<hbm>>
    tpu.enqueue_indirect_dma source(%dma_start3A_25 : memref<26000000xf32, #tpu.memory_space<hbm>>) target(%dma_start3A_23 : memref<512xf32, #tpu.memory_space<vmem>>) offsets(%arg12 : memref<512xi32, #tpu.memory_space<vmem>>) semaphore(%arg10 : memref<!tpu.dma_semaphore, #tpu.memory_space<semaphore_mem>>)
    %broadcast_in_dim3A_26 = arith.constant 2 : i32
    %broadcast_in_dim3A_27 = vector.broadcast %broadcast_in_dim3A_26 : i32 to vector<16xi32>
    %scan3A_28 = arith.constant 0 : i32
    %scan3A_29 = arith.constant 0 : i32
    %scan3A_30 = arith.constant 32 : i32
    %scan3A_31 = arith.addi %scan3A_29, %scan3A_30 : i32
    %scan3A_32 = arith.constant 1 : i32
    %scan3A_33 = scf.for %scan3A_528 = %scan3A_29 to %scan3A_31 step %scan3A_32 iter_args(%scan3A_529 = %scan3A_28) -> (i32)  : i32 {
      %mul3A_530 = arith.constant 16 : i32
      %mul3A_531 = arith.muli %scan3A_528, %mul3A_530 : i32
      %add3A_532 = vector.broadcast %mul3A_531 : i32 to vector<16xi32>
      %add3A_533 = arith.addi %add3A_532, %iota3A : vector<16xi32>
      %gather3A_534 = tpu.vector_load_idx %arg6[%add3A_533, %broadcast_in_dim3A_27] : memref<512x26xi32, #tpu.memory_space<vmem>>[vector<16xi32>, vector<16xi32>], vector<16xi32>,
      %add3A_535 = arith.constant 2000000 : i32
      %add3A_536 = vector.broadcast %add3A_535 : i32 to vector<16xi32>
      %add3A_537 = arith.addi %gather3A_534, %add3A_536 : vector<16xi32>
      %mul3A_538 = arith.constant 16 : i32
      %mul3A_539 = arith.muli %scan3A_528, %mul3A_538 : i32
      %swap3A = arith.index_cast %mul3A_539 : i32 to index
      %swap3A_540 = tpu.vector_load %arg13[%swap3A] {strides = array<i32>} : memref<512xi32, #tpu.memory_space<vmem>>, vector<16xi32>,
      tpu.vector_store %arg13[%swap3A], %add3A_537 {strides = array<i32>} : memref<512xi32, #tpu.memory_space<vmem>>, vector<16xi32>,
      %scan3A_541 = arith.constant 0 : i32
      scf.yield %scan3A_541 : i32
    }
    %scan3A_34 = arith.constant 32 : i32
    %dma_start3A_35 = arith.constant 1024 : i32
    %dma_start3A_36 = tpu.memref_slice %arg7[%dma_start3A_35] : memref<13312xf32, #tpu.memory_space<vmem>> -> memref<512xf32, #tpu.memory_space<vmem>>
    %dma_start3A_37 = arith.constant 0 : i32
    %dma_start3A_38 = tpu.memref_slice %arg3[%dma_start3A_37] : memref<26000000xf32, #tpu.memory_space<hbm>> -> memref<26000000xf32, #tpu.memory_space<hbm>>
    tpu.enqueue_indirect_dma source(%dma_start3A_38 : memref<26000000xf32, #tpu.memory_space<hbm>>) target(%dma_start3A_36 : memref<512xf32, #tpu.memory_space<vmem>>) offsets(%arg13 : memref<512xi32, #tpu.memory_space<vmem>>) semaphore(%arg10 : memref<!tpu.dma_semaphore, #tpu.memory_space<semaphore_mem>>)
    %broadcast_in_dim3A_39 = arith.constant 3 : i32
    %broadcast_in_dim3A_40 = vector.broadcast %broadcast_in_dim3A_39 : i32 to vector<16xi32>
    %scan3A_41 = arith.constant 0 : i32
    %scan3A_42 = arith.constant 0 : i32
    %scan3A_43 = arith.constant 32 : i32
    %scan3A_44 = arith.addi %scan3A_42, %scan3A_43 : i32
    %scan3A_45 = arith.constant 1 : i32
    %scan3A_46 = scf.for %scan3A_528 = %scan3A_42 to %scan3A_44 step %scan3A_45 iter_args(%scan3A_529 = %scan3A_41) -> (i32)  : i32 {
      %mul3A_530 = arith.constant 16 : i32
      %mul3A_531 = arith.muli %scan3A_528, %mul3A_530 : i32
      %add3A_532 = vector.broadcast %mul3A_531 : i32 to vector<16xi32>
      %add3A_533 = arith.addi %add3A_532, %iota3A : vector<16xi32>
      %gather3A_534 = tpu.vector_load_idx %arg6[%add3A_533, %broadcast_in_dim3A_40] : memref<512x26xi32, #tpu.memory_space<vmem>>[vector<16xi32>, vector<16xi32>], vector<16xi32>,
      %add3A_535 = arith.constant 3000000 : i32
      %add3A_536 = vector.broadcast %add3A_535 : i32 to vector<16xi32>
      %add3A_537 = arith.addi %gather3A_534, %add3A_536 : vector<16xi32>
      %mul3A_538 = arith.constant 16 : i32
      %mul3A_539 = arith.muli %scan3A_528, %mul3A_538 : i32
      %swap3A = arith.index_cast %mul3A_539 : i32 to index
      %swap3A_540 = tpu.vector_load %arg14[%swap3A] {strides = array<i32>} : memref<512xi32, #tpu.memory_space<vmem>>, vector<16xi32>,
      tpu.vector_store %arg14[%swap3A], %add3A_537 {strides = array<i32>} : memref<512xi32, #tpu.memory_space<vmem>>, vector<16xi32>,
      %scan3A_541 = arith.constant 0 : i32
      scf.yield %scan3A_541 : i32
    }
    %scan3A_47 = arith.constant 32 : i32
    %dma_start3A_48 = arith.constant 1536 : i32
    %dma_start3A_49 = tpu.memref_slice %arg7[%dma_start3A_48] : memref<13312xf32, #tpu.memory_space<vmem>> -> memref<512xf32, #tpu.memory_space<vmem>>
    %dma_start3A_50 = arith.constant 0 : i32
    %dma_start3A_51 = tpu.memref_slice %arg3[%dma_start3A_50] : memref<26000000xf32, #tpu.memory_space<hbm>> -> memref<26000000xf32, #tpu.memory_space<hbm>>
    tpu.enqueue_indirect_dma source(%dma_start3A_51 : memref<26000000xf32, #tpu.memory_space<hbm>>) target(%dma_start3A_49 : memref<512xf32, #tpu.memory_space<vmem>>) offsets(%arg14 : memref<512xi32, #tpu.memory_space<vmem>>) semaphore(%arg10 : memref<!tpu.dma_semaphore, #tpu.memory_space<semaphore_mem>>)
    %broadcast_in_dim3A_52 = arith.constant 4 : i32
    %broadcast_in_dim3A_53 = vector.broadcast %broadcast_in_dim3A_52 : i32 to vector<16xi32>
    %scan3A_54 = arith.constant 0 : i32
    %scan3A_55 = arith.constant 0 : i32
    %scan3A_56 = arith.constant 32 : i32
    %scan3A_57 = arith.addi %scan3A_55, %scan3A_56 : i32
    %scan3A_58 = arith.constant 1 : i32
    %scan3A_59 = scf.for %scan3A_528 = %scan3A_55 to %scan3A_57 step %scan3A_58 iter_args(%scan3A_529 = %scan3A_54) -> (i32)  : i32 {
      %mul3A_530 = arith.constant 16 : i32
      %mul3A_531 = arith.muli %scan3A_528, %mul3A_530 : i32
      %add3A_532 = vector.broadcast %mul3A_531 : i32 to vector<16xi32>
      %add3A_533 = arith.addi %add3A_532, %iota3A : vector<16xi32>
      %gather3A_534 = tpu.vector_load_idx %arg6[%add3A_533, %broadcast_in_dim3A_53] : memref<512x26xi32, #tpu.memory_space<vmem>>[vector<16xi32>, vector<16xi32>], vector<16xi32>,
      %add3A_535 = arith.constant 4000000 : i32
      %add3A_536 = vector.broadcast %add3A_535 : i32 to vector<16xi32>
      %add3A_537 = arith.addi %gather3A_534, %add3A_536 : vector<16xi32>
      %mul3A_538 = arith.constant 16 : i32
      %mul3A_539 = arith.muli %scan3A_528, %mul3A_538 : i32
      %swap3A = arith.index_cast %mul3A_539 : i32 to index
      %swap3A_540 = tpu.vector_load %arg15[%swap3A] {strides = array<i32>} : memref<512xi32, #tpu.memory_space<vmem>>, vector<16xi32>,
      tpu.vector_store %arg15[%swap3A], %add3A_537 {strides = array<i32>} : memref<512xi32, #tpu.memory_space<vmem>>, vector<16xi32>,
      %scan3A_541 = arith.constant 0 : i32
      scf.yield %scan3A_541 : i32
    }
    %scan3A_60 = arith.constant 32 : i32
    %dma_start3A_61 = arith.constant 2048 : i32
    %dma_start3A_62 = tpu.memref_slice %arg7[%dma_start3A_61] : memref<13312xf32, #tpu.memory_space<vmem>> -> memref<512xf32, #tpu.memory_space<vmem>>
    %dma_start3A_63 = arith.constant 0 : i32
    %dma_start3A_64 = tpu.memref_slice %arg3[%dma_start3A_63] : memref<26000000xf32, #tpu.memory_space<hbm>> -> memref<26000000xf32, #tpu.memory_space<hbm>>
    tpu.enqueue_indirect_dma source(%dma_start3A_64 : memref<26000000xf32, #tpu.memory_space<hbm>>) target(%dma_start3A_62 : memref<512xf32, #tpu.memory_space<vmem>>) offsets(%arg15 : memref<512xi32, #tpu.memory_space<vmem>>) semaphore(%arg10 : memref<!tpu.dma_semaphore, #tpu.memory_space<semaphore_mem>>)
    %broadcast_in_dim3A_65 = arith.constant 5 : i32
    %broadcast_in_dim3A_66 = vector.broadcast %broadcast_in_dim3A_65 : i32 to vector<16xi32>
    %scan3A_67 = arith.constant 0 : i32
    %scan3A_68 = arith.constant 0 : i32
    %scan3A_69 = arith.constant 32 : i32
    %scan3A_70 = arith.addi %scan3A_68, %scan3A_69 : i32
    %scan3A_71 = arith.constant 1 : i32
    %scan3A_72 = scf.for %scan3A_528 = %scan3A_68 to %scan3A_70 step %scan3A_71 iter_args(%scan3A_529 = %scan3A_67) -> (i32)  : i32 {
      %mul3A_530 = arith.constant 16 : i32
      %mul3A_531 = arith.muli %scan3A_528, %mul3A_530 : i32
      %add3A_532 = vector.broadcast %mul3A_531 : i32 to vector<16xi32>
      %add3A_533 = arith.addi %add3A_532, %iota3A : vector<16xi32>
      %gather3A_534 = tpu.vector_load_idx %arg6[%add3A_533, %broadcast_in_dim3A_66] : memref<512x26xi32, #tpu.memory_space<vmem>>[vector<16xi32>, vector<16xi32>], vector<16xi32>,
      %add3A_535 = arith.constant 5000000 : i32
      %add3A_536 = vector.broadcast %add3A_535 : i32 to vector<16xi32>
      %add3A_537 = arith.addi %gather3A_534, %add3A_536 : vector<16xi32>
      %mul3A_538 = arith.constant 16 : i32
      %mul3A_539 = arith.muli %scan3A_528, %mul3A_538 : i32
      %swap3A = arith.index_cast %mul3A_539 : i32 to index
      %swap3A_540 = tpu.vector_load %arg16[%swap3A] {strides = array<i32>} : memref<512xi32, #tpu.memory_space<vmem>>, vector<16xi32>,
      tpu.vector_store %arg16[%swap3A], %add3A_537 {strides = array<i32>} : memref<512xi32, #tpu.memory_space<vmem>>, vector<16xi32>,
      %scan3A_541 = arith.constant 0 : i32
      scf.yield %scan3A_541 : i32
    }
    %scan3A_73 = arith.constant 32 : i32
    %dma_start3A_74 = arith.constant 2560 : i32
    %dma_start3A_75 = tpu.memref_slice %arg7[%dma_start3A_74] : memref<13312xf32, #tpu.memory_space<vmem>> -> memref<512xf32, #tpu.memory_space<vmem>>
    %dma_start3A_76 = arith.constant 0 : i32
    %dma_start3A_77 = tpu.memref_slice %arg3[%dma_start3A_76] : memref<26000000xf32, #tpu.memory_space<hbm>> -> memref<26000000xf32, #tpu.memory_space<hbm>>
    tpu.enqueue_indirect_dma source(%dma_start3A_77 : memref<26000000xf32, #tpu.memory_space<hbm>>) target(%dma_start3A_75 : memref<512xf32, #tpu.memory_space<vmem>>) offsets(%arg16 : memref<512xi32, #tpu.memory_space<vmem>>) semaphore(%arg10 : memref<!tpu.dma_semaphore, #tpu.memory_space<semaphore_mem>>)
    %broadcast_in_dim3A_78 = arith.constant 6 : i32
    %broadcast_in_dim3A_79 = vector.broadcast %broadcast_in_dim3A_78 : i32 to vector<16xi32>
    %scan3A_80 = arith.constant 0 : i32
    %scan3A_81 = arith.constant 0 : i32
    %scan3A_82 = arith.constant 32 : i32
    %scan3A_83 = arith.addi %scan3A_81, %scan3A_82 : i32
    %scan3A_84 = arith.constant 1 : i32
    %scan3A_85 = scf.for %scan3A_528 = %scan3A_81 to %scan3A_83 step %scan3A_84 iter_args(%scan3A_529 = %scan3A_80) -> (i32)  : i32 {
      %mul3A_530 = arith.constant 16 : i32
      %mul3A_531 = arith.muli %scan3A_528, %mul3A_530 : i32
      %add3A_532 = vector.broadcast %mul3A_531 : i32 to vector<16xi32>
      %add3A_533 = arith.addi %add3A_532, %iota3A : vector<16xi32>
      %gather3A_534 = tpu.vector_load_idx %arg6[%add3A_533, %broadcast_in_dim3A_79] : memref<512x26xi32, #tpu.memory_space<vmem>>[vector<16xi32>, vector<16xi32>], vector<16xi32>,
      %add3A_535 = arith.constant 6000000 : i32
      %add3A_536 = vector.broadcast %add3A_535 : i32 to vector<16xi32>
      %add3A_537 = arith.addi %gather3A_534, %add3A_536 : vector<16xi32>
      %mul3A_538 = arith.constant 16 : i32
      %mul3A_539 = arith.muli %scan3A_528, %mul3A_538 : i32
      %swap3A = arith.index_cast %mul3A_539 : i32 to index
      %swap3A_540 = tpu.vector_load %arg17[%swap3A] {strides = array<i32>} : memref<512xi32, #tpu.memory_space<vmem>>, vector<16xi32>,
      tpu.vector_store %arg17[%swap3A], %add3A_537 {strides = array<i32>} : memref<512xi32, #tpu.memory_space<vmem>>, vector<16xi32>,
      %scan3A_541 = arith.constant 0 : i32
      scf.yield %scan3A_541 : i32
    }
    %scan3A_86 = arith.constant 32 : i32
    %dma_start3A_87 = arith.constant 3072 : i32
    %dma_start3A_88 = tpu.memref_slice %arg7[%dma_start3A_87] : memref<13312xf32, #tpu.memory_space<vmem>> -> memref<512xf32, #tpu.memory_space<vmem>>
    %dma_start3A_89 = arith.constant 0 : i32
    %dma_start3A_90 = tpu.memref_slice %arg3[%dma_start3A_89] : memref<26000000xf32, #tpu.memory_space<hbm>> -> memref<26000000xf32, #tpu.memory_space<hbm>>
    tpu.enqueue_indirect_dma source(%dma_start3A_90 : memref<26000000xf32, #tpu.memory_space<hbm>>) target(%dma_start3A_88 : memref<512xf32, #tpu.memory_space<vmem>>) offsets(%arg17 : memref<512xi32, #tpu.memory_space<vmem>>) semaphore(%arg10 : memref<!tpu.dma_semaphore, #tpu.memory_space<semaphore_mem>>)
    %broadcast_in_dim3A_91 = arith.constant 7 : i32
    %broadcast_in_dim3A_92 = vector.broadcast %broadcast_in_dim3A_91 : i32 to vector<16xi32>
    %scan3A_93 = arith.constant 0 : i32
    %scan3A_94 = arith.constant 0 : i32
    %scan3A_95 = arith.constant 32 : i32
    %scan3A_96 = arith.addi %scan3A_94, %scan3A_95 : i32
    %scan3A_97 = arith.constant 1 : i32
    %scan3A_98 = scf.for %scan3A_528 = %scan3A_94 to %scan3A_96 step %scan3A_97 iter_args(%scan3A_529 = %scan3A_93) -> (i32)  : i32 {
      %mul3A_530 = arith.constant 16 : i32
      %mul3A_531 = arith.muli %scan3A_528, %mul3A_530 : i32
      %add3A_532 = vector.broadcast %mul3A_531 : i32 to vector<16xi32>
      %add3A_533 = arith.addi %add3A_532, %iota3A : vector<16xi32>
      %gather3A_534 = tpu.vector_load_idx %arg6[%add3A_533, %broadcast_in_dim3A_92] : memref<512x26xi32, #tpu.memory_space<vmem>>[vector<16xi32>, vector<16xi32>], vector<16xi32>,
      %add3A_535 = arith.constant 7000000 : i32
      %add3A_536 = vector.broadcast %add3A_535 : i32 to vector<16xi32>
      %add3A_537 = arith.addi %gather3A_534, %add3A_536 : vector<16xi32>
      %mul3A_538 = arith.constant 16 : i32
      %mul3A_539 = arith.muli %scan3A_528, %mul3A_538 : i32
      %swap3A = arith.index_cast %mul3A_539 : i32 to index
      %swap3A_540 = tpu.vector_load %arg18[%swap3A] {strides = array<i32>} : memref<512xi32, #tpu.memory_space<vmem>>, vector<16xi32>,
      tpu.vector_store %arg18[%swap3A], %add3A_537 {strides = array<i32>} : memref<512xi32, #tpu.memory_space<vmem>>, vector<16xi32>,
      %scan3A_541 = arith.constant 0 : i32
      scf.yield %scan3A_541 : i32
    }
    %scan3A_99 = arith.constant 32 : i32
    %dma_start3A_100 = arith.constant 3584 : i32
    %dma_start3A_101 = tpu.memref_slice %arg7[%dma_start3A_100] : memref<13312xf32, #tpu.memory_space<vmem>> -> memref<512xf32, #tpu.memory_space<vmem>>
    %dma_start3A_102 = arith.constant 0 : i32
    %dma_start3A_103 = tpu.memref_slice %arg3[%dma_start3A_102] : memref<26000000xf32, #tpu.memory_space<hbm>> -> memref<26000000xf32, #tpu.memory_space<hbm>>
    tpu.enqueue_indirect_dma source(%dma_start3A_103 : memref<26000000xf32, #tpu.memory_space<hbm>>) target(%dma_start3A_101 : memref<512xf32, #tpu.memory_space<vmem>>) offsets(%arg18 : memref<512xi32, #tpu.memory_space<vmem>>) semaphore(%arg10 : memref<!tpu.dma_semaphore, #tpu.memory_space<semaphore_mem>>)
    %broadcast_in_dim3A_104 = arith.constant 8 : i32
    %broadcast_in_dim3A_105 = vector.broadcast %broadcast_in_dim3A_104 : i32 to vector<16xi32>
    %scan3A_106 = arith.constant 0 : i32
    %scan3A_107 = arith.constant 0 : i32
    %scan3A_108 = arith.constant 32 : i32
    %scan3A_109 = arith.addi %scan3A_107, %scan3A_108 : i32
    %scan3A_110 = arith.constant 1 : i32
    %scan3A_111 = scf.for %scan3A_528 = %scan3A_107 to %scan3A_109 step %scan3A_110 iter_args(%scan3A_529 = %scan3A_106) -> (i32)  : i32 {
      %mul3A_530 = arith.constant 16 : i32
      %mul3A_531 = arith.muli %scan3A_528, %mul3A_530 : i32
      %add3A_532 = vector.broadcast %mul3A_531 : i32 to vector<16xi32>
      %add3A_533 = arith.addi %add3A_532, %iota3A : vector<16xi32>
      %gather3A_534 = tpu.vector_load_idx %arg6[%add3A_533, %broadcast_in_dim3A_105] : memref<512x26xi32, #tpu.memory_space<vmem>>[vector<16xi32>, vector<16xi32>], vector<16xi32>,
      %add3A_535 = arith.constant 8000000 : i32
      %add3A_536 = vector.broadcast %add3A_535 : i32 to vector<16xi32>
      %add3A_537 = arith.addi %gather3A_534, %add3A_536 : vector<16xi32>
      %mul3A_538 = arith.constant 16 : i32
      %mul3A_539 = arith.muli %scan3A_528, %mul3A_538 : i32
      %swap3A = arith.index_cast %mul3A_539 : i32 to index
      %swap3A_540 = tpu.vector_load %arg19[%swap3A] {strides = array<i32>} : memref<512xi32, #tpu.memory_space<vmem>>, vector<16xi32>,
      tpu.vector_store %arg19[%swap3A], %add3A_537 {strides = array<i32>} : memref<512xi32, #tpu.memory_space<vmem>>, vector<16xi32>,
      %scan3A_541 = arith.constant 0 : i32
      scf.yield %scan3A_541 : i32
    }
    %scan3A_112 = arith.constant 32 : i32
    %dma_start3A_113 = arith.constant 4096 : i32
    %dma_start3A_114 = tpu.memref_slice %arg7[%dma_start3A_113] : memref<13312xf32, #tpu.memory_space<vmem>> -> memref<512xf32, #tpu.memory_space<vmem>>
    %dma_start3A_115 = arith.constant 0 : i32
    %dma_start3A_116 = tpu.memref_slice %arg3[%dma_start3A_115] : memref<26000000xf32, #tpu.memory_space<hbm>> -> memref<26000000xf32, #tpu.memory_space<hbm>>
    tpu.enqueue_indirect_dma source(%dma_start3A_116 : memref<26000000xf32, #tpu.memory_space<hbm>>) target(%dma_start3A_114 : memref<512xf32, #tpu.memory_space<vmem>>) offsets(%arg19 : memref<512xi32, #tpu.memory_space<vmem>>) semaphore(%arg10 : memref<!tpu.dma_semaphore, #tpu.memory_space<semaphore_mem>>)
    %broadcast_in_dim3A_117 = arith.constant 9 : i32
    %broadcast_in_dim3A_118 = vector.broadcast %broadcast_in_dim3A_117 : i32 to vector<16xi32>
    %scan3A_119 = arith.constant 0 : i32
    %scan3A_120 = arith.constant 0 : i32
    %scan3A_121 = arith.constant 32 : i32
    %scan3A_122 = arith.addi %scan3A_120, %scan3A_121 : i32
    %scan3A_123 = arith.constant 1 : i32
    %scan3A_124 = scf.for %scan3A_528 = %scan3A_120 to %scan3A_122 step %scan3A_123 iter_args(%scan3A_529 = %scan3A_119) -> (i32)  : i32 {
      %mul3A_530 = arith.constant 16 : i32
      %mul3A_531 = arith.muli %scan3A_528, %mul3A_530 : i32
      %add3A_532 = vector.broadcast %mul3A_531 : i32 to vector<16xi32>
      %add3A_533 = arith.addi %add3A_532, %iota3A : vector<16xi32>
      %gather3A_534 = tpu.vector_load_idx %arg6[%add3A_533, %broadcast_in_dim3A_118] : memref<512x26xi32, #tpu.memory_space<vmem>>[vector<16xi32>, vector<16xi32>], vector<16xi32>,
      %add3A_535 = arith.constant 9000000 : i32
      %add3A_536 = vector.broadcast %add3A_535 : i32 to vector<16xi32>
      %add3A_537 = arith.addi %gather3A_534, %add3A_536 : vector<16xi32>
      %mul3A_538 = arith.constant 16 : i32
      %mul3A_539 = arith.muli %scan3A_528, %mul3A_538 : i32
      %swap3A = arith.index_cast %mul3A_539 : i32 to index
      %swap3A_540 = tpu.vector_load %arg20[%swap3A] {strides = array<i32>} : memref<512xi32, #tpu.memory_space<vmem>>, vector<16xi32>,
      tpu.vector_store %arg20[%swap3A], %add3A_537 {strides = array<i32>} : memref<512xi32, #tpu.memory_space<vmem>>, vector<16xi32>,
      %scan3A_541 = arith.constant 0 : i32
      scf.yield %scan3A_541 : i32
    }
    %scan3A_125 = arith.constant 32 : i32
    %dma_start3A_126 = arith.constant 4608 : i32
    %dma_start3A_127 = tpu.memref_slice %arg7[%dma_start3A_126] : memref<13312xf32, #tpu.memory_space<vmem>> -> memref<512xf32, #tpu.memory_space<vmem>>
    %dma_start3A_128 = arith.constant 0 : i32
    %dma_start3A_129 = tpu.memref_slice %arg3[%dma_start3A_128] : memref<26000000xf32, #tpu.memory_space<hbm>> -> memref<26000000xf32, #tpu.memory_space<hbm>>
    tpu.enqueue_indirect_dma source(%dma_start3A_129 : memref<26000000xf32, #tpu.memory_space<hbm>>) target(%dma_start3A_127 : memref<512xf32, #tpu.memory_space<vmem>>) offsets(%arg20 : memref<512xi32, #tpu.memory_space<vmem>>) semaphore(%arg10 : memref<!tpu.dma_semaphore, #tpu.memory_space<semaphore_mem>>)
    %broadcast_in_dim3A_130 = arith.constant 10 : i32
    %broadcast_in_dim3A_131 = vector.broadcast %broadcast_in_dim3A_130 : i32 to vector<16xi32>
    %scan3A_132 = arith.constant 0 : i32
    %scan3A_133 = arith.constant 0 : i32
    %scan3A_134 = arith.constant 32 : i32
    %scan3A_135 = arith.addi %scan3A_133, %scan3A_134 : i32
    %scan3A_136 = arith.constant 1 : i32
    %scan3A_137 = scf.for %scan3A_528 = %scan3A_133 to %scan3A_135 step %scan3A_136 iter_args(%scan3A_529 = %scan3A_132) -> (i32)  : i32 {
      %mul3A_530 = arith.constant 16 : i32
      %mul3A_531 = arith.muli %scan3A_528, %mul3A_530 : i32
      %add3A_532 = vector.broadcast %mul3A_531 : i32 to vector<16xi32>
      %add3A_533 = arith.addi %add3A_532, %iota3A : vector<16xi32>
      %gather3A_534 = tpu.vector_load_idx %arg6[%add3A_533, %broadcast_in_dim3A_131] : memref<512x26xi32, #tpu.memory_space<vmem>>[vector<16xi32>, vector<16xi32>], vector<16xi32>,
      %add3A_535 = arith.constant 10000000 : i32
      %add3A_536 = vector.broadcast %add3A_535 : i32 to vector<16xi32>
      %add3A_537 = arith.addi %gather3A_534, %add3A_536 : vector<16xi32>
      %mul3A_538 = arith.constant 16 : i32
      %mul3A_539 = arith.muli %scan3A_528, %mul3A_538 : i32
      %swap3A = arith.index_cast %mul3A_539 : i32 to index
      %swap3A_540 = tpu.vector_load %arg21[%swap3A] {strides = array<i32>} : memref<512xi32, #tpu.memory_space<vmem>>, vector<16xi32>,
      tpu.vector_store %arg21[%swap3A], %add3A_537 {strides = array<i32>} : memref<512xi32, #tpu.memory_space<vmem>>, vector<16xi32>,
      %scan3A_541 = arith.constant 0 : i32
      scf.yield %scan3A_541 : i32
    }
    %scan3A_138 = arith.constant 32 : i32
    %dma_start3A_139 = arith.constant 5120 : i32
    %dma_start3A_140 = tpu.memref_slice %arg7[%dma_start3A_139] : memref<13312xf32, #tpu.memory_space<vmem>> -> memref<512xf32, #tpu.memory_space<vmem>>
    %dma_start3A_141 = arith.constant 0 : i32
    %dma_start3A_142 = tpu.memref_slice %arg3[%dma_start3A_141] : memref<26000000xf32, #tpu.memory_space<hbm>> -> memref<26000000xf32, #tpu.memory_space<hbm>>
    tpu.enqueue_indirect_dma source(%dma_start3A_142 : memref<26000000xf32, #tpu.memory_space<hbm>>) target(%dma_start3A_140 : memref<512xf32, #tpu.memory_space<vmem>>) offsets(%arg21 : memref<512xi32, #tpu.memory_space<vmem>>) semaphore(%arg10 : memref<!tpu.dma_semaphore, #tpu.memory_space<semaphore_mem>>)
    %broadcast_in_dim3A_143 = arith.constant 11 : i32
    %broadcast_in_dim3A_144 = vector.broadcast %broadcast_in_dim3A_143 : i32 to vector<16xi32>
    %scan3A_145 = arith.constant 0 : i32
    %scan3A_146 = arith.constant 0 : i32
    %scan3A_147 = arith.constant 32 : i32
    %scan3A_148 = arith.addi %scan3A_146, %scan3A_147 : i32
    %scan3A_149 = arith.constant 1 : i32
    %scan3A_150 = scf.for %scan3A_528 = %scan3A_146 to %scan3A_148 step %scan3A_149 iter_args(%scan3A_529 = %scan3A_145) -> (i32)  : i32 {
      %mul3A_530 = arith.constant 16 : i32
      %mul3A_531 = arith.muli %scan3A_528, %mul3A_530 : i32
      %add3A_532 = vector.broadcast %mul3A_531 : i32 to vector<16xi32>
      %add3A_533 = arith.addi %add3A_532, %iota3A : vector<16xi32>
      %gather3A_534 = tpu.vector_load_idx %arg6[%add3A_533, %broadcast_in_dim3A_144] : memref<512x26xi32, #tpu.memory_space<vmem>>[vector<16xi32>, vector<16xi32>], vector<16xi32>,
      %add3A_535 = arith.constant 11000000 : i32
      %add3A_536 = vector.broadcast %add3A_535 : i32 to vector<16xi32>
      %add3A_537 = arith.addi %gather3A_534, %add3A_536 : vector<16xi32>
      %mul3A_538 = arith.constant 16 : i32
      %mul3A_539 = arith.muli %scan3A_528, %mul3A_538 : i32
      %swap3A = arith.index_cast %mul3A_539 : i32 to index
      %swap3A_540 = tpu.vector_load %arg22[%swap3A] {strides = array<i32>} : memref<512xi32, #tpu.memory_space<vmem>>, vector<16xi32>,
      tpu.vector_store %arg22[%swap3A], %add3A_537 {strides = array<i32>} : memref<512xi32, #tpu.memory_space<vmem>>, vector<16xi32>,
      %scan3A_541 = arith.constant 0 : i32
      scf.yield %scan3A_541 : i32
    }
    %scan3A_151 = arith.constant 32 : i32
    %dma_start3A_152 = arith.constant 5632 : i32
    %dma_start3A_153 = tpu.memref_slice %arg7[%dma_start3A_152] : memref<13312xf32, #tpu.memory_space<vmem>> -> memref<512xf32, #tpu.memory_space<vmem>>
    %dma_start3A_154 = arith.constant 0 : i32
    %dma_start3A_155 = tpu.memref_slice %arg3[%dma_start3A_154] : memref<26000000xf32, #tpu.memory_space<hbm>> -> memref<26000000xf32, #tpu.memory_space<hbm>>
    tpu.enqueue_indirect_dma source(%dma_start3A_155 : memref<26000000xf32, #tpu.memory_space<hbm>>) target(%dma_start3A_153 : memref<512xf32, #tpu.memory_space<vmem>>) offsets(%arg22 : memref<512xi32, #tpu.memory_space<vmem>>) semaphore(%arg10 : memref<!tpu.dma_semaphore, #tpu.memory_space<semaphore_mem>>)
    %broadcast_in_dim3A_156 = arith.constant 12 : i32
    %broadcast_in_dim3A_157 = vector.broadcast %broadcast_in_dim3A_156 : i32 to vector<16xi32>
    %scan3A_158 = arith.constant 0 : i32
    %scan3A_159 = arith.constant 0 : i32
    %scan3A_160 = arith.constant 32 : i32
    %scan3A_161 = arith.addi %scan3A_159, %scan3A_160 : i32
    %scan3A_162 = arith.constant 1 : i32
    %scan3A_163 = scf.for %scan3A_528 = %scan3A_159 to %scan3A_161 step %scan3A_162 iter_args(%scan3A_529 = %scan3A_158) -> (i32)  : i32 {
      %mul3A_530 = arith.constant 16 : i32
      %mul3A_531 = arith.muli %scan3A_528, %mul3A_530 : i32
      %add3A_532 = vector.broadcast %mul3A_531 : i32 to vector<16xi32>
      %add3A_533 = arith.addi %add3A_532, %iota3A : vector<16xi32>
      %gather3A_534 = tpu.vector_load_idx %arg6[%add3A_533, %broadcast_in_dim3A_157] : memref<512x26xi32, #tpu.memory_space<vmem>>[vector<16xi32>, vector<16xi32>], vector<16xi32>,
      %add3A_535 = arith.constant 12000000 : i32
      %add3A_536 = vector.broadcast %add3A_535 : i32 to vector<16xi32>
      %add3A_537 = arith.addi %gather3A_534, %add3A_536 : vector<16xi32>
      %mul3A_538 = arith.constant 16 : i32
      %mul3A_539 = arith.muli %scan3A_528, %mul3A_538 : i32
      %swap3A = arith.index_cast %mul3A_539 : i32 to index
      %swap3A_540 = tpu.vector_load %arg23[%swap3A] {strides = array<i32>} : memref<512xi32, #tpu.memory_space<vmem>>, vector<16xi32>,
      tpu.vector_store %arg23[%swap3A], %add3A_537 {strides = array<i32>} : memref<512xi32, #tpu.memory_space<vmem>>, vector<16xi32>,
      %scan3A_541 = arith.constant 0 : i32
      scf.yield %scan3A_541 : i32
    }
    %scan3A_164 = arith.constant 32 : i32
    %dma_start3A_165 = arith.constant 6144 : i32
    %dma_start3A_166 = tpu.memref_slice %arg7[%dma_start3A_165] : memref<13312xf32, #tpu.memory_space<vmem>> -> memref<512xf32, #tpu.memory_space<vmem>>
    %dma_start3A_167 = arith.constant 0 : i32
    %dma_start3A_168 = tpu.memref_slice %arg3[%dma_start3A_167] : memref<26000000xf32, #tpu.memory_space<hbm>> -> memref<26000000xf32, #tpu.memory_space<hbm>>
    tpu.enqueue_indirect_dma source(%dma_start3A_168 : memref<26000000xf32, #tpu.memory_space<hbm>>) target(%dma_start3A_166 : memref<512xf32, #tpu.memory_space<vmem>>) offsets(%arg23 : memref<512xi32, #tpu.memory_space<vmem>>) semaphore(%arg10 : memref<!tpu.dma_semaphore, #tpu.memory_space<semaphore_mem>>)
    %broadcast_in_dim3A_169 = arith.constant 13 : i32
    %broadcast_in_dim3A_170 = vector.broadcast %broadcast_in_dim3A_169 : i32 to vector<16xi32>
    %scan3A_171 = arith.constant 0 : i32
    %scan3A_172 = arith.constant 0 : i32
    %scan3A_173 = arith.constant 32 : i32
    %scan3A_174 = arith.addi %scan3A_172, %scan3A_173 : i32
    %scan3A_175 = arith.constant 1 : i32
    %scan3A_176 = scf.for %scan3A_528 = %scan3A_172 to %scan3A_174 step %scan3A_175 iter_args(%scan3A_529 = %scan3A_171) -> (i32)  : i32 {
      %mul3A_530 = arith.constant 16 : i32
      %mul3A_531 = arith.muli %scan3A_528, %mul3A_530 : i32
      %add3A_532 = vector.broadcast %mul3A_531 : i32 to vector<16xi32>
      %add3A_533 = arith.addi %add3A_532, %iota3A : vector<16xi32>
      %gather3A_534 = tpu.vector_load_idx %arg6[%add3A_533, %broadcast_in_dim3A_170] : memref<512x26xi32, #tpu.memory_space<vmem>>[vector<16xi32>, vector<16xi32>], vector<16xi32>,
      %add3A_535 = arith.constant 13000000 : i32
      %add3A_536 = vector.broadcast %add3A_535 : i32 to vector<16xi32>
      %add3A_537 = arith.addi %gather3A_534, %add3A_536 : vector<16xi32>
      %mul3A_538 = arith.constant 16 : i32
      %mul3A_539 = arith.muli %scan3A_528, %mul3A_538 : i32
      %swap3A = arith.index_cast %mul3A_539 : i32 to index
      %swap3A_540 = tpu.vector_load %arg24[%swap3A] {strides = array<i32>} : memref<512xi32, #tpu.memory_space<vmem>>, vector<16xi32>,
      tpu.vector_store %arg24[%swap3A], %add3A_537 {strides = array<i32>} : memref<512xi32, #tpu.memory_space<vmem>>, vector<16xi32>,
      %scan3A_541 = arith.constant 0 : i32
      scf.yield %scan3A_541 : i32
    }
    %scan3A_177 = arith.constant 32 : i32
    %dma_start3A_178 = arith.constant 6656 : i32
    %dma_start3A_179 = tpu.memref_slice %arg7[%dma_start3A_178] : memref<13312xf32, #tpu.memory_space<vmem>> -> memref<512xf32, #tpu.memory_space<vmem>>
    %dma_start3A_180 = arith.constant 0 : i32
    %dma_start3A_181 = tpu.memref_slice %arg3[%dma_start3A_180] : memref<26000000xf32, #tpu.memory_space<hbm>> -> memref<26000000xf32, #tpu.memory_space<hbm>>
    tpu.enqueue_indirect_dma source(%dma_start3A_181 : memref<26000000xf32, #tpu.memory_space<hbm>>) target(%dma_start3A_179 : memref<512xf32, #tpu.memory_space<vmem>>) offsets(%arg24 : memref<512xi32, #tpu.memory_space<vmem>>) semaphore(%arg10 : memref<!tpu.dma_semaphore, #tpu.memory_space<semaphore_mem>>)
    %broadcast_in_dim3A_182 = arith.constant 14 : i32
    %broadcast_in_dim3A_183 = vector.broadcast %broadcast_in_dim3A_182 : i32 to vector<16xi32>
    %scan3A_184 = arith.constant 0 : i32
    %scan3A_185 = arith.constant 0 : i32
    %scan3A_186 = arith.constant 32 : i32
    %scan3A_187 = arith.addi %scan3A_185, %scan3A_186 : i32
    %scan3A_188 = arith.constant 1 : i32
    %scan3A_189 = scf.for %scan3A_528 = %scan3A_185 to %scan3A_187 step %scan3A_188 iter_args(%scan3A_529 = %scan3A_184) -> (i32)  : i32 {
      %mul3A_530 = arith.constant 16 : i32
      %mul3A_531 = arith.muli %scan3A_528, %mul3A_530 : i32
      %add3A_532 = vector.broadcast %mul3A_531 : i32 to vector<16xi32>
      %add3A_533 = arith.addi %add3A_532, %iota3A : vector<16xi32>
      %gather3A_534 = tpu.vector_load_idx %arg6[%add3A_533, %broadcast_in_dim3A_183] : memref<512x26xi32, #tpu.memory_space<vmem>>[vector<16xi32>, vector<16xi32>], vector<16xi32>,
      %add3A_535 = arith.constant 14000000 : i32
      %add3A_536 = vector.broadcast %add3A_535 : i32 to vector<16xi32>
      %add3A_537 = arith.addi %gather3A_534, %add3A_536 : vector<16xi32>
      %mul3A_538 = arith.constant 16 : i32
      %mul3A_539 = arith.muli %scan3A_528, %mul3A_538 : i32
      %swap3A = arith.index_cast %mul3A_539 : i32 to index
      %swap3A_540 = tpu.vector_load %arg25[%swap3A] {strides = array<i32>} : memref<512xi32, #tpu.memory_space<vmem>>, vector<16xi32>,
      tpu.vector_store %arg25[%swap3A], %add3A_537 {strides = array<i32>} : memref<512xi32, #tpu.memory_space<vmem>>, vector<16xi32>,
      %scan3A_541 = arith.constant 0 : i32
      scf.yield %scan3A_541 : i32
    }
    %scan3A_190 = arith.constant 32 : i32
    %dma_start3A_191 = arith.constant 7168 : i32
    %dma_start3A_192 = tpu.memref_slice %arg7[%dma_start3A_191] : memref<13312xf32, #tpu.memory_space<vmem>> -> memref<512xf32, #tpu.memory_space<vmem>>
    %dma_start3A_193 = arith.constant 0 : i32
    %dma_start3A_194 = tpu.memref_slice %arg3[%dma_start3A_193] : memref<26000000xf32, #tpu.memory_space<hbm>> -> memref<26000000xf32, #tpu.memory_space<hbm>>
    tpu.enqueue_indirect_dma source(%dma_start3A_194 : memref<26000000xf32, #tpu.memory_space<hbm>>) target(%dma_start3A_192 : memref<512xf32, #tpu.memory_space<vmem>>) offsets(%arg25 : memref<512xi32, #tpu.memory_space<vmem>>) semaphore(%arg10 : memref<!tpu.dma_semaphore, #tpu.memory_space<semaphore_mem>>)
    %broadcast_in_dim3A_195 = arith.constant 15 : i32
    %broadcast_in_dim3A_196 = vector.broadcast %broadcast_in_dim3A_195 : i32 to vector<16xi32>
    %scan3A_197 = arith.constant 0 : i32
    %scan3A_198 = arith.constant 0 : i32
    %scan3A_199 = arith.constant 32 : i32
    %scan3A_200 = arith.addi %scan3A_198, %scan3A_199 : i32
    %scan3A_201 = arith.constant 1 : i32
    %scan3A_202 = scf.for %scan3A_528 = %scan3A_198 to %scan3A_200 step %scan3A_201 iter_args(%scan3A_529 = %scan3A_197) -> (i32)  : i32 {
      %mul3A_530 = arith.constant 16 : i32
      %mul3A_531 = arith.muli %scan3A_528, %mul3A_530 : i32
      %add3A_532 = vector.broadcast %mul3A_531 : i32 to vector<16xi32>
      %add3A_533 = arith.addi %add3A_532, %iota3A : vector<16xi32>
      %gather3A_534 = tpu.vector_load_idx %arg6[%add3A_533, %broadcast_in_dim3A_196] : memref<512x26xi32, #tpu.memory_space<vmem>>[vector<16xi32>, vector<16xi32>], vector<16xi32>,
      %add3A_535 = arith.constant 15000000 : i32
      %add3A_536 = vector.broadcast %add3A_535 : i32 to vector<16xi32>
      %add3A_537 = arith.addi %gather3A_534, %add3A_536 : vector<16xi32>
      %mul3A_538 = arith.constant 16 : i32
      %mul3A_539 = arith.muli %scan3A_528, %mul3A_538 : i32
      %swap3A = arith.index_cast %mul3A_539 : i32 to index
      %swap3A_540 = tpu.vector_load %arg26[%swap3A] {strides = array<i32>} : memref<512xi32, #tpu.memory_space<vmem>>, vector<16xi32>,
      tpu.vector_store %arg26[%swap3A], %add3A_537 {strides = array<i32>} : memref<512xi32, #tpu.memory_space<vmem>>, vector<16xi32>,
      %scan3A_541 = arith.constant 0 : i32
      scf.yield %scan3A_541 : i32
    }
    %scan3A_203 = arith.constant 32 : i32
    %dma_start3A_204 = arith.constant 7680 : i32
    %dma_start3A_205 = tpu.memref_slice %arg7[%dma_start3A_204] : memref<13312xf32, #tpu.memory_space<vmem>> -> memref<512xf32, #tpu.memory_space<vmem>>
    %dma_start3A_206 = arith.constant 0 : i32
    %dma_start3A_207 = tpu.memref_slice %arg3[%dma_start3A_206] : memref<26000000xf32, #tpu.memory_space<hbm>> -> memref<26000000xf32, #tpu.memory_space<hbm>>
    tpu.enqueue_indirect_dma source(%dma_start3A_207 : memref<26000000xf32, #tpu.memory_space<hbm>>) target(%dma_start3A_205 : memref<512xf32, #tpu.memory_space<vmem>>) offsets(%arg26 : memref<512xi32, #tpu.memory_space<vmem>>) semaphore(%arg10 : memref<!tpu.dma_semaphore, #tpu.memory_space<semaphore_mem>>)
    %broadcast_in_dim3A_208 = arith.constant 16 : i32
    %broadcast_in_dim3A_209 = vector.broadcast %broadcast_in_dim3A_208 : i32 to vector<16xi32>
    %scan3A_210 = arith.constant 0 : i32
    %scan3A_211 = arith.constant 0 : i32
    %scan3A_212 = arith.constant 32 : i32
    %scan3A_213 = arith.addi %scan3A_211, %scan3A_212 : i32
    %scan3A_214 = arith.constant 1 : i32
    %scan3A_215 = scf.for %scan3A_528 = %scan3A_211 to %scan3A_213 step %scan3A_214 iter_args(%scan3A_529 = %scan3A_210) -> (i32)  : i32 {
      %mul3A_530 = arith.constant 16 : i32
      %mul3A_531 = arith.muli %scan3A_528, %mul3A_530 : i32
      %add3A_532 = vector.broadcast %mul3A_531 : i32 to vector<16xi32>
      %add3A_533 = arith.addi %add3A_532, %iota3A : vector<16xi32>
      %gather3A_534 = tpu.vector_load_idx %arg6[%add3A_533, %broadcast_in_dim3A_209] : memref<512x26xi32, #tpu.memory_space<vmem>>[vector<16xi32>, vector<16xi32>], vector<16xi32>,
      %add3A_535 = arith.constant 16000000 : i32
      %add3A_536 = vector.broadcast %add3A_535 : i32 to vector<16xi32>
      %add3A_537 = arith.addi %gather3A_534, %add3A_536 : vector<16xi32>
      %mul3A_538 = arith.constant 16 : i32
      %mul3A_539 = arith.muli %scan3A_528, %mul3A_538 : i32
      %swap3A = arith.index_cast %mul3A_539 : i32 to index
      %swap3A_540 = tpu.vector_load %arg27[%swap3A] {strides = array<i32>} : memref<512xi32, #tpu.memory_space<vmem>>, vector<16xi32>,
      tpu.vector_store %arg27[%swap3A], %add3A_537 {strides = array<i32>} : memref<512xi32, #tpu.memory_space<vmem>>, vector<16xi32>,
      %scan3A_541 = arith.constant 0 : i32
      scf.yield %scan3A_541 : i32
    }
    %scan3A_216 = arith.constant 32 : i32
    %dma_start3A_217 = arith.constant 8192 : i32
    %dma_start3A_218 = tpu.memref_slice %arg7[%dma_start3A_217] : memref<13312xf32, #tpu.memory_space<vmem>> -> memref<512xf32, #tpu.memory_space<vmem>>
    %dma_start3A_219 = arith.constant 0 : i32
    %dma_start3A_220 = tpu.memref_slice %arg3[%dma_start3A_219] : memref<26000000xf32, #tpu.memory_space<hbm>> -> memref<26000000xf32, #tpu.memory_space<hbm>>
    tpu.enqueue_indirect_dma source(%dma_start3A_220 : memref<26000000xf32, #tpu.memory_space<hbm>>) target(%dma_start3A_218 : memref<512xf32, #tpu.memory_space<vmem>>) offsets(%arg27 : memref<512xi32, #tpu.memory_space<vmem>>) semaphore(%arg10 : memref<!tpu.dma_semaphore, #tpu.memory_space<semaphore_mem>>)
    %broadcast_in_dim3A_221 = arith.constant 17 : i32
    %broadcast_in_dim3A_222 = vector.broadcast %broadcast_in_dim3A_221 : i32 to vector<16xi32>
    %scan3A_223 = arith.constant 0 : i32
    %scan3A_224 = arith.constant 0 : i32
    %scan3A_225 = arith.constant 32 : i32
    %scan3A_226 = arith.addi %scan3A_224, %scan3A_225 : i32
    %scan3A_227 = arith.constant 1 : i32
    %scan3A_228 = scf.for %scan3A_528 = %scan3A_224 to %scan3A_226 step %scan3A_227 iter_args(%scan3A_529 = %scan3A_223) -> (i32)  : i32 {
      %mul3A_530 = arith.constant 16 : i32
      %mul3A_531 = arith.muli %scan3A_528, %mul3A_530 : i32
      %add3A_532 = vector.broadcast %mul3A_531 : i32 to vector<16xi32>
      %add3A_533 = arith.addi %add3A_532, %iota3A : vector<16xi32>
      %gather3A_534 = tpu.vector_load_idx %arg6[%add3A_533, %broadcast_in_dim3A_222] : memref<512x26xi32, #tpu.memory_space<vmem>>[vector<16xi32>, vector<16xi32>], vector<16xi32>,
      %add3A_535 = arith.constant 17000000 : i32
      %add3A_536 = vector.broadcast %add3A_535 : i32 to vector<16xi32>
      %add3A_537 = arith.addi %gather3A_534, %add3A_536 : vector<16xi32>
      %mul3A_538 = arith.constant 16 : i32
      %mul3A_539 = arith.muli %scan3A_528, %mul3A_538 : i32
      %swap3A = arith.index_cast %mul3A_539 : i32 to index
      %swap3A_540 = tpu.vector_load %arg28[%swap3A] {strides = array<i32>} : memref<512xi32, #tpu.memory_space<vmem>>, vector<16xi32>,
      tpu.vector_store %arg28[%swap3A], %add3A_537 {strides = array<i32>} : memref<512xi32, #tpu.memory_space<vmem>>, vector<16xi32>,
      %scan3A_541 = arith.constant 0 : i32
      scf.yield %scan3A_541 : i32
    }
    %scan3A_229 = arith.constant 32 : i32
    %dma_start3A_230 = arith.constant 8704 : i32
    %dma_start3A_231 = tpu.memref_slice %arg7[%dma_start3A_230] : memref<13312xf32, #tpu.memory_space<vmem>> -> memref<512xf32, #tpu.memory_space<vmem>>
    %dma_start3A_232 = arith.constant 0 : i32
    %dma_start3A_233 = tpu.memref_slice %arg3[%dma_start3A_232] : memref<26000000xf32, #tpu.memory_space<hbm>> -> memref<26000000xf32, #tpu.memory_space<hbm>>
    tpu.enqueue_indirect_dma source(%dma_start3A_233 : memref<26000000xf32, #tpu.memory_space<hbm>>) target(%dma_start3A_231 : memref<512xf32, #tpu.memory_space<vmem>>) offsets(%arg28 : memref<512xi32, #tpu.memory_space<vmem>>) semaphore(%arg10 : memref<!tpu.dma_semaphore, #tpu.memory_space<semaphore_mem>>)
    %broadcast_in_dim3A_234 = arith.constant 18 : i32
    %broadcast_in_dim3A_235 = vector.broadcast %broadcast_in_dim3A_234 : i32 to vector<16xi32>
    %scan3A_236 = arith.constant 0 : i32
    %scan3A_237 = arith.constant 0 : i32
    %scan3A_238 = arith.constant 32 : i32
    %scan3A_239 = arith.addi %scan3A_237, %scan3A_238 : i32
    %scan3A_240 = arith.constant 1 : i32
    %scan3A_241 = scf.for %scan3A_528 = %scan3A_237 to %scan3A_239 step %scan3A_240 iter_args(%scan3A_529 = %scan3A_236) -> (i32)  : i32 {
      %mul3A_530 = arith.constant 16 : i32
      %mul3A_531 = arith.muli %scan3A_528, %mul3A_530 : i32
      %add3A_532 = vector.broadcast %mul3A_531 : i32 to vector<16xi32>
      %add3A_533 = arith.addi %add3A_532, %iota3A : vector<16xi32>
      %gather3A_534 = tpu.vector_load_idx %arg6[%add3A_533, %broadcast_in_dim3A_235] : memref<512x26xi32, #tpu.memory_space<vmem>>[vector<16xi32>, vector<16xi32>], vector<16xi32>,
      %add3A_535 = arith.constant 18000000 : i32
      %add3A_536 = vector.broadcast %add3A_535 : i32 to vector<16xi32>
      %add3A_537 = arith.addi %gather3A_534, %add3A_536 : vector<16xi32>
      %mul3A_538 = arith.constant 16 : i32
      %mul3A_539 = arith.muli %scan3A_528, %mul3A_538 : i32
      %swap3A = arith.index_cast %mul3A_539 : i32 to index
      %swap3A_540 = tpu.vector_load %arg29[%swap3A] {strides = array<i32>} : memref<512xi32, #tpu.memory_space<vmem>>, vector<16xi32>,
      tpu.vector_store %arg29[%swap3A], %add3A_537 {strides = array<i32>} : memref<512xi32, #tpu.memory_space<vmem>>, vector<16xi32>,
      %scan3A_541 = arith.constant 0 : i32
      scf.yield %scan3A_541 : i32
    }
    %scan3A_242 = arith.constant 32 : i32
    %dma_start3A_243 = arith.constant 9216 : i32
    %dma_start3A_244 = tpu.memref_slice %arg7[%dma_start3A_243] : memref<13312xf32, #tpu.memory_space<vmem>> -> memref<512xf32, #tpu.memory_space<vmem>>
    %dma_start3A_245 = arith.constant 0 : i32
    %dma_start3A_246 = tpu.memref_slice %arg3[%dma_start3A_245] : memref<26000000xf32, #tpu.memory_space<hbm>> -> memref<26000000xf32, #tpu.memory_space<hbm>>
    tpu.enqueue_indirect_dma source(%dma_start3A_246 : memref<26000000xf32, #tpu.memory_space<hbm>>) target(%dma_start3A_244 : memref<512xf32, #tpu.memory_space<vmem>>) offsets(%arg29 : memref<512xi32, #tpu.memory_space<vmem>>) semaphore(%arg10 : memref<!tpu.dma_semaphore, #tpu.memory_space<semaphore_mem>>)
    %broadcast_in_dim3A_247 = arith.constant 19 : i32
    %broadcast_in_dim3A_248 = vector.broadcast %broadcast_in_dim3A_247 : i32 to vector<16xi32>
    %scan3A_249 = arith.constant 0 : i32
    %scan3A_250 = arith.constant 0 : i32
    %scan3A_251 = arith.constant 32 : i32
    %scan3A_252 = arith.addi %scan3A_250, %scan3A_251 : i32
    %scan3A_253 = arith.constant 1 : i32
    %scan3A_254 = scf.for %scan3A_528 = %scan3A_250 to %scan3A_252 step %scan3A_253 iter_args(%scan3A_529 = %scan3A_249) -> (i32)  : i32 {
      %mul3A_530 = arith.constant 16 : i32
      %mul3A_531 = arith.muli %scan3A_528, %mul3A_530 : i32
      %add3A_532 = vector.broadcast %mul3A_531 : i32 to vector<16xi32>
      %add3A_533 = arith.addi %add3A_532, %iota3A : vector<16xi32>
      %gather3A_534 = tpu.vector_load_idx %arg6[%add3A_533, %broadcast_in_dim3A_248] : memref<512x26xi32, #tpu.memory_space<vmem>>[vector<16xi32>, vector<16xi32>], vector<16xi32>,
      %add3A_535 = arith.constant 19000000 : i32
      %add3A_536 = vector.broadcast %add3A_535 : i32 to vector<16xi32>
      %add3A_537 = arith.addi %gather3A_534, %add3A_536 : vector<16xi32>
      %mul3A_538 = arith.constant 16 : i32
      %mul3A_539 = arith.muli %scan3A_528, %mul3A_538 : i32
      %swap3A = arith.index_cast %mul3A_539 : i32 to index
      %swap3A_540 = tpu.vector_load %arg30[%swap3A] {strides = array<i32>} : memref<512xi32, #tpu.memory_space<vmem>>, vector<16xi32>,
      tpu.vector_store %arg30[%swap3A], %add3A_537 {strides = array<i32>} : memref<512xi32, #tpu.memory_space<vmem>>, vector<16xi32>,
      %scan3A_541 = arith.constant 0 : i32
      scf.yield %scan3A_541 : i32
    }
    %scan3A_255 = arith.constant 32 : i32
    %dma_start3A_256 = arith.constant 9728 : i32
    %dma_start3A_257 = tpu.memref_slice %arg7[%dma_start3A_256] : memref<13312xf32, #tpu.memory_space<vmem>> -> memref<512xf32, #tpu.memory_space<vmem>>
    %dma_start3A_258 = arith.constant 0 : i32
    %dma_start3A_259 = tpu.memref_slice %arg3[%dma_start3A_258] : memref<26000000xf32, #tpu.memory_space<hbm>> -> memref<26000000xf32, #tpu.memory_space<hbm>>
    tpu.enqueue_indirect_dma source(%dma_start3A_259 : memref<26000000xf32, #tpu.memory_space<hbm>>) target(%dma_start3A_257 : memref<512xf32, #tpu.memory_space<vmem>>) offsets(%arg30 : memref<512xi32, #tpu.memory_space<vmem>>) semaphore(%arg10 : memref<!tpu.dma_semaphore, #tpu.memory_space<semaphore_mem>>)
    %broadcast_in_dim3A_260 = arith.constant 20 : i32
    %broadcast_in_dim3A_261 = vector.broadcast %broadcast_in_dim3A_260 : i32 to vector<16xi32>
    %scan3A_262 = arith.constant 0 : i32
    %scan3A_263 = arith.constant 0 : i32
    %scan3A_264 = arith.constant 32 : i32
    %scan3A_265 = arith.addi %scan3A_263, %scan3A_264 : i32
    %scan3A_266 = arith.constant 1 : i32
    %scan3A_267 = scf.for %scan3A_528 = %scan3A_263 to %scan3A_265 step %scan3A_266 iter_args(%scan3A_529 = %scan3A_262) -> (i32)  : i32 {
      %mul3A_530 = arith.constant 16 : i32
      %mul3A_531 = arith.muli %scan3A_528, %mul3A_530 : i32
      %add3A_532 = vector.broadcast %mul3A_531 : i32 to vector<16xi32>
      %add3A_533 = arith.addi %add3A_532, %iota3A : vector<16xi32>
      %gather3A_534 = tpu.vector_load_idx %arg6[%add3A_533, %broadcast_in_dim3A_261] : memref<512x26xi32, #tpu.memory_space<vmem>>[vector<16xi32>, vector<16xi32>], vector<16xi32>,
      %add3A_535 = arith.constant 20000000 : i32
      %add3A_536 = vector.broadcast %add3A_535 : i32 to vector<16xi32>
      %add3A_537 = arith.addi %gather3A_534, %add3A_536 : vector<16xi32>
      %mul3A_538 = arith.constant 16 : i32
      %mul3A_539 = arith.muli %scan3A_528, %mul3A_538 : i32
      %swap3A = arith.index_cast %mul3A_539 : i32 to index
      %swap3A_540 = tpu.vector_load %arg31[%swap3A] {strides = array<i32>} : memref<512xi32, #tpu.memory_space<vmem>>, vector<16xi32>,
      tpu.vector_store %arg31[%swap3A], %add3A_537 {strides = array<i32>} : memref<512xi32, #tpu.memory_space<vmem>>, vector<16xi32>,
      %scan3A_541 = arith.constant 0 : i32
      scf.yield %scan3A_541 : i32
    }
    %scan3A_268 = arith.constant 32 : i32
    %dma_start3A_269 = arith.constant 10240 : i32
    %dma_start3A_270 = tpu.memref_slice %arg7[%dma_start3A_269] : memref<13312xf32, #tpu.memory_space<vmem>> -> memref<512xf32, #tpu.memory_space<vmem>>
    %dma_start3A_271 = arith.constant 0 : i32
    %dma_start3A_272 = tpu.memref_slice %arg3[%dma_start3A_271] : memref<26000000xf32, #tpu.memory_space<hbm>> -> memref<26000000xf32, #tpu.memory_space<hbm>>
    tpu.enqueue_indirect_dma source(%dma_start3A_272 : memref<26000000xf32, #tpu.memory_space<hbm>>) target(%dma_start3A_270 : memref<512xf32, #tpu.memory_space<vmem>>) offsets(%arg31 : memref<512xi32, #tpu.memory_space<vmem>>) semaphore(%arg10 : memref<!tpu.dma_semaphore, #tpu.memory_space<semaphore_mem>>)
    %broadcast_in_dim3A_273 = arith.constant 21 : i32
    %broadcast_in_dim3A_274 = vector.broadcast %broadcast_in_dim3A_273 : i32 to vector<16xi32>
    %scan3A_275 = arith.constant 0 : i32
    %scan3A_276 = arith.constant 0 : i32
    %scan3A_277 = arith.constant 32 : i32
    %scan3A_278 = arith.addi %scan3A_276, %scan3A_277 : i32
    %scan3A_279 = arith.constant 1 : i32
    %scan3A_280 = scf.for %scan3A_528 = %scan3A_276 to %scan3A_278 step %scan3A_279 iter_args(%scan3A_529 = %scan3A_275) -> (i32)  : i32 {
      %mul3A_530 = arith.constant 16 : i32
      %mul3A_531 = arith.muli %scan3A_528, %mul3A_530 : i32
      %add3A_532 = vector.broadcast %mul3A_531 : i32 to vector<16xi32>
      %add3A_533 = arith.addi %add3A_532, %iota3A : vector<16xi32>
      %gather3A_534 = tpu.vector_load_idx %arg6[%add3A_533, %broadcast_in_dim3A_274] : memref<512x26xi32, #tpu.memory_space<vmem>>[vector<16xi32>, vector<16xi32>], vector<16xi32>,
      %add3A_535 = arith.constant 21000000 : i32
      %add3A_536 = vector.broadcast %add3A_535 : i32 to vector<16xi32>
      %add3A_537 = arith.addi %gather3A_534, %add3A_536 : vector<16xi32>
      %mul3A_538 = arith.constant 16 : i32
      %mul3A_539 = arith.muli %scan3A_528, %mul3A_538 : i32
      %swap3A = arith.index_cast %mul3A_539 : i32 to index
      %swap3A_540 = tpu.vector_load %arg32[%swap3A] {strides = array<i32>} : memref<512xi32, #tpu.memory_space<vmem>>, vector<16xi32>,
      tpu.vector_store %arg32[%swap3A], %add3A_537 {strides = array<i32>} : memref<512xi32, #tpu.memory_space<vmem>>, vector<16xi32>,
      %scan3A_541 = arith.constant 0 : i32
      scf.yield %scan3A_541 : i32
    }
    %scan3A_281 = arith.constant 32 : i32
    %dma_start3A_282 = arith.constant 10752 : i32
    %dma_start3A_283 = tpu.memref_slice %arg7[%dma_start3A_282] : memref<13312xf32, #tpu.memory_space<vmem>> -> memref<512xf32, #tpu.memory_space<vmem>>
    %dma_start3A_284 = arith.constant 0 : i32
    %dma_start3A_285 = tpu.memref_slice %arg3[%dma_start3A_284] : memref<26000000xf32, #tpu.memory_space<hbm>> -> memref<26000000xf32, #tpu.memory_space<hbm>>
    tpu.enqueue_indirect_dma source(%dma_start3A_285 : memref<26000000xf32, #tpu.memory_space<hbm>>) target(%dma_start3A_283 : memref<512xf32, #tpu.memory_space<vmem>>) offsets(%arg32 : memref<512xi32, #tpu.memory_space<vmem>>) semaphore(%arg10 : memref<!tpu.dma_semaphore, #tpu.memory_space<semaphore_mem>>)
    %broadcast_in_dim3A_286 = arith.constant 22 : i32
    %broadcast_in_dim3A_287 = vector.broadcast %broadcast_in_dim3A_286 : i32 to vector<16xi32>
    %scan3A_288 = arith.constant 0 : i32
    %scan3A_289 = arith.constant 0 : i32
    %scan3A_290 = arith.constant 32 : i32
    %scan3A_291 = arith.addi %scan3A_289, %scan3A_290 : i32
    %scan3A_292 = arith.constant 1 : i32
    %scan3A_293 = scf.for %scan3A_528 = %scan3A_289 to %scan3A_291 step %scan3A_292 iter_args(%scan3A_529 = %scan3A_288) -> (i32)  : i32 {
      %mul3A_530 = arith.constant 16 : i32
      %mul3A_531 = arith.muli %scan3A_528, %mul3A_530 : i32
      %add3A_532 = vector.broadcast %mul3A_531 : i32 to vector<16xi32>
      %add3A_533 = arith.addi %add3A_532, %iota3A : vector<16xi32>
      %gather3A_534 = tpu.vector_load_idx %arg6[%add3A_533, %broadcast_in_dim3A_287] : memref<512x26xi32, #tpu.memory_space<vmem>>[vector<16xi32>, vector<16xi32>], vector<16xi32>,
      %add3A_535 = arith.constant 22000000 : i32
      %add3A_536 = vector.broadcast %add3A_535 : i32 to vector<16xi32>
      %add3A_537 = arith.addi %gather3A_534, %add3A_536 : vector<16xi32>
      %mul3A_538 = arith.constant 16 : i32
      %mul3A_539 = arith.muli %scan3A_528, %mul3A_538 : i32
      %swap3A = arith.index_cast %mul3A_539 : i32 to index
      %swap3A_540 = tpu.vector_load %arg33[%swap3A] {strides = array<i32>} : memref<512xi32, #tpu.memory_space<vmem>>, vector<16xi32>,
      tpu.vector_store %arg33[%swap3A], %add3A_537 {strides = array<i32>} : memref<512xi32, #tpu.memory_space<vmem>>, vector<16xi32>,
      %scan3A_541 = arith.constant 0 : i32
      scf.yield %scan3A_541 : i32
    }
    %scan3A_294 = arith.constant 32 : i32
    %dma_start3A_295 = arith.constant 11264 : i32
    %dma_start3A_296 = tpu.memref_slice %arg7[%dma_start3A_295] : memref<13312xf32, #tpu.memory_space<vmem>> -> memref<512xf32, #tpu.memory_space<vmem>>
    %dma_start3A_297 = arith.constant 0 : i32
    %dma_start3A_298 = tpu.memref_slice %arg3[%dma_start3A_297] : memref<26000000xf32, #tpu.memory_space<hbm>> -> memref<26000000xf32, #tpu.memory_space<hbm>>
    tpu.enqueue_indirect_dma source(%dma_start3A_298 : memref<26000000xf32, #tpu.memory_space<hbm>>) target(%dma_start3A_296 : memref<512xf32, #tpu.memory_space<vmem>>) offsets(%arg33 : memref<512xi32, #tpu.memory_space<vmem>>) semaphore(%arg10 : memref<!tpu.dma_semaphore, #tpu.memory_space<semaphore_mem>>)
    %broadcast_in_dim3A_299 = arith.constant 23 : i32
    %broadcast_in_dim3A_300 = vector.broadcast %broadcast_in_dim3A_299 : i32 to vector<16xi32>
    %scan3A_301 = arith.constant 0 : i32
    %scan3A_302 = arith.constant 0 : i32
    %scan3A_303 = arith.constant 32 : i32
    %scan3A_304 = arith.addi %scan3A_302, %scan3A_303 : i32
    %scan3A_305 = arith.constant 1 : i32
    %scan3A_306 = scf.for %scan3A_528 = %scan3A_302 to %scan3A_304 step %scan3A_305 iter_args(%scan3A_529 = %scan3A_301) -> (i32)  : i32 {
      %mul3A_530 = arith.constant 16 : i32
      %mul3A_531 = arith.muli %scan3A_528, %mul3A_530 : i32
      %add3A_532 = vector.broadcast %mul3A_531 : i32 to vector<16xi32>
      %add3A_533 = arith.addi %add3A_532, %iota3A : vector<16xi32>
      %gather3A_534 = tpu.vector_load_idx %arg6[%add3A_533, %broadcast_in_dim3A_300] : memref<512x26xi32, #tpu.memory_space<vmem>>[vector<16xi32>, vector<16xi32>], vector<16xi32>,
      %add3A_535 = arith.constant 23000000 : i32
      %add3A_536 = vector.broadcast %add3A_535 : i32 to vector<16xi32>
      %add3A_537 = arith.addi %gather3A_534, %add3A_536 : vector<16xi32>
      %mul3A_538 = arith.constant 16 : i32
      %mul3A_539 = arith.muli %scan3A_528, %mul3A_538 : i32
      %swap3A = arith.index_cast %mul3A_539 : i32 to index
      %swap3A_540 = tpu.vector_load %arg34[%swap3A] {strides = array<i32>} : memref<512xi32, #tpu.memory_space<vmem>>, vector<16xi32>,
      tpu.vector_store %arg34[%swap3A], %add3A_537 {strides = array<i32>} : memref<512xi32, #tpu.memory_space<vmem>>, vector<16xi32>,
      %scan3A_541 = arith.constant 0 : i32
      scf.yield %scan3A_541 : i32
    }
    %scan3A_307 = arith.constant 32 : i32
    %dma_start3A_308 = arith.constant 11776 : i32
    %dma_start3A_309 = tpu.memref_slice %arg7[%dma_start3A_308] : memref<13312xf32, #tpu.memory_space<vmem>> -> memref<512xf32, #tpu.memory_space<vmem>>
    %dma_start3A_310 = arith.constant 0 : i32
    %dma_start3A_311 = tpu.memref_slice %arg3[%dma_start3A_310] : memref<26000000xf32, #tpu.memory_space<hbm>> -> memref<26000000xf32, #tpu.memory_space<hbm>>
    tpu.enqueue_indirect_dma source(%dma_start3A_311 : memref<26000000xf32, #tpu.memory_space<hbm>>) target(%dma_start3A_309 : memref<512xf32, #tpu.memory_space<vmem>>) offsets(%arg34 : memref<512xi32, #tpu.memory_space<vmem>>) semaphore(%arg10 : memref<!tpu.dma_semaphore, #tpu.memory_space<semaphore_mem>>)
    %broadcast_in_dim3A_312 = arith.constant 24 : i32
    %broadcast_in_dim3A_313 = vector.broadcast %broadcast_in_dim3A_312 : i32 to vector<16xi32>
    %scan3A_314 = arith.constant 0 : i32
    %scan3A_315 = arith.constant 0 : i32
    %scan3A_316 = arith.constant 32 : i32
    %scan3A_317 = arith.addi %scan3A_315, %scan3A_316 : i32
    %scan3A_318 = arith.constant 1 : i32
    %scan3A_319 = scf.for %scan3A_528 = %scan3A_315 to %scan3A_317 step %scan3A_318 iter_args(%scan3A_529 = %scan3A_314) -> (i32)  : i32 {
      %mul3A_530 = arith.constant 16 : i32
      %mul3A_531 = arith.muli %scan3A_528, %mul3A_530 : i32
      %add3A_532 = vector.broadcast %mul3A_531 : i32 to vector<16xi32>
      %add3A_533 = arith.addi %add3A_532, %iota3A : vector<16xi32>
      %gather3A_534 = tpu.vector_load_idx %arg6[%add3A_533, %broadcast_in_dim3A_313] : memref<512x26xi32, #tpu.memory_space<vmem>>[vector<16xi32>, vector<16xi32>], vector<16xi32>,
      %add3A_535 = arith.constant 24000000 : i32
      %add3A_536 = vector.broadcast %add3A_535 : i32 to vector<16xi32>
      %add3A_537 = arith.addi %gather3A_534, %add3A_536 : vector<16xi32>
      %mul3A_538 = arith.constant 16 : i32
      %mul3A_539 = arith.muli %scan3A_528, %mul3A_538 : i32
      %swap3A = arith.index_cast %mul3A_539 : i32 to index
      %swap3A_540 = tpu.vector_load %arg35[%swap3A] {strides = array<i32>} : memref<512xi32, #tpu.memory_space<vmem>>, vector<16xi32>,
      tpu.vector_store %arg35[%swap3A], %add3A_537 {strides = array<i32>} : memref<512xi32, #tpu.memory_space<vmem>>, vector<16xi32>,
      %scan3A_541 = arith.constant 0 : i32
      scf.yield %scan3A_541 : i32
    }
    %scan3A_320 = arith.constant 32 : i32
    %dma_start3A_321 = arith.constant 12288 : i32
    %dma_start3A_322 = tpu.memref_slice %arg7[%dma_start3A_321] : memref<13312xf32, #tpu.memory_space<vmem>> -> memref<512xf32, #tpu.memory_space<vmem>>
    %dma_start3A_323 = arith.constant 0 : i32
    %dma_start3A_324 = tpu.memref_slice %arg3[%dma_start3A_323] : memref<26000000xf32, #tpu.memory_space<hbm>> -> memref<26000000xf32, #tpu.memory_space<hbm>>
    tpu.enqueue_indirect_dma source(%dma_start3A_324 : memref<26000000xf32, #tpu.memory_space<hbm>>) target(%dma_start3A_322 : memref<512xf32, #tpu.memory_space<vmem>>) offsets(%arg35 : memref<512xi32, #tpu.memory_space<vmem>>) semaphore(%arg10 : memref<!tpu.dma_semaphore, #tpu.memory_space<semaphore_mem>>)
    %broadcast_in_dim3A_325 = arith.constant 25 : i32
    %broadcast_in_dim3A_326 = vector.broadcast %broadcast_in_dim3A_325 : i32 to vector<16xi32>
    %scan3A_327 = arith.constant 0 : i32
    %scan3A_328 = arith.constant 0 : i32
    %scan3A_329 = arith.constant 32 : i32
    %scan3A_330 = arith.addi %scan3A_328, %scan3A_329 : i32
    %scan3A_331 = arith.constant 1 : i32
    %scan3A_332 = scf.for %scan3A_528 = %scan3A_328 to %scan3A_330 step %scan3A_331 iter_args(%scan3A_529 = %scan3A_327) -> (i32)  : i32 {
      %mul3A_530 = arith.constant 16 : i32
      %mul3A_531 = arith.muli %scan3A_528, %mul3A_530 : i32
      %add3A_532 = vector.broadcast %mul3A_531 : i32 to vector<16xi32>
      %add3A_533 = arith.addi %add3A_532, %iota3A : vector<16xi32>
      %gather3A_534 = tpu.vector_load_idx %arg6[%add3A_533, %broadcast_in_dim3A_326] : memref<512x26xi32, #tpu.memory_space<vmem>>[vector<16xi32>, vector<16xi32>], vector<16xi32>,
      %add3A_535 = arith.constant 25000000 : i32
      %add3A_536 = vector.broadcast %add3A_535 : i32 to vector<16xi32>
      %add3A_537 = arith.addi %gather3A_534, %add3A_536 : vector<16xi32>
      %mul3A_538 = arith.constant 16 : i32
      %mul3A_539 = arith.muli %scan3A_528, %mul3A_538 : i32
      %swap3A = arith.index_cast %mul3A_539 : i32 to index
      %swap3A_540 = tpu.vector_load %arg36[%swap3A] {strides = array<i32>} : memref<512xi32, #tpu.memory_space<vmem>>, vector<16xi32>,
      tpu.vector_store %arg36[%swap3A], %add3A_537 {strides = array<i32>} : memref<512xi32, #tpu.memory_space<vmem>>, vector<16xi32>,
      %scan3A_541 = arith.constant 0 : i32
      scf.yield %scan3A_541 : i32
    }
    %scan3A_333 = arith.constant 32 : i32
    %dma_start3A_334 = arith.constant 12800 : i32
    %dma_start3A_335 = tpu.memref_slice %arg7[%dma_start3A_334] : memref<13312xf32, #tpu.memory_space<vmem>> -> memref<512xf32, #tpu.memory_space<vmem>>
    %dma_start3A_336 = arith.constant 0 : i32
    %dma_start3A_337 = tpu.memref_slice %arg3[%dma_start3A_336] : memref<26000000xf32, #tpu.memory_space<hbm>> -> memref<26000000xf32, #tpu.memory_space<hbm>>
    tpu.enqueue_indirect_dma source(%dma_start3A_337 : memref<26000000xf32, #tpu.memory_space<hbm>>) target(%dma_start3A_335 : memref<512xf32, #tpu.memory_space<vmem>>) offsets(%arg36 : memref<512xi32, #tpu.memory_space<vmem>>) semaphore(%arg10 : memref<!tpu.dma_semaphore, #tpu.memory_space<semaphore_mem>>)
    %dma_wait3A = arith.constant 0 : i32
    %dma_wait3A_338 = tpu.memref_slice %arg7[%dma_wait3A] : memref<13312xf32, #tpu.memory_space<vmem>> -> memref<512xf32, #tpu.memory_space<vmem>>
    %dma_wait3A_339 = arith.constant 0 : i32
    %dma_wait3A_340 = tpu.memref_slice %arg3[%dma_wait3A_339] : memref<26000000xf32, #tpu.memory_space<hbm>> -> memref<26000000xf32, #tpu.memory_space<hbm>>
    tpu.wait_indirect_dma semaphore(%arg10 : memref<!tpu.dma_semaphore, #tpu.memory_space<semaphore_mem>>) src(%dma_wait3A_340 : memref<26000000xf32, #tpu.memory_space<hbm>>) dst(%dma_wait3A_338 : memref<512xf32, #tpu.memory_space<vmem>>)
    %dma_wait3A_341 = arith.constant 512 : i32
    %dma_wait3A_342 = tpu.memref_slice %arg7[%dma_wait3A_341] : memref<13312xf32, #tpu.memory_space<vmem>> -> memref<512xf32, #tpu.memory_space<vmem>>
    %dma_wait3A_343 = arith.constant 0 : i32
    %dma_wait3A_344 = tpu.memref_slice %arg3[%dma_wait3A_343] : memref<26000000xf32, #tpu.memory_space<hbm>> -> memref<26000000xf32, #tpu.memory_space<hbm>>
    tpu.wait_indirect_dma semaphore(%arg10 : memref<!tpu.dma_semaphore, #tpu.memory_space<semaphore_mem>>) src(%dma_wait3A_344 : memref<26000000xf32, #tpu.memory_space<hbm>>) dst(%dma_wait3A_342 : memref<512xf32, #tpu.memory_space<vmem>>)
    %dma_wait3A_345 = arith.constant 1024 : i32
    %dma_wait3A_346 = tpu.memref_slice %arg7[%dma_wait3A_345] : memref<13312xf32, #tpu.memory_space<vmem>> -> memref<512xf32, #tpu.memory_space<vmem>>
    %dma_wait3A_347 = arith.constant 0 : i32
    %dma_wait3A_348 = tpu.memref_slice %arg3[%dma_wait3A_347] : memref<26000000xf32, #tpu.memory_space<hbm>> -> memref<26000000xf32, #tpu.memory_space<hbm>>
    tpu.wait_indirect_dma semaphore(%arg10 : memref<!tpu.dma_semaphore, #tpu.memory_space<semaphore_mem>>) src(%dma_wait3A_348 : memref<26000000xf32, #tpu.memory_space<hbm>>) dst(%dma_wait3A_346 : memref<512xf32, #tpu.memory_space<vmem>>)
    %dma_wait3A_349 = arith.constant 1536 : i32
    %dma_wait3A_350 = tpu.memref_slice %arg7[%dma_wait3A_349] : memref<13312xf32, #tpu.memory_space<vmem>> -> memref<512xf32, #tpu.memory_space<vmem>>
    %dma_wait3A_351 = arith.constant 0 : i32
    %dma_wait3A_352 = tpu.memref_slice %arg3[%dma_wait3A_351] : memref<26000000xf32, #tpu.memory_space<hbm>> -> memref<26000000xf32, #tpu.memory_space<hbm>>
    tpu.wait_indirect_dma semaphore(%arg10 : memref<!tpu.dma_semaphore, #tpu.memory_space<semaphore_mem>>) src(%dma_wait3A_352 : memref<26000000xf32, #tpu.memory_space<hbm>>) dst(%dma_wait3A_350 : memref<512xf32, #tpu.memory_space<vmem>>)
    %dma_wait3A_353 = arith.constant 2048 : i32
    %dma_wait3A_354 = tpu.memref_slice %arg7[%dma_wait3A_353] : memref<13312xf32, #tpu.memory_space<vmem>> -> memref<512xf32, #tpu.memory_space<vmem>>
    %dma_wait3A_355 = arith.constant 0 : i32
    %dma_wait3A_356 = tpu.memref_slice %arg3[%dma_wait3A_355] : memref<26000000xf32, #tpu.memory_space<hbm>> -> memref<26000000xf32, #tpu.memory_space<hbm>>
    tpu.wait_indirect_dma semaphore(%arg10 : memref<!tpu.dma_semaphore, #tpu.memory_space<semaphore_mem>>) src(%dma_wait3A_356 : memref<26000000xf32, #tpu.memory_space<hbm>>) dst(%dma_wait3A_354 : memref<512xf32, #tpu.memory_space<vmem>>)
    %dma_wait3A_357 = arith.constant 2560 : i32
    %dma_wait3A_358 = tpu.memref_slice %arg7[%dma_wait3A_357] : memref<13312xf32, #tpu.memory_space<vmem>> -> memref<512xf32, #tpu.memory_space<vmem>>
    %dma_wait3A_359 = arith.constant 0 : i32
    %dma_wait3A_360 = tpu.memref_slice %arg3[%dma_wait3A_359] : memref<26000000xf32, #tpu.memory_space<hbm>> -> memref<26000000xf32, #tpu.memory_space<hbm>>
    tpu.wait_indirect_dma semaphore(%arg10 : memref<!tpu.dma_semaphore, #tpu.memory_space<semaphore_mem>>) src(%dma_wait3A_360 : memref<26000000xf32, #tpu.memory_space<hbm>>) dst(%dma_wait3A_358 : memref<512xf32, #tpu.memory_space<vmem>>)
    %dma_wait3A_361 = arith.constant 3072 : i32
    %dma_wait3A_362 = tpu.memref_slice %arg7[%dma_wait3A_361] : memref<13312xf32, #tpu.memory_space<vmem>> -> memref<512xf32, #tpu.memory_space<vmem>>
    %dma_wait3A_363 = arith.constant 0 : i32
    %dma_wait3A_364 = tpu.memref_slice %arg3[%dma_wait3A_363] : memref<26000000xf32, #tpu.memory_space<hbm>> -> memref<26000000xf32, #tpu.memory_space<hbm>>
    tpu.wait_indirect_dma semaphore(%arg10 : memref<!tpu.dma_semaphore, #tpu.memory_space<semaphore_mem>>) src(%dma_wait3A_364 : memref<26000000xf32, #tpu.memory_space<hbm>>) dst(%dma_wait3A_362 : memref<512xf32, #tpu.memory_space<vmem>>)
    %dma_wait3A_365 = arith.constant 3584 : i32
    %dma_wait3A_366 = tpu.memref_slice %arg7[%dma_wait3A_365] : memref<13312xf32, #tpu.memory_space<vmem>> -> memref<512xf32, #tpu.memory_space<vmem>>
    %dma_wait3A_367 = arith.constant 0 : i32
    %dma_wait3A_368 = tpu.memref_slice %arg3[%dma_wait3A_367] : memref<26000000xf32, #tpu.memory_space<hbm>> -> memref<26000000xf32, #tpu.memory_space<hbm>>
    tpu.wait_indirect_dma semaphore(%arg10 : memref<!tpu.dma_semaphore, #tpu.memory_space<semaphore_mem>>) src(%dma_wait3A_368 : memref<26000000xf32, #tpu.memory_space<hbm>>) dst(%dma_wait3A_366 : memref<512xf32, #tpu.memory_space<vmem>>)
    %dma_wait3A_369 = arith.constant 4096 : i32
    %dma_wait3A_370 = tpu.memref_slice %arg7[%dma_wait3A_369] : memref<13312xf32, #tpu.memory_space<vmem>> -> memref<512xf32, #tpu.memory_space<vmem>>
    %dma_wait3A_371 = arith.constant 0 : i32
    %dma_wait3A_372 = tpu.memref_slice %arg3[%dma_wait3A_371] : memref<26000000xf32, #tpu.memory_space<hbm>> -> memref<26000000xf32, #tpu.memory_space<hbm>>
    tpu.wait_indirect_dma semaphore(%arg10 : memref<!tpu.dma_semaphore, #tpu.memory_space<semaphore_mem>>) src(%dma_wait3A_372 : memref<26000000xf32, #tpu.memory_space<hbm>>) dst(%dma_wait3A_370 : memref<512xf32, #tpu.memory_space<vmem>>)
    %dma_wait3A_373 = arith.constant 4608 : i32
    %dma_wait3A_374 = tpu.memref_slice %arg7[%dma_wait3A_373] : memref<13312xf32, #tpu.memory_space<vmem>> -> memref<512xf32, #tpu.memory_space<vmem>>
    %dma_wait3A_375 = arith.constant 0 : i32
    %dma_wait3A_376 = tpu.memref_slice %arg3[%dma_wait3A_375] : memref<26000000xf32, #tpu.memory_space<hbm>> -> memref<26000000xf32, #tpu.memory_space<hbm>>
    tpu.wait_indirect_dma semaphore(%arg10 : memref<!tpu.dma_semaphore, #tpu.memory_space<semaphore_mem>>) src(%dma_wait3A_376 : memref<26000000xf32, #tpu.memory_space<hbm>>) dst(%dma_wait3A_374 : memref<512xf32, #tpu.memory_space<vmem>>)
    %dma_wait3A_377 = arith.constant 5120 : i32
    %dma_wait3A_378 = tpu.memref_slice %arg7[%dma_wait3A_377] : memref<13312xf32, #tpu.memory_space<vmem>> -> memref<512xf32, #tpu.memory_space<vmem>>
    %dma_wait3A_379 = arith.constant 0 : i32
    %dma_wait3A_380 = tpu.memref_slice %arg3[%dma_wait3A_379] : memref<26000000xf32, #tpu.memory_space<hbm>> -> memref<26000000xf32, #tpu.memory_space<hbm>>
    tpu.wait_indirect_dma semaphore(%arg10 : memref<!tpu.dma_semaphore, #tpu.memory_space<semaphore_mem>>) src(%dma_wait3A_380 : memref<26000000xf32, #tpu.memory_space<hbm>>) dst(%dma_wait3A_378 : memref<512xf32, #tpu.memory_space<vmem>>)
    %dma_wait3A_381 = arith.constant 5632 : i32
    %dma_wait3A_382 = tpu.memref_slice %arg7[%dma_wait3A_381] : memref<13312xf32, #tpu.memory_space<vmem>> -> memref<512xf32, #tpu.memory_space<vmem>>
    %dma_wait3A_383 = arith.constant 0 : i32
    %dma_wait3A_384 = tpu.memref_slice %arg3[%dma_wait3A_383] : memref<26000000xf32, #tpu.memory_space<hbm>> -> memref<26000000xf32, #tpu.memory_space<hbm>>
    tpu.wait_indirect_dma semaphore(%arg10 : memref<!tpu.dma_semaphore, #tpu.memory_space<semaphore_mem>>) src(%dma_wait3A_384 : memref<26000000xf32, #tpu.memory_space<hbm>>) dst(%dma_wait3A_382 : memref<512xf32, #tpu.memory_space<vmem>>)
    %dma_wait3A_385 = arith.constant 6144 : i32
    %dma_wait3A_386 = tpu.memref_slice %arg7[%dma_wait3A_385] : memref<13312xf32, #tpu.memory_space<vmem>> -> memref<512xf32, #tpu.memory_space<vmem>>
    %dma_wait3A_387 = arith.constant 0 : i32
    %dma_wait3A_388 = tpu.memref_slice %arg3[%dma_wait3A_387] : memref<26000000xf32, #tpu.memory_space<hbm>> -> memref<26000000xf32, #tpu.memory_space<hbm>>
    tpu.wait_indirect_dma semaphore(%arg10 : memref<!tpu.dma_semaphore, #tpu.memory_space<semaphore_mem>>) src(%dma_wait3A_388 : memref<26000000xf32, #tpu.memory_space<hbm>>) dst(%dma_wait3A_386 : memref<512xf32, #tpu.memory_space<vmem>>)
    %dma_wait3A_389 = arith.constant 6656 : i32
    %dma_wait3A_390 = tpu.memref_slice %arg7[%dma_wait3A_389] : memref<13312xf32, #tpu.memory_space<vmem>> -> memref<512xf32, #tpu.memory_space<vmem>>
    %dma_wait3A_391 = arith.constant 0 : i32
    %dma_wait3A_392 = tpu.memref_slice %arg3[%dma_wait3A_391] : memref<26000000xf32, #tpu.memory_space<hbm>> -> memref<26000000xf32, #tpu.memory_space<hbm>>
    tpu.wait_indirect_dma semaphore(%arg10 : memref<!tpu.dma_semaphore, #tpu.memory_space<semaphore_mem>>) src(%dma_wait3A_392 : memref<26000000xf32, #tpu.memory_space<hbm>>) dst(%dma_wait3A_390 : memref<512xf32, #tpu.memory_space<vmem>>)
    %dma_wait3A_393 = arith.constant 7168 : i32
    %dma_wait3A_394 = tpu.memref_slice %arg7[%dma_wait3A_393] : memref<13312xf32, #tpu.memory_space<vmem>> -> memref<512xf32, #tpu.memory_space<vmem>>
    %dma_wait3A_395 = arith.constant 0 : i32
    %dma_wait3A_396 = tpu.memref_slice %arg3[%dma_wait3A_395] : memref<26000000xf32, #tpu.memory_space<hbm>> -> memref<26000000xf32, #tpu.memory_space<hbm>>
    tpu.wait_indirect_dma semaphore(%arg10 : memref<!tpu.dma_semaphore, #tpu.memory_space<semaphore_mem>>) src(%dma_wait3A_396 : memref<26000000xf32, #tpu.memory_space<hbm>>) dst(%dma_wait3A_394 : memref<512xf32, #tpu.memory_space<vmem>>)
    %dma_wait3A_397 = arith.constant 7680 : i32
    %dma_wait3A_398 = tpu.memref_slice %arg7[%dma_wait3A_397] : memref<13312xf32, #tpu.memory_space<vmem>> -> memref<512xf32, #tpu.memory_space<vmem>>
    %dma_wait3A_399 = arith.constant 0 : i32
    %dma_wait3A_400 = tpu.memref_slice %arg3[%dma_wait3A_399] : memref<26000000xf32, #tpu.memory_space<hbm>> -> memref<26000000xf32, #tpu.memory_space<hbm>>
    tpu.wait_indirect_dma semaphore(%arg10 : memref<!tpu.dma_semaphore, #tpu.memory_space<semaphore_mem>>) src(%dma_wait3A_400 : memref<26000000xf32, #tpu.memory_space<hbm>>) dst(%dma_wait3A_398 : memref<512xf32, #tpu.memory_space<vmem>>)
    %dma_wait3A_401 = arith.constant 8192 : i32
    %dma_wait3A_402 = tpu.memref_slice %arg7[%dma_wait3A_401] : memref<13312xf32, #tpu.memory_space<vmem>> -> memref<512xf32, #tpu.memory_space<vmem>>
    %dma_wait3A_403 = arith.constant 0 : i32
    %dma_wait3A_404 = tpu.memref_slice %arg3[%dma_wait3A_403] : memref<26000000xf32, #tpu.memory_space<hbm>> -> memref<26000000xf32, #tpu.memory_space<hbm>>
    tpu.wait_indirect_dma semaphore(%arg10 : memref<!tpu.dma_semaphore, #tpu.memory_space<semaphore_mem>>) src(%dma_wait3A_404 : memref<26000000xf32, #tpu.memory_space<hbm>>) dst(%dma_wait3A_402 : memref<512xf32, #tpu.memory_space<vmem>>)
    %dma_wait3A_405 = arith.constant 8704 : i32
    %dma_wait3A_406 = tpu.memref_slice %arg7[%dma_wait3A_405] : memref<13312xf32, #tpu.memory_space<vmem>> -> memref<512xf32, #tpu.memory_space<vmem>>
    %dma_wait3A_407 = arith.constant 0 : i32
    %dma_wait3A_408 = tpu.memref_slice %arg3[%dma_wait3A_407] : memref<26000000xf32, #tpu.memory_space<hbm>> -> memref<26000000xf32, #tpu.memory_space<hbm>>
    tpu.wait_indirect_dma semaphore(%arg10 : memref<!tpu.dma_semaphore, #tpu.memory_space<semaphore_mem>>) src(%dma_wait3A_408 : memref<26000000xf32, #tpu.memory_space<hbm>>) dst(%dma_wait3A_406 : memref<512xf32, #tpu.memory_space<vmem>>)
    %dma_wait3A_409 = arith.constant 9216 : i32
    %dma_wait3A_410 = tpu.memref_slice %arg7[%dma_wait3A_409] : memref<13312xf32, #tpu.memory_space<vmem>> -> memref<512xf32, #tpu.memory_space<vmem>>
    %dma_wait3A_411 = arith.constant 0 : i32
    %dma_wait3A_412 = tpu.memref_slice %arg3[%dma_wait3A_411] : memref<26000000xf32, #tpu.memory_space<hbm>> -> memref<26000000xf32, #tpu.memory_space<hbm>>
    tpu.wait_indirect_dma semaphore(%arg10 : memref<!tpu.dma_semaphore, #tpu.memory_space<semaphore_mem>>) src(%dma_wait3A_412 : memref<26000000xf32, #tpu.memory_space<hbm>>) dst(%dma_wait3A_410 : memref<512xf32, #tpu.memory_space<vmem>>)
    %dma_wait3A_413 = arith.constant 9728 : i32
    %dma_wait3A_414 = tpu.memref_slice %arg7[%dma_wait3A_413] : memref<13312xf32, #tpu.memory_space<vmem>> -> memref<512xf32, #tpu.memory_space<vmem>>
    %dma_wait3A_415 = arith.constant 0 : i32
    %dma_wait3A_416 = tpu.memref_slice %arg3[%dma_wait3A_415] : memref<26000000xf32, #tpu.memory_space<hbm>> -> memref<26000000xf32, #tpu.memory_space<hbm>>
    tpu.wait_indirect_dma semaphore(%arg10 : memref<!tpu.dma_semaphore, #tpu.memory_space<semaphore_mem>>) src(%dma_wait3A_416 : memref<26000000xf32, #tpu.memory_space<hbm>>) dst(%dma_wait3A_414 : memref<512xf32, #tpu.memory_space<vmem>>)
    %dma_wait3A_417 = arith.constant 10240 : i32
    %dma_wait3A_418 = tpu.memref_slice %arg7[%dma_wait3A_417] : memref<13312xf32, #tpu.memory_space<vmem>> -> memref<512xf32, #tpu.memory_space<vmem>>
    %dma_wait3A_419 = arith.constant 0 : i32
    %dma_wait3A_420 = tpu.memref_slice %arg3[%dma_wait3A_419] : memref<26000000xf32, #tpu.memory_space<hbm>> -> memref<26000000xf32, #tpu.memory_space<hbm>>
    tpu.wait_indirect_dma semaphore(%arg10 : memref<!tpu.dma_semaphore, #tpu.memory_space<semaphore_mem>>) src(%dma_wait3A_420 : memref<26000000xf32, #tpu.memory_space<hbm>>) dst(%dma_wait3A_418 : memref<512xf32, #tpu.memory_space<vmem>>)
    %dma_wait3A_421 = arith.constant 10752 : i32
    %dma_wait3A_422 = tpu.memref_slice %arg7[%dma_wait3A_421] : memref<13312xf32, #tpu.memory_space<vmem>> -> memref<512xf32, #tpu.memory_space<vmem>>
    %dma_wait3A_423 = arith.constant 0 : i32
    %dma_wait3A_424 = tpu.memref_slice %arg3[%dma_wait3A_423] : memref<26000000xf32, #tpu.memory_space<hbm>> -> memref<26000000xf32, #tpu.memory_space<hbm>>
    tpu.wait_indirect_dma semaphore(%arg10 : memref<!tpu.dma_semaphore, #tpu.memory_space<semaphore_mem>>) src(%dma_wait3A_424 : memref<26000000xf32, #tpu.memory_space<hbm>>) dst(%dma_wait3A_422 : memref<512xf32, #tpu.memory_space<vmem>>)
    %dma_wait3A_425 = arith.constant 11264 : i32
    %dma_wait3A_426 = tpu.memref_slice %arg7[%dma_wait3A_425] : memref<13312xf32, #tpu.memory_space<vmem>> -> memref<512xf32, #tpu.memory_space<vmem>>
    %dma_wait3A_427 = arith.constant 0 : i32
    %dma_wait3A_428 = tpu.memref_slice %arg3[%dma_wait3A_427] : memref<26000000xf32, #tpu.memory_space<hbm>> -> memref<26000000xf32, #tpu.memory_space<hbm>>
    tpu.wait_indirect_dma semaphore(%arg10 : memref<!tpu.dma_semaphore, #tpu.memory_space<semaphore_mem>>) src(%dma_wait3A_428 : memref<26000000xf32, #tpu.memory_space<hbm>>) dst(%dma_wait3A_426 : memref<512xf32, #tpu.memory_space<vmem>>)
    %dma_wait3A_429 = arith.constant 11776 : i32
    %dma_wait3A_430 = tpu.memref_slice %arg7[%dma_wait3A_429] : memref<13312xf32, #tpu.memory_space<vmem>> -> memref<512xf32, #tpu.memory_space<vmem>>
    %dma_wait3A_431 = arith.constant 0 : i32
    %dma_wait3A_432 = tpu.memref_slice %arg3[%dma_wait3A_431] : memref<26000000xf32, #tpu.memory_space<hbm>> -> memref<26000000xf32, #tpu.memory_space<hbm>>
    tpu.wait_indirect_dma semaphore(%arg10 : memref<!tpu.dma_semaphore, #tpu.memory_space<semaphore_mem>>) src(%dma_wait3A_432 : memref<26000000xf32, #tpu.memory_space<hbm>>) dst(%dma_wait3A_430 : memref<512xf32, #tpu.memory_space<vmem>>)
    %dma_wait3A_433 = arith.constant 12288 : i32
    %dma_wait3A_434 = tpu.memref_slice %arg7[%dma_wait3A_433] : memref<13312xf32, #tpu.memory_space<vmem>> -> memref<512xf32, #tpu.memory_space<vmem>>
    %dma_wait3A_435 = arith.constant 0 : i32
    %dma_wait3A_436 = tpu.memref_slice %arg3[%dma_wait3A_435] : memref<26000000xf32, #tpu.memory_space<hbm>> -> memref<26000000xf32, #tpu.memory_space<hbm>>
    tpu.wait_indirect_dma semaphore(%arg10 : memref<!tpu.dma_semaphore, #tpu.memory_space<semaphore_mem>>) src(%dma_wait3A_436 : memref<26000000xf32, #tpu.memory_space<hbm>>) dst(%dma_wait3A_434 : memref<512xf32, #tpu.memory_space<vmem>>)
    %dma_wait3A_437 = arith.constant 12800 : i32
    %dma_wait3A_438 = tpu.memref_slice %arg7[%dma_wait3A_437] : memref<13312xf32, #tpu.memory_space<vmem>> -> memref<512xf32, #tpu.memory_space<vmem>>
    %dma_wait3A_439 = arith.constant 0 : i32
    %dma_wait3A_440 = tpu.memref_slice %arg3[%dma_wait3A_439] : memref<26000000xf32, #tpu.memory_space<hbm>> -> memref<26000000xf32, #tpu.memory_space<hbm>>
    tpu.wait_indirect_dma semaphore(%arg10 : memref<!tpu.dma_semaphore, #tpu.memory_space<semaphore_mem>>) src(%dma_wait3A_440 : memref<26000000xf32, #tpu.memory_space<hbm>>) dst(%dma_wait3A_438 : memref<512xf32, #tpu.memory_space<vmem>>)
    %broadcast_in_dim3A_441 = arith.constant 0 : i32
    %broadcast_in_dim3A_442 = vector.broadcast %broadcast_in_dim3A_441 : i32 to vector<16xi32>
    %gather3A = tpu.vector_load_idx %arg9[%broadcast_in_dim3A_442] : memref<128xf32, #tpu.memory_space<vmem>>[vector<16xi32>], vector<16xf32>,
    %broadcast_in_dim3A_443 = arith.constant 1 : i32
    %broadcast_in_dim3A_444 = vector.broadcast %broadcast_in_dim3A_443 : i32 to vector<16xi32>
    %gather3A_445 = tpu.vector_load_idx %arg9[%broadcast_in_dim3A_444] : memref<128xf32, #tpu.memory_space<vmem>>[vector<16xi32>], vector<16xf32>,
    %broadcast_in_dim3A_446 = arith.constant 2 : i32
    %broadcast_in_dim3A_447 = vector.broadcast %broadcast_in_dim3A_446 : i32 to vector<16xi32>
    %gather3A_448 = tpu.vector_load_idx %arg9[%broadcast_in_dim3A_447] : memref<128xf32, #tpu.memory_space<vmem>>[vector<16xi32>], vector<16xf32>,
    %broadcast_in_dim3A_449 = arith.constant 3 : i32
    %broadcast_in_dim3A_450 = vector.broadcast %broadcast_in_dim3A_449 : i32 to vector<16xi32>
    %gather3A_451 = tpu.vector_load_idx %arg9[%broadcast_in_dim3A_450] : memref<128xf32, #tpu.memory_space<vmem>>[vector<16xi32>], vector<16xf32>,
    %broadcast_in_dim3A_452 = arith.constant 4 : i32
    %broadcast_in_dim3A_453 = vector.broadcast %broadcast_in_dim3A_452 : i32 to vector<16xi32>
    %gather3A_454 = tpu.vector_load_idx %arg9[%broadcast_in_dim3A_453] : memref<128xf32, #tpu.memory_space<vmem>>[vector<16xi32>], vector<16xf32>,
    %broadcast_in_dim3A_455 = arith.constant 5 : i32
    %broadcast_in_dim3A_456 = vector.broadcast %broadcast_in_dim3A_455 : i32 to vector<16xi32>
    %gather3A_457 = tpu.vector_load_idx %arg9[%broadcast_in_dim3A_456] : memref<128xf32, #tpu.memory_space<vmem>>[vector<16xi32>], vector<16xf32>,
    %broadcast_in_dim3A_458 = arith.constant 6 : i32
    %broadcast_in_dim3A_459 = vector.broadcast %broadcast_in_dim3A_458 : i32 to vector<16xi32>
    %gather3A_460 = tpu.vector_load_idx %arg9[%broadcast_in_dim3A_459] : memref<128xf32, #tpu.memory_space<vmem>>[vector<16xi32>], vector<16xf32>,
    %broadcast_in_dim3A_461 = arith.constant 7 : i32
    %broadcast_in_dim3A_462 = vector.broadcast %broadcast_in_dim3A_461 : i32 to vector<16xi32>
    %gather3A_463 = tpu.vector_load_idx %arg9[%broadcast_in_dim3A_462] : memref<128xf32, #tpu.memory_space<vmem>>[vector<16xi32>], vector<16xf32>,
    %broadcast_in_dim3A_464 = arith.constant 8 : i32
    %broadcast_in_dim3A_465 = vector.broadcast %broadcast_in_dim3A_464 : i32 to vector<16xi32>
    %gather3A_466 = tpu.vector_load_idx %arg9[%broadcast_in_dim3A_465] : memref<128xf32, #tpu.memory_space<vmem>>[vector<16xi32>], vector<16xf32>,
    %broadcast_in_dim3A_467 = arith.constant 9 : i32
    %broadcast_in_dim3A_468 = vector.broadcast %broadcast_in_dim3A_467 : i32 to vector<16xi32>
    %gather3A_469 = tpu.vector_load_idx %arg9[%broadcast_in_dim3A_468] : memref<128xf32, #tpu.memory_space<vmem>>[vector<16xi32>], vector<16xf32>,
    %broadcast_in_dim3A_470 = arith.constant 10 : i32
    %broadcast_in_dim3A_471 = vector.broadcast %broadcast_in_dim3A_470 : i32 to vector<16xi32>
    %gather3A_472 = tpu.vector_load_idx %arg9[%broadcast_in_dim3A_471] : memref<128xf32, #tpu.memory_space<vmem>>[vector<16xi32>], vector<16xf32>,
    %broadcast_in_dim3A_473 = arith.constant 11 : i32
    %broadcast_in_dim3A_474 = vector.broadcast %broadcast_in_dim3A_473 : i32 to vector<16xi32>
    %gather3A_475 = tpu.vector_load_idx %arg9[%broadcast_in_dim3A_474] : memref<128xf32, #tpu.memory_space<vmem>>[vector<16xi32>], vector<16xf32>,
    %broadcast_in_dim3A_476 = arith.constant 12 : i32
    %broadcast_in_dim3A_477 = vector.broadcast %broadcast_in_dim3A_476 : i32 to vector<16xi32>
    %gather3A_478 = tpu.vector_load_idx %arg9[%broadcast_in_dim3A_477] : memref<128xf32, #tpu.memory_space<vmem>>[vector<16xi32>], vector<16xf32>,
    %broadcast_in_dim3A_479 = arith.constant 13 : i32
    %broadcast_in_dim3A_480 = vector.broadcast %broadcast_in_dim3A_479 : i32 to vector<16xi32>
    %gather3A_481 = tpu.vector_load_idx %arg9[%broadcast_in_dim3A_480] : memref<128xf32, #tpu.memory_space<vmem>>[vector<16xi32>], vector<16xf32>,
    %broadcast_in_dim3A_482 = arith.constant 14 : i32
    %broadcast_in_dim3A_483 = vector.broadcast %broadcast_in_dim3A_482 : i32 to vector<16xi32>
    %gather3A_484 = tpu.vector_load_idx %arg9[%broadcast_in_dim3A_483] : memref<128xf32, #tpu.memory_space<vmem>>[vector<16xi32>], vector<16xf32>,
    %broadcast_in_dim3A_485 = arith.constant 15 : i32
    %broadcast_in_dim3A_486 = vector.broadcast %broadcast_in_dim3A_485 : i32 to vector<16xi32>
    %gather3A_487 = tpu.vector_load_idx %arg9[%broadcast_in_dim3A_486] : memref<128xf32, #tpu.memory_space<vmem>>[vector<16xi32>], vector<16xf32>,
    %broadcast_in_dim3A_488 = arith.constant 16 : i32
    %broadcast_in_dim3A_489 = vector.broadcast %broadcast_in_dim3A_488 : i32 to vector<16xi32>
    %gather3A_490 = tpu.vector_load_idx %arg9[%broadcast_in_dim3A_489] : memref<128xf32, #tpu.memory_space<vmem>>[vector<16xi32>], vector<16xf32>,
    %broadcast_in_dim3A_491 = arith.constant 17 : i32
    %broadcast_in_dim3A_492 = vector.broadcast %broadcast_in_dim3A_491 : i32 to vector<16xi32>
    %gather3A_493 = tpu.vector_load_idx %arg9[%broadcast_in_dim3A_492] : memref<128xf32, #tpu.memory_space<vmem>>[vector<16xi32>], vector<16xf32>,
    %broadcast_in_dim3A_494 = arith.constant 18 : i32
    %broadcast_in_dim3A_495 = vector.broadcast %broadcast_in_dim3A_494 : i32 to vector<16xi32>
    %gather3A_496 = tpu.vector_load_idx %arg9[%broadcast_in_dim3A_495] : memref<128xf32, #tpu.memory_space<vmem>>[vector<16xi32>], vector<16xf32>,
    %broadcast_in_dim3A_497 = arith.constant 19 : i32
    %broadcast_in_dim3A_498 = vector.broadcast %broadcast_in_dim3A_497 : i32 to vector<16xi32>
    %gather3A_499 = tpu.vector_load_idx %arg9[%broadcast_in_dim3A_498] : memref<128xf32, #tpu.memory_space<vmem>>[vector<16xi32>], vector<16xf32>,
    %broadcast_in_dim3A_500 = arith.constant 20 : i32
    %broadcast_in_dim3A_501 = vector.broadcast %broadcast_in_dim3A_500 : i32 to vector<16xi32>
    %gather3A_502 = tpu.vector_load_idx %arg9[%broadcast_in_dim3A_501] : memref<128xf32, #tpu.memory_space<vmem>>[vector<16xi32>], vector<16xf32>,
    %broadcast_in_dim3A_503 = arith.constant 21 : i32
    %broadcast_in_dim3A_504 = vector.broadcast %broadcast_in_dim3A_503 : i32 to vector<16xi32>
    %gather3A_505 = tpu.vector_load_idx %arg9[%broadcast_in_dim3A_504] : memref<128xf32, #tpu.memory_space<vmem>>[vector<16xi32>], vector<16xf32>,
    %broadcast_in_dim3A_506 = arith.constant 22 : i32
    %broadcast_in_dim3A_507 = vector.broadcast %broadcast_in_dim3A_506 : i32 to vector<16xi32>
    %gather3A_508 = tpu.vector_load_idx %arg9[%broadcast_in_dim3A_507] : memref<128xf32, #tpu.memory_space<vmem>>[vector<16xi32>], vector<16xf32>,
    %broadcast_in_dim3A_509 = arith.constant 23 : i32
    %broadcast_in_dim3A_510 = vector.broadcast %broadcast_in_dim3A_509 : i32 to vector<16xi32>
    %gather3A_511 = tpu.vector_load_idx %arg9[%broadcast_in_dim3A_510] : memref<128xf32, #tpu.memory_space<vmem>>[vector<16xi32>], vector<16xf32>,
    %broadcast_in_dim3A_512 = arith.constant 24 : i32
    %broadcast_in_dim3A_513 = vector.broadcast %broadcast_in_dim3A_512 : i32 to vector<16xi32>
    %gather3A_514 = tpu.vector_load_idx %arg9[%broadcast_in_dim3A_513] : memref<128xf32, #tpu.memory_space<vmem>>[vector<16xi32>], vector<16xf32>,
    %broadcast_in_dim3A_515 = arith.constant 25 : i32
    %broadcast_in_dim3A_516 = vector.broadcast %broadcast_in_dim3A_515 : i32 to vector<16xi32>
    %gather3A_517 = tpu.vector_load_idx %arg9[%broadcast_in_dim3A_516] : memref<128xf32, #tpu.memory_space<vmem>>[vector<16xi32>], vector<16xf32>,
    %broadcast_in_dim3A_518 = arith.constant 26 : i32
    %broadcast_in_dim3A_519 = vector.broadcast %broadcast_in_dim3A_518 : i32 to vector<16xi32>
    %gather3A_520 = tpu.vector_load_idx %arg9[%broadcast_in_dim3A_519] : memref<128xf32, #tpu.memory_space<vmem>>[vector<16xi32>], vector<16xf32>,
    %scan3A_521 = arith.constant 0 : i32
    %scan3A_522 = arith.constant 0 : i32
    %scan3A_523 = arith.constant 32 : i32
    %scan3A_524 = arith.addi %scan3A_522, %scan3A_523 : i32
    %scan3A_525 = arith.constant 1 : i32
    %scan3A_526 = scf.for %scan3A_528 = %scan3A_522 to %scan3A_524 step %scan3A_525 iter_args(%scan3A_529 = %scan3A_521) -> (i32)  : i32 {
      %mul3A_530 = arith.constant 16 : i32
      %mul3A_531 = arith.muli %scan3A_528, %mul3A_530 : i32
      %add3A_532 = arith.constant 0 : i32
      %add3A_533 = arith.addi %add3A_532, %mul3A_531 : i32
      %get3A = arith.index_cast %add3A_533 : i32 to index
      %get3A_534 = tpu.vector_load %arg7[%get3A] {strides = array<i32>} : memref<13312xf32, #tpu.memory_space<vmem>>, vector<16xf32>,
      %mul3A_535 = arith.mulf %gather3A, %get3A_534 : vector<16xf32>
      %add3A_536 = arith.addf %gather3A_520, %mul3A_535 : vector<16xf32>
      %add3A_537 = arith.constant 512 : i32
      %add3A_538 = arith.addi %add3A_537, %mul3A_531 : i32
      %get3A_539 = arith.index_cast %add3A_538 : i32 to index
      %get3A_540 = tpu.vector_load %arg7[%get3A_539] {strides = array<i32>} : memref<13312xf32, #tpu.memory_space<vmem>>, vector<16xf32>,
      %mul3A_541 = arith.mulf %gather3A_445, %get3A_540 : vector<16xf32>
      %add3A_542 = arith.addf %add3A_536, %mul3A_541 : vector<16xf32>
      %add3A_543 = arith.constant 1024 : i32
      %add3A_544 = arith.addi %add3A_543, %mul3A_531 : i32
      %get3A_545 = arith.index_cast %add3A_544 : i32 to index
      %get3A_546 = tpu.vector_load %arg7[%get3A_545] {strides = array<i32>} : memref<13312xf32, #tpu.memory_space<vmem>>, vector<16xf32>,
      %mul3A_547 = arith.mulf %gather3A_448, %get3A_546 : vector<16xf32>
      %add3A_548 = arith.addf %add3A_542, %mul3A_547 : vector<16xf32>
      %add3A_549 = arith.constant 1536 : i32
      %add3A_550 = arith.addi %add3A_549, %mul3A_531 : i32
      %get3A_551 = arith.index_cast %add3A_550 : i32 to index
      %get3A_552 = tpu.vector_load %arg7[%get3A_551] {strides = array<i32>} : memref<13312xf32, #tpu.memory_space<vmem>>, vector<16xf32>,
      %mul3A_553 = arith.mulf %gather3A_451, %get3A_552 : vector<16xf32>
      %add3A_554 = arith.addf %add3A_548, %mul3A_553 : vector<16xf32>
      %add3A_555 = arith.constant 2048 : i32
      %add3A_556 = arith.addi %add3A_555, %mul3A_531 : i32
      %get3A_557 = arith.index_cast %add3A_556 : i32 to index
      %get3A_558 = tpu.vector_load %arg7[%get3A_557] {strides = array<i32>} : memref<13312xf32, #tpu.memory_space<vmem>>, vector<16xf32>,
      %mul3A_559 = arith.mulf %gather3A_454, %get3A_558 : vector<16xf32>
      %add3A_560 = arith.addf %add3A_554, %mul3A_559 : vector<16xf32>
      %add3A_561 = arith.constant 2560 : i32
      %add3A_562 = arith.addi %add3A_561, %mul3A_531 : i32
      %get3A_563 = arith.index_cast %add3A_562 : i32 to index
      %get3A_564 = tpu.vector_load %arg7[%get3A_563] {strides = array<i32>} : memref<13312xf32, #tpu.memory_space<vmem>>, vector<16xf32>,
      %mul3A_565 = arith.mulf %gather3A_457, %get3A_564 : vector<16xf32>
      %add3A_566 = arith.addf %add3A_560, %mul3A_565 : vector<16xf32>
      %add3A_567 = arith.constant 3072 : i32
      %add3A_568 = arith.addi %add3A_567, %mul3A_531 : i32
      %get3A_569 = arith.index_cast %add3A_568 : i32 to index
      %get3A_570 = tpu.vector_load %arg7[%get3A_569] {strides = array<i32>} : memref<13312xf32, #tpu.memory_space<vmem>>, vector<16xf32>,
      %mul3A_571 = arith.mulf %gather3A_460, %get3A_570 : vector<16xf32>
      %add3A_572 = arith.addf %add3A_566, %mul3A_571 : vector<16xf32>
      %add3A_573 = arith.constant 3584 : i32
      %add3A_574 = arith.addi %add3A_573, %mul3A_531 : i32
      %get3A_575 = arith.index_cast %add3A_574 : i32 to index
      %get3A_576 = tpu.vector_load %arg7[%get3A_575] {strides = array<i32>} : memref<13312xf32, #tpu.memory_space<vmem>>, vector<16xf32>,
      %mul3A_577 = arith.mulf %gather3A_463, %get3A_576 : vector<16xf32>
      %add3A_578 = arith.addf %add3A_572, %mul3A_577 : vector<16xf32>
      %add3A_579 = arith.constant 4096 : i32
      %add3A_580 = arith.addi %add3A_579, %mul3A_531 : i32
      %get3A_581 = arith.index_cast %add3A_580 : i32 to index
      %get3A_582 = tpu.vector_load %arg7[%get3A_581] {strides = array<i32>} : memref<13312xf32, #tpu.memory_space<vmem>>, vector<16xf32>,
      %mul3A_583 = arith.mulf %gather3A_466, %get3A_582 : vector<16xf32>
      %add3A_584 = arith.addf %add3A_578, %mul3A_583 : vector<16xf32>
      %add3A_585 = arith.constant 4608 : i32
      %add3A_586 = arith.addi %add3A_585, %mul3A_531 : i32
      %get3A_587 = arith.index_cast %add3A_586 : i32 to index
      %get3A_588 = tpu.vector_load %arg7[%get3A_587] {strides = array<i32>} : memref<13312xf32, #tpu.memory_space<vmem>>, vector<16xf32>,
      %mul3A_589 = arith.mulf %gather3A_469, %get3A_588 : vector<16xf32>
      %add3A_590 = arith.addf %add3A_584, %mul3A_589 : vector<16xf32>
      %add3A_591 = arith.constant 5120 : i32
      %add3A_592 = arith.addi %add3A_591, %mul3A_531 : i32
      %get3A_593 = arith.index_cast %add3A_592 : i32 to index
      %get3A_594 = tpu.vector_load %arg7[%get3A_593] {strides = array<i32>} : memref<13312xf32, #tpu.memory_space<vmem>>, vector<16xf32>,
      %mul3A_595 = arith.mulf %gather3A_472, %get3A_594 : vector<16xf32>
      %add3A_596 = arith.addf %add3A_590, %mul3A_595 : vector<16xf32>
      %add3A_597 = arith.constant 5632 : i32
      %add3A_598 = arith.addi %add3A_597, %mul3A_531 : i32
      %get3A_599 = arith.index_cast %add3A_598 : i32 to index
      %get3A_600 = tpu.vector_load %arg7[%get3A_599] {strides = array<i32>} : memref<13312xf32, #tpu.memory_space<vmem>>, vector<16xf32>,
      %mul3A_601 = arith.mulf %gather3A_475, %get3A_600 : vector<16xf32>
      %add3A_602 = arith.addf %add3A_596, %mul3A_601 : vector<16xf32>
      %add3A_603 = arith.constant 6144 : i32
      %add3A_604 = arith.addi %add3A_603, %mul3A_531 : i32
      %get3A_605 = arith.index_cast %add3A_604 : i32 to index
      %get3A_606 = tpu.vector_load %arg7[%get3A_605] {strides = array<i32>} : memref<13312xf32, #tpu.memory_space<vmem>>, vector<16xf32>,
      %mul3A_607 = arith.mulf %gather3A_478, %get3A_606 : vector<16xf32>
      %add3A_608 = arith.addf %add3A_602, %mul3A_607 : vector<16xf32>
      %add3A_609 = arith.constant 6656 : i32
      %add3A_610 = arith.addi %add3A_609, %mul3A_531 : i32
      %get3A_611 = arith.index_cast %add3A_610 : i32 to index
      %get3A_612 = tpu.vector_load %arg7[%get3A_611] {strides = array<i32>} : memref<13312xf32, #tpu.memory_space<vmem>>, vector<16xf32>,
      %mul3A_613 = arith.mulf %gather3A_481, %get3A_612 : vector<16xf32>
      %add3A_614 = arith.addf %add3A_608, %mul3A_613 : vector<16xf32>
      %add3A_615 = arith.constant 7168 : i32
      %add3A_616 = arith.addi %add3A_615, %mul3A_531 : i32
      %get3A_617 = arith.index_cast %add3A_616 : i32 to index
      %get3A_618 = tpu.vector_load %arg7[%get3A_617] {strides = array<i32>} : memref<13312xf32, #tpu.memory_space<vmem>>, vector<16xf32>,
      %mul3A_619 = arith.mulf %gather3A_484, %get3A_618 : vector<16xf32>
      %add3A_620 = arith.addf %add3A_614, %mul3A_619 : vector<16xf32>
      %add3A_621 = arith.constant 7680 : i32
      %add3A_622 = arith.addi %add3A_621, %mul3A_531 : i32
      %get3A_623 = arith.index_cast %add3A_622 : i32 to index
      %get3A_624 = tpu.vector_load %arg7[%get3A_623] {strides = array<i32>} : memref<13312xf32, #tpu.memory_space<vmem>>, vector<16xf32>,
      %mul3A_625 = arith.mulf %gather3A_487, %get3A_624 : vector<16xf32>
      %add3A_626 = arith.addf %add3A_620, %mul3A_625 : vector<16xf32>
      %add3A_627 = arith.constant 8192 : i32
      %add3A_628 = arith.addi %add3A_627, %mul3A_531 : i32
      %get3A_629 = arith.index_cast %add3A_628 : i32 to index
      %get3A_630 = tpu.vector_load %arg7[%get3A_629] {strides = array<i32>} : memref<13312xf32, #tpu.memory_space<vmem>>, vector<16xf32>,
      %mul3A_631 = arith.mulf %gather3A_490, %get3A_630 : vector<16xf32>
      %add3A_632 = arith.addf %add3A_626, %mul3A_631 : vector<16xf32>
      %add3A_633 = arith.constant 8704 : i32
      %add3A_634 = arith.addi %add3A_633, %mul3A_531 : i32
      %get3A_635 = arith.index_cast %add3A_634 : i32 to index
      %get3A_636 = tpu.vector_load %arg7[%get3A_635] {strides = array<i32>} : memref<13312xf32, #tpu.memory_space<vmem>>, vector<16xf32>,
      %mul3A_637 = arith.mulf %gather3A_493, %get3A_636 : vector<16xf32>
      %add3A_638 = arith.addf %add3A_632, %mul3A_637 : vector<16xf32>
      %add3A_639 = arith.constant 9216 : i32
      %add3A_640 = arith.addi %add3A_639, %mul3A_531 : i32
      %get3A_641 = arith.index_cast %add3A_640 : i32 to index
      %get3A_642 = tpu.vector_load %arg7[%get3A_641] {strides = array<i32>} : memref<13312xf32, #tpu.memory_space<vmem>>, vector<16xf32>,
      %mul3A_643 = arith.mulf %gather3A_496, %get3A_642 : vector<16xf32>
      %add3A_644 = arith.addf %add3A_638, %mul3A_643 : vector<16xf32>
      %add3A_645 = arith.constant 9728 : i32
      %add3A_646 = arith.addi %add3A_645, %mul3A_531 : i32
      %get3A_647 = arith.index_cast %add3A_646 : i32 to index
      %get3A_648 = tpu.vector_load %arg7[%get3A_647] {strides = array<i32>} : memref<13312xf32, #tpu.memory_space<vmem>>, vector<16xf32>,
      %mul3A_649 = arith.mulf %gather3A_499, %get3A_648 : vector<16xf32>
      %add3A_650 = arith.addf %add3A_644, %mul3A_649 : vector<16xf32>
      %add3A_651 = arith.constant 10240 : i32
      %add3A_652 = arith.addi %add3A_651, %mul3A_531 : i32
      %get3A_653 = arith.index_cast %add3A_652 : i32 to index
      %get3A_654 = tpu.vector_load %arg7[%get3A_653] {strides = array<i32>} : memref<13312xf32, #tpu.memory_space<vmem>>, vector<16xf32>,
      %mul3A_655 = arith.mulf %gather3A_502, %get3A_654 : vector<16xf32>
      %add3A_656 = arith.addf %add3A_650, %mul3A_655 : vector<16xf32>
      %add3A_657 = arith.constant 10752 : i32
      %add3A_658 = arith.addi %add3A_657, %mul3A_531 : i32
      %get3A_659 = arith.index_cast %add3A_658 : i32 to index
      %get3A_660 = tpu.vector_load %arg7[%get3A_659] {strides = array<i32>} : memref<13312xf32, #tpu.memory_space<vmem>>, vector<16xf32>,
      %mul3A_661 = arith.mulf %gather3A_505, %get3A_660 : vector<16xf32>
      %add3A_662 = arith.addf %add3A_656, %mul3A_661 : vector<16xf32>
      %add3A_663 = arith.constant 11264 : i32
      %add3A_664 = arith.addi %add3A_663, %mul3A_531 : i32
      %get3A_665 = arith.index_cast %add3A_664 : i32 to index
      %get3A_666 = tpu.vector_load %arg7[%get3A_665] {strides = array<i32>} : memref<13312xf32, #tpu.memory_space<vmem>>, vector<16xf32>,
      %mul3A_667 = arith.mulf %gather3A_508, %get3A_666 : vector<16xf32>
      %add3A_668 = arith.addf %add3A_662, %mul3A_667 : vector<16xf32>
      %add3A_669 = arith.constant 11776 : i32
      %add3A_670 = arith.addi %add3A_669, %mul3A_531 : i32
      %get3A_671 = arith.index_cast %add3A_670 : i32 to index
      %get3A_672 = tpu.vector_load %arg7[%get3A_671] {strides = array<i32>} : memref<13312xf32, #tpu.memory_space<vmem>>, vector<16xf32>,
      %mul3A_673 = arith.mulf %gather3A_511, %get3A_672 : vector<16xf32>
      %add3A_674 = arith.addf %add3A_668, %mul3A_673 : vector<16xf32>
      %add3A_675 = arith.constant 12288 : i32
      %add3A_676 = arith.addi %add3A_675, %mul3A_531 : i32
      %get3A_677 = arith.index_cast %add3A_676 : i32 to index
      %get3A_678 = tpu.vector_load %arg7[%get3A_677] {strides = array<i32>} : memref<13312xf32, #tpu.memory_space<vmem>>, vector<16xf32>,
      %mul3A_679 = arith.mulf %gather3A_514, %get3A_678 : vector<16xf32>
      %add3A_680 = arith.addf %add3A_674, %mul3A_679 : vector<16xf32>
      %add3A_681 = arith.constant 12800 : i32
      %add3A_682 = arith.addi %add3A_681, %mul3A_531 : i32
      %get3A_683 = arith.index_cast %add3A_682 : i32 to index
      %get3A_684 = tpu.vector_load %arg7[%get3A_683] {strides = array<i32>} : memref<13312xf32, #tpu.memory_space<vmem>>, vector<16xf32>,
      %mul3A_685 = arith.mulf %gather3A_517, %get3A_684 : vector<16xf32>
      %add3A_686 = arith.addf %add3A_680, %mul3A_685 : vector<16xf32>
      %neg3A = arith.constant 0.000000e+00 : f32
      %neg3A_687 = vector.broadcast %neg3A : f32 to vector<16xf32>
      %neg3A_688 = arith.subf %neg3A_687, %add3A_686 : vector<16xf32>
      %exp3A = math.exp %neg3A_688 : vector<16xf32>
      %add3A_689 = arith.constant 1.000000e+00 : f32
      %add3A_690 = vector.broadcast %add3A_689 : f32 to vector<16xf32>
      %add3A_691 = arith.addf %add3A_690, %exp3A : vector<16xf32>
      %div3A = arith.constant 1.000000e+00 : f32
      %div3A_692 = vector.broadcast %div3A : f32 to vector<16xf32>
      %div3A_693 = arith.divf %div3A_692, %add3A_691 : vector<16xf32>
      %swap3A = arith.index_cast %mul3A_531 : i32 to index
      %swap3A_694 = tpu.vector_load %arg8[%swap3A] {strides = array<i32>} : memref<512xf32, #tpu.memory_space<vmem>>, vector<16xf32>,
      tpu.vector_store %arg8[%swap3A], %div3A_693 {strides = array<i32>} : memref<512xf32, #tpu.memory_space<vmem>>, vector<16xf32>,
      %scan3A_695 = arith.constant 0 : i32
      scf.yield %scan3A_695 : i32
    }
    %scan3A_527 = arith.constant 32 : i32
    "tpu.region"() ({
      %run_scoped3A = tpu.sem_alloc : memref<!tpu.dma_semaphore, #tpu.memory_space<semaphore_mem>>
      %dma_start3A_528 = tpu.memref_slice %arg5[%mul3A_2] : memref<16384xf32, #tpu.memory_space<hbm>> -> memref<512xf32, #tpu.memory_space<hbm>>
      %dma_start3A_529 = tpu.memref_slice %arg5[%mul3A_2] : memref<16384xf32, #tpu.memory_space<hbm>> -> memref<512xf32, #tpu.memory_space<hbm>>
      tpu.enqueue_dma source(%arg8 : memref<512xf32, #tpu.memory_space<vmem>>) target(%dma_start3A_529 : memref<512xf32, #tpu.memory_space<hbm>>) target_semaphore(%run_scoped3A : memref<!tpu.dma_semaphore, #tpu.memory_space<semaphore_mem>>)
      %dma_wait3A_530 = tpu.memref_slice %arg5[%mul3A_2] : memref<16384xf32, #tpu.memory_space<hbm>> -> memref<512xf32, #tpu.memory_space<hbm>>
      %dma_wait3A_531 = tpu.memref_slice %arg5[%mul3A_2] : memref<16384xf32, #tpu.memory_space<hbm>> -> memref<512xf32, #tpu.memory_space<hbm>>
      tpu.wait_dma2 semaphore(%run_scoped3A : memref<!tpu.dma_semaphore, #tpu.memory_space<semaphore_mem>>) src(%arg8 : memref<512xf32, #tpu.memory_space<vmem>>) dst(%dma_wait3A_531 : memref<512xf32, #tpu.memory_space<hbm>>)
      tpu.yield
    }) : () -> ()
    return
  }
}

#map = affine_map<(d0, d1) -> (0, 0)>
#map1 = affine_map<(d0, d1) -> (0)>
module attributes {stable_mosaic.version = 14 : i64} {
  func.func @_stage_body(%arg0: i32, %arg1: i32, %arg2: memref<26x1000000xf32, #tpu.memory_space<hbm>>, %arg3: memref<26000000xf32, #tpu.memory_space<hbm>>, %arg4: memref<31232xf32, #tpu.memory_space<vmem>>, %arg5: memref<31232xf32, #tpu.memory_space<vmem>>, %arg6: memref<31232xf32, #tpu.memory_space<vmem>>, %arg7: memref<576xf32, #tpu.memory_space<vmem>>, %arg8: memref<!tpu.dma_semaphore, #tpu.memory_space<semaphore_mem>>, %arg9: memref<!tpu.dma_semaphore, #tpu.memory_space<semaphore_mem>>) attributes {dimension_semantics = [#tpu.dimension_semantics<core_parallel>, #tpu.dimension_semantics<subcore_parallel>], iteration_bounds = array<i64: 2, 16>, scalar_prefetch = 0 : i64, scratch_operands = 6 : i64, tpu.core_type = #tpu.core_type<sc_vector_subcore>, window_params = [{transform_indices = #map}, {transform_indices = #map1}]} {
    %mul3A = arith.constant 2 : i32
    %mul3A_0 = arith.muli %arg1, %mul3A : i32
    %add3A = arith.addi %mul3A_0, %arg0 : i32
    %mul3A_1 = arith.constant 31232 : i32
    %mul3A_2 = arith.muli %add3A, %mul3A_1 : i32
    %multiple_of3A = tpu.assume_multiple %mul3A_2, 128 : i32
    %dma_start3A = arith.constant 0 : i32
    %dma_start3A_3 = tpu.memref_slice %arg2[%dma_start3A, %multiple_of3A] : memref<26x1000000xf32, #tpu.memory_space<hbm>> -> memref<1x31232xf32, #tpu.memory_space<hbm>>
    %dma_start3A_4 = tpu.memref_squeeze %dma_start3A_3 : memref<1x31232xf32, #tpu.memory_space<hbm>> -> memref<31232xf32, #tpu.memory_space<hbm>>
    %dma_start3A_5 = tpu.memref_slice %arg2[%dma_start3A, %multiple_of3A] : memref<26x1000000xf32, #tpu.memory_space<hbm>> -> memref<1x31232xf32, #tpu.memory_space<hbm>>
    %dma_start3A_6 = tpu.memref_squeeze %dma_start3A_5 : memref<1x31232xf32, #tpu.memory_space<hbm>> -> memref<31232xf32, #tpu.memory_space<hbm>>
    tpu.enqueue_dma source(%dma_start3A_6 : memref<31232xf32, #tpu.memory_space<hbm>>) target(%arg4 : memref<31232xf32, #tpu.memory_space<vmem>>) target_semaphore(%arg8 : memref<!tpu.dma_semaphore, #tpu.memory_space<semaphore_mem>>)
    %dma_start3A_7 = arith.constant 1 : i32
    %dma_start3A_8 = tpu.memref_slice %arg2[%dma_start3A_7, %multiple_of3A] : memref<26x1000000xf32, #tpu.memory_space<hbm>> -> memref<1x31232xf32, #tpu.memory_space<hbm>>
    %dma_start3A_9 = tpu.memref_squeeze %dma_start3A_8 : memref<1x31232xf32, #tpu.memory_space<hbm>> -> memref<31232xf32, #tpu.memory_space<hbm>>
    %dma_start3A_10 = tpu.memref_slice %arg2[%dma_start3A_7, %multiple_of3A] : memref<26x1000000xf32, #tpu.memory_space<hbm>> -> memref<1x31232xf32, #tpu.memory_space<hbm>>
    %dma_start3A_11 = tpu.memref_squeeze %dma_start3A_10 : memref<1x31232xf32, #tpu.memory_space<hbm>> -> memref<31232xf32, #tpu.memory_space<hbm>>
    tpu.enqueue_dma source(%dma_start3A_11 : memref<31232xf32, #tpu.memory_space<hbm>>) target(%arg5 : memref<31232xf32, #tpu.memory_space<vmem>>) target_semaphore(%arg8 : memref<!tpu.dma_semaphore, #tpu.memory_space<semaphore_mem>>)
    %dma_wait3A = arith.constant 0 : i32
    %dma_wait3A_12 = tpu.memref_slice %arg2[%dma_wait3A, %multiple_of3A] : memref<26x1000000xf32, #tpu.memory_space<hbm>> -> memref<1x31232xf32, #tpu.memory_space<hbm>>
    %dma_wait3A_13 = tpu.memref_squeeze %dma_wait3A_12 : memref<1x31232xf32, #tpu.memory_space<hbm>> -> memref<31232xf32, #tpu.memory_space<hbm>>
    %dma_wait3A_14 = tpu.memref_slice %arg2[%dma_wait3A, %multiple_of3A] : memref<26x1000000xf32, #tpu.memory_space<hbm>> -> memref<1x31232xf32, #tpu.memory_space<hbm>>
    %dma_wait3A_15 = tpu.memref_squeeze %dma_wait3A_14 : memref<1x31232xf32, #tpu.memory_space<hbm>> -> memref<31232xf32, #tpu.memory_space<hbm>>
    tpu.wait_dma2 semaphore(%arg8 : memref<!tpu.dma_semaphore, #tpu.memory_space<semaphore_mem>>) src(%dma_wait3A_15 : memref<31232xf32, #tpu.memory_space<hbm>>) dst(%arg4 : memref<31232xf32, #tpu.memory_space<vmem>>)
    %dma_start3A_16 = arith.constant 2 : i32
    %dma_start3A_17 = tpu.memref_slice %arg2[%dma_start3A_16, %multiple_of3A] : memref<26x1000000xf32, #tpu.memory_space<hbm>> -> memref<1x31232xf32, #tpu.memory_space<hbm>>
    %dma_start3A_18 = tpu.memref_squeeze %dma_start3A_17 : memref<1x31232xf32, #tpu.memory_space<hbm>> -> memref<31232xf32, #tpu.memory_space<hbm>>
    %dma_start3A_19 = tpu.memref_slice %arg2[%dma_start3A_16, %multiple_of3A] : memref<26x1000000xf32, #tpu.memory_space<hbm>> -> memref<1x31232xf32, #tpu.memory_space<hbm>>
    %dma_start3A_20 = tpu.memref_squeeze %dma_start3A_19 : memref<1x31232xf32, #tpu.memory_space<hbm>> -> memref<31232xf32, #tpu.memory_space<hbm>>
    tpu.enqueue_dma source(%dma_start3A_20 : memref<31232xf32, #tpu.memory_space<hbm>>) target(%arg6 : memref<31232xf32, #tpu.memory_space<vmem>>) target_semaphore(%arg8 : memref<!tpu.dma_semaphore, #tpu.memory_space<semaphore_mem>>)
    %mul3A_21 = arith.constant 31232 : i32
    %mul3A_22 = arith.muli %add3A, %mul3A_21 : i32
    %add3A_23 = arith.constant 0 : i32
    %add3A_24 = arith.addi %add3A_23, %mul3A_22 : i32
    %multiple_of3A_25 = tpu.assume_multiple %add3A_24, 8 : i32
    %dma_start3A_26 = tpu.memref_slice %arg3[%multiple_of3A_25] : memref<26000000xf32, #tpu.memory_space<hbm>> -> memref<31232xf32, #tpu.memory_space<hbm>>
    %dma_start3A_27 = tpu.memref_slice %arg3[%multiple_of3A_25] : memref<26000000xf32, #tpu.memory_space<hbm>> -> memref<31232xf32, #tpu.memory_space<hbm>>
    tpu.enqueue_dma source(%arg4 : memref<31232xf32, #tpu.memory_space<vmem>>) target(%dma_start3A_27 : memref<31232xf32, #tpu.memory_space<hbm>>) target_semaphore(%arg9 : memref<!tpu.dma_semaphore, #tpu.memory_space<semaphore_mem>>)
    %dma_wait3A_28 = arith.constant 1 : i32
    %dma_wait3A_29 = tpu.memref_slice %arg2[%dma_wait3A_28, %multiple_of3A] : memref<26x1000000xf32, #tpu.memory_space<hbm>> -> memref<1x31232xf32, #tpu.memory_space<hbm>>
    %dma_wait3A_30 = tpu.memref_squeeze %dma_wait3A_29 : memref<1x31232xf32, #tpu.memory_space<hbm>> -> memref<31232xf32, #tpu.memory_space<hbm>>
    %dma_wait3A_31 = tpu.memref_slice %arg2[%dma_wait3A_28, %multiple_of3A] : memref<26x1000000xf32, #tpu.memory_space<hbm>> -> memref<1x31232xf32, #tpu.memory_space<hbm>>
    %dma_wait3A_32 = tpu.memref_squeeze %dma_wait3A_31 : memref<1x31232xf32, #tpu.memory_space<hbm>> -> memref<31232xf32, #tpu.memory_space<hbm>>
    tpu.wait_dma2 semaphore(%arg8 : memref<!tpu.dma_semaphore, #tpu.memory_space<semaphore_mem>>) src(%dma_wait3A_32 : memref<31232xf32, #tpu.memory_space<hbm>>) dst(%arg5 : memref<31232xf32, #tpu.memory_space<vmem>>)
    %dma_wait3A_33 = tpu.memref_slice %arg3[%multiple_of3A_25] : memref<26000000xf32, #tpu.memory_space<hbm>> -> memref<31232xf32, #tpu.memory_space<hbm>>
    %dma_wait3A_34 = tpu.memref_slice %arg3[%multiple_of3A_25] : memref<26000000xf32, #tpu.memory_space<hbm>> -> memref<31232xf32, #tpu.memory_space<hbm>>
    tpu.wait_dma2 semaphore(%arg9 : memref<!tpu.dma_semaphore, #tpu.memory_space<semaphore_mem>>) src(%arg4 : memref<31232xf32, #tpu.memory_space<vmem>>) dst(%dma_wait3A_34 : memref<31232xf32, #tpu.memory_space<hbm>>)
    %dma_start3A_35 = arith.constant 3 : i32
    %dma_start3A_36 = tpu.memref_slice %arg2[%dma_start3A_35, %multiple_of3A] : memref<26x1000000xf32, #tpu.memory_space<hbm>> -> memref<1x31232xf32, #tpu.memory_space<hbm>>
    %dma_start3A_37 = tpu.memref_squeeze %dma_start3A_36 : memref<1x31232xf32, #tpu.memory_space<hbm>> -> memref<31232xf32, #tpu.memory_space<hbm>>
    %dma_start3A_38 = tpu.memref_slice %arg2[%dma_start3A_35, %multiple_of3A] : memref<26x1000000xf32, #tpu.memory_space<hbm>> -> memref<1x31232xf32, #tpu.memory_space<hbm>>
    %dma_start3A_39 = tpu.memref_squeeze %dma_start3A_38 : memref<1x31232xf32, #tpu.memory_space<hbm>> -> memref<31232xf32, #tpu.memory_space<hbm>>
    tpu.enqueue_dma source(%dma_start3A_39 : memref<31232xf32, #tpu.memory_space<hbm>>) target(%arg4 : memref<31232xf32, #tpu.memory_space<vmem>>) target_semaphore(%arg8 : memref<!tpu.dma_semaphore, #tpu.memory_space<semaphore_mem>>)
    %mul3A_40 = arith.constant 31232 : i32
    %mul3A_41 = arith.muli %add3A, %mul3A_40 : i32
    %add3A_42 = arith.constant 1000000 : i32
    %add3A_43 = arith.addi %add3A_42, %mul3A_41 : i32
    %multiple_of3A_44 = tpu.assume_multiple %add3A_43, 8 : i32
    %dma_start3A_45 = tpu.memref_slice %arg3[%multiple_of3A_44] : memref<26000000xf32, #tpu.memory_space<hbm>> -> memref<31232xf32, #tpu.memory_space<hbm>>
    %dma_start3A_46 = tpu.memref_slice %arg3[%multiple_of3A_44] : memref<26000000xf32, #tpu.memory_space<hbm>> -> memref<31232xf32, #tpu.memory_space<hbm>>
    tpu.enqueue_dma source(%arg5 : memref<31232xf32, #tpu.memory_space<vmem>>) target(%dma_start3A_46 : memref<31232xf32, #tpu.memory_space<hbm>>) target_semaphore(%arg9 : memref<!tpu.dma_semaphore, #tpu.memory_space<semaphore_mem>>)
    %dma_wait3A_47 = arith.constant 2 : i32
    %dma_wait3A_48 = tpu.memref_slice %arg2[%dma_wait3A_47, %multiple_of3A] : memref<26x1000000xf32, #tpu.memory_space<hbm>> -> memref<1x31232xf32, #tpu.memory_space<hbm>>
    %dma_wait3A_49 = tpu.memref_squeeze %dma_wait3A_48 : memref<1x31232xf32, #tpu.memory_space<hbm>> -> memref<31232xf32, #tpu.memory_space<hbm>>
    %dma_wait3A_50 = tpu.memref_slice %arg2[%dma_wait3A_47, %multiple_of3A] : memref<26x1000000xf32, #tpu.memory_space<hbm>> -> memref<1x31232xf32, #tpu.memory_space<hbm>>
    %dma_wait3A_51 = tpu.memref_squeeze %dma_wait3A_50 : memref<1x31232xf32, #tpu.memory_space<hbm>> -> memref<31232xf32, #tpu.memory_space<hbm>>
    tpu.wait_dma2 semaphore(%arg8 : memref<!tpu.dma_semaphore, #tpu.memory_space<semaphore_mem>>) src(%dma_wait3A_51 : memref<31232xf32, #tpu.memory_space<hbm>>) dst(%arg6 : memref<31232xf32, #tpu.memory_space<vmem>>)
    %dma_wait3A_52 = tpu.memref_slice %arg3[%multiple_of3A_44] : memref<26000000xf32, #tpu.memory_space<hbm>> -> memref<31232xf32, #tpu.memory_space<hbm>>
    %dma_wait3A_53 = tpu.memref_slice %arg3[%multiple_of3A_44] : memref<26000000xf32, #tpu.memory_space<hbm>> -> memref<31232xf32, #tpu.memory_space<hbm>>
    tpu.wait_dma2 semaphore(%arg9 : memref<!tpu.dma_semaphore, #tpu.memory_space<semaphore_mem>>) src(%arg5 : memref<31232xf32, #tpu.memory_space<vmem>>) dst(%dma_wait3A_53 : memref<31232xf32, #tpu.memory_space<hbm>>)
    %dma_start3A_54 = arith.constant 4 : i32
    %dma_start3A_55 = tpu.memref_slice %arg2[%dma_start3A_54, %multiple_of3A] : memref<26x1000000xf32, #tpu.memory_space<hbm>> -> memref<1x31232xf32, #tpu.memory_space<hbm>>
    %dma_start3A_56 = tpu.memref_squeeze %dma_start3A_55 : memref<1x31232xf32, #tpu.memory_space<hbm>> -> memref<31232xf32, #tpu.memory_space<hbm>>
    %dma_start3A_57 = tpu.memref_slice %arg2[%dma_start3A_54, %multiple_of3A] : memref<26x1000000xf32, #tpu.memory_space<hbm>> -> memref<1x31232xf32, #tpu.memory_space<hbm>>
    %dma_start3A_58 = tpu.memref_squeeze %dma_start3A_57 : memref<1x31232xf32, #tpu.memory_space<hbm>> -> memref<31232xf32, #tpu.memory_space<hbm>>
    tpu.enqueue_dma source(%dma_start3A_58 : memref<31232xf32, #tpu.memory_space<hbm>>) target(%arg5 : memref<31232xf32, #tpu.memory_space<vmem>>) target_semaphore(%arg8 : memref<!tpu.dma_semaphore, #tpu.memory_space<semaphore_mem>>)
    %mul3A_59 = arith.constant 31232 : i32
    %mul3A_60 = arith.muli %add3A, %mul3A_59 : i32
    %add3A_61 = arith.constant 2000000 : i32
    %add3A_62 = arith.addi %add3A_61, %mul3A_60 : i32
    %multiple_of3A_63 = tpu.assume_multiple %add3A_62, 8 : i32
    %dma_start3A_64 = tpu.memref_slice %arg3[%multiple_of3A_63] : memref<26000000xf32, #tpu.memory_space<hbm>> -> memref<31232xf32, #tpu.memory_space<hbm>>
    %dma_start3A_65 = tpu.memref_slice %arg3[%multiple_of3A_63] : memref<26000000xf32, #tpu.memory_space<hbm>> -> memref<31232xf32, #tpu.memory_space<hbm>>
    tpu.enqueue_dma source(%arg6 : memref<31232xf32, #tpu.memory_space<vmem>>) target(%dma_start3A_65 : memref<31232xf32, #tpu.memory_space<hbm>>) target_semaphore(%arg9 : memref<!tpu.dma_semaphore, #tpu.memory_space<semaphore_mem>>)
    %dma_wait3A_66 = arith.constant 3 : i32
    %dma_wait3A_67 = tpu.memref_slice %arg2[%dma_wait3A_66, %multiple_of3A] : memref<26x1000000xf32, #tpu.memory_space<hbm>> -> memref<1x31232xf32, #tpu.memory_space<hbm>>
    %dma_wait3A_68 = tpu.memref_squeeze %dma_wait3A_67 : memref<1x31232xf32, #tpu.memory_space<hbm>> -> memref<31232xf32, #tpu.memory_space<hbm>>
    %dma_wait3A_69 = tpu.memref_slice %arg2[%dma_wait3A_66, %multiple_of3A] : memref<26x1000000xf32, #tpu.memory_space<hbm>> -> memref<1x31232xf32, #tpu.memory_space<hbm>>
    %dma_wait3A_70 = tpu.memref_squeeze %dma_wait3A_69 : memref<1x31232xf32, #tpu.memory_space<hbm>> -> memref<31232xf32, #tpu.memory_space<hbm>>
    tpu.wait_dma2 semaphore(%arg8 : memref<!tpu.dma_semaphore, #tpu.memory_space<semaphore_mem>>) src(%dma_wait3A_70 : memref<31232xf32, #tpu.memory_space<hbm>>) dst(%arg4 : memref<31232xf32, #tpu.memory_space<vmem>>)
    %dma_wait3A_71 = tpu.memref_slice %arg3[%multiple_of3A_63] : memref<26000000xf32, #tpu.memory_space<hbm>> -> memref<31232xf32, #tpu.memory_space<hbm>>
    %dma_wait3A_72 = tpu.memref_slice %arg3[%multiple_of3A_63] : memref<26000000xf32, #tpu.memory_space<hbm>> -> memref<31232xf32, #tpu.memory_space<hbm>>
    tpu.wait_dma2 semaphore(%arg9 : memref<!tpu.dma_semaphore, #tpu.memory_space<semaphore_mem>>) src(%arg6 : memref<31232xf32, #tpu.memory_space<vmem>>) dst(%dma_wait3A_72 : memref<31232xf32, #tpu.memory_space<hbm>>)
    %dma_start3A_73 = arith.constant 5 : i32
    %dma_start3A_74 = tpu.memref_slice %arg2[%dma_start3A_73, %multiple_of3A] : memref<26x1000000xf32, #tpu.memory_space<hbm>> -> memref<1x31232xf32, #tpu.memory_space<hbm>>
    %dma_start3A_75 = tpu.memref_squeeze %dma_start3A_74 : memref<1x31232xf32, #tpu.memory_space<hbm>> -> memref<31232xf32, #tpu.memory_space<hbm>>
    %dma_start3A_76 = tpu.memref_slice %arg2[%dma_start3A_73, %multiple_of3A] : memref<26x1000000xf32, #tpu.memory_space<hbm>> -> memref<1x31232xf32, #tpu.memory_space<hbm>>
    %dma_start3A_77 = tpu.memref_squeeze %dma_start3A_76 : memref<1x31232xf32, #tpu.memory_space<hbm>> -> memref<31232xf32, #tpu.memory_space<hbm>>
    tpu.enqueue_dma source(%dma_start3A_77 : memref<31232xf32, #tpu.memory_space<hbm>>) target(%arg6 : memref<31232xf32, #tpu.memory_space<vmem>>) target_semaphore(%arg8 : memref<!tpu.dma_semaphore, #tpu.memory_space<semaphore_mem>>)
    %mul3A_78 = arith.constant 31232 : i32
    %mul3A_79 = arith.muli %add3A, %mul3A_78 : i32
    %add3A_80 = arith.constant 3000000 : i32
    %add3A_81 = arith.addi %add3A_80, %mul3A_79 : i32
    %multiple_of3A_82 = tpu.assume_multiple %add3A_81, 8 : i32
    %dma_start3A_83 = tpu.memref_slice %arg3[%multiple_of3A_82] : memref<26000000xf32, #tpu.memory_space<hbm>> -> memref<31232xf32, #tpu.memory_space<hbm>>
    %dma_start3A_84 = tpu.memref_slice %arg3[%multiple_of3A_82] : memref<26000000xf32, #tpu.memory_space<hbm>> -> memref<31232xf32, #tpu.memory_space<hbm>>
    tpu.enqueue_dma source(%arg4 : memref<31232xf32, #tpu.memory_space<vmem>>) target(%dma_start3A_84 : memref<31232xf32, #tpu.memory_space<hbm>>) target_semaphore(%arg9 : memref<!tpu.dma_semaphore, #tpu.memory_space<semaphore_mem>>)
    %dma_wait3A_85 = arith.constant 4 : i32
    %dma_wait3A_86 = tpu.memref_slice %arg2[%dma_wait3A_85, %multiple_of3A] : memref<26x1000000xf32, #tpu.memory_space<hbm>> -> memref<1x31232xf32, #tpu.memory_space<hbm>>
    %dma_wait3A_87 = tpu.memref_squeeze %dma_wait3A_86 : memref<1x31232xf32, #tpu.memory_space<hbm>> -> memref<31232xf32, #tpu.memory_space<hbm>>
    %dma_wait3A_88 = tpu.memref_slice %arg2[%dma_wait3A_85, %multiple_of3A] : memref<26x1000000xf32, #tpu.memory_space<hbm>> -> memref<1x31232xf32, #tpu.memory_space<hbm>>
    %dma_wait3A_89 = tpu.memref_squeeze %dma_wait3A_88 : memref<1x31232xf32, #tpu.memory_space<hbm>> -> memref<31232xf32, #tpu.memory_space<hbm>>
    tpu.wait_dma2 semaphore(%arg8 : memref<!tpu.dma_semaphore, #tpu.memory_space<semaphore_mem>>) src(%dma_wait3A_89 : memref<31232xf32, #tpu.memory_space<hbm>>) dst(%arg5 : memref<31232xf32, #tpu.memory_space<vmem>>)
    %dma_wait3A_90 = tpu.memref_slice %arg3[%multiple_of3A_82] : memref<26000000xf32, #tpu.memory_space<hbm>> -> memref<31232xf32, #tpu.memory_space<hbm>>
    %dma_wait3A_91 = tpu.memref_slice %arg3[%multiple_of3A_82] : memref<26000000xf32, #tpu.memory_space<hbm>> -> memref<31232xf32, #tpu.memory_space<hbm>>
    tpu.wait_dma2 semaphore(%arg9 : memref<!tpu.dma_semaphore, #tpu.memory_space<semaphore_mem>>) src(%arg4 : memref<31232xf32, #tpu.memory_space<vmem>>) dst(%dma_wait3A_91 : memref<31232xf32, #tpu.memory_space<hbm>>)
    %dma_start3A_92 = arith.constant 6 : i32
    %dma_start3A_93 = tpu.memref_slice %arg2[%dma_start3A_92, %multiple_of3A] : memref<26x1000000xf32, #tpu.memory_space<hbm>> -> memref<1x31232xf32, #tpu.memory_space<hbm>>
    %dma_start3A_94 = tpu.memref_squeeze %dma_start3A_93 : memref<1x31232xf32, #tpu.memory_space<hbm>> -> memref<31232xf32, #tpu.memory_space<hbm>>
    %dma_start3A_95 = tpu.memref_slice %arg2[%dma_start3A_92, %multiple_of3A] : memref<26x1000000xf32, #tpu.memory_space<hbm>> -> memref<1x31232xf32, #tpu.memory_space<hbm>>
    %dma_start3A_96 = tpu.memref_squeeze %dma_start3A_95 : memref<1x31232xf32, #tpu.memory_space<hbm>> -> memref<31232xf32, #tpu.memory_space<hbm>>
    tpu.enqueue_dma source(%dma_start3A_96 : memref<31232xf32, #tpu.memory_space<hbm>>) target(%arg4 : memref<31232xf32, #tpu.memory_space<vmem>>) target_semaphore(%arg8 : memref<!tpu.dma_semaphore, #tpu.memory_space<semaphore_mem>>)
    %mul3A_97 = arith.constant 31232 : i32
    %mul3A_98 = arith.muli %add3A, %mul3A_97 : i32
    %add3A_99 = arith.constant 4000000 : i32
    %add3A_100 = arith.addi %add3A_99, %mul3A_98 : i32
    %multiple_of3A_101 = tpu.assume_multiple %add3A_100, 8 : i32
    %dma_start3A_102 = tpu.memref_slice %arg3[%multiple_of3A_101] : memref<26000000xf32, #tpu.memory_space<hbm>> -> memref<31232xf32, #tpu.memory_space<hbm>>
    %dma_start3A_103 = tpu.memref_slice %arg3[%multiple_of3A_101] : memref<26000000xf32, #tpu.memory_space<hbm>> -> memref<31232xf32, #tpu.memory_space<hbm>>
    tpu.enqueue_dma source(%arg5 : memref<31232xf32, #tpu.memory_space<vmem>>) target(%dma_start3A_103 : memref<31232xf32, #tpu.memory_space<hbm>>) target_semaphore(%arg9 : memref<!tpu.dma_semaphore, #tpu.memory_space<semaphore_mem>>)
    %dma_wait3A_104 = arith.constant 5 : i32
    %dma_wait3A_105 = tpu.memref_slice %arg2[%dma_wait3A_104, %multiple_of3A] : memref<26x1000000xf32, #tpu.memory_space<hbm>> -> memref<1x31232xf32, #tpu.memory_space<hbm>>
    %dma_wait3A_106 = tpu.memref_squeeze %dma_wait3A_105 : memref<1x31232xf32, #tpu.memory_space<hbm>> -> memref<31232xf32, #tpu.memory_space<hbm>>
    %dma_wait3A_107 = tpu.memref_slice %arg2[%dma_wait3A_104, %multiple_of3A] : memref<26x1000000xf32, #tpu.memory_space<hbm>> -> memref<1x31232xf32, #tpu.memory_space<hbm>>
    %dma_wait3A_108 = tpu.memref_squeeze %dma_wait3A_107 : memref<1x31232xf32, #tpu.memory_space<hbm>> -> memref<31232xf32, #tpu.memory_space<hbm>>
    tpu.wait_dma2 semaphore(%arg8 : memref<!tpu.dma_semaphore, #tpu.memory_space<semaphore_mem>>) src(%dma_wait3A_108 : memref<31232xf32, #tpu.memory_space<hbm>>) dst(%arg6 : memref<31232xf32, #tpu.memory_space<vmem>>)
    %dma_wait3A_109 = tpu.memref_slice %arg3[%multiple_of3A_101] : memref<26000000xf32, #tpu.memory_space<hbm>> -> memref<31232xf32, #tpu.memory_space<hbm>>
    %dma_wait3A_110 = tpu.memref_slice %arg3[%multiple_of3A_101] : memref<26000000xf32, #tpu.memory_space<hbm>> -> memref<31232xf32, #tpu.memory_space<hbm>>
    tpu.wait_dma2 semaphore(%arg9 : memref<!tpu.dma_semaphore, #tpu.memory_space<semaphore_mem>>) src(%arg5 : memref<31232xf32, #tpu.memory_space<vmem>>) dst(%dma_wait3A_110 : memref<31232xf32, #tpu.memory_space<hbm>>)
    %dma_start3A_111 = arith.constant 7 : i32
    %dma_start3A_112 = tpu.memref_slice %arg2[%dma_start3A_111, %multiple_of3A] : memref<26x1000000xf32, #tpu.memory_space<hbm>> -> memref<1x31232xf32, #tpu.memory_space<hbm>>
    %dma_start3A_113 = tpu.memref_squeeze %dma_start3A_112 : memref<1x31232xf32, #tpu.memory_space<hbm>> -> memref<31232xf32, #tpu.memory_space<hbm>>
    %dma_start3A_114 = tpu.memref_slice %arg2[%dma_start3A_111, %multiple_of3A] : memref<26x1000000xf32, #tpu.memory_space<hbm>> -> memref<1x31232xf32, #tpu.memory_space<hbm>>
    %dma_start3A_115 = tpu.memref_squeeze %dma_start3A_114 : memref<1x31232xf32, #tpu.memory_space<hbm>> -> memref<31232xf32, #tpu.memory_space<hbm>>
    tpu.enqueue_dma source(%dma_start3A_115 : memref<31232xf32, #tpu.memory_space<hbm>>) target(%arg5 : memref<31232xf32, #tpu.memory_space<vmem>>) target_semaphore(%arg8 : memref<!tpu.dma_semaphore, #tpu.memory_space<semaphore_mem>>)
    %mul3A_116 = arith.constant 31232 : i32
    %mul3A_117 = arith.muli %add3A, %mul3A_116 : i32
    %add3A_118 = arith.constant 5000000 : i32
    %add3A_119 = arith.addi %add3A_118, %mul3A_117 : i32
    %multiple_of3A_120 = tpu.assume_multiple %add3A_119, 8 : i32
    %dma_start3A_121 = tpu.memref_slice %arg3[%multiple_of3A_120] : memref<26000000xf32, #tpu.memory_space<hbm>> -> memref<31232xf32, #tpu.memory_space<hbm>>
    %dma_start3A_122 = tpu.memref_slice %arg3[%multiple_of3A_120] : memref<26000000xf32, #tpu.memory_space<hbm>> -> memref<31232xf32, #tpu.memory_space<hbm>>
    tpu.enqueue_dma source(%arg6 : memref<31232xf32, #tpu.memory_space<vmem>>) target(%dma_start3A_122 : memref<31232xf32, #tpu.memory_space<hbm>>) target_semaphore(%arg9 : memref<!tpu.dma_semaphore, #tpu.memory_space<semaphore_mem>>)
    %dma_wait3A_123 = arith.constant 6 : i32
    %dma_wait3A_124 = tpu.memref_slice %arg2[%dma_wait3A_123, %multiple_of3A] : memref<26x1000000xf32, #tpu.memory_space<hbm>> -> memref<1x31232xf32, #tpu.memory_space<hbm>>
    %dma_wait3A_125 = tpu.memref_squeeze %dma_wait3A_124 : memref<1x31232xf32, #tpu.memory_space<hbm>> -> memref<31232xf32, #tpu.memory_space<hbm>>
    %dma_wait3A_126 = tpu.memref_slice %arg2[%dma_wait3A_123, %multiple_of3A] : memref<26x1000000xf32, #tpu.memory_space<hbm>> -> memref<1x31232xf32, #tpu.memory_space<hbm>>
    %dma_wait3A_127 = tpu.memref_squeeze %dma_wait3A_126 : memref<1x31232xf32, #tpu.memory_space<hbm>> -> memref<31232xf32, #tpu.memory_space<hbm>>
    tpu.wait_dma2 semaphore(%arg8 : memref<!tpu.dma_semaphore, #tpu.memory_space<semaphore_mem>>) src(%dma_wait3A_127 : memref<31232xf32, #tpu.memory_space<hbm>>) dst(%arg4 : memref<31232xf32, #tpu.memory_space<vmem>>)
    %dma_wait3A_128 = tpu.memref_slice %arg3[%multiple_of3A_120] : memref<26000000xf32, #tpu.memory_space<hbm>> -> memref<31232xf32, #tpu.memory_space<hbm>>
    %dma_wait3A_129 = tpu.memref_slice %arg3[%multiple_of3A_120] : memref<26000000xf32, #tpu.memory_space<hbm>> -> memref<31232xf32, #tpu.memory_space<hbm>>
    tpu.wait_dma2 semaphore(%arg9 : memref<!tpu.dma_semaphore, #tpu.memory_space<semaphore_mem>>) src(%arg6 : memref<31232xf32, #tpu.memory_space<vmem>>) dst(%dma_wait3A_129 : memref<31232xf32, #tpu.memory_space<hbm>>)
    %dma_start3A_130 = arith.constant 8 : i32
    %dma_start3A_131 = tpu.memref_slice %arg2[%dma_start3A_130, %multiple_of3A] : memref<26x1000000xf32, #tpu.memory_space<hbm>> -> memref<1x31232xf32, #tpu.memory_space<hbm>>
    %dma_start3A_132 = tpu.memref_squeeze %dma_start3A_131 : memref<1x31232xf32, #tpu.memory_space<hbm>> -> memref<31232xf32, #tpu.memory_space<hbm>>
    %dma_start3A_133 = tpu.memref_slice %arg2[%dma_start3A_130, %multiple_of3A] : memref<26x1000000xf32, #tpu.memory_space<hbm>> -> memref<1x31232xf32, #tpu.memory_space<hbm>>
    %dma_start3A_134 = tpu.memref_squeeze %dma_start3A_133 : memref<1x31232xf32, #tpu.memory_space<hbm>> -> memref<31232xf32, #tpu.memory_space<hbm>>
    tpu.enqueue_dma source(%dma_start3A_134 : memref<31232xf32, #tpu.memory_space<hbm>>) target(%arg6 : memref<31232xf32, #tpu.memory_space<vmem>>) target_semaphore(%arg8 : memref<!tpu.dma_semaphore, #tpu.memory_space<semaphore_mem>>)
    %mul3A_135 = arith.constant 31232 : i32
    %mul3A_136 = arith.muli %add3A, %mul3A_135 : i32
    %add3A_137 = arith.constant 6000000 : i32
    %add3A_138 = arith.addi %add3A_137, %mul3A_136 : i32
    %multiple_of3A_139 = tpu.assume_multiple %add3A_138, 8 : i32
    %dma_start3A_140 = tpu.memref_slice %arg3[%multiple_of3A_139] : memref<26000000xf32, #tpu.memory_space<hbm>> -> memref<31232xf32, #tpu.memory_space<hbm>>
    %dma_start3A_141 = tpu.memref_slice %arg3[%multiple_of3A_139] : memref<26000000xf32, #tpu.memory_space<hbm>> -> memref<31232xf32, #tpu.memory_space<hbm>>
    tpu.enqueue_dma source(%arg4 : memref<31232xf32, #tpu.memory_space<vmem>>) target(%dma_start3A_141 : memref<31232xf32, #tpu.memory_space<hbm>>) target_semaphore(%arg9 : memref<!tpu.dma_semaphore, #tpu.memory_space<semaphore_mem>>)
    %dma_wait3A_142 = arith.constant 7 : i32
    %dma_wait3A_143 = tpu.memref_slice %arg2[%dma_wait3A_142, %multiple_of3A] : memref<26x1000000xf32, #tpu.memory_space<hbm>> -> memref<1x31232xf32, #tpu.memory_space<hbm>>
    %dma_wait3A_144 = tpu.memref_squeeze %dma_wait3A_143 : memref<1x31232xf32, #tpu.memory_space<hbm>> -> memref<31232xf32, #tpu.memory_space<hbm>>
    %dma_wait3A_145 = tpu.memref_slice %arg2[%dma_wait3A_142, %multiple_of3A] : memref<26x1000000xf32, #tpu.memory_space<hbm>> -> memref<1x31232xf32, #tpu.memory_space<hbm>>
    %dma_wait3A_146 = tpu.memref_squeeze %dma_wait3A_145 : memref<1x31232xf32, #tpu.memory_space<hbm>> -> memref<31232xf32, #tpu.memory_space<hbm>>
    tpu.wait_dma2 semaphore(%arg8 : memref<!tpu.dma_semaphore, #tpu.memory_space<semaphore_mem>>) src(%dma_wait3A_146 : memref<31232xf32, #tpu.memory_space<hbm>>) dst(%arg5 : memref<31232xf32, #tpu.memory_space<vmem>>)
    %dma_wait3A_147 = tpu.memref_slice %arg3[%multiple_of3A_139] : memref<26000000xf32, #tpu.memory_space<hbm>> -> memref<31232xf32, #tpu.memory_space<hbm>>
    %dma_wait3A_148 = tpu.memref_slice %arg3[%multiple_of3A_139] : memref<26000000xf32, #tpu.memory_space<hbm>> -> memref<31232xf32, #tpu.memory_space<hbm>>
    tpu.wait_dma2 semaphore(%arg9 : memref<!tpu.dma_semaphore, #tpu.memory_space<semaphore_mem>>) src(%arg4 : memref<31232xf32, #tpu.memory_space<vmem>>) dst(%dma_wait3A_148 : memref<31232xf32, #tpu.memory_space<hbm>>)
    %dma_start3A_149 = arith.constant 9 : i32
    %dma_start3A_150 = tpu.memref_slice %arg2[%dma_start3A_149, %multiple_of3A] : memref<26x1000000xf32, #tpu.memory_space<hbm>> -> memref<1x31232xf32, #tpu.memory_space<hbm>>
    %dma_start3A_151 = tpu.memref_squeeze %dma_start3A_150 : memref<1x31232xf32, #tpu.memory_space<hbm>> -> memref<31232xf32, #tpu.memory_space<hbm>>
    %dma_start3A_152 = tpu.memref_slice %arg2[%dma_start3A_149, %multiple_of3A] : memref<26x1000000xf32, #tpu.memory_space<hbm>> -> memref<1x31232xf32, #tpu.memory_space<hbm>>
    %dma_start3A_153 = tpu.memref_squeeze %dma_start3A_152 : memref<1x31232xf32, #tpu.memory_space<hbm>> -> memref<31232xf32, #tpu.memory_space<hbm>>
    tpu.enqueue_dma source(%dma_start3A_153 : memref<31232xf32, #tpu.memory_space<hbm>>) target(%arg4 : memref<31232xf32, #tpu.memory_space<vmem>>) target_semaphore(%arg8 : memref<!tpu.dma_semaphore, #tpu.memory_space<semaphore_mem>>)
    %mul3A_154 = arith.constant 31232 : i32
    %mul3A_155 = arith.muli %add3A, %mul3A_154 : i32
    %add3A_156 = arith.constant 7000000 : i32
    %add3A_157 = arith.addi %add3A_156, %mul3A_155 : i32
    %multiple_of3A_158 = tpu.assume_multiple %add3A_157, 8 : i32
    %dma_start3A_159 = tpu.memref_slice %arg3[%multiple_of3A_158] : memref<26000000xf32, #tpu.memory_space<hbm>> -> memref<31232xf32, #tpu.memory_space<hbm>>
    %dma_start3A_160 = tpu.memref_slice %arg3[%multiple_of3A_158] : memref<26000000xf32, #tpu.memory_space<hbm>> -> memref<31232xf32, #tpu.memory_space<hbm>>
    tpu.enqueue_dma source(%arg5 : memref<31232xf32, #tpu.memory_space<vmem>>) target(%dma_start3A_160 : memref<31232xf32, #tpu.memory_space<hbm>>) target_semaphore(%arg9 : memref<!tpu.dma_semaphore, #tpu.memory_space<semaphore_mem>>)
    %dma_wait3A_161 = arith.constant 8 : i32
    %dma_wait3A_162 = tpu.memref_slice %arg2[%dma_wait3A_161, %multiple_of3A] : memref<26x1000000xf32, #tpu.memory_space<hbm>> -> memref<1x31232xf32, #tpu.memory_space<hbm>>
    %dma_wait3A_163 = tpu.memref_squeeze %dma_wait3A_162 : memref<1x31232xf32, #tpu.memory_space<hbm>> -> memref<31232xf32, #tpu.memory_space<hbm>>
    %dma_wait3A_164 = tpu.memref_slice %arg2[%dma_wait3A_161, %multiple_of3A] : memref<26x1000000xf32, #tpu.memory_space<hbm>> -> memref<1x31232xf32, #tpu.memory_space<hbm>>
    %dma_wait3A_165 = tpu.memref_squeeze %dma_wait3A_164 : memref<1x31232xf32, #tpu.memory_space<hbm>> -> memref<31232xf32, #tpu.memory_space<hbm>>
    tpu.wait_dma2 semaphore(%arg8 : memref<!tpu.dma_semaphore, #tpu.memory_space<semaphore_mem>>) src(%dma_wait3A_165 : memref<31232xf32, #tpu.memory_space<hbm>>) dst(%arg6 : memref<31232xf32, #tpu.memory_space<vmem>>)
    %dma_wait3A_166 = tpu.memref_slice %arg3[%multiple_of3A_158] : memref<26000000xf32, #tpu.memory_space<hbm>> -> memref<31232xf32, #tpu.memory_space<hbm>>
    %dma_wait3A_167 = tpu.memref_slice %arg3[%multiple_of3A_158] : memref<26000000xf32, #tpu.memory_space<hbm>> -> memref<31232xf32, #tpu.memory_space<hbm>>
    tpu.wait_dma2 semaphore(%arg9 : memref<!tpu.dma_semaphore, #tpu.memory_space<semaphore_mem>>) src(%arg5 : memref<31232xf32, #tpu.memory_space<vmem>>) dst(%dma_wait3A_167 : memref<31232xf32, #tpu.memory_space<hbm>>)
    %dma_start3A_168 = arith.constant 10 : i32
    %dma_start3A_169 = tpu.memref_slice %arg2[%dma_start3A_168, %multiple_of3A] : memref<26x1000000xf32, #tpu.memory_space<hbm>> -> memref<1x31232xf32, #tpu.memory_space<hbm>>
    %dma_start3A_170 = tpu.memref_squeeze %dma_start3A_169 : memref<1x31232xf32, #tpu.memory_space<hbm>> -> memref<31232xf32, #tpu.memory_space<hbm>>
    %dma_start3A_171 = tpu.memref_slice %arg2[%dma_start3A_168, %multiple_of3A] : memref<26x1000000xf32, #tpu.memory_space<hbm>> -> memref<1x31232xf32, #tpu.memory_space<hbm>>
    %dma_start3A_172 = tpu.memref_squeeze %dma_start3A_171 : memref<1x31232xf32, #tpu.memory_space<hbm>> -> memref<31232xf32, #tpu.memory_space<hbm>>
    tpu.enqueue_dma source(%dma_start3A_172 : memref<31232xf32, #tpu.memory_space<hbm>>) target(%arg5 : memref<31232xf32, #tpu.memory_space<vmem>>) target_semaphore(%arg8 : memref<!tpu.dma_semaphore, #tpu.memory_space<semaphore_mem>>)
    %mul3A_173 = arith.constant 31232 : i32
    %mul3A_174 = arith.muli %add3A, %mul3A_173 : i32
    %add3A_175 = arith.constant 8000000 : i32
    %add3A_176 = arith.addi %add3A_175, %mul3A_174 : i32
    %multiple_of3A_177 = tpu.assume_multiple %add3A_176, 8 : i32
    %dma_start3A_178 = tpu.memref_slice %arg3[%multiple_of3A_177] : memref<26000000xf32, #tpu.memory_space<hbm>> -> memref<31232xf32, #tpu.memory_space<hbm>>
    %dma_start3A_179 = tpu.memref_slice %arg3[%multiple_of3A_177] : memref<26000000xf32, #tpu.memory_space<hbm>> -> memref<31232xf32, #tpu.memory_space<hbm>>
    tpu.enqueue_dma source(%arg6 : memref<31232xf32, #tpu.memory_space<vmem>>) target(%dma_start3A_179 : memref<31232xf32, #tpu.memory_space<hbm>>) target_semaphore(%arg9 : memref<!tpu.dma_semaphore, #tpu.memory_space<semaphore_mem>>)
    %dma_wait3A_180 = arith.constant 9 : i32
    %dma_wait3A_181 = tpu.memref_slice %arg2[%dma_wait3A_180, %multiple_of3A] : memref<26x1000000xf32, #tpu.memory_space<hbm>> -> memref<1x31232xf32, #tpu.memory_space<hbm>>
    %dma_wait3A_182 = tpu.memref_squeeze %dma_wait3A_181 : memref<1x31232xf32, #tpu.memory_space<hbm>> -> memref<31232xf32, #tpu.memory_space<hbm>>
    %dma_wait3A_183 = tpu.memref_slice %arg2[%dma_wait3A_180, %multiple_of3A] : memref<26x1000000xf32, #tpu.memory_space<hbm>> -> memref<1x31232xf32, #tpu.memory_space<hbm>>
    %dma_wait3A_184 = tpu.memref_squeeze %dma_wait3A_183 : memref<1x31232xf32, #tpu.memory_space<hbm>> -> memref<31232xf32, #tpu.memory_space<hbm>>
    tpu.wait_dma2 semaphore(%arg8 : memref<!tpu.dma_semaphore, #tpu.memory_space<semaphore_mem>>) src(%dma_wait3A_184 : memref<31232xf32, #tpu.memory_space<hbm>>) dst(%arg4 : memref<31232xf32, #tpu.memory_space<vmem>>)
    %dma_wait3A_185 = tpu.memref_slice %arg3[%multiple_of3A_177] : memref<26000000xf32, #tpu.memory_space<hbm>> -> memref<31232xf32, #tpu.memory_space<hbm>>
    %dma_wait3A_186 = tpu.memref_slice %arg3[%multiple_of3A_177] : memref<26000000xf32, #tpu.memory_space<hbm>> -> memref<31232xf32, #tpu.memory_space<hbm>>
    tpu.wait_dma2 semaphore(%arg9 : memref<!tpu.dma_semaphore, #tpu.memory_space<semaphore_mem>>) src(%arg6 : memref<31232xf32, #tpu.memory_space<vmem>>) dst(%dma_wait3A_186 : memref<31232xf32, #tpu.memory_space<hbm>>)
    %dma_start3A_187 = arith.constant 11 : i32
    %dma_start3A_188 = tpu.memref_slice %arg2[%dma_start3A_187, %multiple_of3A] : memref<26x1000000xf32, #tpu.memory_space<hbm>> -> memref<1x31232xf32, #tpu.memory_space<hbm>>
    %dma_start3A_189 = tpu.memref_squeeze %dma_start3A_188 : memref<1x31232xf32, #tpu.memory_space<hbm>> -> memref<31232xf32, #tpu.memory_space<hbm>>
    %dma_start3A_190 = tpu.memref_slice %arg2[%dma_start3A_187, %multiple_of3A] : memref<26x1000000xf32, #tpu.memory_space<hbm>> -> memref<1x31232xf32, #tpu.memory_space<hbm>>
    %dma_start3A_191 = tpu.memref_squeeze %dma_start3A_190 : memref<1x31232xf32, #tpu.memory_space<hbm>> -> memref<31232xf32, #tpu.memory_space<hbm>>
    tpu.enqueue_dma source(%dma_start3A_191 : memref<31232xf32, #tpu.memory_space<hbm>>) target(%arg6 : memref<31232xf32, #tpu.memory_space<vmem>>) target_semaphore(%arg8 : memref<!tpu.dma_semaphore, #tpu.memory_space<semaphore_mem>>)
    %mul3A_192 = arith.constant 31232 : i32
    %mul3A_193 = arith.muli %add3A, %mul3A_192 : i32
    %add3A_194 = arith.constant 9000000 : i32
    %add3A_195 = arith.addi %add3A_194, %mul3A_193 : i32
    %multiple_of3A_196 = tpu.assume_multiple %add3A_195, 8 : i32
    %dma_start3A_197 = tpu.memref_slice %arg3[%multiple_of3A_196] : memref<26000000xf32, #tpu.memory_space<hbm>> -> memref<31232xf32, #tpu.memory_space<hbm>>
    %dma_start3A_198 = tpu.memref_slice %arg3[%multiple_of3A_196] : memref<26000000xf32, #tpu.memory_space<hbm>> -> memref<31232xf32, #tpu.memory_space<hbm>>
    tpu.enqueue_dma source(%arg4 : memref<31232xf32, #tpu.memory_space<vmem>>) target(%dma_start3A_198 : memref<31232xf32, #tpu.memory_space<hbm>>) target_semaphore(%arg9 : memref<!tpu.dma_semaphore, #tpu.memory_space<semaphore_mem>>)
    %dma_wait3A_199 = arith.constant 10 : i32
    %dma_wait3A_200 = tpu.memref_slice %arg2[%dma_wait3A_199, %multiple_of3A] : memref<26x1000000xf32, #tpu.memory_space<hbm>> -> memref<1x31232xf32, #tpu.memory_space<hbm>>
    %dma_wait3A_201 = tpu.memref_squeeze %dma_wait3A_200 : memref<1x31232xf32, #tpu.memory_space<hbm>> -> memref<31232xf32, #tpu.memory_space<hbm>>
    %dma_wait3A_202 = tpu.memref_slice %arg2[%dma_wait3A_199, %multiple_of3A] : memref<26x1000000xf32, #tpu.memory_space<hbm>> -> memref<1x31232xf32, #tpu.memory_space<hbm>>
    %dma_wait3A_203 = tpu.memref_squeeze %dma_wait3A_202 : memref<1x31232xf32, #tpu.memory_space<hbm>> -> memref<31232xf32, #tpu.memory_space<hbm>>
    tpu.wait_dma2 semaphore(%arg8 : memref<!tpu.dma_semaphore, #tpu.memory_space<semaphore_mem>>) src(%dma_wait3A_203 : memref<31232xf32, #tpu.memory_space<hbm>>) dst(%arg5 : memref<31232xf32, #tpu.memory_space<vmem>>)
    %dma_wait3A_204 = tpu.memref_slice %arg3[%multiple_of3A_196] : memref<26000000xf32, #tpu.memory_space<hbm>> -> memref<31232xf32, #tpu.memory_space<hbm>>
    %dma_wait3A_205 = tpu.memref_slice %arg3[%multiple_of3A_196] : memref<26000000xf32, #tpu.memory_space<hbm>> -> memref<31232xf32, #tpu.memory_space<hbm>>
    tpu.wait_dma2 semaphore(%arg9 : memref<!tpu.dma_semaphore, #tpu.memory_space<semaphore_mem>>) src(%arg4 : memref<31232xf32, #tpu.memory_space<vmem>>) dst(%dma_wait3A_205 : memref<31232xf32, #tpu.memory_space<hbm>>)
    %dma_start3A_206 = arith.constant 12 : i32
    %dma_start3A_207 = tpu.memref_slice %arg2[%dma_start3A_206, %multiple_of3A] : memref<26x1000000xf32, #tpu.memory_space<hbm>> -> memref<1x31232xf32, #tpu.memory_space<hbm>>
    %dma_start3A_208 = tpu.memref_squeeze %dma_start3A_207 : memref<1x31232xf32, #tpu.memory_space<hbm>> -> memref<31232xf32, #tpu.memory_space<hbm>>
    %dma_start3A_209 = tpu.memref_slice %arg2[%dma_start3A_206, %multiple_of3A] : memref<26x1000000xf32, #tpu.memory_space<hbm>> -> memref<1x31232xf32, #tpu.memory_space<hbm>>
    %dma_start3A_210 = tpu.memref_squeeze %dma_start3A_209 : memref<1x31232xf32, #tpu.memory_space<hbm>> -> memref<31232xf32, #tpu.memory_space<hbm>>
    tpu.enqueue_dma source(%dma_start3A_210 : memref<31232xf32, #tpu.memory_space<hbm>>) target(%arg4 : memref<31232xf32, #tpu.memory_space<vmem>>) target_semaphore(%arg8 : memref<!tpu.dma_semaphore, #tpu.memory_space<semaphore_mem>>)
    %mul3A_211 = arith.constant 31232 : i32
    %mul3A_212 = arith.muli %add3A, %mul3A_211 : i32
    %add3A_213 = arith.constant 10000000 : i32
    %add3A_214 = arith.addi %add3A_213, %mul3A_212 : i32
    %multiple_of3A_215 = tpu.assume_multiple %add3A_214, 8 : i32
    %dma_start3A_216 = tpu.memref_slice %arg3[%multiple_of3A_215] : memref<26000000xf32, #tpu.memory_space<hbm>> -> memref<31232xf32, #tpu.memory_space<hbm>>
    %dma_start3A_217 = tpu.memref_slice %arg3[%multiple_of3A_215] : memref<26000000xf32, #tpu.memory_space<hbm>> -> memref<31232xf32, #tpu.memory_space<hbm>>
    tpu.enqueue_dma source(%arg5 : memref<31232xf32, #tpu.memory_space<vmem>>) target(%dma_start3A_217 : memref<31232xf32, #tpu.memory_space<hbm>>) target_semaphore(%arg9 : memref<!tpu.dma_semaphore, #tpu.memory_space<semaphore_mem>>)
    %dma_wait3A_218 = arith.constant 11 : i32
    %dma_wait3A_219 = tpu.memref_slice %arg2[%dma_wait3A_218, %multiple_of3A] : memref<26x1000000xf32, #tpu.memory_space<hbm>> -> memref<1x31232xf32, #tpu.memory_space<hbm>>
    %dma_wait3A_220 = tpu.memref_squeeze %dma_wait3A_219 : memref<1x31232xf32, #tpu.memory_space<hbm>> -> memref<31232xf32, #tpu.memory_space<hbm>>
    %dma_wait3A_221 = tpu.memref_slice %arg2[%dma_wait3A_218, %multiple_of3A] : memref<26x1000000xf32, #tpu.memory_space<hbm>> -> memref<1x31232xf32, #tpu.memory_space<hbm>>
    %dma_wait3A_222 = tpu.memref_squeeze %dma_wait3A_221 : memref<1x31232xf32, #tpu.memory_space<hbm>> -> memref<31232xf32, #tpu.memory_space<hbm>>
    tpu.wait_dma2 semaphore(%arg8 : memref<!tpu.dma_semaphore, #tpu.memory_space<semaphore_mem>>) src(%dma_wait3A_222 : memref<31232xf32, #tpu.memory_space<hbm>>) dst(%arg6 : memref<31232xf32, #tpu.memory_space<vmem>>)
    %dma_wait3A_223 = tpu.memref_slice %arg3[%multiple_of3A_215] : memref<26000000xf32, #tpu.memory_space<hbm>> -> memref<31232xf32, #tpu.memory_space<hbm>>
    %dma_wait3A_224 = tpu.memref_slice %arg3[%multiple_of3A_215] : memref<26000000xf32, #tpu.memory_space<hbm>> -> memref<31232xf32, #tpu.memory_space<hbm>>
    tpu.wait_dma2 semaphore(%arg9 : memref<!tpu.dma_semaphore, #tpu.memory_space<semaphore_mem>>) src(%arg5 : memref<31232xf32, #tpu.memory_space<vmem>>) dst(%dma_wait3A_224 : memref<31232xf32, #tpu.memory_space<hbm>>)
    %dma_start3A_225 = arith.constant 13 : i32
    %dma_start3A_226 = tpu.memref_slice %arg2[%dma_start3A_225, %multiple_of3A] : memref<26x1000000xf32, #tpu.memory_space<hbm>> -> memref<1x31232xf32, #tpu.memory_space<hbm>>
    %dma_start3A_227 = tpu.memref_squeeze %dma_start3A_226 : memref<1x31232xf32, #tpu.memory_space<hbm>> -> memref<31232xf32, #tpu.memory_space<hbm>>
    %dma_start3A_228 = tpu.memref_slice %arg2[%dma_start3A_225, %multiple_of3A] : memref<26x1000000xf32, #tpu.memory_space<hbm>> -> memref<1x31232xf32, #tpu.memory_space<hbm>>
    %dma_start3A_229 = tpu.memref_squeeze %dma_start3A_228 : memref<1x31232xf32, #tpu.memory_space<hbm>> -> memref<31232xf32, #tpu.memory_space<hbm>>
    tpu.enqueue_dma source(%dma_start3A_229 : memref<31232xf32, #tpu.memory_space<hbm>>) target(%arg5 : memref<31232xf32, #tpu.memory_space<vmem>>) target_semaphore(%arg8 : memref<!tpu.dma_semaphore, #tpu.memory_space<semaphore_mem>>)
    %mul3A_230 = arith.constant 31232 : i32
    %mul3A_231 = arith.muli %add3A, %mul3A_230 : i32
    %add3A_232 = arith.constant 11000000 : i32
    %add3A_233 = arith.addi %add3A_232, %mul3A_231 : i32
    %multiple_of3A_234 = tpu.assume_multiple %add3A_233, 8 : i32
    %dma_start3A_235 = tpu.memref_slice %arg3[%multiple_of3A_234] : memref<26000000xf32, #tpu.memory_space<hbm>> -> memref<31232xf32, #tpu.memory_space<hbm>>
    %dma_start3A_236 = tpu.memref_slice %arg3[%multiple_of3A_234] : memref<26000000xf32, #tpu.memory_space<hbm>> -> memref<31232xf32, #tpu.memory_space<hbm>>
    tpu.enqueue_dma source(%arg6 : memref<31232xf32, #tpu.memory_space<vmem>>) target(%dma_start3A_236 : memref<31232xf32, #tpu.memory_space<hbm>>) target_semaphore(%arg9 : memref<!tpu.dma_semaphore, #tpu.memory_space<semaphore_mem>>)
    %dma_wait3A_237 = arith.constant 12 : i32
    %dma_wait3A_238 = tpu.memref_slice %arg2[%dma_wait3A_237, %multiple_of3A] : memref<26x1000000xf32, #tpu.memory_space<hbm>> -> memref<1x31232xf32, #tpu.memory_space<hbm>>
    %dma_wait3A_239 = tpu.memref_squeeze %dma_wait3A_238 : memref<1x31232xf32, #tpu.memory_space<hbm>> -> memref<31232xf32, #tpu.memory_space<hbm>>
    %dma_wait3A_240 = tpu.memref_slice %arg2[%dma_wait3A_237, %multiple_of3A] : memref<26x1000000xf32, #tpu.memory_space<hbm>> -> memref<1x31232xf32, #tpu.memory_space<hbm>>
    %dma_wait3A_241 = tpu.memref_squeeze %dma_wait3A_240 : memref<1x31232xf32, #tpu.memory_space<hbm>> -> memref<31232xf32, #tpu.memory_space<hbm>>
    tpu.wait_dma2 semaphore(%arg8 : memref<!tpu.dma_semaphore, #tpu.memory_space<semaphore_mem>>) src(%dma_wait3A_241 : memref<31232xf32, #tpu.memory_space<hbm>>) dst(%arg4 : memref<31232xf32, #tpu.memory_space<vmem>>)
    %dma_wait3A_242 = tpu.memref_slice %arg3[%multiple_of3A_234] : memref<26000000xf32, #tpu.memory_space<hbm>> -> memref<31232xf32, #tpu.memory_space<hbm>>
    %dma_wait3A_243 = tpu.memref_slice %arg3[%multiple_of3A_234] : memref<26000000xf32, #tpu.memory_space<hbm>> -> memref<31232xf32, #tpu.memory_space<hbm>>
    tpu.wait_dma2 semaphore(%arg9 : memref<!tpu.dma_semaphore, #tpu.memory_space<semaphore_mem>>) src(%arg6 : memref<31232xf32, #tpu.memory_space<vmem>>) dst(%dma_wait3A_243 : memref<31232xf32, #tpu.memory_space<hbm>>)
    %dma_start3A_244 = arith.constant 14 : i32
    %dma_start3A_245 = tpu.memref_slice %arg2[%dma_start3A_244, %multiple_of3A] : memref<26x1000000xf32, #tpu.memory_space<hbm>> -> memref<1x31232xf32, #tpu.memory_space<hbm>>
    %dma_start3A_246 = tpu.memref_squeeze %dma_start3A_245 : memref<1x31232xf32, #tpu.memory_space<hbm>> -> memref<31232xf32, #tpu.memory_space<hbm>>
    %dma_start3A_247 = tpu.memref_slice %arg2[%dma_start3A_244, %multiple_of3A] : memref<26x1000000xf32, #tpu.memory_space<hbm>> -> memref<1x31232xf32, #tpu.memory_space<hbm>>
    %dma_start3A_248 = tpu.memref_squeeze %dma_start3A_247 : memref<1x31232xf32, #tpu.memory_space<hbm>> -> memref<31232xf32, #tpu.memory_space<hbm>>
    tpu.enqueue_dma source(%dma_start3A_248 : memref<31232xf32, #tpu.memory_space<hbm>>) target(%arg6 : memref<31232xf32, #tpu.memory_space<vmem>>) target_semaphore(%arg8 : memref<!tpu.dma_semaphore, #tpu.memory_space<semaphore_mem>>)
    %mul3A_249 = arith.constant 31232 : i32
    %mul3A_250 = arith.muli %add3A, %mul3A_249 : i32
    %add3A_251 = arith.constant 12000000 : i32
    %add3A_252 = arith.addi %add3A_251, %mul3A_250 : i32
    %multiple_of3A_253 = tpu.assume_multiple %add3A_252, 8 : i32
    %dma_start3A_254 = tpu.memref_slice %arg3[%multiple_of3A_253] : memref<26000000xf32, #tpu.memory_space<hbm>> -> memref<31232xf32, #tpu.memory_space<hbm>>
    %dma_start3A_255 = tpu.memref_slice %arg3[%multiple_of3A_253] : memref<26000000xf32, #tpu.memory_space<hbm>> -> memref<31232xf32, #tpu.memory_space<hbm>>
    tpu.enqueue_dma source(%arg4 : memref<31232xf32, #tpu.memory_space<vmem>>) target(%dma_start3A_255 : memref<31232xf32, #tpu.memory_space<hbm>>) target_semaphore(%arg9 : memref<!tpu.dma_semaphore, #tpu.memory_space<semaphore_mem>>)
    %dma_wait3A_256 = arith.constant 13 : i32
    %dma_wait3A_257 = tpu.memref_slice %arg2[%dma_wait3A_256, %multiple_of3A] : memref<26x1000000xf32, #tpu.memory_space<hbm>> -> memref<1x31232xf32, #tpu.memory_space<hbm>>
    %dma_wait3A_258 = tpu.memref_squeeze %dma_wait3A_257 : memref<1x31232xf32, #tpu.memory_space<hbm>> -> memref<31232xf32, #tpu.memory_space<hbm>>
    %dma_wait3A_259 = tpu.memref_slice %arg2[%dma_wait3A_256, %multiple_of3A] : memref<26x1000000xf32, #tpu.memory_space<hbm>> -> memref<1x31232xf32, #tpu.memory_space<hbm>>
    %dma_wait3A_260 = tpu.memref_squeeze %dma_wait3A_259 : memref<1x31232xf32, #tpu.memory_space<hbm>> -> memref<31232xf32, #tpu.memory_space<hbm>>
    tpu.wait_dma2 semaphore(%arg8 : memref<!tpu.dma_semaphore, #tpu.memory_space<semaphore_mem>>) src(%dma_wait3A_260 : memref<31232xf32, #tpu.memory_space<hbm>>) dst(%arg5 : memref<31232xf32, #tpu.memory_space<vmem>>)
    %dma_wait3A_261 = tpu.memref_slice %arg3[%multiple_of3A_253] : memref<26000000xf32, #tpu.memory_space<hbm>> -> memref<31232xf32, #tpu.memory_space<hbm>>
    %dma_wait3A_262 = tpu.memref_slice %arg3[%multiple_of3A_253] : memref<26000000xf32, #tpu.memory_space<hbm>> -> memref<31232xf32, #tpu.memory_space<hbm>>
    tpu.wait_dma2 semaphore(%arg9 : memref<!tpu.dma_semaphore, #tpu.memory_space<semaphore_mem>>) src(%arg4 : memref<31232xf32, #tpu.memory_space<vmem>>) dst(%dma_wait3A_262 : memref<31232xf32, #tpu.memory_space<hbm>>)
    %dma_start3A_263 = arith.constant 15 : i32
    %dma_start3A_264 = tpu.memref_slice %arg2[%dma_start3A_263, %multiple_of3A] : memref<26x1000000xf32, #tpu.memory_space<hbm>> -> memref<1x31232xf32, #tpu.memory_space<hbm>>
    %dma_start3A_265 = tpu.memref_squeeze %dma_start3A_264 : memref<1x31232xf32, #tpu.memory_space<hbm>> -> memref<31232xf32, #tpu.memory_space<hbm>>
    %dma_start3A_266 = tpu.memref_slice %arg2[%dma_start3A_263, %multiple_of3A] : memref<26x1000000xf32, #tpu.memory_space<hbm>> -> memref<1x31232xf32, #tpu.memory_space<hbm>>
    %dma_start3A_267 = tpu.memref_squeeze %dma_start3A_266 : memref<1x31232xf32, #tpu.memory_space<hbm>> -> memref<31232xf32, #tpu.memory_space<hbm>>
    tpu.enqueue_dma source(%dma_start3A_267 : memref<31232xf32, #tpu.memory_space<hbm>>) target(%arg4 : memref<31232xf32, #tpu.memory_space<vmem>>) target_semaphore(%arg8 : memref<!tpu.dma_semaphore, #tpu.memory_space<semaphore_mem>>)
    %mul3A_268 = arith.constant 31232 : i32
    %mul3A_269 = arith.muli %add3A, %mul3A_268 : i32
    %add3A_270 = arith.constant 13000000 : i32
    %add3A_271 = arith.addi %add3A_270, %mul3A_269 : i32
    %multiple_of3A_272 = tpu.assume_multiple %add3A_271, 8 : i32
    %dma_start3A_273 = tpu.memref_slice %arg3[%multiple_of3A_272] : memref<26000000xf32, #tpu.memory_space<hbm>> -> memref<31232xf32, #tpu.memory_space<hbm>>
    %dma_start3A_274 = tpu.memref_slice %arg3[%multiple_of3A_272] : memref<26000000xf32, #tpu.memory_space<hbm>> -> memref<31232xf32, #tpu.memory_space<hbm>>
    tpu.enqueue_dma source(%arg5 : memref<31232xf32, #tpu.memory_space<vmem>>) target(%dma_start3A_274 : memref<31232xf32, #tpu.memory_space<hbm>>) target_semaphore(%arg9 : memref<!tpu.dma_semaphore, #tpu.memory_space<semaphore_mem>>)
    %dma_wait3A_275 = arith.constant 14 : i32
    %dma_wait3A_276 = tpu.memref_slice %arg2[%dma_wait3A_275, %multiple_of3A] : memref<26x1000000xf32, #tpu.memory_space<hbm>> -> memref<1x31232xf32, #tpu.memory_space<hbm>>
    %dma_wait3A_277 = tpu.memref_squeeze %dma_wait3A_276 : memref<1x31232xf32, #tpu.memory_space<hbm>> -> memref<31232xf32, #tpu.memory_space<hbm>>
    %dma_wait3A_278 = tpu.memref_slice %arg2[%dma_wait3A_275, %multiple_of3A] : memref<26x1000000xf32, #tpu.memory_space<hbm>> -> memref<1x31232xf32, #tpu.memory_space<hbm>>
    %dma_wait3A_279 = tpu.memref_squeeze %dma_wait3A_278 : memref<1x31232xf32, #tpu.memory_space<hbm>> -> memref<31232xf32, #tpu.memory_space<hbm>>
    tpu.wait_dma2 semaphore(%arg8 : memref<!tpu.dma_semaphore, #tpu.memory_space<semaphore_mem>>) src(%dma_wait3A_279 : memref<31232xf32, #tpu.memory_space<hbm>>) dst(%arg6 : memref<31232xf32, #tpu.memory_space<vmem>>)
    %dma_wait3A_280 = tpu.memref_slice %arg3[%multiple_of3A_272] : memref<26000000xf32, #tpu.memory_space<hbm>> -> memref<31232xf32, #tpu.memory_space<hbm>>
    %dma_wait3A_281 = tpu.memref_slice %arg3[%multiple_of3A_272] : memref<26000000xf32, #tpu.memory_space<hbm>> -> memref<31232xf32, #tpu.memory_space<hbm>>
    tpu.wait_dma2 semaphore(%arg9 : memref<!tpu.dma_semaphore, #tpu.memory_space<semaphore_mem>>) src(%arg5 : memref<31232xf32, #tpu.memory_space<vmem>>) dst(%dma_wait3A_281 : memref<31232xf32, #tpu.memory_space<hbm>>)
    %dma_start3A_282 = arith.constant 16 : i32
    %dma_start3A_283 = tpu.memref_slice %arg2[%dma_start3A_282, %multiple_of3A] : memref<26x1000000xf32, #tpu.memory_space<hbm>> -> memref<1x31232xf32, #tpu.memory_space<hbm>>
    %dma_start3A_284 = tpu.memref_squeeze %dma_start3A_283 : memref<1x31232xf32, #tpu.memory_space<hbm>> -> memref<31232xf32, #tpu.memory_space<hbm>>
    %dma_start3A_285 = tpu.memref_slice %arg2[%dma_start3A_282, %multiple_of3A] : memref<26x1000000xf32, #tpu.memory_space<hbm>> -> memref<1x31232xf32, #tpu.memory_space<hbm>>
    %dma_start3A_286 = tpu.memref_squeeze %dma_start3A_285 : memref<1x31232xf32, #tpu.memory_space<hbm>> -> memref<31232xf32, #tpu.memory_space<hbm>>
    tpu.enqueue_dma source(%dma_start3A_286 : memref<31232xf32, #tpu.memory_space<hbm>>) target(%arg5 : memref<31232xf32, #tpu.memory_space<vmem>>) target_semaphore(%arg8 : memref<!tpu.dma_semaphore, #tpu.memory_space<semaphore_mem>>)
    %mul3A_287 = arith.constant 31232 : i32
    %mul3A_288 = arith.muli %add3A, %mul3A_287 : i32
    %add3A_289 = arith.constant 14000000 : i32
    %add3A_290 = arith.addi %add3A_289, %mul3A_288 : i32
    %multiple_of3A_291 = tpu.assume_multiple %add3A_290, 8 : i32
    %dma_start3A_292 = tpu.memref_slice %arg3[%multiple_of3A_291] : memref<26000000xf32, #tpu.memory_space<hbm>> -> memref<31232xf32, #tpu.memory_space<hbm>>
    %dma_start3A_293 = tpu.memref_slice %arg3[%multiple_of3A_291] : memref<26000000xf32, #tpu.memory_space<hbm>> -> memref<31232xf32, #tpu.memory_space<hbm>>
    tpu.enqueue_dma source(%arg6 : memref<31232xf32, #tpu.memory_space<vmem>>) target(%dma_start3A_293 : memref<31232xf32, #tpu.memory_space<hbm>>) target_semaphore(%arg9 : memref<!tpu.dma_semaphore, #tpu.memory_space<semaphore_mem>>)
    %dma_wait3A_294 = arith.constant 15 : i32
    %dma_wait3A_295 = tpu.memref_slice %arg2[%dma_wait3A_294, %multiple_of3A] : memref<26x1000000xf32, #tpu.memory_space<hbm>> -> memref<1x31232xf32, #tpu.memory_space<hbm>>
    %dma_wait3A_296 = tpu.memref_squeeze %dma_wait3A_295 : memref<1x31232xf32, #tpu.memory_space<hbm>> -> memref<31232xf32, #tpu.memory_space<hbm>>
    %dma_wait3A_297 = tpu.memref_slice %arg2[%dma_wait3A_294, %multiple_of3A] : memref<26x1000000xf32, #tpu.memory_space<hbm>> -> memref<1x31232xf32, #tpu.memory_space<hbm>>
    %dma_wait3A_298 = tpu.memref_squeeze %dma_wait3A_297 : memref<1x31232xf32, #tpu.memory_space<hbm>> -> memref<31232xf32, #tpu.memory_space<hbm>>
    tpu.wait_dma2 semaphore(%arg8 : memref<!tpu.dma_semaphore, #tpu.memory_space<semaphore_mem>>) src(%dma_wait3A_298 : memref<31232xf32, #tpu.memory_space<hbm>>) dst(%arg4 : memref<31232xf32, #tpu.memory_space<vmem>>)
    %dma_wait3A_299 = tpu.memref_slice %arg3[%multiple_of3A_291] : memref<26000000xf32, #tpu.memory_space<hbm>> -> memref<31232xf32, #tpu.memory_space<hbm>>
    %dma_wait3A_300 = tpu.memref_slice %arg3[%multiple_of3A_291] : memref<26000000xf32, #tpu.memory_space<hbm>> -> memref<31232xf32, #tpu.memory_space<hbm>>
    tpu.wait_dma2 semaphore(%arg9 : memref<!tpu.dma_semaphore, #tpu.memory_space<semaphore_mem>>) src(%arg6 : memref<31232xf32, #tpu.memory_space<vmem>>) dst(%dma_wait3A_300 : memref<31232xf32, #tpu.memory_space<hbm>>)
    %dma_start3A_301 = arith.constant 17 : i32
    %dma_start3A_302 = tpu.memref_slice %arg2[%dma_start3A_301, %multiple_of3A] : memref<26x1000000xf32, #tpu.memory_space<hbm>> -> memref<1x31232xf32, #tpu.memory_space<hbm>>
    %dma_start3A_303 = tpu.memref_squeeze %dma_start3A_302 : memref<1x31232xf32, #tpu.memory_space<hbm>> -> memref<31232xf32, #tpu.memory_space<hbm>>
    %dma_start3A_304 = tpu.memref_slice %arg2[%dma_start3A_301, %multiple_of3A] : memref<26x1000000xf32, #tpu.memory_space<hbm>> -> memref<1x31232xf32, #tpu.memory_space<hbm>>
    %dma_start3A_305 = tpu.memref_squeeze %dma_start3A_304 : memref<1x31232xf32, #tpu.memory_space<hbm>> -> memref<31232xf32, #tpu.memory_space<hbm>>
    tpu.enqueue_dma source(%dma_start3A_305 : memref<31232xf32, #tpu.memory_space<hbm>>) target(%arg6 : memref<31232xf32, #tpu.memory_space<vmem>>) target_semaphore(%arg8 : memref<!tpu.dma_semaphore, #tpu.memory_space<semaphore_mem>>)
    %mul3A_306 = arith.constant 31232 : i32
    %mul3A_307 = arith.muli %add3A, %mul3A_306 : i32
    %add3A_308 = arith.constant 15000000 : i32
    %add3A_309 = arith.addi %add3A_308, %mul3A_307 : i32
    %multiple_of3A_310 = tpu.assume_multiple %add3A_309, 8 : i32
    %dma_start3A_311 = tpu.memref_slice %arg3[%multiple_of3A_310] : memref<26000000xf32, #tpu.memory_space<hbm>> -> memref<31232xf32, #tpu.memory_space<hbm>>
    %dma_start3A_312 = tpu.memref_slice %arg3[%multiple_of3A_310] : memref<26000000xf32, #tpu.memory_space<hbm>> -> memref<31232xf32, #tpu.memory_space<hbm>>
    tpu.enqueue_dma source(%arg4 : memref<31232xf32, #tpu.memory_space<vmem>>) target(%dma_start3A_312 : memref<31232xf32, #tpu.memory_space<hbm>>) target_semaphore(%arg9 : memref<!tpu.dma_semaphore, #tpu.memory_space<semaphore_mem>>)
    %dma_wait3A_313 = arith.constant 16 : i32
    %dma_wait3A_314 = tpu.memref_slice %arg2[%dma_wait3A_313, %multiple_of3A] : memref<26x1000000xf32, #tpu.memory_space<hbm>> -> memref<1x31232xf32, #tpu.memory_space<hbm>>
    %dma_wait3A_315 = tpu.memref_squeeze %dma_wait3A_314 : memref<1x31232xf32, #tpu.memory_space<hbm>> -> memref<31232xf32, #tpu.memory_space<hbm>>
    %dma_wait3A_316 = tpu.memref_slice %arg2[%dma_wait3A_313, %multiple_of3A] : memref<26x1000000xf32, #tpu.memory_space<hbm>> -> memref<1x31232xf32, #tpu.memory_space<hbm>>
    %dma_wait3A_317 = tpu.memref_squeeze %dma_wait3A_316 : memref<1x31232xf32, #tpu.memory_space<hbm>> -> memref<31232xf32, #tpu.memory_space<hbm>>
    tpu.wait_dma2 semaphore(%arg8 : memref<!tpu.dma_semaphore, #tpu.memory_space<semaphore_mem>>) src(%dma_wait3A_317 : memref<31232xf32, #tpu.memory_space<hbm>>) dst(%arg5 : memref<31232xf32, #tpu.memory_space<vmem>>)
    %dma_wait3A_318 = tpu.memref_slice %arg3[%multiple_of3A_310] : memref<26000000xf32, #tpu.memory_space<hbm>> -> memref<31232xf32, #tpu.memory_space<hbm>>
    %dma_wait3A_319 = tpu.memref_slice %arg3[%multiple_of3A_310] : memref<26000000xf32, #tpu.memory_space<hbm>> -> memref<31232xf32, #tpu.memory_space<hbm>>
    tpu.wait_dma2 semaphore(%arg9 : memref<!tpu.dma_semaphore, #tpu.memory_space<semaphore_mem>>) src(%arg4 : memref<31232xf32, #tpu.memory_space<vmem>>) dst(%dma_wait3A_319 : memref<31232xf32, #tpu.memory_space<hbm>>)
    %dma_start3A_320 = arith.constant 18 : i32
    %dma_start3A_321 = tpu.memref_slice %arg2[%dma_start3A_320, %multiple_of3A] : memref<26x1000000xf32, #tpu.memory_space<hbm>> -> memref<1x31232xf32, #tpu.memory_space<hbm>>
    %dma_start3A_322 = tpu.memref_squeeze %dma_start3A_321 : memref<1x31232xf32, #tpu.memory_space<hbm>> -> memref<31232xf32, #tpu.memory_space<hbm>>
    %dma_start3A_323 = tpu.memref_slice %arg2[%dma_start3A_320, %multiple_of3A] : memref<26x1000000xf32, #tpu.memory_space<hbm>> -> memref<1x31232xf32, #tpu.memory_space<hbm>>
    %dma_start3A_324 = tpu.memref_squeeze %dma_start3A_323 : memref<1x31232xf32, #tpu.memory_space<hbm>> -> memref<31232xf32, #tpu.memory_space<hbm>>
    tpu.enqueue_dma source(%dma_start3A_324 : memref<31232xf32, #tpu.memory_space<hbm>>) target(%arg4 : memref<31232xf32, #tpu.memory_space<vmem>>) target_semaphore(%arg8 : memref<!tpu.dma_semaphore, #tpu.memory_space<semaphore_mem>>)
    %mul3A_325 = arith.constant 31232 : i32
    %mul3A_326 = arith.muli %add3A, %mul3A_325 : i32
    %add3A_327 = arith.constant 16000000 : i32
    %add3A_328 = arith.addi %add3A_327, %mul3A_326 : i32
    %multiple_of3A_329 = tpu.assume_multiple %add3A_328, 8 : i32
    %dma_start3A_330 = tpu.memref_slice %arg3[%multiple_of3A_329] : memref<26000000xf32, #tpu.memory_space<hbm>> -> memref<31232xf32, #tpu.memory_space<hbm>>
    %dma_start3A_331 = tpu.memref_slice %arg3[%multiple_of3A_329] : memref<26000000xf32, #tpu.memory_space<hbm>> -> memref<31232xf32, #tpu.memory_space<hbm>>
    tpu.enqueue_dma source(%arg5 : memref<31232xf32, #tpu.memory_space<vmem>>) target(%dma_start3A_331 : memref<31232xf32, #tpu.memory_space<hbm>>) target_semaphore(%arg9 : memref<!tpu.dma_semaphore, #tpu.memory_space<semaphore_mem>>)
    %dma_wait3A_332 = arith.constant 17 : i32
    %dma_wait3A_333 = tpu.memref_slice %arg2[%dma_wait3A_332, %multiple_of3A] : memref<26x1000000xf32, #tpu.memory_space<hbm>> -> memref<1x31232xf32, #tpu.memory_space<hbm>>
    %dma_wait3A_334 = tpu.memref_squeeze %dma_wait3A_333 : memref<1x31232xf32, #tpu.memory_space<hbm>> -> memref<31232xf32, #tpu.memory_space<hbm>>
    %dma_wait3A_335 = tpu.memref_slice %arg2[%dma_wait3A_332, %multiple_of3A] : memref<26x1000000xf32, #tpu.memory_space<hbm>> -> memref<1x31232xf32, #tpu.memory_space<hbm>>
    %dma_wait3A_336 = tpu.memref_squeeze %dma_wait3A_335 : memref<1x31232xf32, #tpu.memory_space<hbm>> -> memref<31232xf32, #tpu.memory_space<hbm>>
    tpu.wait_dma2 semaphore(%arg8 : memref<!tpu.dma_semaphore, #tpu.memory_space<semaphore_mem>>) src(%dma_wait3A_336 : memref<31232xf32, #tpu.memory_space<hbm>>) dst(%arg6 : memref<31232xf32, #tpu.memory_space<vmem>>)
    %dma_wait3A_337 = tpu.memref_slice %arg3[%multiple_of3A_329] : memref<26000000xf32, #tpu.memory_space<hbm>> -> memref<31232xf32, #tpu.memory_space<hbm>>
    %dma_wait3A_338 = tpu.memref_slice %arg3[%multiple_of3A_329] : memref<26000000xf32, #tpu.memory_space<hbm>> -> memref<31232xf32, #tpu.memory_space<hbm>>
    tpu.wait_dma2 semaphore(%arg9 : memref<!tpu.dma_semaphore, #tpu.memory_space<semaphore_mem>>) src(%arg5 : memref<31232xf32, #tpu.memory_space<vmem>>) dst(%dma_wait3A_338 : memref<31232xf32, #tpu.memory_space<hbm>>)
    %dma_start3A_339 = arith.constant 19 : i32
    %dma_start3A_340 = tpu.memref_slice %arg2[%dma_start3A_339, %multiple_of3A] : memref<26x1000000xf32, #tpu.memory_space<hbm>> -> memref<1x31232xf32, #tpu.memory_space<hbm>>
    %dma_start3A_341 = tpu.memref_squeeze %dma_start3A_340 : memref<1x31232xf32, #tpu.memory_space<hbm>> -> memref<31232xf32, #tpu.memory_space<hbm>>
    %dma_start3A_342 = tpu.memref_slice %arg2[%dma_start3A_339, %multiple_of3A] : memref<26x1000000xf32, #tpu.memory_space<hbm>> -> memref<1x31232xf32, #tpu.memory_space<hbm>>
    %dma_start3A_343 = tpu.memref_squeeze %dma_start3A_342 : memref<1x31232xf32, #tpu.memory_space<hbm>> -> memref<31232xf32, #tpu.memory_space<hbm>>
    tpu.enqueue_dma source(%dma_start3A_343 : memref<31232xf32, #tpu.memory_space<hbm>>) target(%arg5 : memref<31232xf32, #tpu.memory_space<vmem>>) target_semaphore(%arg8 : memref<!tpu.dma_semaphore, #tpu.memory_space<semaphore_mem>>)
    %mul3A_344 = arith.constant 31232 : i32
    %mul3A_345 = arith.muli %add3A, %mul3A_344 : i32
    %add3A_346 = arith.constant 17000000 : i32
    %add3A_347 = arith.addi %add3A_346, %mul3A_345 : i32
    %multiple_of3A_348 = tpu.assume_multiple %add3A_347, 8 : i32
    %dma_start3A_349 = tpu.memref_slice %arg3[%multiple_of3A_348] : memref<26000000xf32, #tpu.memory_space<hbm>> -> memref<31232xf32, #tpu.memory_space<hbm>>
    %dma_start3A_350 = tpu.memref_slice %arg3[%multiple_of3A_348] : memref<26000000xf32, #tpu.memory_space<hbm>> -> memref<31232xf32, #tpu.memory_space<hbm>>
    tpu.enqueue_dma source(%arg6 : memref<31232xf32, #tpu.memory_space<vmem>>) target(%dma_start3A_350 : memref<31232xf32, #tpu.memory_space<hbm>>) target_semaphore(%arg9 : memref<!tpu.dma_semaphore, #tpu.memory_space<semaphore_mem>>)
    %dma_wait3A_351 = arith.constant 18 : i32
    %dma_wait3A_352 = tpu.memref_slice %arg2[%dma_wait3A_351, %multiple_of3A] : memref<26x1000000xf32, #tpu.memory_space<hbm>> -> memref<1x31232xf32, #tpu.memory_space<hbm>>
    %dma_wait3A_353 = tpu.memref_squeeze %dma_wait3A_352 : memref<1x31232xf32, #tpu.memory_space<hbm>> -> memref<31232xf32, #tpu.memory_space<hbm>>
    %dma_wait3A_354 = tpu.memref_slice %arg2[%dma_wait3A_351, %multiple_of3A] : memref<26x1000000xf32, #tpu.memory_space<hbm>> -> memref<1x31232xf32, #tpu.memory_space<hbm>>
    %dma_wait3A_355 = tpu.memref_squeeze %dma_wait3A_354 : memref<1x31232xf32, #tpu.memory_space<hbm>> -> memref<31232xf32, #tpu.memory_space<hbm>>
    tpu.wait_dma2 semaphore(%arg8 : memref<!tpu.dma_semaphore, #tpu.memory_space<semaphore_mem>>) src(%dma_wait3A_355 : memref<31232xf32, #tpu.memory_space<hbm>>) dst(%arg4 : memref<31232xf32, #tpu.memory_space<vmem>>)
    %dma_wait3A_356 = tpu.memref_slice %arg3[%multiple_of3A_348] : memref<26000000xf32, #tpu.memory_space<hbm>> -> memref<31232xf32, #tpu.memory_space<hbm>>
    %dma_wait3A_357 = tpu.memref_slice %arg3[%multiple_of3A_348] : memref<26000000xf32, #tpu.memory_space<hbm>> -> memref<31232xf32, #tpu.memory_space<hbm>>
    tpu.wait_dma2 semaphore(%arg9 : memref<!tpu.dma_semaphore, #tpu.memory_space<semaphore_mem>>) src(%arg6 : memref<31232xf32, #tpu.memory_space<vmem>>) dst(%dma_wait3A_357 : memref<31232xf32, #tpu.memory_space<hbm>>)
    %dma_start3A_358 = arith.constant 20 : i32
    %dma_start3A_359 = tpu.memref_slice %arg2[%dma_start3A_358, %multiple_of3A] : memref<26x1000000xf32, #tpu.memory_space<hbm>> -> memref<1x31232xf32, #tpu.memory_space<hbm>>
    %dma_start3A_360 = tpu.memref_squeeze %dma_start3A_359 : memref<1x31232xf32, #tpu.memory_space<hbm>> -> memref<31232xf32, #tpu.memory_space<hbm>>
    %dma_start3A_361 = tpu.memref_slice %arg2[%dma_start3A_358, %multiple_of3A] : memref<26x1000000xf32, #tpu.memory_space<hbm>> -> memref<1x31232xf32, #tpu.memory_space<hbm>>
    %dma_start3A_362 = tpu.memref_squeeze %dma_start3A_361 : memref<1x31232xf32, #tpu.memory_space<hbm>> -> memref<31232xf32, #tpu.memory_space<hbm>>
    tpu.enqueue_dma source(%dma_start3A_362 : memref<31232xf32, #tpu.memory_space<hbm>>) target(%arg6 : memref<31232xf32, #tpu.memory_space<vmem>>) target_semaphore(%arg8 : memref<!tpu.dma_semaphore, #tpu.memory_space<semaphore_mem>>)
    %mul3A_363 = arith.constant 31232 : i32
    %mul3A_364 = arith.muli %add3A, %mul3A_363 : i32
    %add3A_365 = arith.constant 18000000 : i32
    %add3A_366 = arith.addi %add3A_365, %mul3A_364 : i32
    %multiple_of3A_367 = tpu.assume_multiple %add3A_366, 8 : i32
    %dma_start3A_368 = tpu.memref_slice %arg3[%multiple_of3A_367] : memref<26000000xf32, #tpu.memory_space<hbm>> -> memref<31232xf32, #tpu.memory_space<hbm>>
    %dma_start3A_369 = tpu.memref_slice %arg3[%multiple_of3A_367] : memref<26000000xf32, #tpu.memory_space<hbm>> -> memref<31232xf32, #tpu.memory_space<hbm>>
    tpu.enqueue_dma source(%arg4 : memref<31232xf32, #tpu.memory_space<vmem>>) target(%dma_start3A_369 : memref<31232xf32, #tpu.memory_space<hbm>>) target_semaphore(%arg9 : memref<!tpu.dma_semaphore, #tpu.memory_space<semaphore_mem>>)
    %dma_wait3A_370 = arith.constant 19 : i32
    %dma_wait3A_371 = tpu.memref_slice %arg2[%dma_wait3A_370, %multiple_of3A] : memref<26x1000000xf32, #tpu.memory_space<hbm>> -> memref<1x31232xf32, #tpu.memory_space<hbm>>
    %dma_wait3A_372 = tpu.memref_squeeze %dma_wait3A_371 : memref<1x31232xf32, #tpu.memory_space<hbm>> -> memref<31232xf32, #tpu.memory_space<hbm>>
    %dma_wait3A_373 = tpu.memref_slice %arg2[%dma_wait3A_370, %multiple_of3A] : memref<26x1000000xf32, #tpu.memory_space<hbm>> -> memref<1x31232xf32, #tpu.memory_space<hbm>>
    %dma_wait3A_374 = tpu.memref_squeeze %dma_wait3A_373 : memref<1x31232xf32, #tpu.memory_space<hbm>> -> memref<31232xf32, #tpu.memory_space<hbm>>
    tpu.wait_dma2 semaphore(%arg8 : memref<!tpu.dma_semaphore, #tpu.memory_space<semaphore_mem>>) src(%dma_wait3A_374 : memref<31232xf32, #tpu.memory_space<hbm>>) dst(%arg5 : memref<31232xf32, #tpu.memory_space<vmem>>)
    %dma_wait3A_375 = tpu.memref_slice %arg3[%multiple_of3A_367] : memref<26000000xf32, #tpu.memory_space<hbm>> -> memref<31232xf32, #tpu.memory_space<hbm>>
    %dma_wait3A_376 = tpu.memref_slice %arg3[%multiple_of3A_367] : memref<26000000xf32, #tpu.memory_space<hbm>> -> memref<31232xf32, #tpu.memory_space<hbm>>
    tpu.wait_dma2 semaphore(%arg9 : memref<!tpu.dma_semaphore, #tpu.memory_space<semaphore_mem>>) src(%arg4 : memref<31232xf32, #tpu.memory_space<vmem>>) dst(%dma_wait3A_376 : memref<31232xf32, #tpu.memory_space<hbm>>)
    %dma_start3A_377 = arith.constant 21 : i32
    %dma_start3A_378 = tpu.memref_slice %arg2[%dma_start3A_377, %multiple_of3A] : memref<26x1000000xf32, #tpu.memory_space<hbm>> -> memref<1x31232xf32, #tpu.memory_space<hbm>>
    %dma_start3A_379 = tpu.memref_squeeze %dma_start3A_378 : memref<1x31232xf32, #tpu.memory_space<hbm>> -> memref<31232xf32, #tpu.memory_space<hbm>>
    %dma_start3A_380 = tpu.memref_slice %arg2[%dma_start3A_377, %multiple_of3A] : memref<26x1000000xf32, #tpu.memory_space<hbm>> -> memref<1x31232xf32, #tpu.memory_space<hbm>>
    %dma_start3A_381 = tpu.memref_squeeze %dma_start3A_380 : memref<1x31232xf32, #tpu.memory_space<hbm>> -> memref<31232xf32, #tpu.memory_space<hbm>>
    tpu.enqueue_dma source(%dma_start3A_381 : memref<31232xf32, #tpu.memory_space<hbm>>) target(%arg4 : memref<31232xf32, #tpu.memory_space<vmem>>) target_semaphore(%arg8 : memref<!tpu.dma_semaphore, #tpu.memory_space<semaphore_mem>>)
    %mul3A_382 = arith.constant 31232 : i32
    %mul3A_383 = arith.muli %add3A, %mul3A_382 : i32
    %add3A_384 = arith.constant 19000000 : i32
    %add3A_385 = arith.addi %add3A_384, %mul3A_383 : i32
    %multiple_of3A_386 = tpu.assume_multiple %add3A_385, 8 : i32
    %dma_start3A_387 = tpu.memref_slice %arg3[%multiple_of3A_386] : memref<26000000xf32, #tpu.memory_space<hbm>> -> memref<31232xf32, #tpu.memory_space<hbm>>
    %dma_start3A_388 = tpu.memref_slice %arg3[%multiple_of3A_386] : memref<26000000xf32, #tpu.memory_space<hbm>> -> memref<31232xf32, #tpu.memory_space<hbm>>
    tpu.enqueue_dma source(%arg5 : memref<31232xf32, #tpu.memory_space<vmem>>) target(%dma_start3A_388 : memref<31232xf32, #tpu.memory_space<hbm>>) target_semaphore(%arg9 : memref<!tpu.dma_semaphore, #tpu.memory_space<semaphore_mem>>)
    %dma_wait3A_389 = arith.constant 20 : i32
    %dma_wait3A_390 = tpu.memref_slice %arg2[%dma_wait3A_389, %multiple_of3A] : memref<26x1000000xf32, #tpu.memory_space<hbm>> -> memref<1x31232xf32, #tpu.memory_space<hbm>>
    %dma_wait3A_391 = tpu.memref_squeeze %dma_wait3A_390 : memref<1x31232xf32, #tpu.memory_space<hbm>> -> memref<31232xf32, #tpu.memory_space<hbm>>
    %dma_wait3A_392 = tpu.memref_slice %arg2[%dma_wait3A_389, %multiple_of3A] : memref<26x1000000xf32, #tpu.memory_space<hbm>> -> memref<1x31232xf32, #tpu.memory_space<hbm>>
    %dma_wait3A_393 = tpu.memref_squeeze %dma_wait3A_392 : memref<1x31232xf32, #tpu.memory_space<hbm>> -> memref<31232xf32, #tpu.memory_space<hbm>>
    tpu.wait_dma2 semaphore(%arg8 : memref<!tpu.dma_semaphore, #tpu.memory_space<semaphore_mem>>) src(%dma_wait3A_393 : memref<31232xf32, #tpu.memory_space<hbm>>) dst(%arg6 : memref<31232xf32, #tpu.memory_space<vmem>>)
    %dma_wait3A_394 = tpu.memref_slice %arg3[%multiple_of3A_386] : memref<26000000xf32, #tpu.memory_space<hbm>> -> memref<31232xf32, #tpu.memory_space<hbm>>
    %dma_wait3A_395 = tpu.memref_slice %arg3[%multiple_of3A_386] : memref<26000000xf32, #tpu.memory_space<hbm>> -> memref<31232xf32, #tpu.memory_space<hbm>>
    tpu.wait_dma2 semaphore(%arg9 : memref<!tpu.dma_semaphore, #tpu.memory_space<semaphore_mem>>) src(%arg5 : memref<31232xf32, #tpu.memory_space<vmem>>) dst(%dma_wait3A_395 : memref<31232xf32, #tpu.memory_space<hbm>>)
    %dma_start3A_396 = arith.constant 22 : i32
    %dma_start3A_397 = tpu.memref_slice %arg2[%dma_start3A_396, %multiple_of3A] : memref<26x1000000xf32, #tpu.memory_space<hbm>> -> memref<1x31232xf32, #tpu.memory_space<hbm>>
    %dma_start3A_398 = tpu.memref_squeeze %dma_start3A_397 : memref<1x31232xf32, #tpu.memory_space<hbm>> -> memref<31232xf32, #tpu.memory_space<hbm>>
    %dma_start3A_399 = tpu.memref_slice %arg2[%dma_start3A_396, %multiple_of3A] : memref<26x1000000xf32, #tpu.memory_space<hbm>> -> memref<1x31232xf32, #tpu.memory_space<hbm>>
    %dma_start3A_400 = tpu.memref_squeeze %dma_start3A_399 : memref<1x31232xf32, #tpu.memory_space<hbm>> -> memref<31232xf32, #tpu.memory_space<hbm>>
    tpu.enqueue_dma source(%dma_start3A_400 : memref<31232xf32, #tpu.memory_space<hbm>>) target(%arg5 : memref<31232xf32, #tpu.memory_space<vmem>>) target_semaphore(%arg8 : memref<!tpu.dma_semaphore, #tpu.memory_space<semaphore_mem>>)
    %mul3A_401 = arith.constant 31232 : i32
    %mul3A_402 = arith.muli %add3A, %mul3A_401 : i32
    %add3A_403 = arith.constant 20000000 : i32
    %add3A_404 = arith.addi %add3A_403, %mul3A_402 : i32
    %multiple_of3A_405 = tpu.assume_multiple %add3A_404, 8 : i32
    %dma_start3A_406 = tpu.memref_slice %arg3[%multiple_of3A_405] : memref<26000000xf32, #tpu.memory_space<hbm>> -> memref<31232xf32, #tpu.memory_space<hbm>>
    %dma_start3A_407 = tpu.memref_slice %arg3[%multiple_of3A_405] : memref<26000000xf32, #tpu.memory_space<hbm>> -> memref<31232xf32, #tpu.memory_space<hbm>>
    tpu.enqueue_dma source(%arg6 : memref<31232xf32, #tpu.memory_space<vmem>>) target(%dma_start3A_407 : memref<31232xf32, #tpu.memory_space<hbm>>) target_semaphore(%arg9 : memref<!tpu.dma_semaphore, #tpu.memory_space<semaphore_mem>>)
    %dma_wait3A_408 = arith.constant 21 : i32
    %dma_wait3A_409 = tpu.memref_slice %arg2[%dma_wait3A_408, %multiple_of3A] : memref<26x1000000xf32, #tpu.memory_space<hbm>> -> memref<1x31232xf32, #tpu.memory_space<hbm>>
    %dma_wait3A_410 = tpu.memref_squeeze %dma_wait3A_409 : memref<1x31232xf32, #tpu.memory_space<hbm>> -> memref<31232xf32, #tpu.memory_space<hbm>>
    %dma_wait3A_411 = tpu.memref_slice %arg2[%dma_wait3A_408, %multiple_of3A] : memref<26x1000000xf32, #tpu.memory_space<hbm>> -> memref<1x31232xf32, #tpu.memory_space<hbm>>
    %dma_wait3A_412 = tpu.memref_squeeze %dma_wait3A_411 : memref<1x31232xf32, #tpu.memory_space<hbm>> -> memref<31232xf32, #tpu.memory_space<hbm>>
    tpu.wait_dma2 semaphore(%arg8 : memref<!tpu.dma_semaphore, #tpu.memory_space<semaphore_mem>>) src(%dma_wait3A_412 : memref<31232xf32, #tpu.memory_space<hbm>>) dst(%arg4 : memref<31232xf32, #tpu.memory_space<vmem>>)
    %dma_wait3A_413 = tpu.memref_slice %arg3[%multiple_of3A_405] : memref<26000000xf32, #tpu.memory_space<hbm>> -> memref<31232xf32, #tpu.memory_space<hbm>>
    %dma_wait3A_414 = tpu.memref_slice %arg3[%multiple_of3A_405] : memref<26000000xf32, #tpu.memory_space<hbm>> -> memref<31232xf32, #tpu.memory_space<hbm>>
    tpu.wait_dma2 semaphore(%arg9 : memref<!tpu.dma_semaphore, #tpu.memory_space<semaphore_mem>>) src(%arg6 : memref<31232xf32, #tpu.memory_space<vmem>>) dst(%dma_wait3A_414 : memref<31232xf32, #tpu.memory_space<hbm>>)
    %dma_start3A_415 = arith.constant 23 : i32
    %dma_start3A_416 = tpu.memref_slice %arg2[%dma_start3A_415, %multiple_of3A] : memref<26x1000000xf32, #tpu.memory_space<hbm>> -> memref<1x31232xf32, #tpu.memory_space<hbm>>
    %dma_start3A_417 = tpu.memref_squeeze %dma_start3A_416 : memref<1x31232xf32, #tpu.memory_space<hbm>> -> memref<31232xf32, #tpu.memory_space<hbm>>
    %dma_start3A_418 = tpu.memref_slice %arg2[%dma_start3A_415, %multiple_of3A] : memref<26x1000000xf32, #tpu.memory_space<hbm>> -> memref<1x31232xf32, #tpu.memory_space<hbm>>
    %dma_start3A_419 = tpu.memref_squeeze %dma_start3A_418 : memref<1x31232xf32, #tpu.memory_space<hbm>> -> memref<31232xf32, #tpu.memory_space<hbm>>
    tpu.enqueue_dma source(%dma_start3A_419 : memref<31232xf32, #tpu.memory_space<hbm>>) target(%arg6 : memref<31232xf32, #tpu.memory_space<vmem>>) target_semaphore(%arg8 : memref<!tpu.dma_semaphore, #tpu.memory_space<semaphore_mem>>)
    %mul3A_420 = arith.constant 31232 : i32
    %mul3A_421 = arith.muli %add3A, %mul3A_420 : i32
    %add3A_422 = arith.constant 21000000 : i32
    %add3A_423 = arith.addi %add3A_422, %mul3A_421 : i32
    %multiple_of3A_424 = tpu.assume_multiple %add3A_423, 8 : i32
    %dma_start3A_425 = tpu.memref_slice %arg3[%multiple_of3A_424] : memref<26000000xf32, #tpu.memory_space<hbm>> -> memref<31232xf32, #tpu.memory_space<hbm>>
    %dma_start3A_426 = tpu.memref_slice %arg3[%multiple_of3A_424] : memref<26000000xf32, #tpu.memory_space<hbm>> -> memref<31232xf32, #tpu.memory_space<hbm>>
    tpu.enqueue_dma source(%arg4 : memref<31232xf32, #tpu.memory_space<vmem>>) target(%dma_start3A_426 : memref<31232xf32, #tpu.memory_space<hbm>>) target_semaphore(%arg9 : memref<!tpu.dma_semaphore, #tpu.memory_space<semaphore_mem>>)
    %dma_wait3A_427 = arith.constant 22 : i32
    %dma_wait3A_428 = tpu.memref_slice %arg2[%dma_wait3A_427, %multiple_of3A] : memref<26x1000000xf32, #tpu.memory_space<hbm>> -> memref<1x31232xf32, #tpu.memory_space<hbm>>
    %dma_wait3A_429 = tpu.memref_squeeze %dma_wait3A_428 : memref<1x31232xf32, #tpu.memory_space<hbm>> -> memref<31232xf32, #tpu.memory_space<hbm>>
    %dma_wait3A_430 = tpu.memref_slice %arg2[%dma_wait3A_427, %multiple_of3A] : memref<26x1000000xf32, #tpu.memory_space<hbm>> -> memref<1x31232xf32, #tpu.memory_space<hbm>>
    %dma_wait3A_431 = tpu.memref_squeeze %dma_wait3A_430 : memref<1x31232xf32, #tpu.memory_space<hbm>> -> memref<31232xf32, #tpu.memory_space<hbm>>
    tpu.wait_dma2 semaphore(%arg8 : memref<!tpu.dma_semaphore, #tpu.memory_space<semaphore_mem>>) src(%dma_wait3A_431 : memref<31232xf32, #tpu.memory_space<hbm>>) dst(%arg5 : memref<31232xf32, #tpu.memory_space<vmem>>)
    %dma_wait3A_432 = tpu.memref_slice %arg3[%multiple_of3A_424] : memref<26000000xf32, #tpu.memory_space<hbm>> -> memref<31232xf32, #tpu.memory_space<hbm>>
    %dma_wait3A_433 = tpu.memref_slice %arg3[%multiple_of3A_424] : memref<26000000xf32, #tpu.memory_space<hbm>> -> memref<31232xf32, #tpu.memory_space<hbm>>
    tpu.wait_dma2 semaphore(%arg9 : memref<!tpu.dma_semaphore, #tpu.memory_space<semaphore_mem>>) src(%arg4 : memref<31232xf32, #tpu.memory_space<vmem>>) dst(%dma_wait3A_433 : memref<31232xf32, #tpu.memory_space<hbm>>)
    %dma_start3A_434 = arith.constant 24 : i32
    %dma_start3A_435 = tpu.memref_slice %arg2[%dma_start3A_434, %multiple_of3A] : memref<26x1000000xf32, #tpu.memory_space<hbm>> -> memref<1x31232xf32, #tpu.memory_space<hbm>>
    %dma_start3A_436 = tpu.memref_squeeze %dma_start3A_435 : memref<1x31232xf32, #tpu.memory_space<hbm>> -> memref<31232xf32, #tpu.memory_space<hbm>>
    %dma_start3A_437 = tpu.memref_slice %arg2[%dma_start3A_434, %multiple_of3A] : memref<26x1000000xf32, #tpu.memory_space<hbm>> -> memref<1x31232xf32, #tpu.memory_space<hbm>>
    %dma_start3A_438 = tpu.memref_squeeze %dma_start3A_437 : memref<1x31232xf32, #tpu.memory_space<hbm>> -> memref<31232xf32, #tpu.memory_space<hbm>>
    tpu.enqueue_dma source(%dma_start3A_438 : memref<31232xf32, #tpu.memory_space<hbm>>) target(%arg4 : memref<31232xf32, #tpu.memory_space<vmem>>) target_semaphore(%arg8 : memref<!tpu.dma_semaphore, #tpu.memory_space<semaphore_mem>>)
    %mul3A_439 = arith.constant 31232 : i32
    %mul3A_440 = arith.muli %add3A, %mul3A_439 : i32
    %add3A_441 = arith.constant 22000000 : i32
    %add3A_442 = arith.addi %add3A_441, %mul3A_440 : i32
    %multiple_of3A_443 = tpu.assume_multiple %add3A_442, 8 : i32
    %dma_start3A_444 = tpu.memref_slice %arg3[%multiple_of3A_443] : memref<26000000xf32, #tpu.memory_space<hbm>> -> memref<31232xf32, #tpu.memory_space<hbm>>
    %dma_start3A_445 = tpu.memref_slice %arg3[%multiple_of3A_443] : memref<26000000xf32, #tpu.memory_space<hbm>> -> memref<31232xf32, #tpu.memory_space<hbm>>
    tpu.enqueue_dma source(%arg5 : memref<31232xf32, #tpu.memory_space<vmem>>) target(%dma_start3A_445 : memref<31232xf32, #tpu.memory_space<hbm>>) target_semaphore(%arg9 : memref<!tpu.dma_semaphore, #tpu.memory_space<semaphore_mem>>)
    %dma_wait3A_446 = arith.constant 23 : i32
    %dma_wait3A_447 = tpu.memref_slice %arg2[%dma_wait3A_446, %multiple_of3A] : memref<26x1000000xf32, #tpu.memory_space<hbm>> -> memref<1x31232xf32, #tpu.memory_space<hbm>>
    %dma_wait3A_448 = tpu.memref_squeeze %dma_wait3A_447 : memref<1x31232xf32, #tpu.memory_space<hbm>> -> memref<31232xf32, #tpu.memory_space<hbm>>
    %dma_wait3A_449 = tpu.memref_slice %arg2[%dma_wait3A_446, %multiple_of3A] : memref<26x1000000xf32, #tpu.memory_space<hbm>> -> memref<1x31232xf32, #tpu.memory_space<hbm>>
    %dma_wait3A_450 = tpu.memref_squeeze %dma_wait3A_449 : memref<1x31232xf32, #tpu.memory_space<hbm>> -> memref<31232xf32, #tpu.memory_space<hbm>>
    tpu.wait_dma2 semaphore(%arg8 : memref<!tpu.dma_semaphore, #tpu.memory_space<semaphore_mem>>) src(%dma_wait3A_450 : memref<31232xf32, #tpu.memory_space<hbm>>) dst(%arg6 : memref<31232xf32, #tpu.memory_space<vmem>>)
    %dma_wait3A_451 = tpu.memref_slice %arg3[%multiple_of3A_443] : memref<26000000xf32, #tpu.memory_space<hbm>> -> memref<31232xf32, #tpu.memory_space<hbm>>
    %dma_wait3A_452 = tpu.memref_slice %arg3[%multiple_of3A_443] : memref<26000000xf32, #tpu.memory_space<hbm>> -> memref<31232xf32, #tpu.memory_space<hbm>>
    tpu.wait_dma2 semaphore(%arg9 : memref<!tpu.dma_semaphore, #tpu.memory_space<semaphore_mem>>) src(%arg5 : memref<31232xf32, #tpu.memory_space<vmem>>) dst(%dma_wait3A_452 : memref<31232xf32, #tpu.memory_space<hbm>>)
    %dma_start3A_453 = arith.constant 25 : i32
    %dma_start3A_454 = tpu.memref_slice %arg2[%dma_start3A_453, %multiple_of3A] : memref<26x1000000xf32, #tpu.memory_space<hbm>> -> memref<1x31232xf32, #tpu.memory_space<hbm>>
    %dma_start3A_455 = tpu.memref_squeeze %dma_start3A_454 : memref<1x31232xf32, #tpu.memory_space<hbm>> -> memref<31232xf32, #tpu.memory_space<hbm>>
    %dma_start3A_456 = tpu.memref_slice %arg2[%dma_start3A_453, %multiple_of3A] : memref<26x1000000xf32, #tpu.memory_space<hbm>> -> memref<1x31232xf32, #tpu.memory_space<hbm>>
    %dma_start3A_457 = tpu.memref_squeeze %dma_start3A_456 : memref<1x31232xf32, #tpu.memory_space<hbm>> -> memref<31232xf32, #tpu.memory_space<hbm>>
    tpu.enqueue_dma source(%dma_start3A_457 : memref<31232xf32, #tpu.memory_space<hbm>>) target(%arg5 : memref<31232xf32, #tpu.memory_space<vmem>>) target_semaphore(%arg8 : memref<!tpu.dma_semaphore, #tpu.memory_space<semaphore_mem>>)
    %mul3A_458 = arith.constant 31232 : i32
    %mul3A_459 = arith.muli %add3A, %mul3A_458 : i32
    %add3A_460 = arith.constant 23000000 : i32
    %add3A_461 = arith.addi %add3A_460, %mul3A_459 : i32
    %multiple_of3A_462 = tpu.assume_multiple %add3A_461, 8 : i32
    %dma_start3A_463 = tpu.memref_slice %arg3[%multiple_of3A_462] : memref<26000000xf32, #tpu.memory_space<hbm>> -> memref<31232xf32, #tpu.memory_space<hbm>>
    %dma_start3A_464 = tpu.memref_slice %arg3[%multiple_of3A_462] : memref<26000000xf32, #tpu.memory_space<hbm>> -> memref<31232xf32, #tpu.memory_space<hbm>>
    tpu.enqueue_dma source(%arg6 : memref<31232xf32, #tpu.memory_space<vmem>>) target(%dma_start3A_464 : memref<31232xf32, #tpu.memory_space<hbm>>) target_semaphore(%arg9 : memref<!tpu.dma_semaphore, #tpu.memory_space<semaphore_mem>>)
    %dma_wait3A_465 = arith.constant 24 : i32
    %dma_wait3A_466 = tpu.memref_slice %arg2[%dma_wait3A_465, %multiple_of3A] : memref<26x1000000xf32, #tpu.memory_space<hbm>> -> memref<1x31232xf32, #tpu.memory_space<hbm>>
    %dma_wait3A_467 = tpu.memref_squeeze %dma_wait3A_466 : memref<1x31232xf32, #tpu.memory_space<hbm>> -> memref<31232xf32, #tpu.memory_space<hbm>>
    %dma_wait3A_468 = tpu.memref_slice %arg2[%dma_wait3A_465, %multiple_of3A] : memref<26x1000000xf32, #tpu.memory_space<hbm>> -> memref<1x31232xf32, #tpu.memory_space<hbm>>
    %dma_wait3A_469 = tpu.memref_squeeze %dma_wait3A_468 : memref<1x31232xf32, #tpu.memory_space<hbm>> -> memref<31232xf32, #tpu.memory_space<hbm>>
    tpu.wait_dma2 semaphore(%arg8 : memref<!tpu.dma_semaphore, #tpu.memory_space<semaphore_mem>>) src(%dma_wait3A_469 : memref<31232xf32, #tpu.memory_space<hbm>>) dst(%arg4 : memref<31232xf32, #tpu.memory_space<vmem>>)
    %dma_wait3A_470 = tpu.memref_slice %arg3[%multiple_of3A_462] : memref<26000000xf32, #tpu.memory_space<hbm>> -> memref<31232xf32, #tpu.memory_space<hbm>>
    %dma_wait3A_471 = tpu.memref_slice %arg3[%multiple_of3A_462] : memref<26000000xf32, #tpu.memory_space<hbm>> -> memref<31232xf32, #tpu.memory_space<hbm>>
    tpu.wait_dma2 semaphore(%arg9 : memref<!tpu.dma_semaphore, #tpu.memory_space<semaphore_mem>>) src(%arg6 : memref<31232xf32, #tpu.memory_space<vmem>>) dst(%dma_wait3A_471 : memref<31232xf32, #tpu.memory_space<hbm>>)
    %mul3A_472 = arith.constant 31232 : i32
    %mul3A_473 = arith.muli %add3A, %mul3A_472 : i32
    %add3A_474 = arith.constant 24000000 : i32
    %add3A_475 = arith.addi %add3A_474, %mul3A_473 : i32
    %multiple_of3A_476 = tpu.assume_multiple %add3A_475, 8 : i32
    %dma_start3A_477 = tpu.memref_slice %arg3[%multiple_of3A_476] : memref<26000000xf32, #tpu.memory_space<hbm>> -> memref<31232xf32, #tpu.memory_space<hbm>>
    %dma_start3A_478 = tpu.memref_slice %arg3[%multiple_of3A_476] : memref<26000000xf32, #tpu.memory_space<hbm>> -> memref<31232xf32, #tpu.memory_space<hbm>>
    tpu.enqueue_dma source(%arg4 : memref<31232xf32, #tpu.memory_space<vmem>>) target(%dma_start3A_478 : memref<31232xf32, #tpu.memory_space<hbm>>) target_semaphore(%arg9 : memref<!tpu.dma_semaphore, #tpu.memory_space<semaphore_mem>>)
    %dma_wait3A_479 = arith.constant 25 : i32
    %dma_wait3A_480 = tpu.memref_slice %arg2[%dma_wait3A_479, %multiple_of3A] : memref<26x1000000xf32, #tpu.memory_space<hbm>> -> memref<1x31232xf32, #tpu.memory_space<hbm>>
    %dma_wait3A_481 = tpu.memref_squeeze %dma_wait3A_480 : memref<1x31232xf32, #tpu.memory_space<hbm>> -> memref<31232xf32, #tpu.memory_space<hbm>>
    %dma_wait3A_482 = tpu.memref_slice %arg2[%dma_wait3A_479, %multiple_of3A] : memref<26x1000000xf32, #tpu.memory_space<hbm>> -> memref<1x31232xf32, #tpu.memory_space<hbm>>
    %dma_wait3A_483 = tpu.memref_squeeze %dma_wait3A_482 : memref<1x31232xf32, #tpu.memory_space<hbm>> -> memref<31232xf32, #tpu.memory_space<hbm>>
    tpu.wait_dma2 semaphore(%arg8 : memref<!tpu.dma_semaphore, #tpu.memory_space<semaphore_mem>>) src(%dma_wait3A_483 : memref<31232xf32, #tpu.memory_space<hbm>>) dst(%arg5 : memref<31232xf32, #tpu.memory_space<vmem>>)
    %dma_wait3A_484 = tpu.memref_slice %arg3[%multiple_of3A_476] : memref<26000000xf32, #tpu.memory_space<hbm>> -> memref<31232xf32, #tpu.memory_space<hbm>>
    %dma_wait3A_485 = tpu.memref_slice %arg3[%multiple_of3A_476] : memref<26000000xf32, #tpu.memory_space<hbm>> -> memref<31232xf32, #tpu.memory_space<hbm>>
    tpu.wait_dma2 semaphore(%arg9 : memref<!tpu.dma_semaphore, #tpu.memory_space<semaphore_mem>>) src(%arg4 : memref<31232xf32, #tpu.memory_space<vmem>>) dst(%dma_wait3A_485 : memref<31232xf32, #tpu.memory_space<hbm>>)
    %mul3A_486 = arith.constant 31232 : i32
    %mul3A_487 = arith.muli %add3A, %mul3A_486 : i32
    %add3A_488 = arith.constant 25000000 : i32
    %add3A_489 = arith.addi %add3A_488, %mul3A_487 : i32
    %multiple_of3A_490 = tpu.assume_multiple %add3A_489, 8 : i32
    %dma_start3A_491 = tpu.memref_slice %arg3[%multiple_of3A_490] : memref<26000000xf32, #tpu.memory_space<hbm>> -> memref<31232xf32, #tpu.memory_space<hbm>>
    %dma_start3A_492 = tpu.memref_slice %arg3[%multiple_of3A_490] : memref<26000000xf32, #tpu.memory_space<hbm>> -> memref<31232xf32, #tpu.memory_space<hbm>>
    tpu.enqueue_dma source(%arg5 : memref<31232xf32, #tpu.memory_space<vmem>>) target(%dma_start3A_492 : memref<31232xf32, #tpu.memory_space<hbm>>) target_semaphore(%arg9 : memref<!tpu.dma_semaphore, #tpu.memory_space<semaphore_mem>>)
    %dma_wait3A_493 = tpu.memref_slice %arg3[%multiple_of3A_490] : memref<26000000xf32, #tpu.memory_space<hbm>> -> memref<31232xf32, #tpu.memory_space<hbm>>
    %dma_wait3A_494 = tpu.memref_slice %arg3[%multiple_of3A_490] : memref<26000000xf32, #tpu.memory_space<hbm>> -> memref<31232xf32, #tpu.memory_space<hbm>>
    tpu.wait_dma2 semaphore(%arg9 : memref<!tpu.dma_semaphore, #tpu.memory_space<semaphore_mem>>) src(%arg5 : memref<31232xf32, #tpu.memory_space<vmem>>) dst(%dma_wait3A_494 : memref<31232xf32, #tpu.memory_space<hbm>>)
    %eq3A = arith.constant 0 : i32
    %eq3A_495 = arith.cmpi eq, %add3A, %eq3A : i32
    %convert_element_type3A = arith.extui %eq3A_495 : i1 to i32
    %cond3A = arith.constant 0 : i32
    %cond3A_496 = arith.cmpi ne, %convert_element_type3A, %cond3A : i32
    scf.if %cond3A_496 {
      %run_scoped3A = arith.constant 0 : i32
      "tpu.region"() ({
        %run_scoped3A_622 = tpu.sem_alloc : memref<!tpu.dma_semaphore, #tpu.memory_space<semaphore_mem>>
        %dma_start3A_623 = arith.constant 999424 : i32
        %dma_start3A_624 = tpu.memref_slice %arg2[%run_scoped3A, %dma_start3A_623] : memref<26x1000000xf32, #tpu.memory_space<hbm>> -> memref<1x576xf32, #tpu.memory_space<hbm>>
        %dma_start3A_625 = tpu.memref_squeeze %dma_start3A_624 : memref<1x576xf32, #tpu.memory_space<hbm>> -> memref<576xf32, #tpu.memory_space<hbm>>
        %dma_start3A_626 = arith.constant 999424 : i32
        %dma_start3A_627 = tpu.memref_slice %arg2[%run_scoped3A, %dma_start3A_626] : memref<26x1000000xf32, #tpu.memory_space<hbm>> -> memref<1x576xf32, #tpu.memory_space<hbm>>
        %dma_start3A_628 = tpu.memref_squeeze %dma_start3A_627 : memref<1x576xf32, #tpu.memory_space<hbm>> -> memref<576xf32, #tpu.memory_space<hbm>>
        tpu.enqueue_dma source(%dma_start3A_628 : memref<576xf32, #tpu.memory_space<hbm>>) target(%arg7 : memref<576xf32, #tpu.memory_space<vmem>>) target_semaphore(%run_scoped3A_622 : memref<!tpu.dma_semaphore, #tpu.memory_space<semaphore_mem>>)
        %dma_wait3A_629 = arith.constant 999424 : i32
        %dma_wait3A_630 = tpu.memref_slice %arg2[%run_scoped3A, %dma_wait3A_629] : memref<26x1000000xf32, #tpu.memory_space<hbm>> -> memref<1x576xf32, #tpu.memory_space<hbm>>
        %dma_wait3A_631 = tpu.memref_squeeze %dma_wait3A_630 : memref<1x576xf32, #tpu.memory_space<hbm>> -> memref<576xf32, #tpu.memory_space<hbm>>
        %dma_wait3A_632 = arith.constant 999424 : i32
        %dma_wait3A_633 = tpu.memref_slice %arg2[%run_scoped3A, %dma_wait3A_632] : memref<26x1000000xf32, #tpu.memory_space<hbm>> -> memref<1x576xf32, #tpu.memory_space<hbm>>
        %dma_wait3A_634 = tpu.memref_squeeze %dma_wait3A_633 : memref<1x576xf32, #tpu.memory_space<hbm>> -> memref<576xf32, #tpu.memory_space<hbm>>
        tpu.wait_dma2 semaphore(%run_scoped3A_622 : memref<!tpu.dma_semaphore, #tpu.memory_space<semaphore_mem>>) src(%dma_wait3A_634 : memref<576xf32, #tpu.memory_space<hbm>>) dst(%arg7 : memref<576xf32, #tpu.memory_space<vmem>>)
        tpu.yield
      }) : () -> ()
      "tpu.region"() ({
        %run_scoped3A_622 = tpu.sem_alloc : memref<!tpu.dma_semaphore, #tpu.memory_space<semaphore_mem>>
        %dma_start3A_623 = arith.constant 999424 : i32
        %dma_start3A_624 = tpu.memref_slice %arg3[%dma_start3A_623] : memref<26000000xf32, #tpu.memory_space<hbm>> -> memref<576xf32, #tpu.memory_space<hbm>>
        %dma_start3A_625 = arith.constant 999424 : i32
        %dma_start3A_626 = tpu.memref_slice %arg3[%dma_start3A_625] : memref<26000000xf32, #tpu.memory_space<hbm>> -> memref<576xf32, #tpu.memory_space<hbm>>
        tpu.enqueue_dma source(%arg7 : memref<576xf32, #tpu.memory_space<vmem>>) target(%dma_start3A_626 : memref<576xf32, #tpu.memory_space<hbm>>) target_semaphore(%run_scoped3A_622 : memref<!tpu.dma_semaphore, #tpu.memory_space<semaphore_mem>>)
        %dma_wait3A_627 = arith.constant 999424 : i32
        %dma_wait3A_628 = tpu.memref_slice %arg3[%dma_wait3A_627] : memref<26000000xf32, #tpu.memory_space<hbm>> -> memref<576xf32, #tpu.memory_space<hbm>>
        %dma_wait3A_629 = arith.constant 999424 : i32
        %dma_wait3A_630 = tpu.memref_slice %arg3[%dma_wait3A_629] : memref<26000000xf32, #tpu.memory_space<hbm>> -> memref<576xf32, #tpu.memory_space<hbm>>
        tpu.wait_dma2 semaphore(%run_scoped3A_622 : memref<!tpu.dma_semaphore, #tpu.memory_space<semaphore_mem>>) src(%arg7 : memref<576xf32, #tpu.memory_space<vmem>>) dst(%dma_wait3A_630 : memref<576xf32, #tpu.memory_space<hbm>>)
        tpu.yield
      }) : () -> ()
    } else {
    }
    %eq3A_497 = arith.constant 1 : i32
    %eq3A_498 = arith.cmpi eq, %add3A, %eq3A_497 : i32
    %convert_element_type3A_499 = arith.extui %eq3A_498 : i1 to i32
    %cond3A_500 = arith.constant 0 : i32
    %cond3A_501 = arith.cmpi ne, %convert_element_type3A_499, %cond3A_500 : i32
    scf.if %cond3A_501 {
      %run_scoped3A = arith.constant 1 : i32
      "tpu.region"() ({
        %run_scoped3A_622 = tpu.sem_alloc : memref<!tpu.dma_semaphore, #tpu.memory_space<semaphore_mem>>
        %dma_start3A_623 = arith.constant 999424 : i32
        %dma_start3A_624 = tpu.memref_slice %arg2[%run_scoped3A, %dma_start3A_623] : memref<26x1000000xf32, #tpu.memory_space<hbm>> -> memref<1x576xf32, #tpu.memory_space<hbm>>
        %dma_start3A_625 = tpu.memref_squeeze %dma_start3A_624 : memref<1x576xf32, #tpu.memory_space<hbm>> -> memref<576xf32, #tpu.memory_space<hbm>>
        %dma_start3A_626 = arith.constant 999424 : i32
        %dma_start3A_627 = tpu.memref_slice %arg2[%run_scoped3A, %dma_start3A_626] : memref<26x1000000xf32, #tpu.memory_space<hbm>> -> memref<1x576xf32, #tpu.memory_space<hbm>>
        %dma_start3A_628 = tpu.memref_squeeze %dma_start3A_627 : memref<1x576xf32, #tpu.memory_space<hbm>> -> memref<576xf32, #tpu.memory_space<hbm>>
        tpu.enqueue_dma source(%dma_start3A_628 : memref<576xf32, #tpu.memory_space<hbm>>) target(%arg7 : memref<576xf32, #tpu.memory_space<vmem>>) target_semaphore(%run_scoped3A_622 : memref<!tpu.dma_semaphore, #tpu.memory_space<semaphore_mem>>)
        %dma_wait3A_629 = arith.constant 999424 : i32
        %dma_wait3A_630 = tpu.memref_slice %arg2[%run_scoped3A, %dma_wait3A_629] : memref<26x1000000xf32, #tpu.memory_space<hbm>> -> memref<1x576xf32, #tpu.memory_space<hbm>>
        %dma_wait3A_631 = tpu.memref_squeeze %dma_wait3A_630 : memref<1x576xf32, #tpu.memory_space<hbm>> -> memref<576xf32, #tpu.memory_space<hbm>>
        %dma_wait3A_632 = arith.constant 999424 : i32
        %dma_wait3A_633 = tpu.memref_slice %arg2[%run_scoped3A, %dma_wait3A_632] : memref<26x1000000xf32, #tpu.memory_space<hbm>> -> memref<1x576xf32, #tpu.memory_space<hbm>>
        %dma_wait3A_634 = tpu.memref_squeeze %dma_wait3A_633 : memref<1x576xf32, #tpu.memory_space<hbm>> -> memref<576xf32, #tpu.memory_space<hbm>>
        tpu.wait_dma2 semaphore(%run_scoped3A_622 : memref<!tpu.dma_semaphore, #tpu.memory_space<semaphore_mem>>) src(%dma_wait3A_634 : memref<576xf32, #tpu.memory_space<hbm>>) dst(%arg7 : memref<576xf32, #tpu.memory_space<vmem>>)
        tpu.yield
      }) : () -> ()
      "tpu.region"() ({
        %run_scoped3A_622 = tpu.sem_alloc : memref<!tpu.dma_semaphore, #tpu.memory_space<semaphore_mem>>
        %dma_start3A_623 = arith.constant 1999424 : i32
        %dma_start3A_624 = tpu.memref_slice %arg3[%dma_start3A_623] : memref<26000000xf32, #tpu.memory_space<hbm>> -> memref<576xf32, #tpu.memory_space<hbm>>
        %dma_start3A_625 = arith.constant 1999424 : i32
        %dma_start3A_626 = tpu.memref_slice %arg3[%dma_start3A_625] : memref<26000000xf32, #tpu.memory_space<hbm>> -> memref<576xf32, #tpu.memory_space<hbm>>
        tpu.enqueue_dma source(%arg7 : memref<576xf32, #tpu.memory_space<vmem>>) target(%dma_start3A_626 : memref<576xf32, #tpu.memory_space<hbm>>) target_semaphore(%run_scoped3A_622 : memref<!tpu.dma_semaphore, #tpu.memory_space<semaphore_mem>>)
        %dma_wait3A_627 = arith.constant 1999424 : i32
        %dma_wait3A_628 = tpu.memref_slice %arg3[%dma_wait3A_627] : memref<26000000xf32, #tpu.memory_space<hbm>> -> memref<576xf32, #tpu.memory_space<hbm>>
        %dma_wait3A_629 = arith.constant 1999424 : i32
        %dma_wait3A_630 = tpu.memref_slice %arg3[%dma_wait3A_629] : memref<26000000xf32, #tpu.memory_space<hbm>> -> memref<576xf32, #tpu.memory_space<hbm>>
        tpu.wait_dma2 semaphore(%run_scoped3A_622 : memref<!tpu.dma_semaphore, #tpu.memory_space<semaphore_mem>>) src(%arg7 : memref<576xf32, #tpu.memory_space<vmem>>) dst(%dma_wait3A_630 : memref<576xf32, #tpu.memory_space<hbm>>)
        tpu.yield
      }) : () -> ()
    } else {
    }
    %eq3A_502 = arith.constant 2 : i32
    %eq3A_503 = arith.cmpi eq, %add3A, %eq3A_502 : i32
    %convert_element_type3A_504 = arith.extui %eq3A_503 : i1 to i32
    %cond3A_505 = arith.constant 0 : i32
    %cond3A_506 = arith.cmpi ne, %convert_element_type3A_504, %cond3A_505 : i32
    scf.if %cond3A_506 {
      %run_scoped3A = arith.constant 2 : i32
      "tpu.region"() ({
        %run_scoped3A_622 = tpu.sem_alloc : memref<!tpu.dma_semaphore, #tpu.memory_space<semaphore_mem>>
        %dma_start3A_623 = arith.constant 999424 : i32
        %dma_start3A_624 = tpu.memref_slice %arg2[%run_scoped3A, %dma_start3A_623] : memref<26x1000000xf32, #tpu.memory_space<hbm>> -> memref<1x576xf32, #tpu.memory_space<hbm>>
        %dma_start3A_625 = tpu.memref_squeeze %dma_start3A_624 : memref<1x576xf32, #tpu.memory_space<hbm>> -> memref<576xf32, #tpu.memory_space<hbm>>
        %dma_start3A_626 = arith.constant 999424 : i32
        %dma_start3A_627 = tpu.memref_slice %arg2[%run_scoped3A, %dma_start3A_626] : memref<26x1000000xf32, #tpu.memory_space<hbm>> -> memref<1x576xf32, #tpu.memory_space<hbm>>
        %dma_start3A_628 = tpu.memref_squeeze %dma_start3A_627 : memref<1x576xf32, #tpu.memory_space<hbm>> -> memref<576xf32, #tpu.memory_space<hbm>>
        tpu.enqueue_dma source(%dma_start3A_628 : memref<576xf32, #tpu.memory_space<hbm>>) target(%arg7 : memref<576xf32, #tpu.memory_space<vmem>>) target_semaphore(%run_scoped3A_622 : memref<!tpu.dma_semaphore, #tpu.memory_space<semaphore_mem>>)
        %dma_wait3A_629 = arith.constant 999424 : i32
        %dma_wait3A_630 = tpu.memref_slice %arg2[%run_scoped3A, %dma_wait3A_629] : memref<26x1000000xf32, #tpu.memory_space<hbm>> -> memref<1x576xf32, #tpu.memory_space<hbm>>
        %dma_wait3A_631 = tpu.memref_squeeze %dma_wait3A_630 : memref<1x576xf32, #tpu.memory_space<hbm>> -> memref<576xf32, #tpu.memory_space<hbm>>
        %dma_wait3A_632 = arith.constant 999424 : i32
        %dma_wait3A_633 = tpu.memref_slice %arg2[%run_scoped3A, %dma_wait3A_632] : memref<26x1000000xf32, #tpu.memory_space<hbm>> -> memref<1x576xf32, #tpu.memory_space<hbm>>
        %dma_wait3A_634 = tpu.memref_squeeze %dma_wait3A_633 : memref<1x576xf32, #tpu.memory_space<hbm>> -> memref<576xf32, #tpu.memory_space<hbm>>
        tpu.wait_dma2 semaphore(%run_scoped3A_622 : memref<!tpu.dma_semaphore, #tpu.memory_space<semaphore_mem>>) src(%dma_wait3A_634 : memref<576xf32, #tpu.memory_space<hbm>>) dst(%arg7 : memref<576xf32, #tpu.memory_space<vmem>>)
        tpu.yield
      }) : () -> ()
      "tpu.region"() ({
        %run_scoped3A_622 = tpu.sem_alloc : memref<!tpu.dma_semaphore, #tpu.memory_space<semaphore_mem>>
        %dma_start3A_623 = arith.constant 2999424 : i32
        %dma_start3A_624 = tpu.memref_slice %arg3[%dma_start3A_623] : memref<26000000xf32, #tpu.memory_space<hbm>> -> memref<576xf32, #tpu.memory_space<hbm>>
        %dma_start3A_625 = arith.constant 2999424 : i32
        %dma_start3A_626 = tpu.memref_slice %arg3[%dma_start3A_625] : memref<26000000xf32, #tpu.memory_space<hbm>> -> memref<576xf32, #tpu.memory_space<hbm>>
        tpu.enqueue_dma source(%arg7 : memref<576xf32, #tpu.memory_space<vmem>>) target(%dma_start3A_626 : memref<576xf32, #tpu.memory_space<hbm>>) target_semaphore(%run_scoped3A_622 : memref<!tpu.dma_semaphore, #tpu.memory_space<semaphore_mem>>)
        %dma_wait3A_627 = arith.constant 2999424 : i32
        %dma_wait3A_628 = tpu.memref_slice %arg3[%dma_wait3A_627] : memref<26000000xf32, #tpu.memory_space<hbm>> -> memref<576xf32, #tpu.memory_space<hbm>>
        %dma_wait3A_629 = arith.constant 2999424 : i32
        %dma_wait3A_630 = tpu.memref_slice %arg3[%dma_wait3A_629] : memref<26000000xf32, #tpu.memory_space<hbm>> -> memref<576xf32, #tpu.memory_space<hbm>>
        tpu.wait_dma2 semaphore(%run_scoped3A_622 : memref<!tpu.dma_semaphore, #tpu.memory_space<semaphore_mem>>) src(%arg7 : memref<576xf32, #tpu.memory_space<vmem>>) dst(%dma_wait3A_630 : memref<576xf32, #tpu.memory_space<hbm>>)
        tpu.yield
      }) : () -> ()
    } else {
    }
    %eq3A_507 = arith.constant 3 : i32
    %eq3A_508 = arith.cmpi eq, %add3A, %eq3A_507 : i32
    %convert_element_type3A_509 = arith.extui %eq3A_508 : i1 to i32
    %cond3A_510 = arith.constant 0 : i32
    %cond3A_511 = arith.cmpi ne, %convert_element_type3A_509, %cond3A_510 : i32
    scf.if %cond3A_511 {
      %run_scoped3A = arith.constant 3 : i32
      "tpu.region"() ({
        %run_scoped3A_622 = tpu.sem_alloc : memref<!tpu.dma_semaphore, #tpu.memory_space<semaphore_mem>>
        %dma_start3A_623 = arith.constant 999424 : i32
        %dma_start3A_624 = tpu.memref_slice %arg2[%run_scoped3A, %dma_start3A_623] : memref<26x1000000xf32, #tpu.memory_space<hbm>> -> memref<1x576xf32, #tpu.memory_space<hbm>>
        %dma_start3A_625 = tpu.memref_squeeze %dma_start3A_624 : memref<1x576xf32, #tpu.memory_space<hbm>> -> memref<576xf32, #tpu.memory_space<hbm>>
        %dma_start3A_626 = arith.constant 999424 : i32
        %dma_start3A_627 = tpu.memref_slice %arg2[%run_scoped3A, %dma_start3A_626] : memref<26x1000000xf32, #tpu.memory_space<hbm>> -> memref<1x576xf32, #tpu.memory_space<hbm>>
        %dma_start3A_628 = tpu.memref_squeeze %dma_start3A_627 : memref<1x576xf32, #tpu.memory_space<hbm>> -> memref<576xf32, #tpu.memory_space<hbm>>
        tpu.enqueue_dma source(%dma_start3A_628 : memref<576xf32, #tpu.memory_space<hbm>>) target(%arg7 : memref<576xf32, #tpu.memory_space<vmem>>) target_semaphore(%run_scoped3A_622 : memref<!tpu.dma_semaphore, #tpu.memory_space<semaphore_mem>>)
        %dma_wait3A_629 = arith.constant 999424 : i32
        %dma_wait3A_630 = tpu.memref_slice %arg2[%run_scoped3A, %dma_wait3A_629] : memref<26x1000000xf32, #tpu.memory_space<hbm>> -> memref<1x576xf32, #tpu.memory_space<hbm>>
        %dma_wait3A_631 = tpu.memref_squeeze %dma_wait3A_630 : memref<1x576xf32, #tpu.memory_space<hbm>> -> memref<576xf32, #tpu.memory_space<hbm>>
        %dma_wait3A_632 = arith.constant 999424 : i32
        %dma_wait3A_633 = tpu.memref_slice %arg2[%run_scoped3A, %dma_wait3A_632] : memref<26x1000000xf32, #tpu.memory_space<hbm>> -> memref<1x576xf32, #tpu.memory_space<hbm>>
        %dma_wait3A_634 = tpu.memref_squeeze %dma_wait3A_633 : memref<1x576xf32, #tpu.memory_space<hbm>> -> memref<576xf32, #tpu.memory_space<hbm>>
        tpu.wait_dma2 semaphore(%run_scoped3A_622 : memref<!tpu.dma_semaphore, #tpu.memory_space<semaphore_mem>>) src(%dma_wait3A_634 : memref<576xf32, #tpu.memory_space<hbm>>) dst(%arg7 : memref<576xf32, #tpu.memory_space<vmem>>)
        tpu.yield
      }) : () -> ()
      "tpu.region"() ({
        %run_scoped3A_622 = tpu.sem_alloc : memref<!tpu.dma_semaphore, #tpu.memory_space<semaphore_mem>>
        %dma_start3A_623 = arith.constant 3999424 : i32
        %dma_start3A_624 = tpu.memref_slice %arg3[%dma_start3A_623] : memref<26000000xf32, #tpu.memory_space<hbm>> -> memref<576xf32, #tpu.memory_space<hbm>>
        %dma_start3A_625 = arith.constant 3999424 : i32
        %dma_start3A_626 = tpu.memref_slice %arg3[%dma_start3A_625] : memref<26000000xf32, #tpu.memory_space<hbm>> -> memref<576xf32, #tpu.memory_space<hbm>>
        tpu.enqueue_dma source(%arg7 : memref<576xf32, #tpu.memory_space<vmem>>) target(%dma_start3A_626 : memref<576xf32, #tpu.memory_space<hbm>>) target_semaphore(%run_scoped3A_622 : memref<!tpu.dma_semaphore, #tpu.memory_space<semaphore_mem>>)
        %dma_wait3A_627 = arith.constant 3999424 : i32
        %dma_wait3A_628 = tpu.memref_slice %arg3[%dma_wait3A_627] : memref<26000000xf32, #tpu.memory_space<hbm>> -> memref<576xf32, #tpu.memory_space<hbm>>
        %dma_wait3A_629 = arith.constant 3999424 : i32
        %dma_wait3A_630 = tpu.memref_slice %arg3[%dma_wait3A_629] : memref<26000000xf32, #tpu.memory_space<hbm>> -> memref<576xf32, #tpu.memory_space<hbm>>
        tpu.wait_dma2 semaphore(%run_scoped3A_622 : memref<!tpu.dma_semaphore, #tpu.memory_space<semaphore_mem>>) src(%arg7 : memref<576xf32, #tpu.memory_space<vmem>>) dst(%dma_wait3A_630 : memref<576xf32, #tpu.memory_space<hbm>>)
        tpu.yield
      }) : () -> ()
    } else {
    }
    %eq3A_512 = arith.constant 4 : i32
    %eq3A_513 = arith.cmpi eq, %add3A, %eq3A_512 : i32
    %convert_element_type3A_514 = arith.extui %eq3A_513 : i1 to i32
    %cond3A_515 = arith.constant 0 : i32
    %cond3A_516 = arith.cmpi ne, %convert_element_type3A_514, %cond3A_515 : i32
    scf.if %cond3A_516 {
      %run_scoped3A = arith.constant 4 : i32
      "tpu.region"() ({
        %run_scoped3A_622 = tpu.sem_alloc : memref<!tpu.dma_semaphore, #tpu.memory_space<semaphore_mem>>
        %dma_start3A_623 = arith.constant 999424 : i32
        %dma_start3A_624 = tpu.memref_slice %arg2[%run_scoped3A, %dma_start3A_623] : memref<26x1000000xf32, #tpu.memory_space<hbm>> -> memref<1x576xf32, #tpu.memory_space<hbm>>
        %dma_start3A_625 = tpu.memref_squeeze %dma_start3A_624 : memref<1x576xf32, #tpu.memory_space<hbm>> -> memref<576xf32, #tpu.memory_space<hbm>>
        %dma_start3A_626 = arith.constant 999424 : i32
        %dma_start3A_627 = tpu.memref_slice %arg2[%run_scoped3A, %dma_start3A_626] : memref<26x1000000xf32, #tpu.memory_space<hbm>> -> memref<1x576xf32, #tpu.memory_space<hbm>>
        %dma_start3A_628 = tpu.memref_squeeze %dma_start3A_627 : memref<1x576xf32, #tpu.memory_space<hbm>> -> memref<576xf32, #tpu.memory_space<hbm>>
        tpu.enqueue_dma source(%dma_start3A_628 : memref<576xf32, #tpu.memory_space<hbm>>) target(%arg7 : memref<576xf32, #tpu.memory_space<vmem>>) target_semaphore(%run_scoped3A_622 : memref<!tpu.dma_semaphore, #tpu.memory_space<semaphore_mem>>)
        %dma_wait3A_629 = arith.constant 999424 : i32
        %dma_wait3A_630 = tpu.memref_slice %arg2[%run_scoped3A, %dma_wait3A_629] : memref<26x1000000xf32, #tpu.memory_space<hbm>> -> memref<1x576xf32, #tpu.memory_space<hbm>>
        %dma_wait3A_631 = tpu.memref_squeeze %dma_wait3A_630 : memref<1x576xf32, #tpu.memory_space<hbm>> -> memref<576xf32, #tpu.memory_space<hbm>>
        %dma_wait3A_632 = arith.constant 999424 : i32
        %dma_wait3A_633 = tpu.memref_slice %arg2[%run_scoped3A, %dma_wait3A_632] : memref<26x1000000xf32, #tpu.memory_space<hbm>> -> memref<1x576xf32, #tpu.memory_space<hbm>>
        %dma_wait3A_634 = tpu.memref_squeeze %dma_wait3A_633 : memref<1x576xf32, #tpu.memory_space<hbm>> -> memref<576xf32, #tpu.memory_space<hbm>>
        tpu.wait_dma2 semaphore(%run_scoped3A_622 : memref<!tpu.dma_semaphore, #tpu.memory_space<semaphore_mem>>) src(%dma_wait3A_634 : memref<576xf32, #tpu.memory_space<hbm>>) dst(%arg7 : memref<576xf32, #tpu.memory_space<vmem>>)
        tpu.yield
      }) : () -> ()
      "tpu.region"() ({
        %run_scoped3A_622 = tpu.sem_alloc : memref<!tpu.dma_semaphore, #tpu.memory_space<semaphore_mem>>
        %dma_start3A_623 = arith.constant 4999424 : i32
        %dma_start3A_624 = tpu.memref_slice %arg3[%dma_start3A_623] : memref<26000000xf32, #tpu.memory_space<hbm>> -> memref<576xf32, #tpu.memory_space<hbm>>
        %dma_start3A_625 = arith.constant 4999424 : i32
        %dma_start3A_626 = tpu.memref_slice %arg3[%dma_start3A_625] : memref<26000000xf32, #tpu.memory_space<hbm>> -> memref<576xf32, #tpu.memory_space<hbm>>
        tpu.enqueue_dma source(%arg7 : memref<576xf32, #tpu.memory_space<vmem>>) target(%dma_start3A_626 : memref<576xf32, #tpu.memory_space<hbm>>) target_semaphore(%run_scoped3A_622 : memref<!tpu.dma_semaphore, #tpu.memory_space<semaphore_mem>>)
        %dma_wait3A_627 = arith.constant 4999424 : i32
        %dma_wait3A_628 = tpu.memref_slice %arg3[%dma_wait3A_627] : memref<26000000xf32, #tpu.memory_space<hbm>> -> memref<576xf32, #tpu.memory_space<hbm>>
        %dma_wait3A_629 = arith.constant 4999424 : i32
        %dma_wait3A_630 = tpu.memref_slice %arg3[%dma_wait3A_629] : memref<26000000xf32, #tpu.memory_space<hbm>> -> memref<576xf32, #tpu.memory_space<hbm>>
        tpu.wait_dma2 semaphore(%run_scoped3A_622 : memref<!tpu.dma_semaphore, #tpu.memory_space<semaphore_mem>>) src(%arg7 : memref<576xf32, #tpu.memory_space<vmem>>) dst(%dma_wait3A_630 : memref<576xf32, #tpu.memory_space<hbm>>)
        tpu.yield
      }) : () -> ()
    } else {
    }
    %eq3A_517 = arith.constant 5 : i32
    %eq3A_518 = arith.cmpi eq, %add3A, %eq3A_517 : i32
    %convert_element_type3A_519 = arith.extui %eq3A_518 : i1 to i32
    %cond3A_520 = arith.constant 0 : i32
    %cond3A_521 = arith.cmpi ne, %convert_element_type3A_519, %cond3A_520 : i32
    scf.if %cond3A_521 {
      %run_scoped3A = arith.constant 5 : i32
      "tpu.region"() ({
        %run_scoped3A_622 = tpu.sem_alloc : memref<!tpu.dma_semaphore, #tpu.memory_space<semaphore_mem>>
        %dma_start3A_623 = arith.constant 999424 : i32
        %dma_start3A_624 = tpu.memref_slice %arg2[%run_scoped3A, %dma_start3A_623] : memref<26x1000000xf32, #tpu.memory_space<hbm>> -> memref<1x576xf32, #tpu.memory_space<hbm>>
        %dma_start3A_625 = tpu.memref_squeeze %dma_start3A_624 : memref<1x576xf32, #tpu.memory_space<hbm>> -> memref<576xf32, #tpu.memory_space<hbm>>
        %dma_start3A_626 = arith.constant 999424 : i32
        %dma_start3A_627 = tpu.memref_slice %arg2[%run_scoped3A, %dma_start3A_626] : memref<26x1000000xf32, #tpu.memory_space<hbm>> -> memref<1x576xf32, #tpu.memory_space<hbm>>
        %dma_start3A_628 = tpu.memref_squeeze %dma_start3A_627 : memref<1x576xf32, #tpu.memory_space<hbm>> -> memref<576xf32, #tpu.memory_space<hbm>>
        tpu.enqueue_dma source(%dma_start3A_628 : memref<576xf32, #tpu.memory_space<hbm>>) target(%arg7 : memref<576xf32, #tpu.memory_space<vmem>>) target_semaphore(%run_scoped3A_622 : memref<!tpu.dma_semaphore, #tpu.memory_space<semaphore_mem>>)
        %dma_wait3A_629 = arith.constant 999424 : i32
        %dma_wait3A_630 = tpu.memref_slice %arg2[%run_scoped3A, %dma_wait3A_629] : memref<26x1000000xf32, #tpu.memory_space<hbm>> -> memref<1x576xf32, #tpu.memory_space<hbm>>
        %dma_wait3A_631 = tpu.memref_squeeze %dma_wait3A_630 : memref<1x576xf32, #tpu.memory_space<hbm>> -> memref<576xf32, #tpu.memory_space<hbm>>
        %dma_wait3A_632 = arith.constant 999424 : i32
        %dma_wait3A_633 = tpu.memref_slice %arg2[%run_scoped3A, %dma_wait3A_632] : memref<26x1000000xf32, #tpu.memory_space<hbm>> -> memref<1x576xf32, #tpu.memory_space<hbm>>
        %dma_wait3A_634 = tpu.memref_squeeze %dma_wait3A_633 : memref<1x576xf32, #tpu.memory_space<hbm>> -> memref<576xf32, #tpu.memory_space<hbm>>
        tpu.wait_dma2 semaphore(%run_scoped3A_622 : memref<!tpu.dma_semaphore, #tpu.memory_space<semaphore_mem>>) src(%dma_wait3A_634 : memref<576xf32, #tpu.memory_space<hbm>>) dst(%arg7 : memref<576xf32, #tpu.memory_space<vmem>>)
        tpu.yield
      }) : () -> ()
      "tpu.region"() ({
        %run_scoped3A_622 = tpu.sem_alloc : memref<!tpu.dma_semaphore, #tpu.memory_space<semaphore_mem>>
        %dma_start3A_623 = arith.constant 5999424 : i32
        %dma_start3A_624 = tpu.memref_slice %arg3[%dma_start3A_623] : memref<26000000xf32, #tpu.memory_space<hbm>> -> memref<576xf32, #tpu.memory_space<hbm>>
        %dma_start3A_625 = arith.constant 5999424 : i32
        %dma_start3A_626 = tpu.memref_slice %arg3[%dma_start3A_625] : memref<26000000xf32, #tpu.memory_space<hbm>> -> memref<576xf32, #tpu.memory_space<hbm>>
        tpu.enqueue_dma source(%arg7 : memref<576xf32, #tpu.memory_space<vmem>>) target(%dma_start3A_626 : memref<576xf32, #tpu.memory_space<hbm>>) target_semaphore(%run_scoped3A_622 : memref<!tpu.dma_semaphore, #tpu.memory_space<semaphore_mem>>)
        %dma_wait3A_627 = arith.constant 5999424 : i32
        %dma_wait3A_628 = tpu.memref_slice %arg3[%dma_wait3A_627] : memref<26000000xf32, #tpu.memory_space<hbm>> -> memref<576xf32, #tpu.memory_space<hbm>>
        %dma_wait3A_629 = arith.constant 5999424 : i32
        %dma_wait3A_630 = tpu.memref_slice %arg3[%dma_wait3A_629] : memref<26000000xf32, #tpu.memory_space<hbm>> -> memref<576xf32, #tpu.memory_space<hbm>>
        tpu.wait_dma2 semaphore(%run_scoped3A_622 : memref<!tpu.dma_semaphore, #tpu.memory_space<semaphore_mem>>) src(%arg7 : memref<576xf32, #tpu.memory_space<vmem>>) dst(%dma_wait3A_630 : memref<576xf32, #tpu.memory_space<hbm>>)
        tpu.yield
      }) : () -> ()
    } else {
    }
    %eq3A_522 = arith.constant 6 : i32
    %eq3A_523 = arith.cmpi eq, %add3A, %eq3A_522 : i32
    %convert_element_type3A_524 = arith.extui %eq3A_523 : i1 to i32
    %cond3A_525 = arith.constant 0 : i32
    %cond3A_526 = arith.cmpi ne, %convert_element_type3A_524, %cond3A_525 : i32
    scf.if %cond3A_526 {
      %run_scoped3A = arith.constant 6 : i32
      "tpu.region"() ({
        %run_scoped3A_622 = tpu.sem_alloc : memref<!tpu.dma_semaphore, #tpu.memory_space<semaphore_mem>>
        %dma_start3A_623 = arith.constant 999424 : i32
        %dma_start3A_624 = tpu.memref_slice %arg2[%run_scoped3A, %dma_start3A_623] : memref<26x1000000xf32, #tpu.memory_space<hbm>> -> memref<1x576xf32, #tpu.memory_space<hbm>>
        %dma_start3A_625 = tpu.memref_squeeze %dma_start3A_624 : memref<1x576xf32, #tpu.memory_space<hbm>> -> memref<576xf32, #tpu.memory_space<hbm>>
        %dma_start3A_626 = arith.constant 999424 : i32
        %dma_start3A_627 = tpu.memref_slice %arg2[%run_scoped3A, %dma_start3A_626] : memref<26x1000000xf32, #tpu.memory_space<hbm>> -> memref<1x576xf32, #tpu.memory_space<hbm>>
        %dma_start3A_628 = tpu.memref_squeeze %dma_start3A_627 : memref<1x576xf32, #tpu.memory_space<hbm>> -> memref<576xf32, #tpu.memory_space<hbm>>
        tpu.enqueue_dma source(%dma_start3A_628 : memref<576xf32, #tpu.memory_space<hbm>>) target(%arg7 : memref<576xf32, #tpu.memory_space<vmem>>) target_semaphore(%run_scoped3A_622 : memref<!tpu.dma_semaphore, #tpu.memory_space<semaphore_mem>>)
        %dma_wait3A_629 = arith.constant 999424 : i32
        %dma_wait3A_630 = tpu.memref_slice %arg2[%run_scoped3A, %dma_wait3A_629] : memref<26x1000000xf32, #tpu.memory_space<hbm>> -> memref<1x576xf32, #tpu.memory_space<hbm>>
        %dma_wait3A_631 = tpu.memref_squeeze %dma_wait3A_630 : memref<1x576xf32, #tpu.memory_space<hbm>> -> memref<576xf32, #tpu.memory_space<hbm>>
        %dma_wait3A_632 = arith.constant 999424 : i32
        %dma_wait3A_633 = tpu.memref_slice %arg2[%run_scoped3A, %dma_wait3A_632] : memref<26x1000000xf32, #tpu.memory_space<hbm>> -> memref<1x576xf32, #tpu.memory_space<hbm>>
        %dma_wait3A_634 = tpu.memref_squeeze %dma_wait3A_633 : memref<1x576xf32, #tpu.memory_space<hbm>> -> memref<576xf32, #tpu.memory_space<hbm>>
        tpu.wait_dma2 semaphore(%run_scoped3A_622 : memref<!tpu.dma_semaphore, #tpu.memory_space<semaphore_mem>>) src(%dma_wait3A_634 : memref<576xf32, #tpu.memory_space<hbm>>) dst(%arg7 : memref<576xf32, #tpu.memory_space<vmem>>)
        tpu.yield
      }) : () -> ()
      "tpu.region"() ({
        %run_scoped3A_622 = tpu.sem_alloc : memref<!tpu.dma_semaphore, #tpu.memory_space<semaphore_mem>>
        %dma_start3A_623 = arith.constant 6999424 : i32
        %dma_start3A_624 = tpu.memref_slice %arg3[%dma_start3A_623] : memref<26000000xf32, #tpu.memory_space<hbm>> -> memref<576xf32, #tpu.memory_space<hbm>>
        %dma_start3A_625 = arith.constant 6999424 : i32
        %dma_start3A_626 = tpu.memref_slice %arg3[%dma_start3A_625] : memref<26000000xf32, #tpu.memory_space<hbm>> -> memref<576xf32, #tpu.memory_space<hbm>>
        tpu.enqueue_dma source(%arg7 : memref<576xf32, #tpu.memory_space<vmem>>) target(%dma_start3A_626 : memref<576xf32, #tpu.memory_space<hbm>>) target_semaphore(%run_scoped3A_622 : memref<!tpu.dma_semaphore, #tpu.memory_space<semaphore_mem>>)
        %dma_wait3A_627 = arith.constant 6999424 : i32
        %dma_wait3A_628 = tpu.memref_slice %arg3[%dma_wait3A_627] : memref<26000000xf32, #tpu.memory_space<hbm>> -> memref<576xf32, #tpu.memory_space<hbm>>
        %dma_wait3A_629 = arith.constant 6999424 : i32
        %dma_wait3A_630 = tpu.memref_slice %arg3[%dma_wait3A_629] : memref<26000000xf32, #tpu.memory_space<hbm>> -> memref<576xf32, #tpu.memory_space<hbm>>
        tpu.wait_dma2 semaphore(%run_scoped3A_622 : memref<!tpu.dma_semaphore, #tpu.memory_space<semaphore_mem>>) src(%arg7 : memref<576xf32, #tpu.memory_space<vmem>>) dst(%dma_wait3A_630 : memref<576xf32, #tpu.memory_space<hbm>>)
        tpu.yield
      }) : () -> ()
    } else {
    }
    %eq3A_527 = arith.constant 7 : i32
    %eq3A_528 = arith.cmpi eq, %add3A, %eq3A_527 : i32
    %convert_element_type3A_529 = arith.extui %eq3A_528 : i1 to i32
    %cond3A_530 = arith.constant 0 : i32
    %cond3A_531 = arith.cmpi ne, %convert_element_type3A_529, %cond3A_530 : i32
    scf.if %cond3A_531 {
      %run_scoped3A = arith.constant 7 : i32
      "tpu.region"() ({
        %run_scoped3A_622 = tpu.sem_alloc : memref<!tpu.dma_semaphore, #tpu.memory_space<semaphore_mem>>
        %dma_start3A_623 = arith.constant 999424 : i32
        %dma_start3A_624 = tpu.memref_slice %arg2[%run_scoped3A, %dma_start3A_623] : memref<26x1000000xf32, #tpu.memory_space<hbm>> -> memref<1x576xf32, #tpu.memory_space<hbm>>
        %dma_start3A_625 = tpu.memref_squeeze %dma_start3A_624 : memref<1x576xf32, #tpu.memory_space<hbm>> -> memref<576xf32, #tpu.memory_space<hbm>>
        %dma_start3A_626 = arith.constant 999424 : i32
        %dma_start3A_627 = tpu.memref_slice %arg2[%run_scoped3A, %dma_start3A_626] : memref<26x1000000xf32, #tpu.memory_space<hbm>> -> memref<1x576xf32, #tpu.memory_space<hbm>>
        %dma_start3A_628 = tpu.memref_squeeze %dma_start3A_627 : memref<1x576xf32, #tpu.memory_space<hbm>> -> memref<576xf32, #tpu.memory_space<hbm>>
        tpu.enqueue_dma source(%dma_start3A_628 : memref<576xf32, #tpu.memory_space<hbm>>) target(%arg7 : memref<576xf32, #tpu.memory_space<vmem>>) target_semaphore(%run_scoped3A_622 : memref<!tpu.dma_semaphore, #tpu.memory_space<semaphore_mem>>)
        %dma_wait3A_629 = arith.constant 999424 : i32
        %dma_wait3A_630 = tpu.memref_slice %arg2[%run_scoped3A, %dma_wait3A_629] : memref<26x1000000xf32, #tpu.memory_space<hbm>> -> memref<1x576xf32, #tpu.memory_space<hbm>>
        %dma_wait3A_631 = tpu.memref_squeeze %dma_wait3A_630 : memref<1x576xf32, #tpu.memory_space<hbm>> -> memref<576xf32, #tpu.memory_space<hbm>>
        %dma_wait3A_632 = arith.constant 999424 : i32
        %dma_wait3A_633 = tpu.memref_slice %arg2[%run_scoped3A, %dma_wait3A_632] : memref<26x1000000xf32, #tpu.memory_space<hbm>> -> memref<1x576xf32, #tpu.memory_space<hbm>>
        %dma_wait3A_634 = tpu.memref_squeeze %dma_wait3A_633 : memref<1x576xf32, #tpu.memory_space<hbm>> -> memref<576xf32, #tpu.memory_space<hbm>>
        tpu.wait_dma2 semaphore(%run_scoped3A_622 : memref<!tpu.dma_semaphore, #tpu.memory_space<semaphore_mem>>) src(%dma_wait3A_634 : memref<576xf32, #tpu.memory_space<hbm>>) dst(%arg7 : memref<576xf32, #tpu.memory_space<vmem>>)
        tpu.yield
      }) : () -> ()
      "tpu.region"() ({
        %run_scoped3A_622 = tpu.sem_alloc : memref<!tpu.dma_semaphore, #tpu.memory_space<semaphore_mem>>
        %dma_start3A_623 = arith.constant 7999424 : i32
        %dma_start3A_624 = tpu.memref_slice %arg3[%dma_start3A_623] : memref<26000000xf32, #tpu.memory_space<hbm>> -> memref<576xf32, #tpu.memory_space<hbm>>
        %dma_start3A_625 = arith.constant 7999424 : i32
        %dma_start3A_626 = tpu.memref_slice %arg3[%dma_start3A_625] : memref<26000000xf32, #tpu.memory_space<hbm>> -> memref<576xf32, #tpu.memory_space<hbm>>
        tpu.enqueue_dma source(%arg7 : memref<576xf32, #tpu.memory_space<vmem>>) target(%dma_start3A_626 : memref<576xf32, #tpu.memory_space<hbm>>) target_semaphore(%run_scoped3A_622 : memref<!tpu.dma_semaphore, #tpu.memory_space<semaphore_mem>>)
        %dma_wait3A_627 = arith.constant 7999424 : i32
        %dma_wait3A_628 = tpu.memref_slice %arg3[%dma_wait3A_627] : memref<26000000xf32, #tpu.memory_space<hbm>> -> memref<576xf32, #tpu.memory_space<hbm>>
        %dma_wait3A_629 = arith.constant 7999424 : i32
        %dma_wait3A_630 = tpu.memref_slice %arg3[%dma_wait3A_629] : memref<26000000xf32, #tpu.memory_space<hbm>> -> memref<576xf32, #tpu.memory_space<hbm>>
        tpu.wait_dma2 semaphore(%run_scoped3A_622 : memref<!tpu.dma_semaphore, #tpu.memory_space<semaphore_mem>>) src(%arg7 : memref<576xf32, #tpu.memory_space<vmem>>) dst(%dma_wait3A_630 : memref<576xf32, #tpu.memory_space<hbm>>)
        tpu.yield
      }) : () -> ()
    } else {
    }
    %eq3A_532 = arith.constant 8 : i32
    %eq3A_533 = arith.cmpi eq, %add3A, %eq3A_532 : i32
    %convert_element_type3A_534 = arith.extui %eq3A_533 : i1 to i32
    %cond3A_535 = arith.constant 0 : i32
    %cond3A_536 = arith.cmpi ne, %convert_element_type3A_534, %cond3A_535 : i32
    scf.if %cond3A_536 {
      %run_scoped3A = arith.constant 8 : i32
      "tpu.region"() ({
        %run_scoped3A_622 = tpu.sem_alloc : memref<!tpu.dma_semaphore, #tpu.memory_space<semaphore_mem>>
        %dma_start3A_623 = arith.constant 999424 : i32
        %dma_start3A_624 = tpu.memref_slice %arg2[%run_scoped3A, %dma_start3A_623] : memref<26x1000000xf32, #tpu.memory_space<hbm>> -> memref<1x576xf32, #tpu.memory_space<hbm>>
        %dma_start3A_625 = tpu.memref_squeeze %dma_start3A_624 : memref<1x576xf32, #tpu.memory_space<hbm>> -> memref<576xf32, #tpu.memory_space<hbm>>
        %dma_start3A_626 = arith.constant 999424 : i32
        %dma_start3A_627 = tpu.memref_slice %arg2[%run_scoped3A, %dma_start3A_626] : memref<26x1000000xf32, #tpu.memory_space<hbm>> -> memref<1x576xf32, #tpu.memory_space<hbm>>
        %dma_start3A_628 = tpu.memref_squeeze %dma_start3A_627 : memref<1x576xf32, #tpu.memory_space<hbm>> -> memref<576xf32, #tpu.memory_space<hbm>>
        tpu.enqueue_dma source(%dma_start3A_628 : memref<576xf32, #tpu.memory_space<hbm>>) target(%arg7 : memref<576xf32, #tpu.memory_space<vmem>>) target_semaphore(%run_scoped3A_622 : memref<!tpu.dma_semaphore, #tpu.memory_space<semaphore_mem>>)
        %dma_wait3A_629 = arith.constant 999424 : i32
        %dma_wait3A_630 = tpu.memref_slice %arg2[%run_scoped3A, %dma_wait3A_629] : memref<26x1000000xf32, #tpu.memory_space<hbm>> -> memref<1x576xf32, #tpu.memory_space<hbm>>
        %dma_wait3A_631 = tpu.memref_squeeze %dma_wait3A_630 : memref<1x576xf32, #tpu.memory_space<hbm>> -> memref<576xf32, #tpu.memory_space<hbm>>
        %dma_wait3A_632 = arith.constant 999424 : i32
        %dma_wait3A_633 = tpu.memref_slice %arg2[%run_scoped3A, %dma_wait3A_632] : memref<26x1000000xf32, #tpu.memory_space<hbm>> -> memref<1x576xf32, #tpu.memory_space<hbm>>
        %dma_wait3A_634 = tpu.memref_squeeze %dma_wait3A_633 : memref<1x576xf32, #tpu.memory_space<hbm>> -> memref<576xf32, #tpu.memory_space<hbm>>
        tpu.wait_dma2 semaphore(%run_scoped3A_622 : memref<!tpu.dma_semaphore, #tpu.memory_space<semaphore_mem>>) src(%dma_wait3A_634 : memref<576xf32, #tpu.memory_space<hbm>>) dst(%arg7 : memref<576xf32, #tpu.memory_space<vmem>>)
        tpu.yield
      }) : () -> ()
      "tpu.region"() ({
        %run_scoped3A_622 = tpu.sem_alloc : memref<!tpu.dma_semaphore, #tpu.memory_space<semaphore_mem>>
        %dma_start3A_623 = arith.constant 8999424 : i32
        %dma_start3A_624 = tpu.memref_slice %arg3[%dma_start3A_623] : memref<26000000xf32, #tpu.memory_space<hbm>> -> memref<576xf32, #tpu.memory_space<hbm>>
        %dma_start3A_625 = arith.constant 8999424 : i32
        %dma_start3A_626 = tpu.memref_slice %arg3[%dma_start3A_625] : memref<26000000xf32, #tpu.memory_space<hbm>> -> memref<576xf32, #tpu.memory_space<hbm>>
        tpu.enqueue_dma source(%arg7 : memref<576xf32, #tpu.memory_space<vmem>>) target(%dma_start3A_626 : memref<576xf32, #tpu.memory_space<hbm>>) target_semaphore(%run_scoped3A_622 : memref<!tpu.dma_semaphore, #tpu.memory_space<semaphore_mem>>)
        %dma_wait3A_627 = arith.constant 8999424 : i32
        %dma_wait3A_628 = tpu.memref_slice %arg3[%dma_wait3A_627] : memref<26000000xf32, #tpu.memory_space<hbm>> -> memref<576xf32, #tpu.memory_space<hbm>>
        %dma_wait3A_629 = arith.constant 8999424 : i32
        %dma_wait3A_630 = tpu.memref_slice %arg3[%dma_wait3A_629] : memref<26000000xf32, #tpu.memory_space<hbm>> -> memref<576xf32, #tpu.memory_space<hbm>>
        tpu.wait_dma2 semaphore(%run_scoped3A_622 : memref<!tpu.dma_semaphore, #tpu.memory_space<semaphore_mem>>) src(%arg7 : memref<576xf32, #tpu.memory_space<vmem>>) dst(%dma_wait3A_630 : memref<576xf32, #tpu.memory_space<hbm>>)
        tpu.yield
      }) : () -> ()
    } else {
    }
    %eq3A_537 = arith.constant 9 : i32
    %eq3A_538 = arith.cmpi eq, %add3A, %eq3A_537 : i32
    %convert_element_type3A_539 = arith.extui %eq3A_538 : i1 to i32
    %cond3A_540 = arith.constant 0 : i32
    %cond3A_541 = arith.cmpi ne, %convert_element_type3A_539, %cond3A_540 : i32
    scf.if %cond3A_541 {
      %run_scoped3A = arith.constant 9 : i32
      "tpu.region"() ({
        %run_scoped3A_622 = tpu.sem_alloc : memref<!tpu.dma_semaphore, #tpu.memory_space<semaphore_mem>>
        %dma_start3A_623 = arith.constant 999424 : i32
        %dma_start3A_624 = tpu.memref_slice %arg2[%run_scoped3A, %dma_start3A_623] : memref<26x1000000xf32, #tpu.memory_space<hbm>> -> memref<1x576xf32, #tpu.memory_space<hbm>>
        %dma_start3A_625 = tpu.memref_squeeze %dma_start3A_624 : memref<1x576xf32, #tpu.memory_space<hbm>> -> memref<576xf32, #tpu.memory_space<hbm>>
        %dma_start3A_626 = arith.constant 999424 : i32
        %dma_start3A_627 = tpu.memref_slice %arg2[%run_scoped3A, %dma_start3A_626] : memref<26x1000000xf32, #tpu.memory_space<hbm>> -> memref<1x576xf32, #tpu.memory_space<hbm>>
        %dma_start3A_628 = tpu.memref_squeeze %dma_start3A_627 : memref<1x576xf32, #tpu.memory_space<hbm>> -> memref<576xf32, #tpu.memory_space<hbm>>
        tpu.enqueue_dma source(%dma_start3A_628 : memref<576xf32, #tpu.memory_space<hbm>>) target(%arg7 : memref<576xf32, #tpu.memory_space<vmem>>) target_semaphore(%run_scoped3A_622 : memref<!tpu.dma_semaphore, #tpu.memory_space<semaphore_mem>>)
        %dma_wait3A_629 = arith.constant 999424 : i32
        %dma_wait3A_630 = tpu.memref_slice %arg2[%run_scoped3A, %dma_wait3A_629] : memref<26x1000000xf32, #tpu.memory_space<hbm>> -> memref<1x576xf32, #tpu.memory_space<hbm>>
        %dma_wait3A_631 = tpu.memref_squeeze %dma_wait3A_630 : memref<1x576xf32, #tpu.memory_space<hbm>> -> memref<576xf32, #tpu.memory_space<hbm>>
        %dma_wait3A_632 = arith.constant 999424 : i32
        %dma_wait3A_633 = tpu.memref_slice %arg2[%run_scoped3A, %dma_wait3A_632] : memref<26x1000000xf32, #tpu.memory_space<hbm>> -> memref<1x576xf32, #tpu.memory_space<hbm>>
        %dma_wait3A_634 = tpu.memref_squeeze %dma_wait3A_633 : memref<1x576xf32, #tpu.memory_space<hbm>> -> memref<576xf32, #tpu.memory_space<hbm>>
        tpu.wait_dma2 semaphore(%run_scoped3A_622 : memref<!tpu.dma_semaphore, #tpu.memory_space<semaphore_mem>>) src(%dma_wait3A_634 : memref<576xf32, #tpu.memory_space<hbm>>) dst(%arg7 : memref<576xf32, #tpu.memory_space<vmem>>)
        tpu.yield
      }) : () -> ()
      "tpu.region"() ({
        %run_scoped3A_622 = tpu.sem_alloc : memref<!tpu.dma_semaphore, #tpu.memory_space<semaphore_mem>>
        %dma_start3A_623 = arith.constant 9999424 : i32
        %dma_start3A_624 = tpu.memref_slice %arg3[%dma_start3A_623] : memref<26000000xf32, #tpu.memory_space<hbm>> -> memref<576xf32, #tpu.memory_space<hbm>>
        %dma_start3A_625 = arith.constant 9999424 : i32
        %dma_start3A_626 = tpu.memref_slice %arg3[%dma_start3A_625] : memref<26000000xf32, #tpu.memory_space<hbm>> -> memref<576xf32, #tpu.memory_space<hbm>>
        tpu.enqueue_dma source(%arg7 : memref<576xf32, #tpu.memory_space<vmem>>) target(%dma_start3A_626 : memref<576xf32, #tpu.memory_space<hbm>>) target_semaphore(%run_scoped3A_622 : memref<!tpu.dma_semaphore, #tpu.memory_space<semaphore_mem>>)
        %dma_wait3A_627 = arith.constant 9999424 : i32
        %dma_wait3A_628 = tpu.memref_slice %arg3[%dma_wait3A_627] : memref<26000000xf32, #tpu.memory_space<hbm>> -> memref<576xf32, #tpu.memory_space<hbm>>
        %dma_wait3A_629 = arith.constant 9999424 : i32
        %dma_wait3A_630 = tpu.memref_slice %arg3[%dma_wait3A_629] : memref<26000000xf32, #tpu.memory_space<hbm>> -> memref<576xf32, #tpu.memory_space<hbm>>
        tpu.wait_dma2 semaphore(%run_scoped3A_622 : memref<!tpu.dma_semaphore, #tpu.memory_space<semaphore_mem>>) src(%arg7 : memref<576xf32, #tpu.memory_space<vmem>>) dst(%dma_wait3A_630 : memref<576xf32, #tpu.memory_space<hbm>>)
        tpu.yield
      }) : () -> ()
    } else {
    }
    %eq3A_542 = arith.constant 10 : i32
    %eq3A_543 = arith.cmpi eq, %add3A, %eq3A_542 : i32
    %convert_element_type3A_544 = arith.extui %eq3A_543 : i1 to i32
    %cond3A_545 = arith.constant 0 : i32
    %cond3A_546 = arith.cmpi ne, %convert_element_type3A_544, %cond3A_545 : i32
    scf.if %cond3A_546 {
      %run_scoped3A = arith.constant 10 : i32
      "tpu.region"() ({
        %run_scoped3A_622 = tpu.sem_alloc : memref<!tpu.dma_semaphore, #tpu.memory_space<semaphore_mem>>
        %dma_start3A_623 = arith.constant 999424 : i32
        %dma_start3A_624 = tpu.memref_slice %arg2[%run_scoped3A, %dma_start3A_623] : memref<26x1000000xf32, #tpu.memory_space<hbm>> -> memref<1x576xf32, #tpu.memory_space<hbm>>
        %dma_start3A_625 = tpu.memref_squeeze %dma_start3A_624 : memref<1x576xf32, #tpu.memory_space<hbm>> -> memref<576xf32, #tpu.memory_space<hbm>>
        %dma_start3A_626 = arith.constant 999424 : i32
        %dma_start3A_627 = tpu.memref_slice %arg2[%run_scoped3A, %dma_start3A_626] : memref<26x1000000xf32, #tpu.memory_space<hbm>> -> memref<1x576xf32, #tpu.memory_space<hbm>>
        %dma_start3A_628 = tpu.memref_squeeze %dma_start3A_627 : memref<1x576xf32, #tpu.memory_space<hbm>> -> memref<576xf32, #tpu.memory_space<hbm>>
        tpu.enqueue_dma source(%dma_start3A_628 : memref<576xf32, #tpu.memory_space<hbm>>) target(%arg7 : memref<576xf32, #tpu.memory_space<vmem>>) target_semaphore(%run_scoped3A_622 : memref<!tpu.dma_semaphore, #tpu.memory_space<semaphore_mem>>)
        %dma_wait3A_629 = arith.constant 999424 : i32
        %dma_wait3A_630 = tpu.memref_slice %arg2[%run_scoped3A, %dma_wait3A_629] : memref<26x1000000xf32, #tpu.memory_space<hbm>> -> memref<1x576xf32, #tpu.memory_space<hbm>>
        %dma_wait3A_631 = tpu.memref_squeeze %dma_wait3A_630 : memref<1x576xf32, #tpu.memory_space<hbm>> -> memref<576xf32, #tpu.memory_space<hbm>>
        %dma_wait3A_632 = arith.constant 999424 : i32
        %dma_wait3A_633 = tpu.memref_slice %arg2[%run_scoped3A, %dma_wait3A_632] : memref<26x1000000xf32, #tpu.memory_space<hbm>> -> memref<1x576xf32, #tpu.memory_space<hbm>>
        %dma_wait3A_634 = tpu.memref_squeeze %dma_wait3A_633 : memref<1x576xf32, #tpu.memory_space<hbm>> -> memref<576xf32, #tpu.memory_space<hbm>>
        tpu.wait_dma2 semaphore(%run_scoped3A_622 : memref<!tpu.dma_semaphore, #tpu.memory_space<semaphore_mem>>) src(%dma_wait3A_634 : memref<576xf32, #tpu.memory_space<hbm>>) dst(%arg7 : memref<576xf32, #tpu.memory_space<vmem>>)
        tpu.yield
      }) : () -> ()
      "tpu.region"() ({
        %run_scoped3A_622 = tpu.sem_alloc : memref<!tpu.dma_semaphore, #tpu.memory_space<semaphore_mem>>
        %dma_start3A_623 = arith.constant 10999424 : i32
        %dma_start3A_624 = tpu.memref_slice %arg3[%dma_start3A_623] : memref<26000000xf32, #tpu.memory_space<hbm>> -> memref<576xf32, #tpu.memory_space<hbm>>
        %dma_start3A_625 = arith.constant 10999424 : i32
        %dma_start3A_626 = tpu.memref_slice %arg3[%dma_start3A_625] : memref<26000000xf32, #tpu.memory_space<hbm>> -> memref<576xf32, #tpu.memory_space<hbm>>
        tpu.enqueue_dma source(%arg7 : memref<576xf32, #tpu.memory_space<vmem>>) target(%dma_start3A_626 : memref<576xf32, #tpu.memory_space<hbm>>) target_semaphore(%run_scoped3A_622 : memref<!tpu.dma_semaphore, #tpu.memory_space<semaphore_mem>>)
        %dma_wait3A_627 = arith.constant 10999424 : i32
        %dma_wait3A_628 = tpu.memref_slice %arg3[%dma_wait3A_627] : memref<26000000xf32, #tpu.memory_space<hbm>> -> memref<576xf32, #tpu.memory_space<hbm>>
        %dma_wait3A_629 = arith.constant 10999424 : i32
        %dma_wait3A_630 = tpu.memref_slice %arg3[%dma_wait3A_629] : memref<26000000xf32, #tpu.memory_space<hbm>> -> memref<576xf32, #tpu.memory_space<hbm>>
        tpu.wait_dma2 semaphore(%run_scoped3A_622 : memref<!tpu.dma_semaphore, #tpu.memory_space<semaphore_mem>>) src(%arg7 : memref<576xf32, #tpu.memory_space<vmem>>) dst(%dma_wait3A_630 : memref<576xf32, #tpu.memory_space<hbm>>)
        tpu.yield
      }) : () -> ()
    } else {
    }
    %eq3A_547 = arith.constant 11 : i32
    %eq3A_548 = arith.cmpi eq, %add3A, %eq3A_547 : i32
    %convert_element_type3A_549 = arith.extui %eq3A_548 : i1 to i32
    %cond3A_550 = arith.constant 0 : i32
    %cond3A_551 = arith.cmpi ne, %convert_element_type3A_549, %cond3A_550 : i32
    scf.if %cond3A_551 {
      %run_scoped3A = arith.constant 11 : i32
      "tpu.region"() ({
        %run_scoped3A_622 = tpu.sem_alloc : memref<!tpu.dma_semaphore, #tpu.memory_space<semaphore_mem>>
        %dma_start3A_623 = arith.constant 999424 : i32
        %dma_start3A_624 = tpu.memref_slice %arg2[%run_scoped3A, %dma_start3A_623] : memref<26x1000000xf32, #tpu.memory_space<hbm>> -> memref<1x576xf32, #tpu.memory_space<hbm>>
        %dma_start3A_625 = tpu.memref_squeeze %dma_start3A_624 : memref<1x576xf32, #tpu.memory_space<hbm>> -> memref<576xf32, #tpu.memory_space<hbm>>
        %dma_start3A_626 = arith.constant 999424 : i32
        %dma_start3A_627 = tpu.memref_slice %arg2[%run_scoped3A, %dma_start3A_626] : memref<26x1000000xf32, #tpu.memory_space<hbm>> -> memref<1x576xf32, #tpu.memory_space<hbm>>
        %dma_start3A_628 = tpu.memref_squeeze %dma_start3A_627 : memref<1x576xf32, #tpu.memory_space<hbm>> -> memref<576xf32, #tpu.memory_space<hbm>>
        tpu.enqueue_dma source(%dma_start3A_628 : memref<576xf32, #tpu.memory_space<hbm>>) target(%arg7 : memref<576xf32, #tpu.memory_space<vmem>>) target_semaphore(%run_scoped3A_622 : memref<!tpu.dma_semaphore, #tpu.memory_space<semaphore_mem>>)
        %dma_wait3A_629 = arith.constant 999424 : i32
        %dma_wait3A_630 = tpu.memref_slice %arg2[%run_scoped3A, %dma_wait3A_629] : memref<26x1000000xf32, #tpu.memory_space<hbm>> -> memref<1x576xf32, #tpu.memory_space<hbm>>
        %dma_wait3A_631 = tpu.memref_squeeze %dma_wait3A_630 : memref<1x576xf32, #tpu.memory_space<hbm>> -> memref<576xf32, #tpu.memory_space<hbm>>
        %dma_wait3A_632 = arith.constant 999424 : i32
        %dma_wait3A_633 = tpu.memref_slice %arg2[%run_scoped3A, %dma_wait3A_632] : memref<26x1000000xf32, #tpu.memory_space<hbm>> -> memref<1x576xf32, #tpu.memory_space<hbm>>
        %dma_wait3A_634 = tpu.memref_squeeze %dma_wait3A_633 : memref<1x576xf32, #tpu.memory_space<hbm>> -> memref<576xf32, #tpu.memory_space<hbm>>
        tpu.wait_dma2 semaphore(%run_scoped3A_622 : memref<!tpu.dma_semaphore, #tpu.memory_space<semaphore_mem>>) src(%dma_wait3A_634 : memref<576xf32, #tpu.memory_space<hbm>>) dst(%arg7 : memref<576xf32, #tpu.memory_space<vmem>>)
        tpu.yield
      }) : () -> ()
      "tpu.region"() ({
        %run_scoped3A_622 = tpu.sem_alloc : memref<!tpu.dma_semaphore, #tpu.memory_space<semaphore_mem>>
        %dma_start3A_623 = arith.constant 11999424 : i32
        %dma_start3A_624 = tpu.memref_slice %arg3[%dma_start3A_623] : memref<26000000xf32, #tpu.memory_space<hbm>> -> memref<576xf32, #tpu.memory_space<hbm>>
        %dma_start3A_625 = arith.constant 11999424 : i32
        %dma_start3A_626 = tpu.memref_slice %arg3[%dma_start3A_625] : memref<26000000xf32, #tpu.memory_space<hbm>> -> memref<576xf32, #tpu.memory_space<hbm>>
        tpu.enqueue_dma source(%arg7 : memref<576xf32, #tpu.memory_space<vmem>>) target(%dma_start3A_626 : memref<576xf32, #tpu.memory_space<hbm>>) target_semaphore(%run_scoped3A_622 : memref<!tpu.dma_semaphore, #tpu.memory_space<semaphore_mem>>)
        %dma_wait3A_627 = arith.constant 11999424 : i32
        %dma_wait3A_628 = tpu.memref_slice %arg3[%dma_wait3A_627] : memref<26000000xf32, #tpu.memory_space<hbm>> -> memref<576xf32, #tpu.memory_space<hbm>>
        %dma_wait3A_629 = arith.constant 11999424 : i32
        %dma_wait3A_630 = tpu.memref_slice %arg3[%dma_wait3A_629] : memref<26000000xf32, #tpu.memory_space<hbm>> -> memref<576xf32, #tpu.memory_space<hbm>>
        tpu.wait_dma2 semaphore(%run_scoped3A_622 : memref<!tpu.dma_semaphore, #tpu.memory_space<semaphore_mem>>) src(%arg7 : memref<576xf32, #tpu.memory_space<vmem>>) dst(%dma_wait3A_630 : memref<576xf32, #tpu.memory_space<hbm>>)
        tpu.yield
      }) : () -> ()
    } else {
    }
    %eq3A_552 = arith.constant 12 : i32
    %eq3A_553 = arith.cmpi eq, %add3A, %eq3A_552 : i32
    %convert_element_type3A_554 = arith.extui %eq3A_553 : i1 to i32
    %cond3A_555 = arith.constant 0 : i32
    %cond3A_556 = arith.cmpi ne, %convert_element_type3A_554, %cond3A_555 : i32
    scf.if %cond3A_556 {
      %run_scoped3A = arith.constant 12 : i32
      "tpu.region"() ({
        %run_scoped3A_622 = tpu.sem_alloc : memref<!tpu.dma_semaphore, #tpu.memory_space<semaphore_mem>>
        %dma_start3A_623 = arith.constant 999424 : i32
        %dma_start3A_624 = tpu.memref_slice %arg2[%run_scoped3A, %dma_start3A_623] : memref<26x1000000xf32, #tpu.memory_space<hbm>> -> memref<1x576xf32, #tpu.memory_space<hbm>>
        %dma_start3A_625 = tpu.memref_squeeze %dma_start3A_624 : memref<1x576xf32, #tpu.memory_space<hbm>> -> memref<576xf32, #tpu.memory_space<hbm>>
        %dma_start3A_626 = arith.constant 999424 : i32
        %dma_start3A_627 = tpu.memref_slice %arg2[%run_scoped3A, %dma_start3A_626] : memref<26x1000000xf32, #tpu.memory_space<hbm>> -> memref<1x576xf32, #tpu.memory_space<hbm>>
        %dma_start3A_628 = tpu.memref_squeeze %dma_start3A_627 : memref<1x576xf32, #tpu.memory_space<hbm>> -> memref<576xf32, #tpu.memory_space<hbm>>
        tpu.enqueue_dma source(%dma_start3A_628 : memref<576xf32, #tpu.memory_space<hbm>>) target(%arg7 : memref<576xf32, #tpu.memory_space<vmem>>) target_semaphore(%run_scoped3A_622 : memref<!tpu.dma_semaphore, #tpu.memory_space<semaphore_mem>>)
        %dma_wait3A_629 = arith.constant 999424 : i32
        %dma_wait3A_630 = tpu.memref_slice %arg2[%run_scoped3A, %dma_wait3A_629] : memref<26x1000000xf32, #tpu.memory_space<hbm>> -> memref<1x576xf32, #tpu.memory_space<hbm>>
        %dma_wait3A_631 = tpu.memref_squeeze %dma_wait3A_630 : memref<1x576xf32, #tpu.memory_space<hbm>> -> memref<576xf32, #tpu.memory_space<hbm>>
        %dma_wait3A_632 = arith.constant 999424 : i32
        %dma_wait3A_633 = tpu.memref_slice %arg2[%run_scoped3A, %dma_wait3A_632] : memref<26x1000000xf32, #tpu.memory_space<hbm>> -> memref<1x576xf32, #tpu.memory_space<hbm>>
        %dma_wait3A_634 = tpu.memref_squeeze %dma_wait3A_633 : memref<1x576xf32, #tpu.memory_space<hbm>> -> memref<576xf32, #tpu.memory_space<hbm>>
        tpu.wait_dma2 semaphore(%run_scoped3A_622 : memref<!tpu.dma_semaphore, #tpu.memory_space<semaphore_mem>>) src(%dma_wait3A_634 : memref<576xf32, #tpu.memory_space<hbm>>) dst(%arg7 : memref<576xf32, #tpu.memory_space<vmem>>)
        tpu.yield
      }) : () -> ()
      "tpu.region"() ({
        %run_scoped3A_622 = tpu.sem_alloc : memref<!tpu.dma_semaphore, #tpu.memory_space<semaphore_mem>>
        %dma_start3A_623 = arith.constant 12999424 : i32
        %dma_start3A_624 = tpu.memref_slice %arg3[%dma_start3A_623] : memref<26000000xf32, #tpu.memory_space<hbm>> -> memref<576xf32, #tpu.memory_space<hbm>>
        %dma_start3A_625 = arith.constant 12999424 : i32
        %dma_start3A_626 = tpu.memref_slice %arg3[%dma_start3A_625] : memref<26000000xf32, #tpu.memory_space<hbm>> -> memref<576xf32, #tpu.memory_space<hbm>>
        tpu.enqueue_dma source(%arg7 : memref<576xf32, #tpu.memory_space<vmem>>) target(%dma_start3A_626 : memref<576xf32, #tpu.memory_space<hbm>>) target_semaphore(%run_scoped3A_622 : memref<!tpu.dma_semaphore, #tpu.memory_space<semaphore_mem>>)
        %dma_wait3A_627 = arith.constant 12999424 : i32
        %dma_wait3A_628 = tpu.memref_slice %arg3[%dma_wait3A_627] : memref<26000000xf32, #tpu.memory_space<hbm>> -> memref<576xf32, #tpu.memory_space<hbm>>
        %dma_wait3A_629 = arith.constant 12999424 : i32
        %dma_wait3A_630 = tpu.memref_slice %arg3[%dma_wait3A_629] : memref<26000000xf32, #tpu.memory_space<hbm>> -> memref<576xf32, #tpu.memory_space<hbm>>
        tpu.wait_dma2 semaphore(%run_scoped3A_622 : memref<!tpu.dma_semaphore, #tpu.memory_space<semaphore_mem>>) src(%arg7 : memref<576xf32, #tpu.memory_space<vmem>>) dst(%dma_wait3A_630 : memref<576xf32, #tpu.memory_space<hbm>>)
        tpu.yield
      }) : () -> ()
    } else {
    }
    %eq3A_557 = arith.constant 13 : i32
    %eq3A_558 = arith.cmpi eq, %add3A, %eq3A_557 : i32
    %convert_element_type3A_559 = arith.extui %eq3A_558 : i1 to i32
    %cond3A_560 = arith.constant 0 : i32
    %cond3A_561 = arith.cmpi ne, %convert_element_type3A_559, %cond3A_560 : i32
    scf.if %cond3A_561 {
      %run_scoped3A = arith.constant 13 : i32
      "tpu.region"() ({
        %run_scoped3A_622 = tpu.sem_alloc : memref<!tpu.dma_semaphore, #tpu.memory_space<semaphore_mem>>
        %dma_start3A_623 = arith.constant 999424 : i32
        %dma_start3A_624 = tpu.memref_slice %arg2[%run_scoped3A, %dma_start3A_623] : memref<26x1000000xf32, #tpu.memory_space<hbm>> -> memref<1x576xf32, #tpu.memory_space<hbm>>
        %dma_start3A_625 = tpu.memref_squeeze %dma_start3A_624 : memref<1x576xf32, #tpu.memory_space<hbm>> -> memref<576xf32, #tpu.memory_space<hbm>>
        %dma_start3A_626 = arith.constant 999424 : i32
        %dma_start3A_627 = tpu.memref_slice %arg2[%run_scoped3A, %dma_start3A_626] : memref<26x1000000xf32, #tpu.memory_space<hbm>> -> memref<1x576xf32, #tpu.memory_space<hbm>>
        %dma_start3A_628 = tpu.memref_squeeze %dma_start3A_627 : memref<1x576xf32, #tpu.memory_space<hbm>> -> memref<576xf32, #tpu.memory_space<hbm>>
        tpu.enqueue_dma source(%dma_start3A_628 : memref<576xf32, #tpu.memory_space<hbm>>) target(%arg7 : memref<576xf32, #tpu.memory_space<vmem>>) target_semaphore(%run_scoped3A_622 : memref<!tpu.dma_semaphore, #tpu.memory_space<semaphore_mem>>)
        %dma_wait3A_629 = arith.constant 999424 : i32
        %dma_wait3A_630 = tpu.memref_slice %arg2[%run_scoped3A, %dma_wait3A_629] : memref<26x1000000xf32, #tpu.memory_space<hbm>> -> memref<1x576xf32, #tpu.memory_space<hbm>>
        %dma_wait3A_631 = tpu.memref_squeeze %dma_wait3A_630 : memref<1x576xf32, #tpu.memory_space<hbm>> -> memref<576xf32, #tpu.memory_space<hbm>>
        %dma_wait3A_632 = arith.constant 999424 : i32
        %dma_wait3A_633 = tpu.memref_slice %arg2[%run_scoped3A, %dma_wait3A_632] : memref<26x1000000xf32, #tpu.memory_space<hbm>> -> memref<1x576xf32, #tpu.memory_space<hbm>>
        %dma_wait3A_634 = tpu.memref_squeeze %dma_wait3A_633 : memref<1x576xf32, #tpu.memory_space<hbm>> -> memref<576xf32, #tpu.memory_space<hbm>>
        tpu.wait_dma2 semaphore(%run_scoped3A_622 : memref<!tpu.dma_semaphore, #tpu.memory_space<semaphore_mem>>) src(%dma_wait3A_634 : memref<576xf32, #tpu.memory_space<hbm>>) dst(%arg7 : memref<576xf32, #tpu.memory_space<vmem>>)
        tpu.yield
      }) : () -> ()
      "tpu.region"() ({
        %run_scoped3A_622 = tpu.sem_alloc : memref<!tpu.dma_semaphore, #tpu.memory_space<semaphore_mem>>
        %dma_start3A_623 = arith.constant 13999424 : i32
        %dma_start3A_624 = tpu.memref_slice %arg3[%dma_start3A_623] : memref<26000000xf32, #tpu.memory_space<hbm>> -> memref<576xf32, #tpu.memory_space<hbm>>
        %dma_start3A_625 = arith.constant 13999424 : i32
        %dma_start3A_626 = tpu.memref_slice %arg3[%dma_start3A_625] : memref<26000000xf32, #tpu.memory_space<hbm>> -> memref<576xf32, #tpu.memory_space<hbm>>
        tpu.enqueue_dma source(%arg7 : memref<576xf32, #tpu.memory_space<vmem>>) target(%dma_start3A_626 : memref<576xf32, #tpu.memory_space<hbm>>) target_semaphore(%run_scoped3A_622 : memref<!tpu.dma_semaphore, #tpu.memory_space<semaphore_mem>>)
        %dma_wait3A_627 = arith.constant 13999424 : i32
        %dma_wait3A_628 = tpu.memref_slice %arg3[%dma_wait3A_627] : memref<26000000xf32, #tpu.memory_space<hbm>> -> memref<576xf32, #tpu.memory_space<hbm>>
        %dma_wait3A_629 = arith.constant 13999424 : i32
        %dma_wait3A_630 = tpu.memref_slice %arg3[%dma_wait3A_629] : memref<26000000xf32, #tpu.memory_space<hbm>> -> memref<576xf32, #tpu.memory_space<hbm>>
        tpu.wait_dma2 semaphore(%run_scoped3A_622 : memref<!tpu.dma_semaphore, #tpu.memory_space<semaphore_mem>>) src(%arg7 : memref<576xf32, #tpu.memory_space<vmem>>) dst(%dma_wait3A_630 : memref<576xf32, #tpu.memory_space<hbm>>)
        tpu.yield
      }) : () -> ()
    } else {
    }
    %eq3A_562 = arith.constant 14 : i32
    %eq3A_563 = arith.cmpi eq, %add3A, %eq3A_562 : i32
    %convert_element_type3A_564 = arith.extui %eq3A_563 : i1 to i32
    %cond3A_565 = arith.constant 0 : i32
    %cond3A_566 = arith.cmpi ne, %convert_element_type3A_564, %cond3A_565 : i32
    scf.if %cond3A_566 {
      %run_scoped3A = arith.constant 14 : i32
      "tpu.region"() ({
        %run_scoped3A_622 = tpu.sem_alloc : memref<!tpu.dma_semaphore, #tpu.memory_space<semaphore_mem>>
        %dma_start3A_623 = arith.constant 999424 : i32
        %dma_start3A_624 = tpu.memref_slice %arg2[%run_scoped3A, %dma_start3A_623] : memref<26x1000000xf32, #tpu.memory_space<hbm>> -> memref<1x576xf32, #tpu.memory_space<hbm>>
        %dma_start3A_625 = tpu.memref_squeeze %dma_start3A_624 : memref<1x576xf32, #tpu.memory_space<hbm>> -> memref<576xf32, #tpu.memory_space<hbm>>
        %dma_start3A_626 = arith.constant 999424 : i32
        %dma_start3A_627 = tpu.memref_slice %arg2[%run_scoped3A, %dma_start3A_626] : memref<26x1000000xf32, #tpu.memory_space<hbm>> -> memref<1x576xf32, #tpu.memory_space<hbm>>
        %dma_start3A_628 = tpu.memref_squeeze %dma_start3A_627 : memref<1x576xf32, #tpu.memory_space<hbm>> -> memref<576xf32, #tpu.memory_space<hbm>>
        tpu.enqueue_dma source(%dma_start3A_628 : memref<576xf32, #tpu.memory_space<hbm>>) target(%arg7 : memref<576xf32, #tpu.memory_space<vmem>>) target_semaphore(%run_scoped3A_622 : memref<!tpu.dma_semaphore, #tpu.memory_space<semaphore_mem>>)
        %dma_wait3A_629 = arith.constant 999424 : i32
        %dma_wait3A_630 = tpu.memref_slice %arg2[%run_scoped3A, %dma_wait3A_629] : memref<26x1000000xf32, #tpu.memory_space<hbm>> -> memref<1x576xf32, #tpu.memory_space<hbm>>
        %dma_wait3A_631 = tpu.memref_squeeze %dma_wait3A_630 : memref<1x576xf32, #tpu.memory_space<hbm>> -> memref<576xf32, #tpu.memory_space<hbm>>
        %dma_wait3A_632 = arith.constant 999424 : i32
        %dma_wait3A_633 = tpu.memref_slice %arg2[%run_scoped3A, %dma_wait3A_632] : memref<26x1000000xf32, #tpu.memory_space<hbm>> -> memref<1x576xf32, #tpu.memory_space<hbm>>
        %dma_wait3A_634 = tpu.memref_squeeze %dma_wait3A_633 : memref<1x576xf32, #tpu.memory_space<hbm>> -> memref<576xf32, #tpu.memory_space<hbm>>
        tpu.wait_dma2 semaphore(%run_scoped3A_622 : memref<!tpu.dma_semaphore, #tpu.memory_space<semaphore_mem>>) src(%dma_wait3A_634 : memref<576xf32, #tpu.memory_space<hbm>>) dst(%arg7 : memref<576xf32, #tpu.memory_space<vmem>>)
        tpu.yield
      }) : () -> ()
      "tpu.region"() ({
        %run_scoped3A_622 = tpu.sem_alloc : memref<!tpu.dma_semaphore, #tpu.memory_space<semaphore_mem>>
        %dma_start3A_623 = arith.constant 14999424 : i32
        %dma_start3A_624 = tpu.memref_slice %arg3[%dma_start3A_623] : memref<26000000xf32, #tpu.memory_space<hbm>> -> memref<576xf32, #tpu.memory_space<hbm>>
        %dma_start3A_625 = arith.constant 14999424 : i32
        %dma_start3A_626 = tpu.memref_slice %arg3[%dma_start3A_625] : memref<26000000xf32, #tpu.memory_space<hbm>> -> memref<576xf32, #tpu.memory_space<hbm>>
        tpu.enqueue_dma source(%arg7 : memref<576xf32, #tpu.memory_space<vmem>>) target(%dma_start3A_626 : memref<576xf32, #tpu.memory_space<hbm>>) target_semaphore(%run_scoped3A_622 : memref<!tpu.dma_semaphore, #tpu.memory_space<semaphore_mem>>)
        %dma_wait3A_627 = arith.constant 14999424 : i32
        %dma_wait3A_628 = tpu.memref_slice %arg3[%dma_wait3A_627] : memref<26000000xf32, #tpu.memory_space<hbm>> -> memref<576xf32, #tpu.memory_space<hbm>>
        %dma_wait3A_629 = arith.constant 14999424 : i32
        %dma_wait3A_630 = tpu.memref_slice %arg3[%dma_wait3A_629] : memref<26000000xf32, #tpu.memory_space<hbm>> -> memref<576xf32, #tpu.memory_space<hbm>>
        tpu.wait_dma2 semaphore(%run_scoped3A_622 : memref<!tpu.dma_semaphore, #tpu.memory_space<semaphore_mem>>) src(%arg7 : memref<576xf32, #tpu.memory_space<vmem>>) dst(%dma_wait3A_630 : memref<576xf32, #tpu.memory_space<hbm>>)
        tpu.yield
      }) : () -> ()
    } else {
    }
    %eq3A_567 = arith.constant 15 : i32
    %eq3A_568 = arith.cmpi eq, %add3A, %eq3A_567 : i32
    %convert_element_type3A_569 = arith.extui %eq3A_568 : i1 to i32
    %cond3A_570 = arith.constant 0 : i32
    %cond3A_571 = arith.cmpi ne, %convert_element_type3A_569, %cond3A_570 : i32
    scf.if %cond3A_571 {
      %run_scoped3A = arith.constant 15 : i32
      "tpu.region"() ({
        %run_scoped3A_622 = tpu.sem_alloc : memref<!tpu.dma_semaphore, #tpu.memory_space<semaphore_mem>>
        %dma_start3A_623 = arith.constant 999424 : i32
        %dma_start3A_624 = tpu.memref_slice %arg2[%run_scoped3A, %dma_start3A_623] : memref<26x1000000xf32, #tpu.memory_space<hbm>> -> memref<1x576xf32, #tpu.memory_space<hbm>>
        %dma_start3A_625 = tpu.memref_squeeze %dma_start3A_624 : memref<1x576xf32, #tpu.memory_space<hbm>> -> memref<576xf32, #tpu.memory_space<hbm>>
        %dma_start3A_626 = arith.constant 999424 : i32
        %dma_start3A_627 = tpu.memref_slice %arg2[%run_scoped3A, %dma_start3A_626] : memref<26x1000000xf32, #tpu.memory_space<hbm>> -> memref<1x576xf32, #tpu.memory_space<hbm>>
        %dma_start3A_628 = tpu.memref_squeeze %dma_start3A_627 : memref<1x576xf32, #tpu.memory_space<hbm>> -> memref<576xf32, #tpu.memory_space<hbm>>
        tpu.enqueue_dma source(%dma_start3A_628 : memref<576xf32, #tpu.memory_space<hbm>>) target(%arg7 : memref<576xf32, #tpu.memory_space<vmem>>) target_semaphore(%run_scoped3A_622 : memref<!tpu.dma_semaphore, #tpu.memory_space<semaphore_mem>>)
        %dma_wait3A_629 = arith.constant 999424 : i32
        %dma_wait3A_630 = tpu.memref_slice %arg2[%run_scoped3A, %dma_wait3A_629] : memref<26x1000000xf32, #tpu.memory_space<hbm>> -> memref<1x576xf32, #tpu.memory_space<hbm>>
        %dma_wait3A_631 = tpu.memref_squeeze %dma_wait3A_630 : memref<1x576xf32, #tpu.memory_space<hbm>> -> memref<576xf32, #tpu.memory_space<hbm>>
        %dma_wait3A_632 = arith.constant 999424 : i32
        %dma_wait3A_633 = tpu.memref_slice %arg2[%run_scoped3A, %dma_wait3A_632] : memref<26x1000000xf32, #tpu.memory_space<hbm>> -> memref<1x576xf32, #tpu.memory_space<hbm>>
        %dma_wait3A_634 = tpu.memref_squeeze %dma_wait3A_633 : memref<1x576xf32, #tpu.memory_space<hbm>> -> memref<576xf32, #tpu.memory_space<hbm>>
        tpu.wait_dma2 semaphore(%run_scoped3A_622 : memref<!tpu.dma_semaphore, #tpu.memory_space<semaphore_mem>>) src(%dma_wait3A_634 : memref<576xf32, #tpu.memory_space<hbm>>) dst(%arg7 : memref<576xf32, #tpu.memory_space<vmem>>)
        tpu.yield
      }) : () -> ()
      "tpu.region"() ({
        %run_scoped3A_622 = tpu.sem_alloc : memref<!tpu.dma_semaphore, #tpu.memory_space<semaphore_mem>>
        %dma_start3A_623 = arith.constant 15999424 : i32
        %dma_start3A_624 = tpu.memref_slice %arg3[%dma_start3A_623] : memref<26000000xf32, #tpu.memory_space<hbm>> -> memref<576xf32, #tpu.memory_space<hbm>>
        %dma_start3A_625 = arith.constant 15999424 : i32
        %dma_start3A_626 = tpu.memref_slice %arg3[%dma_start3A_625] : memref<26000000xf32, #tpu.memory_space<hbm>> -> memref<576xf32, #tpu.memory_space<hbm>>
        tpu.enqueue_dma source(%arg7 : memref<576xf32, #tpu.memory_space<vmem>>) target(%dma_start3A_626 : memref<576xf32, #tpu.memory_space<hbm>>) target_semaphore(%run_scoped3A_622 : memref<!tpu.dma_semaphore, #tpu.memory_space<semaphore_mem>>)
        %dma_wait3A_627 = arith.constant 15999424 : i32
        %dma_wait3A_628 = tpu.memref_slice %arg3[%dma_wait3A_627] : memref<26000000xf32, #tpu.memory_space<hbm>> -> memref<576xf32, #tpu.memory_space<hbm>>
        %dma_wait3A_629 = arith.constant 15999424 : i32
        %dma_wait3A_630 = tpu.memref_slice %arg3[%dma_wait3A_629] : memref<26000000xf32, #tpu.memory_space<hbm>> -> memref<576xf32, #tpu.memory_space<hbm>>
        tpu.wait_dma2 semaphore(%run_scoped3A_622 : memref<!tpu.dma_semaphore, #tpu.memory_space<semaphore_mem>>) src(%arg7 : memref<576xf32, #tpu.memory_space<vmem>>) dst(%dma_wait3A_630 : memref<576xf32, #tpu.memory_space<hbm>>)
        tpu.yield
      }) : () -> ()
    } else {
    }
    %eq3A_572 = arith.constant 16 : i32
    %eq3A_573 = arith.cmpi eq, %add3A, %eq3A_572 : i32
    %convert_element_type3A_574 = arith.extui %eq3A_573 : i1 to i32
    %cond3A_575 = arith.constant 0 : i32
    %cond3A_576 = arith.cmpi ne, %convert_element_type3A_574, %cond3A_575 : i32
    scf.if %cond3A_576 {
      %run_scoped3A = arith.constant 16 : i32
      "tpu.region"() ({
        %run_scoped3A_622 = tpu.sem_alloc : memref<!tpu.dma_semaphore, #tpu.memory_space<semaphore_mem>>
        %dma_start3A_623 = arith.constant 999424 : i32
        %dma_start3A_624 = tpu.memref_slice %arg2[%run_scoped3A, %dma_start3A_623] : memref<26x1000000xf32, #tpu.memory_space<hbm>> -> memref<1x576xf32, #tpu.memory_space<hbm>>
        %dma_start3A_625 = tpu.memref_squeeze %dma_start3A_624 : memref<1x576xf32, #tpu.memory_space<hbm>> -> memref<576xf32, #tpu.memory_space<hbm>>
        %dma_start3A_626 = arith.constant 999424 : i32
        %dma_start3A_627 = tpu.memref_slice %arg2[%run_scoped3A, %dma_start3A_626] : memref<26x1000000xf32, #tpu.memory_space<hbm>> -> memref<1x576xf32, #tpu.memory_space<hbm>>
        %dma_start3A_628 = tpu.memref_squeeze %dma_start3A_627 : memref<1x576xf32, #tpu.memory_space<hbm>> -> memref<576xf32, #tpu.memory_space<hbm>>
        tpu.enqueue_dma source(%dma_start3A_628 : memref<576xf32, #tpu.memory_space<hbm>>) target(%arg7 : memref<576xf32, #tpu.memory_space<vmem>>) target_semaphore(%run_scoped3A_622 : memref<!tpu.dma_semaphore, #tpu.memory_space<semaphore_mem>>)
        %dma_wait3A_629 = arith.constant 999424 : i32
        %dma_wait3A_630 = tpu.memref_slice %arg2[%run_scoped3A, %dma_wait3A_629] : memref<26x1000000xf32, #tpu.memory_space<hbm>> -> memref<1x576xf32, #tpu.memory_space<hbm>>
        %dma_wait3A_631 = tpu.memref_squeeze %dma_wait3A_630 : memref<1x576xf32, #tpu.memory_space<hbm>> -> memref<576xf32, #tpu.memory_space<hbm>>
        %dma_wait3A_632 = arith.constant 999424 : i32
        %dma_wait3A_633 = tpu.memref_slice %arg2[%run_scoped3A, %dma_wait3A_632] : memref<26x1000000xf32, #tpu.memory_space<hbm>> -> memref<1x576xf32, #tpu.memory_space<hbm>>
        %dma_wait3A_634 = tpu.memref_squeeze %dma_wait3A_633 : memref<1x576xf32, #tpu.memory_space<hbm>> -> memref<576xf32, #tpu.memory_space<hbm>>
        tpu.wait_dma2 semaphore(%run_scoped3A_622 : memref<!tpu.dma_semaphore, #tpu.memory_space<semaphore_mem>>) src(%dma_wait3A_634 : memref<576xf32, #tpu.memory_space<hbm>>) dst(%arg7 : memref<576xf32, #tpu.memory_space<vmem>>)
        tpu.yield
      }) : () -> ()
      "tpu.region"() ({
        %run_scoped3A_622 = tpu.sem_alloc : memref<!tpu.dma_semaphore, #tpu.memory_space<semaphore_mem>>
        %dma_start3A_623 = arith.constant 16999424 : i32
        %dma_start3A_624 = tpu.memref_slice %arg3[%dma_start3A_623] : memref<26000000xf32, #tpu.memory_space<hbm>> -> memref<576xf32, #tpu.memory_space<hbm>>
        %dma_start3A_625 = arith.constant 16999424 : i32
        %dma_start3A_626 = tpu.memref_slice %arg3[%dma_start3A_625] : memref<26000000xf32, #tpu.memory_space<hbm>> -> memref<576xf32, #tpu.memory_space<hbm>>
        tpu.enqueue_dma source(%arg7 : memref<576xf32, #tpu.memory_space<vmem>>) target(%dma_start3A_626 : memref<576xf32, #tpu.memory_space<hbm>>) target_semaphore(%run_scoped3A_622 : memref<!tpu.dma_semaphore, #tpu.memory_space<semaphore_mem>>)
        %dma_wait3A_627 = arith.constant 16999424 : i32
        %dma_wait3A_628 = tpu.memref_slice %arg3[%dma_wait3A_627] : memref<26000000xf32, #tpu.memory_space<hbm>> -> memref<576xf32, #tpu.memory_space<hbm>>
        %dma_wait3A_629 = arith.constant 16999424 : i32
        %dma_wait3A_630 = tpu.memref_slice %arg3[%dma_wait3A_629] : memref<26000000xf32, #tpu.memory_space<hbm>> -> memref<576xf32, #tpu.memory_space<hbm>>
        tpu.wait_dma2 semaphore(%run_scoped3A_622 : memref<!tpu.dma_semaphore, #tpu.memory_space<semaphore_mem>>) src(%arg7 : memref<576xf32, #tpu.memory_space<vmem>>) dst(%dma_wait3A_630 : memref<576xf32, #tpu.memory_space<hbm>>)
        tpu.yield
      }) : () -> ()
    } else {
    }
    %eq3A_577 = arith.constant 17 : i32
    %eq3A_578 = arith.cmpi eq, %add3A, %eq3A_577 : i32
    %convert_element_type3A_579 = arith.extui %eq3A_578 : i1 to i32
    %cond3A_580 = arith.constant 0 : i32
    %cond3A_581 = arith.cmpi ne, %convert_element_type3A_579, %cond3A_580 : i32
    scf.if %cond3A_581 {
      %run_scoped3A = arith.constant 17 : i32
      "tpu.region"() ({
        %run_scoped3A_622 = tpu.sem_alloc : memref<!tpu.dma_semaphore, #tpu.memory_space<semaphore_mem>>
        %dma_start3A_623 = arith.constant 999424 : i32
        %dma_start3A_624 = tpu.memref_slice %arg2[%run_scoped3A, %dma_start3A_623] : memref<26x1000000xf32, #tpu.memory_space<hbm>> -> memref<1x576xf32, #tpu.memory_space<hbm>>
        %dma_start3A_625 = tpu.memref_squeeze %dma_start3A_624 : memref<1x576xf32, #tpu.memory_space<hbm>> -> memref<576xf32, #tpu.memory_space<hbm>>
        %dma_start3A_626 = arith.constant 999424 : i32
        %dma_start3A_627 = tpu.memref_slice %arg2[%run_scoped3A, %dma_start3A_626] : memref<26x1000000xf32, #tpu.memory_space<hbm>> -> memref<1x576xf32, #tpu.memory_space<hbm>>
        %dma_start3A_628 = tpu.memref_squeeze %dma_start3A_627 : memref<1x576xf32, #tpu.memory_space<hbm>> -> memref<576xf32, #tpu.memory_space<hbm>>
        tpu.enqueue_dma source(%dma_start3A_628 : memref<576xf32, #tpu.memory_space<hbm>>) target(%arg7 : memref<576xf32, #tpu.memory_space<vmem>>) target_semaphore(%run_scoped3A_622 : memref<!tpu.dma_semaphore, #tpu.memory_space<semaphore_mem>>)
        %dma_wait3A_629 = arith.constant 999424 : i32
        %dma_wait3A_630 = tpu.memref_slice %arg2[%run_scoped3A, %dma_wait3A_629] : memref<26x1000000xf32, #tpu.memory_space<hbm>> -> memref<1x576xf32, #tpu.memory_space<hbm>>
        %dma_wait3A_631 = tpu.memref_squeeze %dma_wait3A_630 : memref<1x576xf32, #tpu.memory_space<hbm>> -> memref<576xf32, #tpu.memory_space<hbm>>
        %dma_wait3A_632 = arith.constant 999424 : i32
        %dma_wait3A_633 = tpu.memref_slice %arg2[%run_scoped3A, %dma_wait3A_632] : memref<26x1000000xf32, #tpu.memory_space<hbm>> -> memref<1x576xf32, #tpu.memory_space<hbm>>
        %dma_wait3A_634 = tpu.memref_squeeze %dma_wait3A_633 : memref<1x576xf32, #tpu.memory_space<hbm>> -> memref<576xf32, #tpu.memory_space<hbm>>
        tpu.wait_dma2 semaphore(%run_scoped3A_622 : memref<!tpu.dma_semaphore, #tpu.memory_space<semaphore_mem>>) src(%dma_wait3A_634 : memref<576xf32, #tpu.memory_space<hbm>>) dst(%arg7 : memref<576xf32, #tpu.memory_space<vmem>>)
        tpu.yield
      }) : () -> ()
      "tpu.region"() ({
        %run_scoped3A_622 = tpu.sem_alloc : memref<!tpu.dma_semaphore, #tpu.memory_space<semaphore_mem>>
        %dma_start3A_623 = arith.constant 17999424 : i32
        %dma_start3A_624 = tpu.memref_slice %arg3[%dma_start3A_623] : memref<26000000xf32, #tpu.memory_space<hbm>> -> memref<576xf32, #tpu.memory_space<hbm>>
        %dma_start3A_625 = arith.constant 17999424 : i32
        %dma_start3A_626 = tpu.memref_slice %arg3[%dma_start3A_625] : memref<26000000xf32, #tpu.memory_space<hbm>> -> memref<576xf32, #tpu.memory_space<hbm>>
        tpu.enqueue_dma source(%arg7 : memref<576xf32, #tpu.memory_space<vmem>>) target(%dma_start3A_626 : memref<576xf32, #tpu.memory_space<hbm>>) target_semaphore(%run_scoped3A_622 : memref<!tpu.dma_semaphore, #tpu.memory_space<semaphore_mem>>)
        %dma_wait3A_627 = arith.constant 17999424 : i32
        %dma_wait3A_628 = tpu.memref_slice %arg3[%dma_wait3A_627] : memref<26000000xf32, #tpu.memory_space<hbm>> -> memref<576xf32, #tpu.memory_space<hbm>>
        %dma_wait3A_629 = arith.constant 17999424 : i32
        %dma_wait3A_630 = tpu.memref_slice %arg3[%dma_wait3A_629] : memref<26000000xf32, #tpu.memory_space<hbm>> -> memref<576xf32, #tpu.memory_space<hbm>>
        tpu.wait_dma2 semaphore(%run_scoped3A_622 : memref<!tpu.dma_semaphore, #tpu.memory_space<semaphore_mem>>) src(%arg7 : memref<576xf32, #tpu.memory_space<vmem>>) dst(%dma_wait3A_630 : memref<576xf32, #tpu.memory_space<hbm>>)
        tpu.yield
      }) : () -> ()
    } else {
    }
    %eq3A_582 = arith.constant 18 : i32
    %eq3A_583 = arith.cmpi eq, %add3A, %eq3A_582 : i32
    %convert_element_type3A_584 = arith.extui %eq3A_583 : i1 to i32
    %cond3A_585 = arith.constant 0 : i32
    %cond3A_586 = arith.cmpi ne, %convert_element_type3A_584, %cond3A_585 : i32
    scf.if %cond3A_586 {
      %run_scoped3A = arith.constant 18 : i32
      "tpu.region"() ({
        %run_scoped3A_622 = tpu.sem_alloc : memref<!tpu.dma_semaphore, #tpu.memory_space<semaphore_mem>>
        %dma_start3A_623 = arith.constant 999424 : i32
        %dma_start3A_624 = tpu.memref_slice %arg2[%run_scoped3A, %dma_start3A_623] : memref<26x1000000xf32, #tpu.memory_space<hbm>> -> memref<1x576xf32, #tpu.memory_space<hbm>>
        %dma_start3A_625 = tpu.memref_squeeze %dma_start3A_624 : memref<1x576xf32, #tpu.memory_space<hbm>> -> memref<576xf32, #tpu.memory_space<hbm>>
        %dma_start3A_626 = arith.constant 999424 : i32
        %dma_start3A_627 = tpu.memref_slice %arg2[%run_scoped3A, %dma_start3A_626] : memref<26x1000000xf32, #tpu.memory_space<hbm>> -> memref<1x576xf32, #tpu.memory_space<hbm>>
        %dma_start3A_628 = tpu.memref_squeeze %dma_start3A_627 : memref<1x576xf32, #tpu.memory_space<hbm>> -> memref<576xf32, #tpu.memory_space<hbm>>
        tpu.enqueue_dma source(%dma_start3A_628 : memref<576xf32, #tpu.memory_space<hbm>>) target(%arg7 : memref<576xf32, #tpu.memory_space<vmem>>) target_semaphore(%run_scoped3A_622 : memref<!tpu.dma_semaphore, #tpu.memory_space<semaphore_mem>>)
        %dma_wait3A_629 = arith.constant 999424 : i32
        %dma_wait3A_630 = tpu.memref_slice %arg2[%run_scoped3A, %dma_wait3A_629] : memref<26x1000000xf32, #tpu.memory_space<hbm>> -> memref<1x576xf32, #tpu.memory_space<hbm>>
        %dma_wait3A_631 = tpu.memref_squeeze %dma_wait3A_630 : memref<1x576xf32, #tpu.memory_space<hbm>> -> memref<576xf32, #tpu.memory_space<hbm>>
        %dma_wait3A_632 = arith.constant 999424 : i32
        %dma_wait3A_633 = tpu.memref_slice %arg2[%run_scoped3A, %dma_wait3A_632] : memref<26x1000000xf32, #tpu.memory_space<hbm>> -> memref<1x576xf32, #tpu.memory_space<hbm>>
        %dma_wait3A_634 = tpu.memref_squeeze %dma_wait3A_633 : memref<1x576xf32, #tpu.memory_space<hbm>> -> memref<576xf32, #tpu.memory_space<hbm>>
        tpu.wait_dma2 semaphore(%run_scoped3A_622 : memref<!tpu.dma_semaphore, #tpu.memory_space<semaphore_mem>>) src(%dma_wait3A_634 : memref<576xf32, #tpu.memory_space<hbm>>) dst(%arg7 : memref<576xf32, #tpu.memory_space<vmem>>)
        tpu.yield
      }) : () -> ()
      "tpu.region"() ({
        %run_scoped3A_622 = tpu.sem_alloc : memref<!tpu.dma_semaphore, #tpu.memory_space<semaphore_mem>>
        %dma_start3A_623 = arith.constant 18999424 : i32
        %dma_start3A_624 = tpu.memref_slice %arg3[%dma_start3A_623] : memref<26000000xf32, #tpu.memory_space<hbm>> -> memref<576xf32, #tpu.memory_space<hbm>>
        %dma_start3A_625 = arith.constant 18999424 : i32
        %dma_start3A_626 = tpu.memref_slice %arg3[%dma_start3A_625] : memref<26000000xf32, #tpu.memory_space<hbm>> -> memref<576xf32, #tpu.memory_space<hbm>>
        tpu.enqueue_dma source(%arg7 : memref<576xf32, #tpu.memory_space<vmem>>) target(%dma_start3A_626 : memref<576xf32, #tpu.memory_space<hbm>>) target_semaphore(%run_scoped3A_622 : memref<!tpu.dma_semaphore, #tpu.memory_space<semaphore_mem>>)
        %dma_wait3A_627 = arith.constant 18999424 : i32
        %dma_wait3A_628 = tpu.memref_slice %arg3[%dma_wait3A_627] : memref<26000000xf32, #tpu.memory_space<hbm>> -> memref<576xf32, #tpu.memory_space<hbm>>
        %dma_wait3A_629 = arith.constant 18999424 : i32
        %dma_wait3A_630 = tpu.memref_slice %arg3[%dma_wait3A_629] : memref<26000000xf32, #tpu.memory_space<hbm>> -> memref<576xf32, #tpu.memory_space<hbm>>
        tpu.wait_dma2 semaphore(%run_scoped3A_622 : memref<!tpu.dma_semaphore, #tpu.memory_space<semaphore_mem>>) src(%arg7 : memref<576xf32, #tpu.memory_space<vmem>>) dst(%dma_wait3A_630 : memref<576xf32, #tpu.memory_space<hbm>>)
        tpu.yield
      }) : () -> ()
    } else {
    }
    %eq3A_587 = arith.constant 19 : i32
    %eq3A_588 = arith.cmpi eq, %add3A, %eq3A_587 : i32
    %convert_element_type3A_589 = arith.extui %eq3A_588 : i1 to i32
    %cond3A_590 = arith.constant 0 : i32
    %cond3A_591 = arith.cmpi ne, %convert_element_type3A_589, %cond3A_590 : i32
    scf.if %cond3A_591 {
      %run_scoped3A = arith.constant 19 : i32
      "tpu.region"() ({
        %run_scoped3A_622 = tpu.sem_alloc : memref<!tpu.dma_semaphore, #tpu.memory_space<semaphore_mem>>
        %dma_start3A_623 = arith.constant 999424 : i32
        %dma_start3A_624 = tpu.memref_slice %arg2[%run_scoped3A, %dma_start3A_623] : memref<26x1000000xf32, #tpu.memory_space<hbm>> -> memref<1x576xf32, #tpu.memory_space<hbm>>
        %dma_start3A_625 = tpu.memref_squeeze %dma_start3A_624 : memref<1x576xf32, #tpu.memory_space<hbm>> -> memref<576xf32, #tpu.memory_space<hbm>>
        %dma_start3A_626 = arith.constant 999424 : i32
        %dma_start3A_627 = tpu.memref_slice %arg2[%run_scoped3A, %dma_start3A_626] : memref<26x1000000xf32, #tpu.memory_space<hbm>> -> memref<1x576xf32, #tpu.memory_space<hbm>>
        %dma_start3A_628 = tpu.memref_squeeze %dma_start3A_627 : memref<1x576xf32, #tpu.memory_space<hbm>> -> memref<576xf32, #tpu.memory_space<hbm>>
        tpu.enqueue_dma source(%dma_start3A_628 : memref<576xf32, #tpu.memory_space<hbm>>) target(%arg7 : memref<576xf32, #tpu.memory_space<vmem>>) target_semaphore(%run_scoped3A_622 : memref<!tpu.dma_semaphore, #tpu.memory_space<semaphore_mem>>)
        %dma_wait3A_629 = arith.constant 999424 : i32
        %dma_wait3A_630 = tpu.memref_slice %arg2[%run_scoped3A, %dma_wait3A_629] : memref<26x1000000xf32, #tpu.memory_space<hbm>> -> memref<1x576xf32, #tpu.memory_space<hbm>>
        %dma_wait3A_631 = tpu.memref_squeeze %dma_wait3A_630 : memref<1x576xf32, #tpu.memory_space<hbm>> -> memref<576xf32, #tpu.memory_space<hbm>>
        %dma_wait3A_632 = arith.constant 999424 : i32
        %dma_wait3A_633 = tpu.memref_slice %arg2[%run_scoped3A, %dma_wait3A_632] : memref<26x1000000xf32, #tpu.memory_space<hbm>> -> memref<1x576xf32, #tpu.memory_space<hbm>>
        %dma_wait3A_634 = tpu.memref_squeeze %dma_wait3A_633 : memref<1x576xf32, #tpu.memory_space<hbm>> -> memref<576xf32, #tpu.memory_space<hbm>>
        tpu.wait_dma2 semaphore(%run_scoped3A_622 : memref<!tpu.dma_semaphore, #tpu.memory_space<semaphore_mem>>) src(%dma_wait3A_634 : memref<576xf32, #tpu.memory_space<hbm>>) dst(%arg7 : memref<576xf32, #tpu.memory_space<vmem>>)
        tpu.yield
      }) : () -> ()
      "tpu.region"() ({
        %run_scoped3A_622 = tpu.sem_alloc : memref<!tpu.dma_semaphore, #tpu.memory_space<semaphore_mem>>
        %dma_start3A_623 = arith.constant 19999424 : i32
        %dma_start3A_624 = tpu.memref_slice %arg3[%dma_start3A_623] : memref<26000000xf32, #tpu.memory_space<hbm>> -> memref<576xf32, #tpu.memory_space<hbm>>
        %dma_start3A_625 = arith.constant 19999424 : i32
        %dma_start3A_626 = tpu.memref_slice %arg3[%dma_start3A_625] : memref<26000000xf32, #tpu.memory_space<hbm>> -> memref<576xf32, #tpu.memory_space<hbm>>
        tpu.enqueue_dma source(%arg7 : memref<576xf32, #tpu.memory_space<vmem>>) target(%dma_start3A_626 : memref<576xf32, #tpu.memory_space<hbm>>) target_semaphore(%run_scoped3A_622 : memref<!tpu.dma_semaphore, #tpu.memory_space<semaphore_mem>>)
        %dma_wait3A_627 = arith.constant 19999424 : i32
        %dma_wait3A_628 = tpu.memref_slice %arg3[%dma_wait3A_627] : memref<26000000xf32, #tpu.memory_space<hbm>> -> memref<576xf32, #tpu.memory_space<hbm>>
        %dma_wait3A_629 = arith.constant 19999424 : i32
        %dma_wait3A_630 = tpu.memref_slice %arg3[%dma_wait3A_629] : memref<26000000xf32, #tpu.memory_space<hbm>> -> memref<576xf32, #tpu.memory_space<hbm>>
        tpu.wait_dma2 semaphore(%run_scoped3A_622 : memref<!tpu.dma_semaphore, #tpu.memory_space<semaphore_mem>>) src(%arg7 : memref<576xf32, #tpu.memory_space<vmem>>) dst(%dma_wait3A_630 : memref<576xf32, #tpu.memory_space<hbm>>)
        tpu.yield
      }) : () -> ()
    } else {
    }
    %eq3A_592 = arith.constant 20 : i32
    %eq3A_593 = arith.cmpi eq, %add3A, %eq3A_592 : i32
    %convert_element_type3A_594 = arith.extui %eq3A_593 : i1 to i32
    %cond3A_595 = arith.constant 0 : i32
    %cond3A_596 = arith.cmpi ne, %convert_element_type3A_594, %cond3A_595 : i32
    scf.if %cond3A_596 {
      %run_scoped3A = arith.constant 20 : i32
      "tpu.region"() ({
        %run_scoped3A_622 = tpu.sem_alloc : memref<!tpu.dma_semaphore, #tpu.memory_space<semaphore_mem>>
        %dma_start3A_623 = arith.constant 999424 : i32
        %dma_start3A_624 = tpu.memref_slice %arg2[%run_scoped3A, %dma_start3A_623] : memref<26x1000000xf32, #tpu.memory_space<hbm>> -> memref<1x576xf32, #tpu.memory_space<hbm>>
        %dma_start3A_625 = tpu.memref_squeeze %dma_start3A_624 : memref<1x576xf32, #tpu.memory_space<hbm>> -> memref<576xf32, #tpu.memory_space<hbm>>
        %dma_start3A_626 = arith.constant 999424 : i32
        %dma_start3A_627 = tpu.memref_slice %arg2[%run_scoped3A, %dma_start3A_626] : memref<26x1000000xf32, #tpu.memory_space<hbm>> -> memref<1x576xf32, #tpu.memory_space<hbm>>
        %dma_start3A_628 = tpu.memref_squeeze %dma_start3A_627 : memref<1x576xf32, #tpu.memory_space<hbm>> -> memref<576xf32, #tpu.memory_space<hbm>>
        tpu.enqueue_dma source(%dma_start3A_628 : memref<576xf32, #tpu.memory_space<hbm>>) target(%arg7 : memref<576xf32, #tpu.memory_space<vmem>>) target_semaphore(%run_scoped3A_622 : memref<!tpu.dma_semaphore, #tpu.memory_space<semaphore_mem>>)
        %dma_wait3A_629 = arith.constant 999424 : i32
        %dma_wait3A_630 = tpu.memref_slice %arg2[%run_scoped3A, %dma_wait3A_629] : memref<26x1000000xf32, #tpu.memory_space<hbm>> -> memref<1x576xf32, #tpu.memory_space<hbm>>
        %dma_wait3A_631 = tpu.memref_squeeze %dma_wait3A_630 : memref<1x576xf32, #tpu.memory_space<hbm>> -> memref<576xf32, #tpu.memory_space<hbm>>
        %dma_wait3A_632 = arith.constant 999424 : i32
        %dma_wait3A_633 = tpu.memref_slice %arg2[%run_scoped3A, %dma_wait3A_632] : memref<26x1000000xf32, #tpu.memory_space<hbm>> -> memref<1x576xf32, #tpu.memory_space<hbm>>
        %dma_wait3A_634 = tpu.memref_squeeze %dma_wait3A_633 : memref<1x576xf32, #tpu.memory_space<hbm>> -> memref<576xf32, #tpu.memory_space<hbm>>
        tpu.wait_dma2 semaphore(%run_scoped3A_622 : memref<!tpu.dma_semaphore, #tpu.memory_space<semaphore_mem>>) src(%dma_wait3A_634 : memref<576xf32, #tpu.memory_space<hbm>>) dst(%arg7 : memref<576xf32, #tpu.memory_space<vmem>>)
        tpu.yield
      }) : () -> ()
      "tpu.region"() ({
        %run_scoped3A_622 = tpu.sem_alloc : memref<!tpu.dma_semaphore, #tpu.memory_space<semaphore_mem>>
        %dma_start3A_623 = arith.constant 20999424 : i32
        %dma_start3A_624 = tpu.memref_slice %arg3[%dma_start3A_623] : memref<26000000xf32, #tpu.memory_space<hbm>> -> memref<576xf32, #tpu.memory_space<hbm>>
        %dma_start3A_625 = arith.constant 20999424 : i32
        %dma_start3A_626 = tpu.memref_slice %arg3[%dma_start3A_625] : memref<26000000xf32, #tpu.memory_space<hbm>> -> memref<576xf32, #tpu.memory_space<hbm>>
        tpu.enqueue_dma source(%arg7 : memref<576xf32, #tpu.memory_space<vmem>>) target(%dma_start3A_626 : memref<576xf32, #tpu.memory_space<hbm>>) target_semaphore(%run_scoped3A_622 : memref<!tpu.dma_semaphore, #tpu.memory_space<semaphore_mem>>)
        %dma_wait3A_627 = arith.constant 20999424 : i32
        %dma_wait3A_628 = tpu.memref_slice %arg3[%dma_wait3A_627] : memref<26000000xf32, #tpu.memory_space<hbm>> -> memref<576xf32, #tpu.memory_space<hbm>>
        %dma_wait3A_629 = arith.constant 20999424 : i32
        %dma_wait3A_630 = tpu.memref_slice %arg3[%dma_wait3A_629] : memref<26000000xf32, #tpu.memory_space<hbm>> -> memref<576xf32, #tpu.memory_space<hbm>>
        tpu.wait_dma2 semaphore(%run_scoped3A_622 : memref<!tpu.dma_semaphore, #tpu.memory_space<semaphore_mem>>) src(%arg7 : memref<576xf32, #tpu.memory_space<vmem>>) dst(%dma_wait3A_630 : memref<576xf32, #tpu.memory_space<hbm>>)
        tpu.yield
      }) : () -> ()
    } else {
    }
    %eq3A_597 = arith.constant 21 : i32
    %eq3A_598 = arith.cmpi eq, %add3A, %eq3A_597 : i32
    %convert_element_type3A_599 = arith.extui %eq3A_598 : i1 to i32
    %cond3A_600 = arith.constant 0 : i32
    %cond3A_601 = arith.cmpi ne, %convert_element_type3A_599, %cond3A_600 : i32
    scf.if %cond3A_601 {
      %run_scoped3A = arith.constant 21 : i32
      "tpu.region"() ({
        %run_scoped3A_622 = tpu.sem_alloc : memref<!tpu.dma_semaphore, #tpu.memory_space<semaphore_mem>>
        %dma_start3A_623 = arith.constant 999424 : i32
        %dma_start3A_624 = tpu.memref_slice %arg2[%run_scoped3A, %dma_start3A_623] : memref<26x1000000xf32, #tpu.memory_space<hbm>> -> memref<1x576xf32, #tpu.memory_space<hbm>>
        %dma_start3A_625 = tpu.memref_squeeze %dma_start3A_624 : memref<1x576xf32, #tpu.memory_space<hbm>> -> memref<576xf32, #tpu.memory_space<hbm>>
        %dma_start3A_626 = arith.constant 999424 : i32
        %dma_start3A_627 = tpu.memref_slice %arg2[%run_scoped3A, %dma_start3A_626] : memref<26x1000000xf32, #tpu.memory_space<hbm>> -> memref<1x576xf32, #tpu.memory_space<hbm>>
        %dma_start3A_628 = tpu.memref_squeeze %dma_start3A_627 : memref<1x576xf32, #tpu.memory_space<hbm>> -> memref<576xf32, #tpu.memory_space<hbm>>
        tpu.enqueue_dma source(%dma_start3A_628 : memref<576xf32, #tpu.memory_space<hbm>>) target(%arg7 : memref<576xf32, #tpu.memory_space<vmem>>) target_semaphore(%run_scoped3A_622 : memref<!tpu.dma_semaphore, #tpu.memory_space<semaphore_mem>>)
        %dma_wait3A_629 = arith.constant 999424 : i32
        %dma_wait3A_630 = tpu.memref_slice %arg2[%run_scoped3A, %dma_wait3A_629] : memref<26x1000000xf32, #tpu.memory_space<hbm>> -> memref<1x576xf32, #tpu.memory_space<hbm>>
        %dma_wait3A_631 = tpu.memref_squeeze %dma_wait3A_630 : memref<1x576xf32, #tpu.memory_space<hbm>> -> memref<576xf32, #tpu.memory_space<hbm>>
        %dma_wait3A_632 = arith.constant 999424 : i32
        %dma_wait3A_633 = tpu.memref_slice %arg2[%run_scoped3A, %dma_wait3A_632] : memref<26x1000000xf32, #tpu.memory_space<hbm>> -> memref<1x576xf32, #tpu.memory_space<hbm>>
        %dma_wait3A_634 = tpu.memref_squeeze %dma_wait3A_633 : memref<1x576xf32, #tpu.memory_space<hbm>> -> memref<576xf32, #tpu.memory_space<hbm>>
        tpu.wait_dma2 semaphore(%run_scoped3A_622 : memref<!tpu.dma_semaphore, #tpu.memory_space<semaphore_mem>>) src(%dma_wait3A_634 : memref<576xf32, #tpu.memory_space<hbm>>) dst(%arg7 : memref<576xf32, #tpu.memory_space<vmem>>)
        tpu.yield
      }) : () -> ()
      "tpu.region"() ({
        %run_scoped3A_622 = tpu.sem_alloc : memref<!tpu.dma_semaphore, #tpu.memory_space<semaphore_mem>>
        %dma_start3A_623 = arith.constant 21999424 : i32
        %dma_start3A_624 = tpu.memref_slice %arg3[%dma_start3A_623] : memref<26000000xf32, #tpu.memory_space<hbm>> -> memref<576xf32, #tpu.memory_space<hbm>>
        %dma_start3A_625 = arith.constant 21999424 : i32
        %dma_start3A_626 = tpu.memref_slice %arg3[%dma_start3A_625] : memref<26000000xf32, #tpu.memory_space<hbm>> -> memref<576xf32, #tpu.memory_space<hbm>>
        tpu.enqueue_dma source(%arg7 : memref<576xf32, #tpu.memory_space<vmem>>) target(%dma_start3A_626 : memref<576xf32, #tpu.memory_space<hbm>>) target_semaphore(%run_scoped3A_622 : memref<!tpu.dma_semaphore, #tpu.memory_space<semaphore_mem>>)
        %dma_wait3A_627 = arith.constant 21999424 : i32
        %dma_wait3A_628 = tpu.memref_slice %arg3[%dma_wait3A_627] : memref<26000000xf32, #tpu.memory_space<hbm>> -> memref<576xf32, #tpu.memory_space<hbm>>
        %dma_wait3A_629 = arith.constant 21999424 : i32
        %dma_wait3A_630 = tpu.memref_slice %arg3[%dma_wait3A_629] : memref<26000000xf32, #tpu.memory_space<hbm>> -> memref<576xf32, #tpu.memory_space<hbm>>
        tpu.wait_dma2 semaphore(%run_scoped3A_622 : memref<!tpu.dma_semaphore, #tpu.memory_space<semaphore_mem>>) src(%arg7 : memref<576xf32, #tpu.memory_space<vmem>>) dst(%dma_wait3A_630 : memref<576xf32, #tpu.memory_space<hbm>>)
        tpu.yield
      }) : () -> ()
    } else {
    }
    %eq3A_602 = arith.constant 22 : i32
    %eq3A_603 = arith.cmpi eq, %add3A, %eq3A_602 : i32
    %convert_element_type3A_604 = arith.extui %eq3A_603 : i1 to i32
    %cond3A_605 = arith.constant 0 : i32
    %cond3A_606 = arith.cmpi ne, %convert_element_type3A_604, %cond3A_605 : i32
    scf.if %cond3A_606 {
      %run_scoped3A = arith.constant 22 : i32
      "tpu.region"() ({
        %run_scoped3A_622 = tpu.sem_alloc : memref<!tpu.dma_semaphore, #tpu.memory_space<semaphore_mem>>
        %dma_start3A_623 = arith.constant 999424 : i32
        %dma_start3A_624 = tpu.memref_slice %arg2[%run_scoped3A, %dma_start3A_623] : memref<26x1000000xf32, #tpu.memory_space<hbm>> -> memref<1x576xf32, #tpu.memory_space<hbm>>
        %dma_start3A_625 = tpu.memref_squeeze %dma_start3A_624 : memref<1x576xf32, #tpu.memory_space<hbm>> -> memref<576xf32, #tpu.memory_space<hbm>>
        %dma_start3A_626 = arith.constant 999424 : i32
        %dma_start3A_627 = tpu.memref_slice %arg2[%run_scoped3A, %dma_start3A_626] : memref<26x1000000xf32, #tpu.memory_space<hbm>> -> memref<1x576xf32, #tpu.memory_space<hbm>>
        %dma_start3A_628 = tpu.memref_squeeze %dma_start3A_627 : memref<1x576xf32, #tpu.memory_space<hbm>> -> memref<576xf32, #tpu.memory_space<hbm>>
        tpu.enqueue_dma source(%dma_start3A_628 : memref<576xf32, #tpu.memory_space<hbm>>) target(%arg7 : memref<576xf32, #tpu.memory_space<vmem>>) target_semaphore(%run_scoped3A_622 : memref<!tpu.dma_semaphore, #tpu.memory_space<semaphore_mem>>)
        %dma_wait3A_629 = arith.constant 999424 : i32
        %dma_wait3A_630 = tpu.memref_slice %arg2[%run_scoped3A, %dma_wait3A_629] : memref<26x1000000xf32, #tpu.memory_space<hbm>> -> memref<1x576xf32, #tpu.memory_space<hbm>>
        %dma_wait3A_631 = tpu.memref_squeeze %dma_wait3A_630 : memref<1x576xf32, #tpu.memory_space<hbm>> -> memref<576xf32, #tpu.memory_space<hbm>>
        %dma_wait3A_632 = arith.constant 999424 : i32
        %dma_wait3A_633 = tpu.memref_slice %arg2[%run_scoped3A, %dma_wait3A_632] : memref<26x1000000xf32, #tpu.memory_space<hbm>> -> memref<1x576xf32, #tpu.memory_space<hbm>>
        %dma_wait3A_634 = tpu.memref_squeeze %dma_wait3A_633 : memref<1x576xf32, #tpu.memory_space<hbm>> -> memref<576xf32, #tpu.memory_space<hbm>>
        tpu.wait_dma2 semaphore(%run_scoped3A_622 : memref<!tpu.dma_semaphore, #tpu.memory_space<semaphore_mem>>) src(%dma_wait3A_634 : memref<576xf32, #tpu.memory_space<hbm>>) dst(%arg7 : memref<576xf32, #tpu.memory_space<vmem>>)
        tpu.yield
      }) : () -> ()
      "tpu.region"() ({
        %run_scoped3A_622 = tpu.sem_alloc : memref<!tpu.dma_semaphore, #tpu.memory_space<semaphore_mem>>
        %dma_start3A_623 = arith.constant 22999424 : i32
        %dma_start3A_624 = tpu.memref_slice %arg3[%dma_start3A_623] : memref<26000000xf32, #tpu.memory_space<hbm>> -> memref<576xf32, #tpu.memory_space<hbm>>
        %dma_start3A_625 = arith.constant 22999424 : i32
        %dma_start3A_626 = tpu.memref_slice %arg3[%dma_start3A_625] : memref<26000000xf32, #tpu.memory_space<hbm>> -> memref<576xf32, #tpu.memory_space<hbm>>
        tpu.enqueue_dma source(%arg7 : memref<576xf32, #tpu.memory_space<vmem>>) target(%dma_start3A_626 : memref<576xf32, #tpu.memory_space<hbm>>) target_semaphore(%run_scoped3A_622 : memref<!tpu.dma_semaphore, #tpu.memory_space<semaphore_mem>>)
        %dma_wait3A_627 = arith.constant 22999424 : i32
        %dma_wait3A_628 = tpu.memref_slice %arg3[%dma_wait3A_627] : memref<26000000xf32, #tpu.memory_space<hbm>> -> memref<576xf32, #tpu.memory_space<hbm>>
        %dma_wait3A_629 = arith.constant 22999424 : i32
        %dma_wait3A_630 = tpu.memref_slice %arg3[%dma_wait3A_629] : memref<26000000xf32, #tpu.memory_space<hbm>> -> memref<576xf32, #tpu.memory_space<hbm>>
        tpu.wait_dma2 semaphore(%run_scoped3A_622 : memref<!tpu.dma_semaphore, #tpu.memory_space<semaphore_mem>>) src(%arg7 : memref<576xf32, #tpu.memory_space<vmem>>) dst(%dma_wait3A_630 : memref<576xf32, #tpu.memory_space<hbm>>)
        tpu.yield
      }) : () -> ()
    } else {
    }
    %eq3A_607 = arith.constant 23 : i32
    %eq3A_608 = arith.cmpi eq, %add3A, %eq3A_607 : i32
    %convert_element_type3A_609 = arith.extui %eq3A_608 : i1 to i32
    %cond3A_610 = arith.constant 0 : i32
    %cond3A_611 = arith.cmpi ne, %convert_element_type3A_609, %cond3A_610 : i32
    scf.if %cond3A_611 {
      %run_scoped3A = arith.constant 23 : i32
      "tpu.region"() ({
        %run_scoped3A_622 = tpu.sem_alloc : memref<!tpu.dma_semaphore, #tpu.memory_space<semaphore_mem>>
        %dma_start3A_623 = arith.constant 999424 : i32
        %dma_start3A_624 = tpu.memref_slice %arg2[%run_scoped3A, %dma_start3A_623] : memref<26x1000000xf32, #tpu.memory_space<hbm>> -> memref<1x576xf32, #tpu.memory_space<hbm>>
        %dma_start3A_625 = tpu.memref_squeeze %dma_start3A_624 : memref<1x576xf32, #tpu.memory_space<hbm>> -> memref<576xf32, #tpu.memory_space<hbm>>
        %dma_start3A_626 = arith.constant 999424 : i32
        %dma_start3A_627 = tpu.memref_slice %arg2[%run_scoped3A, %dma_start3A_626] : memref<26x1000000xf32, #tpu.memory_space<hbm>> -> memref<1x576xf32, #tpu.memory_space<hbm>>
        %dma_start3A_628 = tpu.memref_squeeze %dma_start3A_627 : memref<1x576xf32, #tpu.memory_space<hbm>> -> memref<576xf32, #tpu.memory_space<hbm>>
        tpu.enqueue_dma source(%dma_start3A_628 : memref<576xf32, #tpu.memory_space<hbm>>) target(%arg7 : memref<576xf32, #tpu.memory_space<vmem>>) target_semaphore(%run_scoped3A_622 : memref<!tpu.dma_semaphore, #tpu.memory_space<semaphore_mem>>)
        %dma_wait3A_629 = arith.constant 999424 : i32
        %dma_wait3A_630 = tpu.memref_slice %arg2[%run_scoped3A, %dma_wait3A_629] : memref<26x1000000xf32, #tpu.memory_space<hbm>> -> memref<1x576xf32, #tpu.memory_space<hbm>>
        %dma_wait3A_631 = tpu.memref_squeeze %dma_wait3A_630 : memref<1x576xf32, #tpu.memory_space<hbm>> -> memref<576xf32, #tpu.memory_space<hbm>>
        %dma_wait3A_632 = arith.constant 999424 : i32
        %dma_wait3A_633 = tpu.memref_slice %arg2[%run_scoped3A, %dma_wait3A_632] : memref<26x1000000xf32, #tpu.memory_space<hbm>> -> memref<1x576xf32, #tpu.memory_space<hbm>>
        %dma_wait3A_634 = tpu.memref_squeeze %dma_wait3A_633 : memref<1x576xf32, #tpu.memory_space<hbm>> -> memref<576xf32, #tpu.memory_space<hbm>>
        tpu.wait_dma2 semaphore(%run_scoped3A_622 : memref<!tpu.dma_semaphore, #tpu.memory_space<semaphore_mem>>) src(%dma_wait3A_634 : memref<576xf32, #tpu.memory_space<hbm>>) dst(%arg7 : memref<576xf32, #tpu.memory_space<vmem>>)
        tpu.yield
      }) : () -> ()
      "tpu.region"() ({
        %run_scoped3A_622 = tpu.sem_alloc : memref<!tpu.dma_semaphore, #tpu.memory_space<semaphore_mem>>
        %dma_start3A_623 = arith.constant 23999424 : i32
        %dma_start3A_624 = tpu.memref_slice %arg3[%dma_start3A_623] : memref<26000000xf32, #tpu.memory_space<hbm>> -> memref<576xf32, #tpu.memory_space<hbm>>
        %dma_start3A_625 = arith.constant 23999424 : i32
        %dma_start3A_626 = tpu.memref_slice %arg3[%dma_start3A_625] : memref<26000000xf32, #tpu.memory_space<hbm>> -> memref<576xf32, #tpu.memory_space<hbm>>
        tpu.enqueue_dma source(%arg7 : memref<576xf32, #tpu.memory_space<vmem>>) target(%dma_start3A_626 : memref<576xf32, #tpu.memory_space<hbm>>) target_semaphore(%run_scoped3A_622 : memref<!tpu.dma_semaphore, #tpu.memory_space<semaphore_mem>>)
        %dma_wait3A_627 = arith.constant 23999424 : i32
        %dma_wait3A_628 = tpu.memref_slice %arg3[%dma_wait3A_627] : memref<26000000xf32, #tpu.memory_space<hbm>> -> memref<576xf32, #tpu.memory_space<hbm>>
        %dma_wait3A_629 = arith.constant 23999424 : i32
        %dma_wait3A_630 = tpu.memref_slice %arg3[%dma_wait3A_629] : memref<26000000xf32, #tpu.memory_space<hbm>> -> memref<576xf32, #tpu.memory_space<hbm>>
        tpu.wait_dma2 semaphore(%run_scoped3A_622 : memref<!tpu.dma_semaphore, #tpu.memory_space<semaphore_mem>>) src(%arg7 : memref<576xf32, #tpu.memory_space<vmem>>) dst(%dma_wait3A_630 : memref<576xf32, #tpu.memory_space<hbm>>)
        tpu.yield
      }) : () -> ()
    } else {
    }
    %eq3A_612 = arith.constant 24 : i32
    %eq3A_613 = arith.cmpi eq, %add3A, %eq3A_612 : i32
    %convert_element_type3A_614 = arith.extui %eq3A_613 : i1 to i32
    %cond3A_615 = arith.constant 0 : i32
    %cond3A_616 = arith.cmpi ne, %convert_element_type3A_614, %cond3A_615 : i32
    scf.if %cond3A_616 {
      %run_scoped3A = arith.constant 24 : i32
      "tpu.region"() ({
        %run_scoped3A_622 = tpu.sem_alloc : memref<!tpu.dma_semaphore, #tpu.memory_space<semaphore_mem>>
        %dma_start3A_623 = arith.constant 999424 : i32
        %dma_start3A_624 = tpu.memref_slice %arg2[%run_scoped3A, %dma_start3A_623] : memref<26x1000000xf32, #tpu.memory_space<hbm>> -> memref<1x576xf32, #tpu.memory_space<hbm>>
        %dma_start3A_625 = tpu.memref_squeeze %dma_start3A_624 : memref<1x576xf32, #tpu.memory_space<hbm>> -> memref<576xf32, #tpu.memory_space<hbm>>
        %dma_start3A_626 = arith.constant 999424 : i32
        %dma_start3A_627 = tpu.memref_slice %arg2[%run_scoped3A, %dma_start3A_626] : memref<26x1000000xf32, #tpu.memory_space<hbm>> -> memref<1x576xf32, #tpu.memory_space<hbm>>
        %dma_start3A_628 = tpu.memref_squeeze %dma_start3A_627 : memref<1x576xf32, #tpu.memory_space<hbm>> -> memref<576xf32, #tpu.memory_space<hbm>>
        tpu.enqueue_dma source(%dma_start3A_628 : memref<576xf32, #tpu.memory_space<hbm>>) target(%arg7 : memref<576xf32, #tpu.memory_space<vmem>>) target_semaphore(%run_scoped3A_622 : memref<!tpu.dma_semaphore, #tpu.memory_space<semaphore_mem>>)
        %dma_wait3A_629 = arith.constant 999424 : i32
        %dma_wait3A_630 = tpu.memref_slice %arg2[%run_scoped3A, %dma_wait3A_629] : memref<26x1000000xf32, #tpu.memory_space<hbm>> -> memref<1x576xf32, #tpu.memory_space<hbm>>
        %dma_wait3A_631 = tpu.memref_squeeze %dma_wait3A_630 : memref<1x576xf32, #tpu.memory_space<hbm>> -> memref<576xf32, #tpu.memory_space<hbm>>
        %dma_wait3A_632 = arith.constant 999424 : i32
        %dma_wait3A_633 = tpu.memref_slice %arg2[%run_scoped3A, %dma_wait3A_632] : memref<26x1000000xf32, #tpu.memory_space<hbm>> -> memref<1x576xf32, #tpu.memory_space<hbm>>
        %dma_wait3A_634 = tpu.memref_squeeze %dma_wait3A_633 : memref<1x576xf32, #tpu.memory_space<hbm>> -> memref<576xf32, #tpu.memory_space<hbm>>
        tpu.wait_dma2 semaphore(%run_scoped3A_622 : memref<!tpu.dma_semaphore, #tpu.memory_space<semaphore_mem>>) src(%dma_wait3A_634 : memref<576xf32, #tpu.memory_space<hbm>>) dst(%arg7 : memref<576xf32, #tpu.memory_space<vmem>>)
        tpu.yield
      }) : () -> ()
      "tpu.region"() ({
        %run_scoped3A_622 = tpu.sem_alloc : memref<!tpu.dma_semaphore, #tpu.memory_space<semaphore_mem>>
        %dma_start3A_623 = arith.constant 24999424 : i32
        %dma_start3A_624 = tpu.memref_slice %arg3[%dma_start3A_623] : memref<26000000xf32, #tpu.memory_space<hbm>> -> memref<576xf32, #tpu.memory_space<hbm>>
        %dma_start3A_625 = arith.constant 24999424 : i32
        %dma_start3A_626 = tpu.memref_slice %arg3[%dma_start3A_625] : memref<26000000xf32, #tpu.memory_space<hbm>> -> memref<576xf32, #tpu.memory_space<hbm>>
        tpu.enqueue_dma source(%arg7 : memref<576xf32, #tpu.memory_space<vmem>>) target(%dma_start3A_626 : memref<576xf32, #tpu.memory_space<hbm>>) target_semaphore(%run_scoped3A_622 : memref<!tpu.dma_semaphore, #tpu.memory_space<semaphore_mem>>)
        %dma_wait3A_627 = arith.constant 24999424 : i32
        %dma_wait3A_628 = tpu.memref_slice %arg3[%dma_wait3A_627] : memref<26000000xf32, #tpu.memory_space<hbm>> -> memref<576xf32, #tpu.memory_space<hbm>>
        %dma_wait3A_629 = arith.constant 24999424 : i32
        %dma_wait3A_630 = tpu.memref_slice %arg3[%dma_wait3A_629] : memref<26000000xf32, #tpu.memory_space<hbm>> -> memref<576xf32, #tpu.memory_space<hbm>>
        tpu.wait_dma2 semaphore(%run_scoped3A_622 : memref<!tpu.dma_semaphore, #tpu.memory_space<semaphore_mem>>) src(%arg7 : memref<576xf32, #tpu.memory_space<vmem>>) dst(%dma_wait3A_630 : memref<576xf32, #tpu.memory_space<hbm>>)
        tpu.yield
      }) : () -> ()
    } else {
    }
    %eq3A_617 = arith.constant 25 : i32
    %eq3A_618 = arith.cmpi eq, %add3A, %eq3A_617 : i32
    %convert_element_type3A_619 = arith.extui %eq3A_618 : i1 to i32
    %cond3A_620 = arith.constant 0 : i32
    %cond3A_621 = arith.cmpi ne, %convert_element_type3A_619, %cond3A_620 : i32
    scf.if %cond3A_621 {
      %run_scoped3A = arith.constant 25 : i32
      "tpu.region"() ({
        %run_scoped3A_622 = tpu.sem_alloc : memref<!tpu.dma_semaphore, #tpu.memory_space<semaphore_mem>>
        %dma_start3A_623 = arith.constant 999424 : i32
        %dma_start3A_624 = tpu.memref_slice %arg2[%run_scoped3A, %dma_start3A_623] : memref<26x1000000xf32, #tpu.memory_space<hbm>> -> memref<1x576xf32, #tpu.memory_space<hbm>>
        %dma_start3A_625 = tpu.memref_squeeze %dma_start3A_624 : memref<1x576xf32, #tpu.memory_space<hbm>> -> memref<576xf32, #tpu.memory_space<hbm>>
        %dma_start3A_626 = arith.constant 999424 : i32
        %dma_start3A_627 = tpu.memref_slice %arg2[%run_scoped3A, %dma_start3A_626] : memref<26x1000000xf32, #tpu.memory_space<hbm>> -> memref<1x576xf32, #tpu.memory_space<hbm>>
        %dma_start3A_628 = tpu.memref_squeeze %dma_start3A_627 : memref<1x576xf32, #tpu.memory_space<hbm>> -> memref<576xf32, #tpu.memory_space<hbm>>
        tpu.enqueue_dma source(%dma_start3A_628 : memref<576xf32, #tpu.memory_space<hbm>>) target(%arg7 : memref<576xf32, #tpu.memory_space<vmem>>) target_semaphore(%run_scoped3A_622 : memref<!tpu.dma_semaphore, #tpu.memory_space<semaphore_mem>>)
        %dma_wait3A_629 = arith.constant 999424 : i32
        %dma_wait3A_630 = tpu.memref_slice %arg2[%run_scoped3A, %dma_wait3A_629] : memref<26x1000000xf32, #tpu.memory_space<hbm>> -> memref<1x576xf32, #tpu.memory_space<hbm>>
        %dma_wait3A_631 = tpu.memref_squeeze %dma_wait3A_630 : memref<1x576xf32, #tpu.memory_space<hbm>> -> memref<576xf32, #tpu.memory_space<hbm>>
        %dma_wait3A_632 = arith.constant 999424 : i32
        %dma_wait3A_633 = tpu.memref_slice %arg2[%run_scoped3A, %dma_wait3A_632] : memref<26x1000000xf32, #tpu.memory_space<hbm>> -> memref<1x576xf32, #tpu.memory_space<hbm>>
        %dma_wait3A_634 = tpu.memref_squeeze %dma_wait3A_633 : memref<1x576xf32, #tpu.memory_space<hbm>> -> memref<576xf32, #tpu.memory_space<hbm>>
        tpu.wait_dma2 semaphore(%run_scoped3A_622 : memref<!tpu.dma_semaphore, #tpu.memory_space<semaphore_mem>>) src(%dma_wait3A_634 : memref<576xf32, #tpu.memory_space<hbm>>) dst(%arg7 : memref<576xf32, #tpu.memory_space<vmem>>)
        tpu.yield
      }) : () -> ()
      "tpu.region"() ({
        %run_scoped3A_622 = tpu.sem_alloc : memref<!tpu.dma_semaphore, #tpu.memory_space<semaphore_mem>>
        %dma_start3A_623 = arith.constant 25999424 : i32
        %dma_start3A_624 = tpu.memref_slice %arg3[%dma_start3A_623] : memref<26000000xf32, #tpu.memory_space<hbm>> -> memref<576xf32, #tpu.memory_space<hbm>>
        %dma_start3A_625 = arith.constant 25999424 : i32
        %dma_start3A_626 = tpu.memref_slice %arg3[%dma_start3A_625] : memref<26000000xf32, #tpu.memory_space<hbm>> -> memref<576xf32, #tpu.memory_space<hbm>>
        tpu.enqueue_dma source(%arg7 : memref<576xf32, #tpu.memory_space<vmem>>) target(%dma_start3A_626 : memref<576xf32, #tpu.memory_space<hbm>>) target_semaphore(%run_scoped3A_622 : memref<!tpu.dma_semaphore, #tpu.memory_space<semaphore_mem>>)
        %dma_wait3A_627 = arith.constant 25999424 : i32
        %dma_wait3A_628 = tpu.memref_slice %arg3[%dma_wait3A_627] : memref<26000000xf32, #tpu.memory_space<hbm>> -> memref<576xf32, #tpu.memory_space<hbm>>
        %dma_wait3A_629 = arith.constant 25999424 : i32
        %dma_wait3A_630 = tpu.memref_slice %arg3[%dma_wait3A_629] : memref<26000000xf32, #tpu.memory_space<hbm>> -> memref<576xf32, #tpu.memory_space<hbm>>
        tpu.wait_dma2 semaphore(%run_scoped3A_622 : memref<!tpu.dma_semaphore, #tpu.memory_space<semaphore_mem>>) src(%arg7 : memref<576xf32, #tpu.memory_space<vmem>>) dst(%dma_wait3A_630 : memref<576xf32, #tpu.memory_space<hbm>>)
        tpu.yield
      }) : () -> ()
    } else {
    }
    return
  }
}

</mosaic_0001>

<sc_bundles>
// kernel: _run.4.cloned.1.call-start
scs
__scs_entry_jumppad:
0x0: {  	(pc) =	sbr.rel $0x88, $3  }
0x1: {  	(tag) =	ssettag $0x0;
	lr =	simm.s32 $0x1  }
0x2: {  	[smem:$0x3F9C] =	sst lr;
	_ =	strace $0xD0000000  }
0x3: {  	_ = 	snop  }
0x4: {  	_ = 	snop  }
0x5: {  	_ = 	snop  }
0x6: {  	_ = 	snop  }
0x7: {  	_ = 	snop  }
__scs_overlays_trampoline_lowered:
0x8: {  	[smem:$0x3FAB] =	sst s0  }
0x9: {  	[smem:$0x3FAC] =	sst s1  }
0xa: {  	[smem:$0x3FAD] =	sst s2  }
0xb: {  	[smem:$0x3FAE] =	sst s3  }
0xc: {  	[smem:$0x3FAF] =	sst s4  }
0xd: {  	[smem:$0x3FB0] =	sst s5  }
0xe: {  	[smem:$0x3FB1] =	sst s6  }
0xf: {  	[smem:$0x3FB2] =	sst s7  }
0x10: {  	[smem:$0x3FB3] =	sst s8  }
0x11: {  	[smem:$0x3FB4] =	sst s9;
	s0 =	simm.s32 @!p0 $0x0  }
0x12: {  	s1 =	sld [smem:$0x3F9A];
	s0 =	simm.s32 @p0 $0x1  }
0x13: {  	[smem:$0x3FB5] =	sst s0;
	s0 =	simm.s32 @!p1 $0x0  }
0x14: {  	s2 =	sld [smem:$0x3F99];
	s0 =	simm.s32 @p1 $0x1  }
0x15: {  	[smem:$0x3FB6] =	sst s0;
	s0 =	simm.s32 @!p2 $0x0  }
0x16: {  	s3 =	sld [smem:$0x3FDB];
	s0 =	simm.s32 @p2 $0x1  }
0x17: {  	s4 =	simm.s32 $0x1BF5;
	[smem:$0x3FB8] =	sst s0  }
0x18: {  	s0 =	sld [smem:$0x3F9B];
	_ =	swait.ge [sflag:s4], $0x0  }
0x19: {  	s7 =	sld [smem:$0x3F9C]  }
0x1a: {  	s8 =	sadd.s32 $0xFFFFE003, lr  }
0x1b: {  	s9 =	sadd.s32 $0xFFFFFEF7, lr;
	s5 =	simm.s32 $0xFFFFFFFF;
	p2 =	slt.u32 s8, $0xFFFFF086  }
0x1c: {  	p1 =	slt.u32 s9, $0xF7A;
	s5 =	simm.s32 @!p2 $0x0  }
0x1d: {  	s5 =	simm.s32 @p1 $0x1;
	p0 =	seq.s32 s7, s2  }
0x1e: {  	s7 =	smul.u32 @!p0 $0xF7A, s2;
	p2 =	seq.s32 @!p0 s5, $0x0  }
0x1f: {  	s9 =	smul.u32 $0xF7A, s1;
	s8 =	simm.s32 @!p0 $0x1BF5;
	p2 =	por !p2, p0  }
0x20: {  	[sflag:s8] =	ssyncset.s32 @!p0 $0xFFFFF086;
	s6 =	sadd.s32 @!p0 s3, s7;
	s7 =	simm.s32 @!p0 $0x108  }
0x21: {  	s3 =	sadd.s32 s3, s9;
	s6 =	sadd.s32 @!p0 $0x88, s6;
	s7 =	simm.s32 @p2 $0x1082  }
0x22: {  	[simem:s7], [sflag:s8] =	dma.local @!p0 [hbm:s6], $0xF7A  }
0x23: {  	s9 =	sor.u32 $0xD0000000, s2;
	s6 =	simm.s32 $0x108;
	_ =	swait.ge @!p0 [sflag:s8], $0x0  }
0x24: {  	s3 =	sadd.s32 $0x88, s3;
	s6 =	simm.s32 @!p1 $0x1082;
	[sflag:s4] =	ssyncset.s32 $0xFFFFF086  }
0x25: {  	[simem:s6], [sflag:s4] =	dma.local [hbm:s3], $0xF7A  }
0x26: {  	[smem:$0x3F9C] =	sst s1;
	(tag) =	ssettag s2;
	_ =	strace s9  }
0x27: {  	s1 =	sld [smem:$0x3FAC]  }
0x28: {  	s2 =	sld [smem:$0x3FAD]  }
0x29: {  	s4 =	sld [smem:$0x3FAF]  }
0x2a: {  	p0 =	seq.s32 s5, $0x0;
	s5 =	sld [smem:$0x3FB0]  }
0x2b: {  	s6 =	sld [smem:$0x3FB1]  }
0x2c: {  	s7 =	sld [smem:$0x3FB2]  }
0x2d: {  	s3 =	simm.s32 $0x108;
	s8 =	sld [smem:$0x3FB3]  }
0x2e: {  	s3 =	simm.s32 @!p0 $0x1082;
	s9 =	sld [smem:$0x3FB4]  }
0x2f: {  	lr =	sadd.s32 s0, s3;
	s0 =	sld [smem:$0x3FAB]  }
0x30: {  	s3 =	sld [smem:$0x3FAE]  }
0x31: {  	[smem:$0x3FB7] =	sst s10  }
0x32: {  	s10 =	sld [smem:$0x3FB5];
	_ =	sdelay $0x3  }
0x33: {  	p0 =	seq.s32 s10, $0x1;
	s10 =	sld [smem:$0x3FB7];
	_ =	sdelay $0x3  }
0x34: {  	[smem:$0x3FB7] =	sst s10  }
0x35: {  	s10 =	sld [smem:$0x3FB6];
	_ =	sdelay $0x3  }
0x36: {  	p1 =	seq.s32 s10, $0x1;
	s10 =	sld [smem:$0x3FB7];
	_ =	sdelay $0x3  }
0x37: {  	[smem:$0x3FB7] =	sst s10  }
0x38: {  	s10 =	sld [smem:$0x3FB8]  }
0x39: {  	_ = 	snop;
	(pc) =	sbr.ind lr, $3  }
0x3a: {  	_ = 	snop  }
0x3b: {  	_ = 	snop  }
0x3c: {  	p2 =	seq.s32 s10, $0x1;
	s10 =	sld [smem:$0x3FB7]  }
0x3d: {  	_ =	shalt  }
0x3e: {  	_ =	shalt  }
0x3f: {  	_ =	shalt  }
0x40: {  	_ =	shalt  }
0x41: {  	_ =	shalt  }
0x42: {  	_ =	shalt  }
0x43: {  	_ =	shalt  }
0x44: {  	_ =	shalt  }
0x45: {  	_ =	shalt  }
0x46: {  	_ =	shalt  }
0x47: {  	_ =	shalt  }
0x48: {  	_ =	shalt  }
0x49: {  	_ =	shalt  }
0x4a: {  	_ =	shalt  }
0x4b: {  	_ =	shalt  }
0x4c: {  	_ =	shalt  }
0x4d: {  	_ =	shalt  }
0x4e: {  	_ =	shalt  }
0x4f: {  	_ =	shalt  }
0x50: {  	_ =	shalt  }
0x51: {  	_ =	shalt  }
0x52: {  	_ =	shalt  }
0x53: {  	_ =	shalt  }
0x54: {  	_ =	shalt  }
0x55: {  	_ =	shalt  }
0x56: {  	_ =	shalt  }
0x57: {  	_ =	shalt  }
0x58: {  	_ =	shalt  }
0x59: {  	_ =	shalt  }
0x5a: {  	_ =	shalt  }
0x5b: {  	_ =	shalt  }
0x5c: {  	_ =	shalt  }
0x5d: {  	_ =	shalt  }
0x5e: {  	_ =	shalt  }
0x5f: {  	_ =	shalt  }
0x60: {  	_ =	shalt  }
0x61: {  	_ =	shalt  }
0x62: {  	_ =	shalt  }
0x63: {  	_ =	shalt  }
0x64: {  	_ =	shalt  }
0x65: {  	_ =	shalt  }
0x66: {  	_ =	shalt  }
0x67: {  	_ =	shalt  }
0x68: {  	_ =	shalt  }
0x69: {  	_ =	shalt  }
0x6a: {  	_ =	shalt  }
0x6b: {  	_ =	shalt  }
0x6c: {  	_ =	shalt  }
0x6d: {  	_ =	shalt  }
0x6e: {  	_ =	shalt  }
0x6f: {  	_ =	shalt  }
0x70: {  	_ =	shalt  }
0x71: {  	_ =	shalt  }
0x72: {  	_ =	shalt  }
0x73: {  	_ =	shalt  }
0x74: {  	_ =	shalt  }
0x75: {  	_ =	shalt  }
0x76: {  	_ =	shalt  }
0x77: {  	_ =	shalt  }
0x78: {  	_ =	shalt  }
0x79: {  	_ =	shalt  }
0x7a: {  	_ =	shalt  }
0x7b: {  	_ =	shalt  }
0x7c: {  	_ =	shalt  }
0x7d: {  	_ =	shalt  }
0x7e: {  	_ =	shalt  }
0x7f: {  	_ =	shalt  }
0x80: {  	_ =	shalt  }
0x81: {  	_ =	shalt  }
0x82: {  	_ =	shalt  }
0x83: {  	_ =	shalt  }
0x84: {  	_ =	shalt  }
0x85: {  	_ =	shalt  }
0x86: {  	_ =	shalt  }
0x87: {  	_ =	shalt  }
.Lfunc_end0:
.L_simem_size_0:
called_computation_lowered:
.L_overlay_start_0:
0x88: {  	s2 =	sld [smem:$0x3FD9]  }
0x89: {  	s3 =	sld [smem:$0x3FFE];
	_ =	sdelay $0x1  }
0x8a: {  	s1 =	srdreg.scid  }
0x8b: {  	s0 =	sand.u32 $0x1, s1  }
0x8c: {  	s17 =	sshll.u32 s0, $0xA;
	s2 =	sadd.s32 s3, s2  }
0x8d: {  	s2 =	sadd.s32 s2, s17  }
0x8e: {  	[smem:$0x3FC3] =	sst s2  }
0x8f: {  	_ = 	snop  }
0x90: {  	s2 =	sld [smem:$0x3FC8];
	(tm) =	ssettm $0x1  }
0x91: {  	s18 =	sld [smem:$0x3FFB];
	_ =	sdelay $0x3  }
0x92: {  	_ =	strace s18  }
0x93: {  	s3 =	sld [smem:$0x3FFC];
	_ =	sdelay $0x3  }
0x94: {  	_ =	strace s3  }
0x95: {  	s3 =	sld [smem:$0x3FFD];
	_ =	sdelay $0x3  }
0x96: {  	_ =	strace s3  }
0x97: {  	_ =	strace $0x8FFFFFFF  }
0x98: {  	s19 =	sld [smem:$0x3FDB];
	_ =	sdelay $0x1  }
0x99: {  	s4 =	simm.s32 $_scs_section_size  }
0x9a: {  	s5 =	simm.s32 $_size__tile_overlayer_lowered;
	s6 =	simm.s32 $_tile_overlayer_lowered  }
0x9b: {  	s22 =	simm.s32 $0x1BFF;
	s21 =	sshll.u32 s6, $0x1;
	s3 =	sadd.s32 s4, s19  }
0x9c: {  	s7 =	simm.s32 $0x0;
	s20 =	sshll.u32 s5, $0x1;
	s5 =	sadd.s32 s21, s3  }
0x9d: {  	[timem:s7], [sflag:s22] =	dma.local [hbm:s5], s20  }
0x9e: {  	_ =	swait.ge [sflag:s22], s20  }
0x9f: {  	s4 =	ssub.s32 $0x0, s20;
	[sflag:s22] =	ssyncset.done $0x0  }
0xa0: {  	[sflag:s22] =	ssyncadd.s32 s4;
	_ =	sdelay $0x1  }
0xa1: {  	s23 =	simm.s32 $0x1B8B  }
0xa2: {  	_ =	swait.ge [sflag:s23], $0x1  }
0xa3: {  	[sflag:s23] =	ssyncset.done $0x0  }
0xa4: {  	s25 =	simm.s32 $0x1B8E;
	s24 =	sld [smem:$0x3FFE];
	[sflag:s23] =	ssyncadd.s32 $0xFFFFFFFF  }
0xa5: {  	s26 =	simm.s32 $execute0_lowered;
	[smem:$0x3FD2] =	sst s25  }
0xa6: {  	s5 =	sshll.u32 s26, $0x1;
	_ =	strace $0x80000046;
	[dreg:$0x1] =	wrdreg $0xFFFFFFFF  }
0xa7: {  	s28 =	simm.s32 $_size_execute0_lowered;
	s3 =	sadd.s32 s3, s5;
	[dreg:$0x0] =	wrdreg $0x0  }
0xa8: {  	s5 =	sshll.u32 s28, $0x1;
	[dreg:$0x2] =	wrdreg s3  }
0xa9: {  	[dreg:$0x3] =	wrdreg s5  }
0xaa: {  	[dreg:$0x4] =	wrdreg $0xC0  }
0xab: {  	_ =	task [dreg:s7], $0x5FFFF  }
0xac: {  	[dreg:$0x1] =	wrdreg $0xFFFFFFFF  }
0xad: {  	[dreg:$0x0] =	wrdreg $0x60  }
0xae: {  	[dreg:$0x2] =	wrdreg s2  }
0xaf: {  	[dreg:$0x3] =	wrdreg s24  }
0xb0: {  	[dreg:$0x4] =	wrdreg $0x9  }
0xb1: {  	_ =	task.clear_ibuf [dreg:s7], $0x5FFFF;
	_ =	strace $0x90000046  }
0xb2: {  	s29 =	simm.s32 $0x9;
	_ =	strace $0x80000048  }
0xb3: {  	_ =	swait.ge [sflag:s29], $0x1  }
0xb4: {  	[sflag:s29] =	ssyncadd.s32 $0xFFFFFFFF  }
0xb5: {  	_ =	strace $0x90000048  }
0xb6: {  	_ =	sfence  }
0xb7: {  	s30 =	sld [smem:$0x0];
	_ =	sdelay $0x2  }
0xb8: {  	s31 =	sshll.u32 s1, $0xD;
	s1 =	sshrl.u32 s1, $0x2  }
0xb9: {  	s3 =	sand.u32 $0x4000, s31;
	s1 =	sadd.s32 s1, s30  }
0xba: {  	s0 =	sor.u32 s3, s0;
	s1 =	sshll.u32 s1, $0x11  }
0xbb: {  	s0 =	sor.u32 s1, s0  }
0xbc: {  	s0 =	sadd.s32 $0x8F2B, s0  }
0xbd: {  	[sflag:s0] =	ssyncadd.remote.s32 $0x1  }
0xbe: {  	_ =	sfence.sel $0xFFFF  }
0xbf: {  	[dreg:$0x0] =	wrdreg $0xFFFFFFFF;
	(pc) =	sbr.abs _section_cstart, $3  }
0xc0: {  	[dreg:$0x1] =	wrdreg $0xFFFFFFFF  }
0xc1: {  	_ =	task.clear_ibuf [dreg:s7], $0x2FFFF;
	_ =	strace $0x9FFFFFFF  }
0xc2: {  	(tm) =	ssettm $0x7FFFFFFF  }
0xc3: {  	_ =	shalt  }
tec
execute0_lowered:
.L_overlay_start_1:
0x0: {  	(tag) =	ssettag $0x1  }
0x1: {  	s0 =	srdreg.scid  }
0x2: {  	s1 =	stileid.u32;
	s2 =	sand.u32 $0x1, s0;
	s0 =	rddreg [dreg:$0x0]  }
0x3: {  	s1 =	sshll.u32 s1, $0x1;
	s21 =	sadd.s32 $0x2DC570, s0;
	s5 =	sadd.s32 $0x2DC540, s0  }
0x4: {  	s22 =	sor.u32 s2, s1;
	s11 =	sadd.s32 $0x2DC530, s0;
	s7 =	sadd.s32 $0x2DC510, s0  }
0x5: {  	s1 =	rddreg [dreg:$0x1];
	s12 =	sadd.s32 $0x2DC500, s0;
	s9 =	sadd.s32 $0x1E82E0, s0  }
0x6: {  	s23 =	sadd.s32 $0x1E8280, s0;
	s16 =	sadd.s32 $0xF4040, s0;
	s17 =	sadd.s32 $0xF4010, s0  }
0x7: {  	s19 =	sadd.s32 $0xF4000, s0;
	s24 =	sadd.s32 $0xF4020, s0;
	s3 =	smul.u32 $0x7A00, s22  }
0x8: {  	s4 =	sadd.s32 $0x2819A0, s1;
	s10 =	sadd.s32 $0x263158, s1  }
0x9: {  	s2 =	ssub.s32 $0x2, s2;
	s6 =	sadd.s32 $0x2260C8, s1;
	s13 =	sadd.s32 $0x207880, s1  }
0xa: {  	s14 =	sshrl.u32 s2, $0x1;
	s8 =	sadd.s32 $0x1CA7F0, s1;
	s15 =	sadd.s32 $0xF4DF8, s1  }
0xb: {  	s18 =	sadd.s32 $0x3DC48, s1;
	p0 =	seq.s32 s22, $0x0;
	s20 =	sadd.s32 $0x1F400, s1  }
0xc: {  	p3 =	seq.s32 s22, $0x10;
	p6 =	seq.s32 s22, $0x13;
	s2 =	ssub.s32 s2, s14  }
0xd: {  	s14 =	sadd.s32 $0xF4070, s0;
	p1 =	seq.s32 @!p0 s22, $0x1;
	s17 =	smov.u32 @p0 s19  }
0xe: {  	s18 =	smov.u32 @p0 s20;
	s19 =	sadd.s32 $0x99520, s1;
	s7 =	smov.u32 @p3 s12  }
0xf: {  	s12 =	sadd.s32 $0x1E82B0, s0;
	s6 =	smov.u32 @p3 s13;
	s13 =	sadd.s32 $0x1E82A0, s0  }
0x10: {  	s5 =	smov.u32 @p6 s11;
	s11 =	sadd.s32 $0x1506D0, s1;
	s4 =	smov.u32 @p6 s10  }
0x11: {  	s10 =	sadd.s32 $0x1E8290, s0;
	p1 =	por p0, p1;
	p0 =	seq.s32 s22, $0x3  }
0x12: {  	s24 =	smov.u32 @p1 s17;
	s17 =	sadd.s32 $0x5C490, s1;
	p2 =	seq.s32 @!p0 s22, $0x4  }
0x13: {  	p5 =	seq.s32 @!p1 s22, $0x2;
	[dreg:$0x6] =	wrdreg s24;
	s17 =	smov.u32 @p1 s18  }
0x14: {  	p4 =	por p0, p2;
	[dreg:$0x7] =	wrdreg s17;
	s17 =	sadd.s32 $0xF4030, s0  }
0x15: {  	p2 =	seq.s32 s22, $0x6;
	s16 =	smov.u32 @p0 s17;
	s17 =	sadd.s32 $0x7ACD8, s1  }
0x16: {  	s19 =	smov.u32 @p0 s17;
	s17 =	sadd.s32 $0xF4050, s0;
	p0 =	seq.s32 @!p2 s22, $0x7  }
0x17: {  	s17 =	smov.u32 @p4 s16;
	s16 =	sadd.s32 $0xB7D68, s1;
	p0 =	por p2, p0  }
0x18: {  	[dreg:$0x8] =	wrdreg s17;
	s16 =	smov.u32 @p4 s19;
	s17 =	simm.s32 @!p0 $0x0  }
0x19: {  	[dreg:$0x9] =	wrdreg s16;
	s16 =	sadd.s32 $0xF4060, s0;
	s17 =	simm.s32 @p0 $0x1  }
0x1a: {  	s14 =	smov.u32 @p2 s16;
	s16 =	sadd.s32 $0xD65B0, s1;
	[smem:$0x7D2] =	sst s17  }
0x1b: {  	s15 =	smov.u32 @p2 s16;
	s16 =	sadd.s32 $0x113640, s1;
	s23 =	smov.u32 @p0 s14  }
0x1c: {  	s14 =	sadd.s32 $0x1E82D0, s0;
	p2 =	seq.s32 s22, $0xD;
	[dreg:$0x5] =	wrdreg s23  }
0x1d: {  	s16 =	smov.u32 @p0 s15;
	s15 =	sadd.s32 $0x1ABFA8, s1;
	s9 =	smov.u32 @p2 s14  }
0x1e: {  	s14 =	sadd.s32 $0x1E82C0, s0;
	p0 =	por p1, p5;
	p1 =	seq.s32 @!p2 s22, $0xE  }
0x1f: {  	p5 =	seq.s32 s22, $0xB;
	[dreg:$0xa] =	wrdreg s16;
	s8 =	smov.u32 @p2 s15  }
0x20: {  	s15 =	sadd.s32 $0x18D760, s1;
	s16 =	simm.s32 @!p0 $0x0;
	p2 =	por p2, p1  }
0x21: {  	p1 =	seq.s32 @!p3 s22, $0x11;
	s14 =	smov.u32 @p5 s12;
	s16 =	simm.s32 @p0 $0x1  }
0x22: {  	p1 =	por p3, p1;
	p3 =	seq.s32 @!p6 s22, $0x14;
	[dreg:$0xb] =	wrdreg s14  }
0x23: {  	p0 =	seq.s32 s22, $0x16;
	p3 =	por p6, p3;
	p6 =	seq.s32 s22, $0x9  }
0x24: {  	[smem:$0x7CF] =	sst s16;
	s13 =	smov.u32 @p6 s10;
	s10 =	sadd.s32 $0x131E88, s1  }
0x25: {  	[dreg:$0xd] =	wrdreg s13;
	s11 =	smov.u32 @p6 s10;
	s10 =	sadd.s32 $0x16EF18, s1  }
0x26: {  	[dreg:$0xe] =	wrdreg s11;
	s11 =	sadd.s32 $0x1E82F0, s0;
	s15 =	smov.u32 @p5 s10  }
0x27: {  	s10 =	sadd.s32 $0x1E9038, s1;
	[dreg:$0xc] =	wrdreg s15;
	s11 =	smov.u32 @p2 s9  }
0x28: {  	s9 =	sadd.s32 $0x2DC520, s0;
	s10 =	smov.u32 @p2 s8;
	[dreg:$0xf] =	wrdreg s11  }
0x29: {  	s8 =	sadd.s32 $0x2DC550, s0;
	[dreg:$0x10] =	wrdreg s10;
	s9 =	smov.u32 @p1 s7  }
0x2a: {  	s7 =	sadd.s32 $0x244910, s1;
	s8 =	smov.u32 @p3 s5;
	[dreg:$0x11] =	wrdreg s9  }
0x2b: {  	s5 =	sadd.s32 $0x2DC560, s0;
	s7 =	smov.u32 @p1 s6;
	[dreg:$0x12] =	wrdreg s8  }
0x2c: {  	s6 =	sadd.s32 $0x2A01E8, s1;
	s21 =	smov.u32 @p0 s5;
	[dreg:$0x13] =	wrdreg s7  }
0x2d: {  	s5 =	simm.s32 @!p0 $0x0;
	s6 =	smov.u32 @p3 s4;
	[dreg:$0x4] =	wrdreg s21  }
0x2e: {  	s4 =	sadd.s32 $0x2BEA30, s1;
	[dreg:$0x14] =	wrdreg s6;
	s6 =	sadd.s32 $0x2DD278, s1  }
0x2f: {  	s5 =	simm.s32 @p0 $0x1;
	s6 =	smov.u32 @p0 s4;
	p0 =	seq.s32 @!p4 s22, $0x5  }
0x30: {  	s21 =	simm.s32 $0x0;
	[smem:$0x7D0] =	sst s5;
	p0 =	por p4, p0  }
0x31: {  	s3 =	sshrl.u32 s3, $0x3;
	[smem:$0x7FF] =	sst s21;
	s4 =	simm.s32 @!p0 $0x0  }
0x32: {  	s3 =	sadd.s32 s3, s1;
	[dreg:$0x15] =	wrdreg s6;
	s4 =	simm.s32 @p0 $0x1  }
0x33: {  	s24 =	sadd.s32 $0xC00, s3;
	[smem:$0x7D1] =	sst s4  }
0x34: {  	s25 =	sadd.s32 $0x1F448, s3;
	_ =	strace $0x80000047;
	[dreg:$0x16] =	wrdreg s24  }
0x35: {  	s26 =	sadd.s32 $0x3DC90, s3;
	[dreg:$0x17] =	wrdreg s25  }
0x36: {  	s6 =	sadd.s32 $0x5C4D8, s3;
	[dreg:$0x18] =	wrdreg s26  }
0x37: {  	s7 =	sadd.s32 $0x7AD20, s3;
	[dreg:$0x19] =	wrdreg s6  }
0x38: {  	s8 =	sadd.s32 $0x99568, s3;
	[dreg:$0x1a] =	wrdreg s7  }
0x39: {  	s9 =	sadd.s32 $0xB7DB0, s3;
	[dreg:$0x1b] =	wrdreg s8  }
0x3a: {  	s10 =	sadd.s32 $0xD65F8, s3;
	[dreg:$0x1c] =	wrdreg s9  }
0x3b: {  	s11 =	sadd.s32 $0xF4E40, s3;
	[dreg:$0x1d] =	wrdreg s10  }
0x3c: {  	s12 =	sadd.s32 $0x113688, s3;
	[dreg:$0x1e] =	wrdreg s11  }
0x3d: {  	s13 =	sadd.s32 $0x131ED0, s3;
	[dreg:$0x1f] =	wrdreg s12  }
0x3e: {  	s14 =	sadd.s32 $0x150718, s3;
	[smem:$0x7D3] =	sst s13  }
0x3f: {  	s16 =	sadd.s32 $0x16EF60, s3;
	[smem:$0x7D4] =	sst s14  }
0x40: {  	s17 =	sadd.s32 $0x18D7A8, s3;
	[smem:$0x7D7] =	sst s16  }
0x41: {  	s19 =	sadd.s32 $0x1ABFF0, s3;
	[smem:$0x7D8] =	sst s17  }
0x42: {  	s20 =	sadd.s32 $0x1CA838, s3;
	[smem:$0x7DB] =	sst s19  }
0x43: {  	[smem:$0x7DC] =	sst s20  }
0x44: {  	[dreg:$0x3] =	wrdreg s22  }
0x45: {  	s24 =	sadd.s32 $0x1E9080, s3;
	s23 =	sld [smem:$0x7D2]  }
0x46: {  	s25 =	sadd.s32 $0x2078C8, s3;
	[smem:$0x7DF] =	sst s24  }
0x47: {  	s6 =	sadd.s32 $0x226110, s3;
	[smem:$0x7E0] =	sst s25  }
0x48: {  	s7 =	sadd.s32 $0x244958, s3;
	[smem:$0x7E3] =	sst s6  }
0x49: {  	s9 =	sadd.s32 $0x2631A0, s3;
	[smem:$0x7E4] =	sst s7  }
0x4a: {  	s10 =	sadd.s32 $0x2819E8, s3;
	[smem:$0x7E7] =	sst s9  }
0x4b: {  	s12 =	sadd.s32 $0x2A0230, s3;
	[smem:$0x7E8] =	sst s10  }
0x4c: {  	s13 =	sadd.s32 $0x2BEA78, s3;
	[smem:$0x7EB] =	sst s12  }
0x4d: {  	s14 =	sadd.s32 $0x2DD2C0, s3;
	[smem:$0x7EC] =	sst s13;
	p0 =	seq.s32 s23, $0x1  }
0x4e: {  	s3 =	sadd.s32 $0x2FBB08, s3;
	[smem:$0x7ED] =	sst s14;
	p4 =	seq.s32 @!p0 s22, $0x8  }
0x4f: {  	s16 =	sadd.s32 $0x31A308, s1;
	[smem:$0x7EE] =	sst s3;
	s4 =	simm.s32 @!p4 $0x0  }
0x50: {  	[smem:$0x7F1] =	sst s16;
	s4 =	simm.s32 @p4 $0x1;
	p4 =	seq.s32 @!p6 s22, $0xA  }
0x51: {  	[smem:$0x7D5] =	sst s4;
	s4 =	simm.s32 @!p4 $0x0  }
0x52: {  	s4 =	simm.s32 @p4 $0x1;
	p4 =	seq.s32 @!p5 s22, $0xC;
	s15 =	sld [smem:$0x7D5]  }
0x53: {  	[smem:$0x7D9] =	sst s4;
	s4 =	simm.s32 @!p4 $0x0  }
0x54: {  	s4 =	simm.s32 @p4 $0x1;
	p4 =	seq.s32 @!p2 s22, $0xF;
	s18 =	sld [smem:$0x7D9]  }
0x55: {  	s14 =	simm.s32 $0x80;
	[smem:$0x7DD] =	sst s4;
	s4 =	simm.s32 @!p4 $0x0  }
0x56: {  	s4 =	simm.s32 @p4 $0x1;
	p4 =	seq.s32 @!p1 s22, $0x12;
	s23 =	sld [smem:$0x7DD]  }
0x57: {  	s16 =	simm.s32 $0x7A00;
	[smem:$0x7E1] =	sst s4;
	s4 =	simm.s32 @!p4 $0x0  }
0x58: {  	s4 =	simm.s32 @p4 $0x1;
	p4 =	seq.s32 @!p3 s22, $0x15;
	s26 =	sld [smem:$0x7E1]  }
0x59: {  	[smem:$0x7E5] =	sst s4;
	s4 =	smul.u32 $0x3D000, s22;
	s5 =	simm.s32 @!p4 $0x0  }
0x5a: {  	s5 =	simm.s32 @p4 $0x1;
	p4 =	seq.s32 s15, $0x1;
	s8 =	sld [smem:$0x7E5]  }
0x5b: {  	s15 =	sadd.s32 $0x3D0790, s0;
	[smem:$0x7E9] =	sst s5;
	p0 =	por p0, p4  }
0x5c: {  	p4 =	seq.s32 s18, $0x1;
	s4 =	sshrl.u32 s4, $0x3;
	[smem:$0x7EF] =	sst s15  }
0x5d: {  	s18 =	sadd.s32 $0x2FBAC0, s1;
	s15 =	simm.s32 $0x400;
	s1 =	simm.s32 $0xF400  }
0x5e: {  	s5 =	simm.s32 @!p0 $0x0;
	s11 =	sld [smem:$0x7E9];
	s17 =	sadd.s32 s0, s4  }
0x5f: {  	s0 =	sadd.s32 $0x3D0780, s0;
	[smem:$0x7F2] =	sst s18;
	s18 =	smax.u32 s2, $0x1  }
0x60: {  	s5 =	simm.s32 @p0 $0x1;
	p0 =	por p6, p4;
	p6 =	seq.s32 s23, $0x1  }
0x61: {  	p4 =	seq.s32 s26, $0x1;
	[smem:$0x7F0] =	sst s0;
	s20 =	sadd.s32 $0x50, s17  }
0x62: {  	s23 =	sadd.s32 $0xF4280, s17;
	s24 =	sadd.s32 $0xF4290, s17;
	s25 =	sadd.s32 $0xF42A0, s17  }
0x63: {  	s19 =	sadd.s32 $0x10, s17;
	s2 =	sadd.s32 $0x1E8500, s17;
	s3 =	sadd.s32 $0x1E8510, s17  }
0x64: {  	s26 =	sadd.s32 $0xF42B0, s17;
	s10 =	sadd.s32 $0x1E8520, s17;
	[smem:$0x7D6] =	sst s5  }
0x65: {  	s28 =	sadd.s32 $0xF42C0, s17;
	s12 =	sadd.s32 $0x1E8530, s17;
	[smem:$0x7F6] =	sst s19  }
0x66: {  	s29 =	sadd.s32 $0xF42D0, s17;
	s13 =	sadd.s32 $0x1E8540, s17;
	[smem:$0x7F7] =	sst s20  }
0x67: {  	s30 =	sadd.s32 $0xF42E0, s17;
	s4 =	sadd.s32 $0x1E8550, s17;
	[smem:$0x7F9] =	sst s23  }
0x68: {  	s31 =	sadd.s32 $0xF42F0, s17;
	s7 =	sadd.s32 $0x1E8570, s17;
	[smem:$0x7FA] =	sst s24  }
0x69: {  	s6 =	sadd.s32 $0x60, s17;
	s9 =	sadd.s32 $0x2DC790, s17;
	[smem:$0x7FB] =	sst s25  }
0x6a: {  	s5 =	simm.s32 @!p0 $0x0;
	[smem:$0x7FC] =	sst s26;
	s20 =	sadd.s32 $0x40, s17  }
0x6b: {  	s19 =	simm.s32 $0x1;
	s23 =	simm.s32 $0x3;
	s26 =	simm.s32 $0x16E00  }
0x6c: {  	s5 =	simm.s32 @p0 $0x1;
	p0 =	por p5, p6;
	p5 =	seq.s32 s8, $0x1  }
0x6d: {  	p6 =	seq.s32 s11, $0x1;
	[smem:$0x7DA] =	sst s5;
	s5 =	simm.s32 @!p0 $0x0  }
0x6e: {  	s11 =	sadd.s32 $0x30, s17;
	s5 =	simm.s32 @p0 $0x1;
	p0 =	por p2, p4  }
0x6f: {  	s8 =	sadd.s32 $0x2DC780, s17;
	[smem:$0x7DE] =	sst s5;
	s5 =	simm.s32 @!p0 $0x0  }
0x70: {  	p2 =	sgt.s32 s22, $0x5;
	s5 =	simm.s32 @p0 $0x1;
	p0 =	por p1, p5  }
0x71: {  	p4 =	sgt.s32 s22, $0x2;
	[smem:$0x7E2] =	sst s5;
	s5 =	simm.s32 @!p0 $0x0  }
0x72: {  	p1 =	sgt.s32 s22, $0xA;
	p5 =	sgt.s32 s22, $0x12;
	s5 =	simm.s32 @p0 $0x1  }
0x73: {  	p0 =	por p3, p6;
	p6 =	sgt.s32 s22, $0x8;
	p3 =	sgt.s32 s22, $0xF  }
0x74: {  	[smem:$0x7E6] =	sst s5;
	s5 =	simm.s32 @!p0 $0x0;
	s0 =	simm.s32 @!p3 $0x0  }
0x75: {  	s5 =	simm.s32 @p0 $0x1;
	s0 =	simm.s32 @p3 $0x1;
	p3 =	sgt.s32 s22, $0x15  }
0x76: {  	p0 =	sgt.s32 s22, $0xC;
	[smem:$0x7F3] =	sst s0;
	s0 =	simm.s32 @!p3 $0x0  }
0x77: {  	[smem:$0x7EA] =	sst s5;
	s24 =	simm.s32 @!p0 $0x0;
	s0 =	simm.s32 @p3 $0x1  }
0x78: {  	p3 =	sgt.s32 s22, $0x17;
	s22 =	sadd.s32 $0x70, s17;
	[smem:$0x7F4] =	sst s0  }
0x79: {  	s24 =	simm.s32 @p0 $0x1;
	s0 =	simm.s32 @!p3 $0x0;
	[smem:$0x7F8] =	sst s22  }
0x7a: {  	s5 =	sadd.s32 $0x1E8560, s17;
	[smem:$0x7FD] =	sst s24;
	s0 =	simm.s32 @p3 $0x1  }
0x7b: {  	s22 =	simm.s32 $0x2;
	[smem:$0x7F5] =	sst s0;
	s0 =	sadd.s32 $0x20, s17  }
.LBB2_1:
0x7c: {  	s24 =	sld [smem:$0x7F6]  }
0x7d: {  	[tilespmem:s21], [sflag:$0x1] =	stream.strided.gather [hbm4b:s17+s14], $0x7A00, s15, s14, $0x38;
	[tilespmem:$0x17080] =	vst v63  }
0x7e: {  	_ = 	snop  }
0x7f: {  	[tilespmem:s16], [sflag:$0x1] =	stream.strided.gather [hbm4b:s24+s14], $0x7A00, s15, s14, $0x38;
	[tilespmem:$0x17080] =	vst v63  }
0x80: {  	_ =	swait.ge [sflag:s19], $0x7A00  }
0x81: {  	[sflag:s19] =	ssyncset.done $0x0  }
0x82: {  	[sflag:s19] =	ssyncadd.s32 $0xFFFF8600  }
0x83: {  	[tilespmem:s1], [sflag:$0x1] =	stream.strided.gather [hbm4b:s0+s14], $0x7A00, s15, s14, $0x38;
	[tilespmem:$0x17080] =	vst v63  }
0x84: {  	s25 =	rddreg [dreg:$0x16]  }
0x85: {  	[hbm4b:s25+s21] =	stream.linear.scatter [tilespmem:s21], [sflag:$0x2], $0x7A00, $0x38;
	[tilespmem:$0x17080] =	vst v63  }
0x86: {  	_ =	swait.ge [sflag:s19], $0x7A00  }
0x87: {  	[sflag:s19] =	ssyncset.done $0x0  }
0x88: {  	[sflag:s19] =	ssyncadd.s32 $0xFFFF8600  }
0x89: {  	_ =	swait.ge [sflag:s22], $0x7A00  }
0x8a: {  	[sflag:s22] =	ssyncset.done $0x0  }
0x8b: {  	[sflag:s22] =	ssyncadd.s32 $0xFFFF8600  }
0x8c: {  	[tilespmem:s21], [sflag:$0x1] =	stream.strided.gather [hbm4b:s11+s14], $0x7A00, s15, s14, $0x38;
	[tilespmem:$0x17080] =	vst v63  }
0x8d: {  	s25 =	rddreg [dreg:$0x17]  }
0x8e: {  	[hbm4b:s25+s21] =	stream.linear.scatter [tilespmem:s16], [sflag:$0x2], $0x7A00, $0x38;
	[tilespmem:$0x17080] =	vst v63  }
0x8f: {  	_ =	swait.ge [sflag:s19], $0x7A00  }
0x90: {  	[sflag:s19] =	ssyncset.done $0x0  }
0x91: {  	[sflag:s19] =	ssyncadd.s32 $0xFFFF8600  }
0x92: {  	_ =	swait.ge [sflag:s22], $0x7A00  }
0x93: {  	[sflag:s22] =	ssyncset.done $0x0  }
0x94: {  	[sflag:s22] =	ssyncadd.s32 $0xFFFF8600  }
0x95: {  	[tilespmem:s16], [sflag:$0x1] =	stream.strided.gather [hbm4b:s20+s14], $0x7A00, s15, s14, $0x38;
	[tilespmem:$0x17080] =	vst v63  }
0x96: {  	s25 =	rddreg [dreg:$0x18]  }
0x97: {  	[hbm4b:s25+s21] =	stream.linear.scatter [tilespmem:s1], [sflag:$0x2], $0x7A00, $0x38;
	[tilespmem:$0x17080] =	vst v63  }
0x98: {  	_ =	swait.ge [sflag:s19], $0x7A00  }
0x99: {  	[sflag:s19] =	ssyncset.done $0x0  }
0x9a: {  	[sflag:s19] =	ssyncadd.s32 $0xFFFF8600  }
0x9b: {  	_ =	swait.ge [sflag:s22], $0x7A00  }
0x9c: {  	s25 =	sld [smem:$0x7F7]  }
0x9d: {  	[sflag:s22] =	ssyncset.done $0x0  }
0x9e: {  	[sflag:s22] =	ssyncadd.s32 $0xFFFF8600  }
0x9f: {  	[tilespmem:s1], [sflag:$0x1] =	stream.strided.gather [hbm4b:s25+s14], $0x7A00, s15, s14, $0x38;
	[tilespmem:$0x17080] =	vst v63  }
0xa0: {  	s25 =	rddreg [dreg:$0x19]  }
0xa1: {  	[hbm4b:s25+s21] =	stream.linear.scatter [tilespmem:s21], [sflag:$0x2], $0x7A00, $0x38;
	[tilespmem:$0x17080] =	vst v63  }
0xa2: {  	_ =	swait.ge [sflag:s19], $0x7A00  }
0xa3: {  	[sflag:s19] =	ssyncset.done $0x0  }
0xa4: {  	[sflag:s19] =	ssyncadd.s32 $0xFFFF8600  }
0xa5: {  	_ =	swait.ge [sflag:s22], $0x7A00  }
0xa6: {  	[sflag:s22] =	ssyncset.done $0x0  }
0xa7: {  	[sflag:s22] =	ssyncadd.s32 $0xFFFF8600  }
0xa8: {  	[tilespmem:s21], [sflag:$0x1] =	stream.strided.gather [hbm4b:s6+s14], $0x7A00, s15, s14, $0x38;
	[tilespmem:$0x17080] =	vst v63  }
0xa9: {  	s25 =	rddreg [dreg:$0x1a]  }
0xaa: {  	[hbm4b:s25+s21] =	stream.linear.scatter [tilespmem:s16], [sflag:$0x2], $0x7A00, $0x38;
	[tilespmem:$0x17080] =	vst v63  }
0xab: {  	_ =	swait.ge [sflag:s19], $0x7A00  }
0xac: {  	[sflag:s19] =	ssyncset.done $0x0  }
0xad: {  	[sflag:s19] =	ssyncadd.s32 $0xFFFF8600  }
0xae: {  	_ =	swait.ge [sflag:s22], $0x7A00  }
0xaf: {  	s25 =	sld [smem:$0x7F8]  }
0xb0: {  	[sflag:s22] =	ssyncset.done $0x0  }
0xb1: {  	[sflag:s22] =	ssyncadd.s32 $0xFFFF8600  }
0xb2: {  	[tilespmem:s16], [sflag:$0x1] =	stream.strided.gather [hbm4b:s25+s14], $0x7A00, s15, s14, $0x38;
	[tilespmem:$0x17080] =	vst v63  }
0xb3: {  	s25 =	rddreg [dreg:$0x1b]  }
0xb4: {  	[hbm4b:s25+s21] =	stream.linear.scatter [tilespmem:s1], [sflag:$0x2], $0x7A00, $0x38;
	[tilespmem:$0x17080] =	vst v63  }
0xb5: {  	_ =	swait.ge [sflag:s19], $0x7A00  }
0xb6: {  	[sflag:s19] =	ssyncset.done $0x0  }
0xb7: {  	[sflag:s19] =	ssyncadd.s32 $0xFFFF8600  }
0xb8: {  	_ =	swait.ge [sflag:s22], $0x7A00  }
0xb9: {  	s25 =	sld [smem:$0x7F9]  }
0xba: {  	[sflag:s22] =	ssyncset.done $0x0  }
0xbb: {  	[sflag:s22] =	ssyncadd.s32 $0xFFFF8600  }
0xbc: {  	[tilespmem:s1], [sflag:$0x1] =	stream.strided.gather [hbm4b:s25+s14], $0x7A00, s15, s14, $0x38;
	[tilespmem:$0x17080] =	vst v63  }
0xbd: {  	s25 =	rddreg [dreg:$0x1c]  }
0xbe: {  	[hbm4b:s25+s21] =	stream.linear.scatter [tilespmem:s21], [sflag:$0x2], $0x7A00, $0x38;
	[tilespmem:$0x17080] =	vst v63  }
0xbf: {  	_ =	swait.ge [sflag:s19], $0x7A00  }
0xc0: {  	[sflag:s19] =	ssyncset.done $0x0  }
0xc1: {  	[sflag:s19] =	ssyncadd.s32 $0xFFFF8600  }
0xc2: {  	_ =	swait.ge [sflag:s22], $0x7A00  }
0xc3: {  	s25 =	sld [smem:$0x7FA]  }
0xc4: {  	[sflag:s22] =	ssyncset.done $0x0  }
0xc5: {  	[sflag:s22] =	ssyncadd.s32 $0xFFFF8600  }
0xc6: {  	[tilespmem:s21], [sflag:$0x1] =	stream.strided.gather [hbm4b:s25+s14], $0x7A00, s15, s14, $0x38;
	[tilespmem:$0x17080] =	vst v63  }
0xc7: {  	s25 =	rddreg [dreg:$0x1d]  }
0xc8: {  	[hbm4b:s25+s21] =	stream.linear.scatter [tilespmem:s16], [sflag:$0x2], $0x7A00, $0x38;
	[tilespmem:$0x17080] =	vst v63  }
0xc9: {  	_ =	swait.ge [sflag:s19], $0x7A00  }
0xca: {  	[sflag:s19] =	ssyncset.done $0x0  }
0xcb: {  	[sflag:s19] =	ssyncadd.s32 $0xFFFF8600  }
0xcc: {  	_ =	swait.ge [sflag:s22], $0x7A00  }
0xcd: {  	s25 =	sld [smem:$0x7FB]  }
0xce: {  	[sflag:s22] =	ssyncset.done $0x0  }
0xcf: {  	[sflag:s22] =	ssyncadd.s32 $0xFFFF8600  }
0xd0: {  	[tilespmem:s16], [sflag:$0x1] =	stream.strided.gather [hbm4b:s25+s14], $0x7A00, s15, s14, $0x38;
	[tilespmem:$0x17080] =	vst v63  }
0xd1: {  	s25 =	rddreg [dreg:$0x1e]  }
0xd2: {  	[hbm4b:s25+s21] =	stream.linear.scatter [tilespmem:s1], [sflag:$0x2], $0x7A00, $0x38;
	[tilespmem:$0x17080] =	vst v63  }
0xd3: {  	_ =	swait.ge [sflag:s19], $0x7A00  }
0xd4: {  	[sflag:s19] =	ssyncset.done $0x0  }
0xd5: {  	[sflag:s19] =	ssyncadd.s32 $0xFFFF8600  }
0xd6: {  	_ =	swait.ge [sflag:s22], $0x7A00  }
0xd7: {  	s25 =	sld [smem:$0x7FC]  }
0xd8: {  	[sflag:s22] =	ssyncset.done $0x0  }
0xd9: {  	[sflag:s22] =	ssyncadd.s32 $0xFFFF8600  }
0xda: {  	[tilespmem:s1], [sflag:$0x1] =	stream.strided.gather [hbm4b:s25+s14], $0x7A00, s15, s14, $0x38;
	[tilespmem:$0x17080] =	vst v63  }
0xdb: {  	s25 =	rddreg [dreg:$0x1f]  }
0xdc: {  	[hbm4b:s25+s21] =	stream.linear.scatter [tilespmem:s21], [sflag:$0x2], $0x7A00, $0x38;
	[tilespmem:$0x17080] =	vst v63  }
0xdd: {  	_ =	swait.ge [sflag:s19], $0x7A00  }
0xde: {  	[sflag:s19] =	ssyncset.done $0x0  }
0xdf: {  	[sflag:s19] =	ssyncadd.s32 $0xFFFF8600  }
0xe0: {  	_ =	swait.ge [sflag:s22], $0x7A00  }
0xe1: {  	[sflag:s22] =	ssyncset.done $0x0  }
0xe2: {  	s25 =	sld [smem:$0x7D3];
	[sflag:s22] =	ssyncadd.s32 $0xFFFF8600  }
0xe3: {  	[tilespmem:s21], [sflag:$0x1] =	stream.strided.gather [hbm4b:s28+s14], $0x7A00, s15, s14, $0x38;
	[tilespmem:$0x17080] =	vst v63  }
0xe4: {  	_ = 	snop  }
0xe5: {  	[hbm4b:s25+s21] =	stream.linear.scatter [tilespmem:s16], [sflag:$0x2], $0x7A00, $0x38;
	[tilespmem:$0x17080] =	vst v63  }
0xe6: {  	_ =	swait.ge [sflag:s19], $0x7A00  }
0xe7: {  	[sflag:s19] =	ssyncset.done $0x0  }
0xe8: {  	[sflag:s19] =	ssyncadd.s32 $0xFFFF8600  }
0xe9: {  	_ =	swait.ge [sflag:s22], $0x7A00  }
0xea: {  	[sflag:s22] =	ssyncset.done $0x0  }
0xeb: {  	s25 =	sld [smem:$0x7D4];
	[sflag:s22] =	ssyncadd.s32 $0xFFFF8600  }
0xec: {  	[tilespmem:s16], [sflag:$0x1] =	stream.strided.gather [hbm4b:s29+s14], $0x7A00, s15, s14, $0x38;
	[tilespmem:$0x17080] =	vst v63  }
0xed: {  	_ = 	snop  }
0xee: {  	[hbm4b:s25+s21] =	stream.linear.scatter [tilespmem:s1], [sflag:$0x2], $0x7A00, $0x38;
	[tilespmem:$0x17080] =	vst v63  }
0xef: {  	_ =	swait.ge [sflag:s19], $0x7A00  }
0xf0: {  	[sflag:s19] =	ssyncset.done $0x0  }
0xf1: {  	[sflag:s19] =	ssyncadd.s32 $0xFFFF8600  }
0xf2: {  	_ =	swait.ge [sflag:s22], $0x7A00  }
0xf3: {  	[sflag:s22] =	ssyncset.done $0x0  }
0xf4: {  	s25 =	sld [smem:$0x7D7];
	[sflag:s22] =	ssyncadd.s32 $0xFFFF8600  }
0xf5: {  	[tilespmem:s1], [sflag:$0x1] =	stream.strided.gather [hbm4b:s30+s14], $0x7A00, s15, s14, $0x38;
	[tilespmem:$0x17080] =	vst v63  }
0xf6: {  	_ = 	snop  }
0xf7: {  	[hbm4b:s25+s21] =	stream.linear.scatter [tilespmem:s21], [sflag:$0x2], $0x7A00, $0x38;
	[tilespmem:$0x17080] =	vst v63  }
0xf8: {  	_ =	swait.ge [sflag:s19], $0x7A00  }
0xf9: {  	[sflag:s19] =	ssyncset.done $0x0  }
0xfa: {  	[sflag:s19] =	ssyncadd.s32 $0xFFFF8600  }
0xfb: {  	_ =	swait.ge [sflag:s22], $0x7A00  }
0xfc: {  	[sflag:s22] =	ssyncset.done $0x0  }
0xfd: {  	s25 =	sld [smem:$0x7D8];
	[sflag:s22] =	ssyncadd.s32 $0xFFFF8600  }
0xfe: {  	[tilespmem:s21], [sflag:$0x1] =	stream.strided.gather [hbm4b:s31+s14], $0x7A00, s15, s14, $0x38;
	[tilespmem:$0x17080] =	vst v63  }
0xff: {  	_ = 	snop  }
0x100: {  	[hbm4b:s25+s21] =	stream.linear.scatter [tilespmem:s16], [sflag:$0x2], $0x7A00, $0x38;
	[tilespmem:$0x17080] =	vst v63  }
0x101: {  	_ =	swait.ge [sflag:s19], $0x7A00  }
0x102: {  	[sflag:s19] =	ssyncset.done $0x0  }
0x103: {  	[sflag:s19] =	ssyncadd.s32 $0xFFFF8600  }
0x104: {  	_ =	swait.ge [sflag:s22], $0x7A00  }
0x105: {  	[sflag:s22] =	ssyncset.done $0x0  }
0x106: {  	s25 =	sld [smem:$0x7DB];
	[sflag:s22] =	ssyncadd.s32 $0xFFFF8600  }
0x107: {  	[tilespmem:s16], [sflag:$0x1] =	stream.strided.gather [hbm4b:s2+s14], $0x7A00, s15, s14, $0x38;
	[tilespmem:$0x17080] =	vst v63  }
0x108: {  	_ = 	snop  }
0x109: {  	[hbm4b:s25+s21] =	stream.linear.scatter [tilespmem:s1], [sflag:$0x2], $0x7A00, $0x38;
	[tilespmem:$0x17080] =	vst v63  }
0x10a: {  	_ =	swait.ge [sflag:s19], $0x7A00  }
0x10b: {  	[sflag:s19] =	ssyncset.done $0x0  }
0x10c: {  	[sflag:s19] =	ssyncadd.s32 $0xFFFF8600  }
0x10d: {  	_ =	swait.ge [sflag:s22], $0x7A00  }
0x10e: {  	[sflag:s22] =	ssyncset.done $0x0  }
0x10f: {  	s25 =	sld [smem:$0x7DC];
	[sflag:s22] =	ssyncadd.s32 $0xFFFF8600  }
0x110: {  	[tilespmem:s1], [sflag:$0x1] =	stream.strided.gather [hbm4b:s3+s14], $0x7A00, s15, s14, $0x38;
	[tilespmem:$0x17080] =	vst v63  }
0x111: {  	_ = 	snop  }
0x112: {  	[hbm4b:s25+s21] =	stream.linear.scatter [tilespmem:s21], [sflag:$0x2], $0x7A00, $0x38;
	[tilespmem:$0x17080] =	vst v63  }
0x113: {  	_ =	swait.ge [sflag:s19], $0x7A00  }
0x114: {  	[sflag:s19] =	ssyncset.done $0x0  }
0x115: {  	[sflag:s19] =	ssyncadd.s32 $0xFFFF8600  }
0x116: {  	_ =	swait.ge [sflag:s22], $0x7A00  }
0x117: {  	[sflag:s22] =	ssyncset.done $0x0  }
0x118: {  	s25 =	sld [smem:$0x7DF];
	[sflag:s22] =	ssyncadd.s32 $0xFFFF8600  }
0x119: {  	[tilespmem:s21], [sflag:$0x1] =	stream.strided.gather [hbm4b:s10+s14], $0x7A00, s15, s14, $0x38;
	[tilespmem:$0x17080] =	vst v63  }
0x11a: {  	_ = 	snop  }
0x11b: {  	[hbm4b:s25+s21] =	stream.linear.scatter [tilespmem:s16], [sflag:$0x2], $0x7A00, $0x38;
	[tilespmem:$0x17080] =	vst v63  }
0x11c: {  	_ =	swait.ge [sflag:s19], $0x7A00  }
0x11d: {  	[sflag:s19] =	ssyncset.done $0x0  }
0x11e: {  	[sflag:s19] =	ssyncadd.s32 $0xFFFF8600  }
0x11f: {  	_ =	swait.ge [sflag:s22], $0x7A00  }
0x120: {  	[sflag:s22] =	ssyncset.done $0x0  }
0x121: {  	s25 =	sld [smem:$0x7E0];
	[sflag:s22] =	ssyncadd.s32 $0xFFFF8600  }
0x122: {  	[tilespmem:s16], [sflag:$0x1] =	stream.strided.gather [hbm4b:s12+s14], $0x7A00, s15, s14, $0x38;
	[tilespmem:$0x17080] =	vst v63  }
0x123: {  	_ = 	snop  }
0x124: {  	[hbm4b:s25+s21] =	stream.linear.scatter [tilespmem:s1], [sflag:$0x2], $0x7A00, $0x38;
	[tilespmem:$0x17080] =	vst v63  }
0x125: {  	_ =	swait.ge [sflag:s19], $0x7A00  }
0x126: {  	[sflag:s19] =	ssyncset.done $0x0  }
0x127: {  	[sflag:s19] =	ssyncadd.s32 $0xFFFF8600  }
0x128: {  	_ =	swait.ge [sflag:s22], $0x7A00  }
0x129: {  	[sflag:s22] =	ssyncset.done $0x0  }
0x12a: {  	s25 =	sld [smem:$0x7E3];
	[sflag:s22] =	ssyncadd.s32 $0xFFFF8600  }
0x12b: {  	[tilespmem:s1], [sflag:$0x1] =	stream.strided.gather [hbm4b:s13+s14], $0x7A00, s15, s14, $0x38;
	[tilespmem:$0x17080] =	vst v63  }
0x12c: {  	_ = 	snop  }
0x12d: {  	[hbm4b:s25+s21] =	stream.linear.scatter [tilespmem:s21], [sflag:$0x2], $0x7A00, $0x38;
	[tilespmem:$0x17080] =	vst v63  }
0x12e: {  	_ =	swait.ge [sflag:s19], $0x7A00  }
0x12f: {  	[sflag:s19] =	ssyncset.done $0x0  }
0x130: {  	[sflag:s19] =	ssyncadd.s32 $0xFFFF8600  }
0x131: {  	_ =	swait.ge [sflag:s22], $0x7A00  }
0x132: {  	[sflag:s22] =	ssyncset.done $0x0  }
0x133: {  	s25 =	sld [smem:$0x7E4];
	[sflag:s22] =	ssyncadd.s32 $0xFFFF8600  }
0x134: {  	[tilespmem:s21], [sflag:$0x1] =	stream.strided.gather [hbm4b:s4+s14], $0x7A00, s15, s14, $0x38;
	[tilespmem:$0x17080] =	vst v63  }
0x135: {  	_ = 	snop  }
0x136: {  	[hbm4b:s25+s21] =	stream.linear.scatter [tilespmem:s16], [sflag:$0x2], $0x7A00, $0x38;
	[tilespmem:$0x17080] =	vst v63  }
0x137: {  	_ =	swait.ge [sflag:s19], $0x7A00  }
0x138: {  	[sflag:s19] =	ssyncset.done $0x0  }
0x139: {  	[sflag:s19] =	ssyncadd.s32 $0xFFFF8600  }
0x13a: {  	_ =	swait.ge [sflag:s22], $0x7A00  }
0x13b: {  	[sflag:s22] =	ssyncset.done $0x0  }
0x13c: {  	s25 =	sld [smem:$0x7E7];
	[sflag:s22] =	ssyncadd.s32 $0xFFFF8600  }
0x13d: {  	[tilespmem:s16], [sflag:$0x1] =	stream.strided.gather [hbm4b:s5+s14], $0x7A00, s15, s14, $0x38;
	[tilespmem:$0x17080] =	vst v63  }
0x13e: {  	_ = 	snop  }
0x13f: {  	[hbm4b:s25+s21] =	stream.linear.scatter [tilespmem:s1], [sflag:$0x2], $0x7A00, $0x38;
	[tilespmem:$0x17080] =	vst v63  }
0x140: {  	_ =	swait.ge [sflag:s19], $0x7A00  }
0x141: {  	[sflag:s19] =	ssyncset.done $0x0  }
0x142: {  	[sflag:s19] =	ssyncadd.s32 $0xFFFF8600  }
0x143: {  	_ =	swait.ge [sflag:s22], $0x7A00  }
0x144: {  	[sflag:s22] =	ssyncset.done $0x0  }
0x145: {  	s25 =	sld [smem:$0x7E8];
	[sflag:s22] =	ssyncadd.s32 $0xFFFF8600  }
0x146: {  	[tilespmem:s1], [sflag:$0x1] =	stream.strided.gather [hbm4b:s7+s14], $0x7A00, s15, s14, $0x38;
	[tilespmem:$0x17080] =	vst v63  }
0x147: {  	_ = 	snop  }
0x148: {  	[hbm4b:s25+s21] =	stream.linear.scatter [tilespmem:s21], [sflag:$0x2], $0x7A00, $0x38;
	[tilespmem:$0x17080] =	vst v63  }
0x149: {  	_ =	swait.ge [sflag:s19], $0x7A00  }
0x14a: {  	[sflag:s19] =	ssyncset.done $0x0  }
0x14b: {  	[sflag:s19] =	ssyncadd.s32 $0xFFFF8600  }
0x14c: {  	_ =	swait.ge [sflag:s22], $0x7A00  }
0x14d: {  	[sflag:s22] =	ssyncset.done $0x0  }
0x14e: {  	s25 =	sld [smem:$0x7EB];
	[sflag:s22] =	ssyncadd.s32 $0xFFFF8600  }
0x14f: {  	[tilespmem:s21], [sflag:$0x1] =	stream.strided.gather [hbm4b:s8+s14], $0x7A00, s15, s14, $0x38;
	[tilespmem:$0x17080] =	vst v63  }
0x150: {  	_ = 	snop  }
0x151: {  	[hbm4b:s25+s21] =	stream.linear.scatter [tilespmem:s16], [sflag:$0x2], $0x7A00, $0x38;
	[tilespmem:$0x17080] =	vst v63  }
0x152: {  	_ =	swait.ge [sflag:s19], $0x7A00  }
0x153: {  	[sflag:s19] =	ssyncset.done $0x0  }
0x154: {  	[sflag:s19] =	ssyncadd.s32 $0xFFFF8600  }
0x155: {  	_ =	swait.ge [sflag:s22], $0x7A00  }
0x156: {  	[sflag:s22] =	ssyncset.done $0x0  }
0x157: {  	s25 =	sld [smem:$0x7EC];
	[sflag:s22] =	ssyncadd.s32 $0xFFFF8600  }
0x158: {  	[tilespmem:s16], [sflag:$0x1] =	stream.strided.gather [hbm4b:s9+s14], $0x7A00, s15, s14, $0x38;
	[tilespmem:$0x17080] =	vst v63  }
0x159: {  	_ = 	snop  }
0x15a: {  	[hbm4b:s25+s21] =	stream.linear.scatter [tilespmem:s1], [sflag:$0x2], $0x7A00, $0x38;
	[tilespmem:$0x17080] =	vst v63  }
0x15b: {  	_ =	swait.ge [sflag:s19], $0x7A00  }
0x15c: {  	[sflag:s19] =	ssyncset.done $0x0  }
0x15d: {  	[sflag:s19] =	ssyncadd.s32 $0xFFFF8600  }
0x15e: {  	_ =	swait.ge [sflag:s22], $0x7A00  }
0x15f: {  	s25 =	sld [smem:$0x7ED]  }
0x160: {  	[sflag:s22] =	ssyncset.done $0x0  }
0x161: {  	[sflag:s22] =	ssyncadd.s32 $0xFFFF8600  }
0x162: {  	[hbm4b:s25+s21] =	stream.linear.scatter [tilespmem:s21], [sflag:$0x2], $0x7A00, $0x38;
	[tilespmem:$0x17080] =	vst v63  }
0x163: {  	_ =	swait.ge [sflag:s19], $0x7A00  }
0x164: {  	[sflag:s19] =	ssyncset.done $0x0  }
0x165: {  	[sflag:s19] =	ssyncadd.s32 $0xFFFF8600  }
0x166: {  	_ =	swait.ge [sflag:s22], $0x7A00  }
0x167: {  	s25 =	sld [smem:$0x7EE]  }
0x168: {  	[sflag:s22] =	ssyncset.done $0x0  }
.Ltmp0:
0x169: {  	[sflag:s22] =	ssyncadd.s32 $0xFFFF8600;
	(pc) =	sbr.rel @p0 .LBB2_7-.Ltmp0, $4  }
0x16a: {  	[hbm4b:s25+s21] =	stream.linear.scatter [tilespmem:s16], [sflag:$0x2], $0x7A00, $0x38;
	[tilespmem:$0x17080] =	vst v63  }
0x16b: {  	_ =	swait.ge [sflag:s22], $0x7A00  }
0x16c: {  	[sflag:s22] =	ssyncset.done $0x0  }
0x16d: {  	[sflag:s22] =	ssyncadd.s32 $0xFFFF8600  }
.Ltmp1:
0x16e: {  	(pc) =	sbr.rel @!p2 .LBB2_3-.Ltmp1, $1  }
0x16f: {  	_ =	sdelay $0x3  }
.Ltmp2:
0x170: {  	(pc) =	sbr.rel @!p6 .LBB2_5-.Ltmp2, $1  }
0x171: {  	_ =	sdelay $0x3  }
0x172: {  	s24 =	rddreg @p1 [dreg:$0xb]  }
0x173: {  	s25 =	rddreg @p1 [dreg:$0xc]  }
0x174: {  	[smem:$0x7CE] =	sst @p1 s0  }
0x175: {  	s0 =	sld @p1 [smem:$0x7DE]  }
0x176: {  	s24 =	rddreg @!p1 [dreg:$0xd]  }
0x177: {  	s25 =	rddreg @!p1 [dreg:$0xe]  }
0x178: {  	[smem:$0x7CE] =	sst @!p1 s0  }
0x179: {  	s0 =	sld @!p1 [smem:$0x7DA];
	_ =	sdelay $0x2  }
0x17a: {  	p3 =	seq.s32 s0, $0x1  }
.Ltmp3:
0x17b: {  	_ = 	snop;
	(pc) =	sbr.rel @p3 .LBB2_16-.Ltmp3, $4  }
.Ltmp4:
0x17c: {  	_ = 	snop;
	(pc) =	sbr.rel @!p3 .LBB2_17-.Ltmp4, $4  }
0x17d: {  	_ = 	snop  }
0x17e: {  	_ = 	snop  }
0x17f: {  	s0 =	sld [smem:$0x7CE]  }
0x180: {  	_ = 	snop  }
.LBB2_7:
.Ltmp5:
0x181: {  	(pc) =	sbr.rel @!p5 .LBB2_8-.Ltmp5, $1  }
0x182: {  	_ =	sdelay $0x3  }
0x183: {  	s24 =	sld [smem:$0x7F4];
	_ =	sdelay $0x2  }
0x184: {  	p3 =	seq.s32 s24, $0x1  }
.Ltmp6:
0x185: {  	_ = 	snop;
	(pc) =	sbr.rel @!p3 .LBB2_10-.Ltmp6, $1  }
0x186: {  	_ =	sdelay $0x3  }
0x187: {  	s24 =	sld [smem:$0x7F5];
	_ =	sdelay $0x2  }
0x188: {  	p3 =	seq.s32 s24, $0x1  }
.Ltmp7:
0x189: {  	_ = 	snop;
	(pc) =	sbr.rel @p3 .LBB2_13-.Ltmp7, $1  }
0x18a: {  	_ =	sdelay $0x3  }
0x18b: {  	s25 =	sld [smem:$0x7D0]  }
0x18c: {  	s24 =	rddreg [dreg:$0x3]  }
0x18d: {  	p0 =	por p5, p5;
	p5 =	por p2, p2;
	p2 =	por p1, p1  }
0x18e: {  	p1 =	por p6, p6;
	p6 =	por p4, p4;
	p4 =	seq.s32 s25, $0x1  }
0x18f: {  	p3 =	seq.s32 @!p4 s24, $0x17  }
0x190: {  	p3 =	por p4, p3  }
.Ltmp8:
0x191: {  	_ = 	snop;
	(pc) =	sbr.rel @p3 .LBB2_16-.Ltmp8, $4  }
.Ltmp9:
0x192: {  	s25 =	sld [smem:$0x7FD];
	(pc) =	sbr.rel @!p3 .LBB2_17-.Ltmp9, $4  }
0x193: {  	s24 =	rddreg [dreg:$0x4];
	p4 =	por p6, p6  }
0x194: {  	p6 =	por p1, p1;
	p1 =	por p2, p2;
	p2 =	por p5, p5  }
0x195: {  	p5 =	por p0, p0;
	p0 =	seq.s32 s25, $0x1;
	s25 =	rddreg [dreg:$0x15]  }
0x196: {  	_ = 	snop  }
.LBB2_3:
0x197: {  	s24 =	rddreg @p4 [dreg:$0x8]  }
0x198: {  	s25 =	rddreg @p4 [dreg:$0x9]  }
0x199: {  	[smem:$0x7CE] =	sst @p4 s0  }
0x19a: {  	s0 =	sld @p4 [smem:$0x7D1]  }
0x19b: {  	s24 =	rddreg @!p4 [dreg:$0x6]  }
0x19c: {  	s25 =	rddreg @!p4 [dreg:$0x7]  }
0x19d: {  	[smem:$0x7CE] =	sst @!p4 s0  }
0x19e: {  	s0 =	sld @!p4 [smem:$0x7CF];
	_ =	sdelay $0x2  }
0x19f: {  	p3 =	seq.s32 s0, $0x1  }
.Ltmp10:
0x1a0: {  	_ = 	snop;
	(pc) =	sbr.rel @p3 .LBB2_16-.Ltmp10, $4  }
.Ltmp11:
0x1a1: {  	_ = 	snop;
	(pc) =	sbr.rel @!p3 .LBB2_17-.Ltmp11, $4  }
0x1a2: {  	_ = 	snop  }
0x1a3: {  	_ = 	snop  }
0x1a4: {  	s0 =	sld [smem:$0x7CE]  }
0x1a5: {  	_ = 	snop  }
.LBB2_8:
0x1a6: {  	s24 =	sld [smem:$0x7F3];
	_ =	sdelay $0x2  }
0x1a7: {  	p3 =	seq.s32 s24, $0x1  }
0x1a8: {  	s24 =	rddreg @p3 [dreg:$0x11]  }
0x1a9: {  	s25 =	rddreg @p3 [dreg:$0x13]  }
0x1aa: {  	[smem:$0x7CE] =	sst @p3 s0  }
0x1ab: {  	s0 =	sld @p3 [smem:$0x7E6]  }
0x1ac: {  	s24 =	rddreg @!p3 [dreg:$0xf]  }
0x1ad: {  	s25 =	rddreg @!p3 [dreg:$0x10]  }
0x1ae: {  	[smem:$0x7CE] =	sst @!p3 s0  }
0x1af: {  	s0 =	sld @!p3 [smem:$0x7E2];
	_ =	sdelay $0x2  }
0x1b0: {  	p3 =	seq.s32 s0, $0x1  }
.Ltmp12:
0x1b1: {  	_ = 	snop;
	(pc) =	sbr.rel @p3 .LBB2_16-.Ltmp12, $4  }
.Ltmp13:
0x1b2: {  	_ = 	snop;
	(pc) =	sbr.rel @!p3 .LBB2_17-.Ltmp13, $4  }
0x1b3: {  	_ = 	snop  }
0x1b4: {  	_ = 	snop  }
0x1b5: {  	s0 =	sld [smem:$0x7CE]  }
0x1b6: {  	_ = 	snop  }
.LBB2_5:
0x1b7: {  	s24 =	rddreg [dreg:$0x5]  }
0x1b8: {  	s25 =	rddreg [dreg:$0xa]  }
0x1b9: {  	[smem:$0x7CE] =	sst s0  }
0x1ba: {  	s0 =	sld [smem:$0x7D6];
	_ =	sdelay $0x2  }
0x1bb: {  	p3 =	seq.s32 s0, $0x1  }
.Ltmp14:
0x1bc: {  	_ = 	snop;
	(pc) =	sbr.rel @p3 .LBB2_16-.Ltmp14, $4  }
.Ltmp15:
0x1bd: {  	_ = 	snop;
	(pc) =	sbr.rel @!p3 .LBB2_17-.Ltmp15, $4  }
0x1be: {  	_ = 	snop  }
0x1bf: {  	_ = 	snop  }
0x1c0: {  	s0 =	sld [smem:$0x7CE]  }
0x1c1: {  	_ = 	snop  }
.LBB2_10:
0x1c2: {  	s24 =	rddreg [dreg:$0x12]  }
0x1c3: {  	s25 =	rddreg [dreg:$0x14]  }
0x1c4: {  	[smem:$0x7CE] =	sst s0  }
0x1c5: {  	s0 =	sld [smem:$0x7EA];
	_ =	sdelay $0x2  }
0x1c6: {  	p3 =	seq.s32 s0, $0x1  }
.Ltmp16:
0x1c7: {  	_ = 	snop;
	(pc) =	sbr.rel @p3 .LBB2_16-.Ltmp16, $4  }
.Ltmp17:
0x1c8: {  	_ = 	snop;
	(pc) =	sbr.rel @!p3 .LBB2_17-.Ltmp17, $4  }
0x1c9: {  	_ = 	snop  }
0x1ca: {  	_ = 	snop  }
0x1cb: {  	s0 =	sld [smem:$0x7CE]  }
0x1cc: {  	_ = 	snop  }
.LBB2_13:
0x1cd: {  	s24 =	rddreg [dreg:$0x3]  }
0x1ce: {  	p3 =	seq.s32 s24, $0x18  }
.Ltmp18:
0x1cf: {  	_ = 	snop;
	(pc) =	sbr.rel @p3 .LBB2_16-.Ltmp18, $3  }
0x1d0: {  	_ =	sdelay $0x1  }
0x1d1: {  	s25 =	sld [smem:$0x7F2]  }
0x1d2: {  	s24 =	sld [smem:$0x7F0]  }
0x1d3: {  	s24 =	rddreg [dreg:$0x3]  }
0x1d4: {  	p3 =	seq.s32 s24, $0x19  }
.Ltmp19:
0x1d5: {  	_ = 	snop;
	(pc) =	sbr.rel @!p3 .LBB2_17-.Ltmp19, $1  }
0x1d6: {  	_ =	sdelay $0x3  }
0x1d7: {  	s24 =	sld [smem:$0x7EF]  }
0x1d8: {  	s25 =	sld [smem:$0x7F1]  }
.LBB2_16:
0x1d9: {  	_ =	sdelay $0x1  }
0x1da: {  	[tilespmem:s26], [sflag:$0x3] =	stream.strided.gather [hbm4b:s24+s14], $0x280, s15, s14, $0x38;
	[tilespmem:$0x17080] =	vst v63  }
0x1db: {  	_ =	swait.ge [sflag:s23], $0x280  }
0x1dc: {  	[sflag:s23] =	ssyncset.done $0x0  }
0x1dd: {  	[sflag:s23] =	ssyncadd.s32 $0xFFFFFD80  }
0x1de: {  	[hbm4b:s25+s21] =	stream.linear.scatter [tilespmem:s26], [sflag:$0x3], $0x240, $0x38;
	[tilespmem:$0x17080] =	vst v63  }
0x1df: {  	_ =	swait.ge [sflag:s23], $0x240  }
0x1e0: {  	[sflag:s23] =	ssyncset.done $0x0  }
0x1e1: {  	[sflag:s23] =	ssyncadd.s32 $0xFFFFFDC0  }
.LBB2_17:
0x1e2: {  	s18 =	sadd.s32 $0xFFFFFFFF, s18  }
0x1e3: {  	p3 =	sne.s32 s18, $0x0  }
.Ltmp20:
0x1e4: {  	_ = 	snop;
	(pc) =	sbr.rel @p3 .LBB2_1-.Ltmp20, $1  }
0x1e5: {  	_ =	sdelay $0x3  }
0x1e6: {  	_ =	sfence.sel $0x180000  }
0x1e7: {  	[bflag:$0x0] =	sbarrier.arrive $0xFFFF  }
0x1e8: {  	_ =	strace $0x90000047  }
0x1e9: {  	s0 =	stileid.u32;
	[bflag:$0x2] =	sbarrier.arrive $0xFFFF  }
0x1ea: {  	p0 =	sne.s32 s0, $0x0;
	s0 =	rddreg [dreg:$0x2]  }
0x1eb: {  	s0 =	sadd.s32 @!p0 $0x100000, s0  }
0x1ec: {  	[sflag:s0] =	ssyncadd.tile.s32 @!p0 $0x1;
	_ =	shalt  }
.Lfunc_end2:
_tile_overlayer_lowered:
.L_overlay_start_2:
0x1ed: {  	(tag) =	ssettag $0x2  }
0x1ee: {  	s0 =	rddreg [dreg:$0x0];
	s2 =	stileid.u32  }
0x1ef: {  	s1 =	rddreg [dreg:$0x1];
	p0 =	sne.s32 s2, $0x0  }
0x1f0: {  	s3 =	rddreg [dreg:$0x2];
	[bflag:$0x3] =	sbarrier.arrive $0xFFFF;
	s2 =	simm.s32 @!p0 $0x1C03  }
0x1f1: {  	[timem:s3], [sflag:s2] =	dma.local @!p0 [hbm:s0], s1  }
0x1f2: {  	s0 =	simm.s32 @!p0 $0x3  }
0x1f3: {  	_ =	swait.ge @!p0 [sflag:s0], s1  }
0x1f4: {  	s1 =	ssub.s32 @!p0 $0x0, s1;
	[sflag:s0] =	ssyncset.done @!p0 $0x0  }
0x1f5: {  	[sflag:s0] =	ssyncadd.s32 @!p0 s1  }
0x1f6: {  	[bflag:$0x3] =	sbarrier.arrive $0xFFFF  }
0x1f7: {  	_ =	shalt  }

// kernel: _run.7.cloned.1.call-start
scs
__scs_entry_jumppad:
0x0: {  	(pc) =	sbr.rel $0x88, $3  }
0x1: {  	(tag) =	ssettag $0x0;
	lr =	simm.s32 $0x1  }
0x2: {  	[smem:$0x3F9C] =	sst lr;
	_ =	strace $0xD0000000  }
0x3: {  	_ = 	snop  }
0x4: {  	_ = 	snop  }
0x5: {  	_ = 	snop  }
0x6: {  	_ = 	snop  }
0x7: {  	_ = 	snop  }
__scs_overlays_trampoline_lowered:
0x8: {  	[smem:$0x3FAB] =	sst s0  }
0x9: {  	[smem:$0x3FAC] =	sst s1  }
0xa: {  	[smem:$0x3FAD] =	sst s2  }
0xb: {  	[smem:$0x3FAE] =	sst s3  }
0xc: {  	[smem:$0x3FAF] =	sst s4  }
0xd: {  	[smem:$0x3FB0] =	sst s5  }
0xe: {  	[smem:$0x3FB1] =	sst s6  }
0xf: {  	[smem:$0x3FB2] =	sst s7  }
0x10: {  	[smem:$0x3FB3] =	sst s8  }
0x11: {  	[smem:$0x3FB4] =	sst s9;
	s0 =	simm.s32 @!p0 $0x0  }
0x12: {  	s1 =	sld [smem:$0x3F9A];
	s0 =	simm.s32 @p0 $0x1  }
0x13: {  	[smem:$0x3FB5] =	sst s0;
	s0 =	simm.s32 @!p1 $0x0  }
0x14: {  	s2 =	sld [smem:$0x3F99];
	s0 =	simm.s32 @p1 $0x1  }
0x15: {  	[smem:$0x3FB6] =	sst s0;
	s0 =	simm.s32 @!p2 $0x0  }
0x16: {  	s3 =	sld [smem:$0x3FDB];
	s0 =	simm.s32 @p2 $0x1  }
0x17: {  	s4 =	simm.s32 $0x1BF5;
	[smem:$0x3FB8] =	sst s0  }
0x18: {  	s0 =	sld [smem:$0x3F9B];
	_ =	swait.ge [sflag:s4], $0x0  }
0x19: {  	s7 =	sld [smem:$0x3F9C]  }
0x1a: {  	s8 =	sadd.s32 $0xFFFFE003, lr  }
0x1b: {  	s9 =	sadd.s32 $0xFFFFFEF7, lr;
	s5 =	simm.s32 $0xFFFFFFFF;
	p2 =	slt.u32 s8, $0xFFFFF086  }
0x1c: {  	p1 =	slt.u32 s9, $0xF7A;
	s5 =	simm.s32 @!p2 $0x0  }
0x1d: {  	s5 =	simm.s32 @p1 $0x1;
	p0 =	seq.s32 s7, s2  }
0x1e: {  	s7 =	smul.u32 @!p0 $0xF7A, s2;
	p2 =	seq.s32 @!p0 s5, $0x0  }
0x1f: {  	s9 =	smul.u32 $0xF7A, s1;
	s8 =	simm.s32 @!p0 $0x1BF5;
	p2 =	por !p2, p0  }
0x20: {  	[sflag:s8] =	ssyncset.s32 @!p0 $0xFFFFF086;
	s6 =	sadd.s32 @!p0 s3, s7;
	s7 =	simm.s32 @!p0 $0x108  }
0x21: {  	s3 =	sadd.s32 s3, s9;
	s6 =	sadd.s32 @!p0 $0x88, s6;
	s7 =	simm.s32 @p2 $0x1082  }
0x22: {  	[simem:s7], [sflag:s8] =	dma.local @!p0 [hbm:s6], $0xF7A  }
0x23: {  	s9 =	sor.u32 $0xD0000000, s2;
	s6 =	simm.s32 $0x108;
	_ =	swait.ge @!p0 [sflag:s8], $0x0  }
0x24: {  	s3 =	sadd.s32 $0x88, s3;
	s6 =	simm.s32 @!p1 $0x1082;
	[sflag:s4] =	ssyncset.s32 $0xFFFFF086  }
0x25: {  	[simem:s6], [sflag:s4] =	dma.local [hbm:s3], $0xF7A  }
0x26: {  	[smem:$0x3F9C] =	sst s1;
	(tag) =	ssettag s2;
	_ =	strace s9  }
0x27: {  	s1 =	sld [smem:$0x3FAC]  }
0x28: {  	s2 =	sld [smem:$0x3FAD]  }
0x29: {  	s4 =	sld [smem:$0x3FAF]  }
0x2a: {  	p0 =	seq.s32 s5, $0x0;
	s5 =	sld [smem:$0x3FB0]  }
0x2b: {  	s6 =	sld [smem:$0x3FB1]  }
0x2c: {  	s7 =	sld [smem:$0x3FB2]  }
0x2d: {  	s3 =	simm.s32 $0x108;
	s8 =	sld [smem:$0x3FB3]  }
0x2e: {  	s3 =	simm.s32 @!p0 $0x1082;
	s9 =	sld [smem:$0x3FB4]  }
0x2f: {  	lr =	sadd.s32 s0, s3;
	s0 =	sld [smem:$0x3FAB]  }
0x30: {  	s3 =	sld [smem:$0x3FAE]  }
0x31: {  	[smem:$0x3FB7] =	sst s10  }
0x32: {  	s10 =	sld [smem:$0x3FB5];
	_ =	sdelay $0x3  }
0x33: {  	p0 =	seq.s32 s10, $0x1;
	s10 =	sld [smem:$0x3FB7];
	_ =	sdelay $0x3  }
0x34: {  	[smem:$0x3FB7] =	sst s10  }
0x35: {  	s10 =	sld [smem:$0x3FB6];
	_ =	sdelay $0x3  }
0x36: {  	p1 =	seq.s32 s10, $0x1;
	s10 =	sld [smem:$0x3FB7];
	_ =	sdelay $0x3  }
0x37: {  	[smem:$0x3FB7] =	sst s10  }
0x38: {  	s10 =	sld [smem:$0x3FB8]  }
0x39: {  	_ = 	snop;
	(pc) =	sbr.ind lr, $3  }
0x3a: {  	_ = 	snop  }
0x3b: {  	_ = 	snop  }
0x3c: {  	p2 =	seq.s32 s10, $0x1;
	s10 =	sld [smem:$0x3FB7]  }
0x3d: {  	_ =	shalt  }
0x3e: {  	_ =	shalt  }
0x3f: {  	_ =	shalt  }
0x40: {  	_ =	shalt  }
0x41: {  	_ =	shalt  }
0x42: {  	_ =	shalt  }
0x43: {  	_ =	shalt  }
0x44: {  	_ =	shalt  }
0x45: {  	_ =	shalt  }
0x46: {  	_ =	shalt  }
0x47: {  	_ =	shalt  }
0x48: {  	_ =	shalt  }
0x49: {  	_ =	shalt  }
0x4a: {  	_ =	shalt  }
0x4b: {  	_ =	shalt  }
0x4c: {  	_ =	shalt  }
0x4d: {  	_ =	shalt  }
0x4e: {  	_ =	shalt  }
0x4f: {  	_ =	shalt  }
0x50: {  	_ =	shalt  }
0x51: {  	_ =	shalt  }
0x52: {  	_ =	shalt  }
0x53: {  	_ =	shalt  }
0x54: {  	_ =	shalt  }
0x55: {  	_ =	shalt  }
0x56: {  	_ =	shalt  }
0x57: {  	_ =	shalt  }
0x58: {  	_ =	shalt  }
0x59: {  	_ =	shalt  }
0x5a: {  	_ =	shalt  }
0x5b: {  	_ =	shalt  }
0x5c: {  	_ =	shalt  }
0x5d: {  	_ =	shalt  }
0x5e: {  	_ =	shalt  }
0x5f: {  	_ =	shalt  }
0x60: {  	_ =	shalt  }
0x61: {  	_ =	shalt  }
0x62: {  	_ =	shalt  }
0x63: {  	_ =	shalt  }
0x64: {  	_ =	shalt  }
0x65: {  	_ =	shalt  }
0x66: {  	_ =	shalt  }
0x67: {  	_ =	shalt  }
0x68: {  	_ =	shalt  }
0x69: {  	_ =	shalt  }
0x6a: {  	_ =	shalt  }
0x6b: {  	_ =	shalt  }
0x6c: {  	_ =	shalt  }
0x6d: {  	_ =	shalt  }
0x6e: {  	_ =	shalt  }
0x6f: {  	_ =	shalt  }
0x70: {  	_ =	shalt  }
0x71: {  	_ =	shalt  }
0x72: {  	_ =	shalt  }
0x73: {  	_ =	shalt  }
0x74: {  	_ =	shalt  }
0x75: {  	_ =	shalt  }
0x76: {  	_ =	shalt  }
0x77: {  	_ =	shalt  }
0x78: {  	_ =	shalt  }
0x79: {  	_ =	shalt  }
0x7a: {  	_ =	shalt  }
0x7b: {  	_ =	shalt  }
0x7c: {  	_ =	shalt  }
0x7d: {  	_ =	shalt  }
0x7e: {  	_ =	shalt  }
0x7f: {  	_ =	shalt  }
0x80: {  	_ =	shalt  }
0x81: {  	_ =	shalt  }
0x82: {  	_ =	shalt  }
0x83: {  	_ =	shalt  }
0x84: {  	_ =	shalt  }
0x85: {  	_ =	shalt  }
0x86: {  	_ =	shalt  }
0x87: {  	_ =	shalt  }
.Lfunc_end0:
.L_simem_size_0:
called_computation.1_lowered:
.L_overlay_start_0:
0x88: {  	s2 =	sld [smem:$0x3FD9]  }
0x89: {  	s3 =	sld [smem:$0x3FFE];
	_ =	sdelay $0x1  }
0x8a: {  	s1 =	srdreg.scid  }
0x8b: {  	s0 =	sand.u32 $0x1, s1  }
0x8c: {  	s17 =	sshll.u32 s0, $0xA;
	s2 =	sadd.s32 s3, s2  }
0x8d: {  	s2 =	sadd.s32 s2, s17  }
0x8e: {  	[smem:$0x3FC3] =	sst s2  }
0x8f: {  	_ = 	snop  }
0x90: {  	s2 =	sld [smem:$0x3FD0];
	(tm) =	ssettm $0x1  }
0x91: {  	s18 =	sld [smem:$0x3FFB];
	_ =	sdelay $0x3  }
0x92: {  	_ =	strace s18  }
0x93: {  	s3 =	sld [smem:$0x3FFC];
	_ =	sdelay $0x3  }
0x94: {  	_ =	strace s3  }
0x95: {  	s3 =	sld [smem:$0x3FFD];
	_ =	sdelay $0x3  }
0x96: {  	_ =	strace s3  }
0x97: {  	_ =	strace $0x8FFFFFFF  }
0x98: {  	s19 =	sld [smem:$0x3FDB];
	_ =	sdelay $0x1  }
0x99: {  	s4 =	simm.s32 $_scs_section_size  }
0x9a: {  	s5 =	simm.s32 $_size__tile_overlayer_lowered;
	s6 =	simm.s32 $_tile_overlayer_lowered  }
0x9b: {  	s22 =	simm.s32 $0x1BFF;
	s21 =	sshll.u32 s6, $0x1;
	s3 =	sadd.s32 s4, s19  }
0x9c: {  	s7 =	simm.s32 $0x0;
	s20 =	sshll.u32 s5, $0x1;
	s5 =	sadd.s32 s21, s3  }
0x9d: {  	[timem:s7], [sflag:s22] =	dma.local [hbm:s5], s20  }
0x9e: {  	_ =	swait.ge [sflag:s22], s20  }
0x9f: {  	s4 =	ssub.s32 $0x0, s20;
	[sflag:s22] =	ssyncset.done $0x0  }
0xa0: {  	[sflag:s22] =	ssyncadd.s32 s4;
	_ =	sdelay $0x1  }
0xa1: {  	s23 =	simm.s32 $0x1B8B  }
0xa2: {  	_ =	swait.ge [sflag:s23], $0x1  }
0xa3: {  	[sflag:s23] =	ssyncset.done $0x0  }
0xa4: {  	s25 =	simm.s32 $0x1B8E;
	s24 =	sld [smem:$0x3FFE];
	[sflag:s23] =	ssyncadd.s32 $0xFFFFFFFF  }
0xa5: {  	s26 =	simm.s32 $execute0_lowered;
	[smem:$0x3FD2] =	sst s25  }
0xa6: {  	s5 =	sshll.u32 s26, $0x1;
	_ =	strace $0x80000049;
	[dreg:$0x1] =	wrdreg $0xFFFFFFFF  }
0xa7: {  	s28 =	simm.s32 $_size_execute0_lowered;
	s3 =	sadd.s32 s3, s5;
	[dreg:$0x0] =	wrdreg $0x0  }
0xa8: {  	s5 =	sshll.u32 s28, $0x1;
	[dreg:$0x2] =	wrdreg s3  }
0xa9: {  	[dreg:$0x3] =	wrdreg s5  }
0xaa: {  	[dreg:$0x4] =	wrdreg $0xC0  }
0xab: {  	_ =	task [dreg:s7], $0x5FFFF  }
0xac: {  	[dreg:$0x1] =	wrdreg $0xFFFFFFFF  }
0xad: {  	[dreg:$0x0] =	wrdreg $0x60  }
0xae: {  	[dreg:$0x2] =	wrdreg s24  }
0xaf: {  	[dreg:$0x3] =	wrdreg s2  }
0xb0: {  	[dreg:$0x4] =	wrdreg $0x9  }
0xb1: {  	_ =	task.clear_ibuf [dreg:s7], $0x5FFFF;
	_ =	strace $0x90000049  }
0xb2: {  	s29 =	simm.s32 $0x9;
	_ =	strace $0x8000004B  }
0xb3: {  	_ =	swait.ge [sflag:s29], $0x1  }
0xb4: {  	[sflag:s29] =	ssyncadd.s32 $0xFFFFFFFF  }
0xb5: {  	_ =	strace $0x9000004B  }
0xb6: {  	_ =	sfence  }
0xb7: {  	s30 =	sld [smem:$0x0];
	_ =	sdelay $0x2  }
0xb8: {  	s31 =	sshll.u32 s1, $0xD;
	s1 =	sshrl.u32 s1, $0x2  }
0xb9: {  	s3 =	sand.u32 $0x4000, s31;
	s1 =	sadd.s32 s1, s30  }
0xba: {  	s0 =	sor.u32 s3, s0;
	s1 =	sshll.u32 s1, $0x11  }
0xbb: {  	s0 =	sor.u32 s1, s0  }
0xbc: {  	s0 =	sadd.s32 $0x8F2B, s0  }
0xbd: {  	[sflag:s0] =	ssyncadd.remote.s32 $0x1  }
0xbe: {  	_ =	sfence.sel $0xFFFF  }
0xbf: {  	[dreg:$0x0] =	wrdreg $0xFFFFFFFF;
	(pc) =	sbr.abs _section_cstart, $3  }
0xc0: {  	[dreg:$0x1] =	wrdreg $0xFFFFFFFF  }
0xc1: {  	_ =	task.clear_ibuf [dreg:s7], $0x2FFFF;
	_ =	strace $0x9FFFFFFF  }
0xc2: {  	(tm) =	ssettm $0x7FFFFFFF  }
0xc3: {  	_ =	shalt  }
tec
execute0_lowered:
.L_overlay_start_1:
0x0: {  	(tag) =	ssettag $0x1  }
0x1: {  	s0 =	srdreg.scid  }
0x2: {  	s1 =	rddreg [dreg:$0x0];
	s2 =	stileid.u32  }
0x3: {  	s6 =	rddreg [dreg:$0x1];
	s8 =	simm.s32 $0x2;
	s9 =	simm.s32 $0x13600  }
0x4: {  	s10 =	simm.s32 $0x200;
	s11 =	simm.s32 $0x13680;
	s30 =	simm.s32 $0x12600  }
0x5: {  	s31 =	simm.s32 $0x15E80;
	s12 =	simm.s32 $0x12A00;
	s13 =	simm.s32 $0x16280  }
0x6: {  	v0 =	vlaneseq.u32;
	s14 =	simm.s32 $0x12C00;
	s15 =	simm.s32 $0x16480;
	s16 =	simm.s32 $0x12E00  }
0x7: {  	v1 =	vimm.s32 $0x1;
	v2 =	vimm.s32 $0x2;
	v3 =	vimm.s32 $0x3;
	s17 =	simm.s32 $0x16680;
	s18 =	simm.s32 $0x13000;
	s19 =	simm.s32 $0x16880  }
0x8: {  	v4 =	vimm.s32 $0x4;
	v5 =	vimm.s32 $0x5;
	v6 =	vimm.s32 $0x6;
	s20 =	simm.s32 $0x13200;
	s21 =	simm.s32 $0x1;
	s22 =	simm.s32 $0x13400  }
0x9: {  	v7 =	vimm.s32 $0x7;
	v9 =	vimm.s32 $0x9;
	v10 =	vimm.s32 $0xA;
	s0 =	sand.u32 $0x1, s0;
	s3 =	sshll.u32 s2, $0xA;
	s2 =	simm.s32 $0x0  }
0xa: {  	v11 =	vimm.s32 $0xB;
	v12 =	vimm.s32 $0xC;
	v13 =	vimm.s32 $0xD;
	s23 =	simm.s32 $0x0;
	s4 =	sshll.u32 s0, $0x9;
	[smem:$0x7FF] =	sst s2  }
0xb: {  	v14 =	vimm.s32 $0xE;
	v15 =	vimm.s32 $0xF;
	v16 =	vimm.s32 $0x10;
	s0 =	ssub.s32 $0x2, s0;
	s7 =	sor.u32 s4, s3;
	_ =	strace $0x8000004A  }
0xc: {  	v17 =	vimm.s32 $0x11;
	v18 =	vimm.s32 $0x12;
	v19 =	vimm.s32 $0x13;
	s4 =	sadd.s32 $0x35A400, s1;
	s28 =	sshrl.u32 s0, $0x1;
	s3 =	sshll.u32 s7, $0x4  }
0xd: {  	v20 =	vimm.s32 $0x14;
	v21 =	vimm.s32 $0x15;
	v22 =	vimm.s32 $0x16;
	s0 =	ssub.s32 s0, s28;
	s29 =	sshrl.u32 s7, $0x3;
	s5 =	sadd.s32 s3, s1  }
0xe: {  	v23 =	vimm.s32 $0x17;
	v24 =	vimm.s32 $0x18;
	v25 =	vimm.s32 $0x19;
	s3 =	sadd.s32 $0xC00, s1;
	s6 =	sadd.s32 s6, s29;
	s7 =	smax.u32 s0, $0x1  }
0xf: {  	v8 =	vimm.s32 $0x8;
	v26 =	vimm.s32 $0x1A;
	v0 =	vmul.u32 $0x80, v0;
	s1 =	simm.s32 $0x12800;
	s0 =	simm.s32 $0x16080;
	s5 =	sadd.s32 $0x31A400, s5  }
.LBB2_1:
0x10: {  	[tilespmem:s2], [sflag:$0x2] =	stream.linear.gather [hbm4b:s5+s2], $0x10000, $0x38;
	[tilespmem:$0x16A80] =	vst v63  }
0x11: {  	v27 =	vmov s2;
	_ =	swait.ge [sflag:s8], $0x10000  }
0x12: {  	v27 =	vshll.u32 v27, $0x7;
	[sflag:s8] =	ssyncset.done $0x0  }
0x13: {  	v27 =	vor.u32 v0, v27;
	[sflag:s8] =	ssyncadd.s32 $0xFFFF0000  }
0x14: {  	[tilespmem:s9], [sflag:$0x2] =	stream.linear.gather [hbm4b:s4+s2], $0x80, $0x38;
	[tilespmem:$0x16A80] =	vst v63  }
0x15: {  	_ =	swait.ge [sflag:s8], $0x80  }
0x16: {  	s24 =	simm.s32 $0x10;
	[sflag:s8] =	ssyncset.done $0x0  }
0x17: {  	v28 =	vmov s24;
	[sflag:s8] =	ssyncadd.s32 $0xFFFFFF80  }
0x18: {  	v28 =	vshll.u32 v28, $0x7;
	v27 =	vld.idx.msk [tilespmem:v27+s2+$0x0], $0xffff  }
0x19: {  	v29 =	vor.u32 v0, v28;
	_ =	sdelay $0x3  }
0x1a: {  	s29 =	simm.s32 $0x20;
	[tilespmem:s11+$0x0] =	vst v27  }
0x1b: {  	s25 =	simm.s32 $0x30;
	s24 =	simm.s32 $0x13680;
	v28 =	vmov s29;
	v27 =	vld.idx.msk [tilespmem:v29+s2+$0x0], $0xffff  }
.LBB2_2:
0x1c: {  	p0 =	sne.s32 s25, $0x1F0;
	v28 =	vshll.u32 v28, $0x7  }
0x1d: {  	v29 =	vor.u32 v0, v28  }
.Ltmp0:
0x1e: {  	(pc) =	sbr.rel @p0 .LBB2_2-.Ltmp0, $4  }
0x1f: {  	_ = 	snop  }
0x20: {  	s24 =	sadd.s32 $0x10, s24  }
0x21: {  	[tilespmem:s24+$0x0] =	vst v27  }
0x22: {  	v28 =	vmov s25;
	s25 =	sadd.s32 $0x10, s25;
	v27 =	vld.idx.msk [tilespmem:v29+s2+$0x0], $0xffff  }
0x23: {  	v28 =	vshll.u32 v28, $0x7  }
0x24: {  	v28 =	vor.u32 v0, v28;
	_ =	sdelay $0x2  }
0x25: {  	s24 =	sadd.s32 $0x10, s24;
	s25 =	simm.s32 $0x0  }
0x26: {  	[tilespmem:s24+$0x0] =	vst v27;
	v27 =	vmov s25  }
0x27: {  	v27 =	vshll.u32 v27, $0x7;
	v28 =	vld.idx.msk [tilespmem:v28+s2+$0x0], $0xffff  }
0x28: {  	v27 =	vor.u32 v0, v27  }
0x29: {  	v27 =	vor.u32 $0x1, v27;
	_ =	sdelay $0x1  }
0x2a: {  	s24 =	sadd.s32 $0x10, s24  }
0x2b: {  	s26 =	simm.s32 $0x10;
	s28 =	simm.s32 $0x10000;
	[tilespmem:s24+$0x0] =	vst v28  }
0x2c: {  	v28 =	vmov s26;
	[tilespmem:s28], [sflag:$0x1] =	stream.indirect.gather [hbm4b:s3+s10], $0x1, s11, s10, $0xb8;
	[tilespmem:$0x16A80] =	vst v63  }
0x2d: {  	v28 =	vshll.u32 v28, $0x7;
	v27 =	vld.idx.msk [tilespmem:v27+s2+$0x0], $0xffff  }
0x2e: {  	v28 =	vor.u32 v0, v28  }
0x2f: {  	v29 =	vor.u32 $0x1, v28;
	_ =	sdelay $0x2  }
0x30: {  	s24 =	simm.s32 $0x13880;
	v27 =	vadd.s32 $0xF4240, v27  }
0x31: {  	s29 =	simm.s32 $0x20;
	[tilespmem:s24+$0x0] =	vst v27  }
0x32: {  	s25 =	simm.s32 $0x30;
	v28 =	vmov s29;
	v27 =	vld.idx.msk [tilespmem:v29+s2+$0x0], $0xffff  }
.LBB2_4:
0x33: {  	p0 =	sne.s32 s25, $0x1F0;
	v28 =	vshll.u32 v28, $0x7  }
0x34: {  	v28 =	vor.u32 v0, v28  }
0x35: {  	v29 =	vor.u32 $0x1, v28  }
.Ltmp1:
0x36: {  	(pc) =	sbr.rel @p0 .LBB2_4-.Ltmp1, $4  }
0x37: {  	_ = 	snop  }
0x38: {  	s24 =	sadd.s32 $0x10, s24;
	v27 =	vadd.s32 $0xF4240, v27  }
0x39: {  	[tilespmem:s24+$0x0] =	vst v27  }
0x3a: {  	v28 =	vmov s25;
	s25 =	sadd.s32 $0x10, s25;
	v27 =	vld.idx.msk [tilespmem:v29+s2+$0x0], $0xffff  }
0x3b: {  	v28 =	vshll.u32 v28, $0x7  }
0x3c: {  	v28 =	vor.u32 v0, v28  }
0x3d: {  	v28 =	vor.u32 $0x1, v28;
	_ =	sdelay $0x2  }
0x3e: {  	s24 =	sadd.s32 $0x10, s24;
	v27 =	vadd.s32 $0xF4240, v27  }
0x3f: {  	s25 =	simm.s32 $0x0;
	[tilespmem:s24+$0x0] =	vst v27  }
0x40: {  	v27 =	vld.idx.msk [tilespmem:v28+s2+$0x0], $0xffff;
	v28 =	vmov s25  }
0x41: {  	v28 =	vshll.u32 v28, $0x7  }
0x42: {  	v28 =	vor.u32 v0, v28  }
0x43: {  	v28 =	vor.u32 $0x2, v28;
	_ =	sdelay $0x1  }
0x44: {  	s24 =	sadd.s32 $0x10, s24;
	v27 =	vadd.s32 $0xF4240, v27  }
0x45: {  	s29 =	simm.s32 $0x10;
	s28 =	simm.s32 $0x13880;
	s26 =	simm.s32 $0x10200;
	[tilespmem:s24+$0x0] =	vst v27  }
0x46: {  	v27 =	vmov s29;
	[tilespmem:s26], [sflag:$0x1] =	stream.indirect.gather [hbm4b:s3+s10], $0x1, s28, s10, $0xb8;
	[tilespmem:$0x16A80] =	vst v63  }
0x47: {  	v27 =	vshll.u32 v27, $0x7;
	v28 =	vld.idx.msk [tilespmem:v28+s2+$0x0], $0xffff  }
0x48: {  	v27 =	vor.u32 v0, v27  }
0x49: {  	v27 =	vor.u32 $0x2, v27;
	_ =	sdelay $0x2  }
0x4a: {  	s24 =	simm.s32 $0x13A80;
	v28 =	vadd.s32 $0x1E8480, v28  }
0x4b: {  	s29 =	simm.s32 $0x20;
	[tilespmem:s24+$0x0] =	vst v28  }
0x4c: {  	s25 =	simm.s32 $0x30;
	v28 =	vmov s29;
	v27 =	vld.idx.msk [tilespmem:v27+s2+$0x0], $0xffff  }
.LBB2_6:
0x4d: {  	p0 =	sne.s32 s25, $0x1F0;
	v28 =	vshll.u32 v28, $0x7  }
0x4e: {  	v28 =	vor.u32 v0, v28  }
0x4f: {  	v29 =	vor.u32 $0x2, v28  }
.Ltmp2:
0x50: {  	(pc) =	sbr.rel @p0 .LBB2_6-.Ltmp2, $4  }
0x51: {  	_ = 	snop  }
0x52: {  	s24 =	sadd.s32 $0x10, s24;
	v27 =	vadd.s32 $0x1E8480, v27  }
0x53: {  	[tilespmem:s24+$0x0] =	vst v27  }
0x54: {  	v28 =	vmov s25;
	s25 =	sadd.s32 $0x10, s25;
	v27 =	vld.idx.msk [tilespmem:v29+s2+$0x0], $0xffff  }
0x55: {  	v28 =	vshll.u32 v28, $0x7  }
0x56: {  	v28 =	vor.u32 v0, v28  }
0x57: {  	v28 =	vor.u32 $0x2, v28;
	_ =	sdelay $0x2  }
0x58: {  	s24 =	sadd.s32 $0x10, s24;
	v27 =	vadd.s32 $0x1E8480, v27  }
0x59: {  	s25 =	simm.s32 $0x0;
	[tilespmem:s24+$0x0] =	vst v27  }
0x5a: {  	v27 =	vld.idx.msk [tilespmem:v28+s2+$0x0], $0xffff;
	v28 =	vmov s25  }
0x5b: {  	v28 =	vshll.u32 v28, $0x7  }
0x5c: {  	v28 =	vor.u32 v0, v28  }
0x5d: {  	v28 =	vor.u32 $0x3, v28;
	_ =	sdelay $0x1  }
0x5e: {  	s24 =	sadd.s32 $0x10, s24;
	v27 =	vadd.s32 $0x1E8480, v27  }
0x5f: {  	s29 =	simm.s32 $0x10;
	s28 =	simm.s32 $0x13A80;
	s26 =	simm.s32 $0x10400;
	[tilespmem:s24+$0x0] =	vst v27  }
0x60: {  	v27 =	vmov s29;
	[tilespmem:s26], [sflag:$0x1] =	stream.indirect.gather [hbm4b:s3+s10], $0x1, s28, s10, $0xb8;
	[tilespmem:$0x16A80] =	vst v63  }
0x61: {  	v27 =	vshll.u32 v27, $0x7;
	v28 =	vld.idx.msk [tilespmem:v28+s2+$0x0], $0xffff  }
0x62: {  	v27 =	vor.u32 v0, v27  }
0x63: {  	v27 =	vor.u32 $0x3, v27;
	_ =	sdelay $0x2  }
0x64: {  	s24 =	simm.s32 $0x13C80;
	v28 =	vadd.s32 $0x2DC6C0, v28  }
0x65: {  	s29 =	simm.s32 $0x20;
	[tilespmem:s24+$0x0] =	vst v28  }
0x66: {  	s25 =	simm.s32 $0x30;
	v28 =	vmov s29;
	v27 =	vld.idx.msk [tilespmem:v27+s2+$0x0], $0xffff  }
.LBB2_8:
0x67: {  	p0 =	sne.s32 s25, $0x1F0;
	v28 =	vshll.u32 v28, $0x7  }
0x68: {  	v28 =	vor.u32 v0, v28  }
0x69: {  	v29 =	vor.u32 $0x3, v28  }
.Ltmp3:
0x6a: {  	(pc) =	sbr.rel @p0 .LBB2_8-.Ltmp3, $4  }
0x6b: {  	_ = 	snop  }
0x6c: {  	s24 =	sadd.s32 $0x10, s24;
	v27 =	vadd.s32 $0x2DC6C0, v27  }
0x6d: {  	[tilespmem:s24+$0x0] =	vst v27  }
0x6e: {  	v28 =	vmov s25;
	s25 =	sadd.s32 $0x10, s25;
	v27 =	vld.idx.msk [tilespmem:v29+s2+$0x0], $0xffff  }
0x6f: {  	v28 =	vshll.u32 v28, $0x7  }
0x70: {  	v28 =	vor.u32 v0, v28  }
0x71: {  	v28 =	vor.u32 $0x3, v28;
	_ =	sdelay $0x2  }
0x72: {  	s24 =	sadd.s32 $0x10, s24;
	v27 =	vadd.s32 $0x2DC6C0, v27  }
0x73: {  	s25 =	simm.s32 $0x0;
	[tilespmem:s24+$0x0] =	vst v27  }
0x74: {  	v27 =	vld.idx.msk [tilespmem:v28+s2+$0x0], $0xffff;
	v28 =	vmov s25  }
0x75: {  	v28 =	vshll.u32 v28, $0x7  }
0x76: {  	v28 =	vor.u32 v0, v28  }
0x77: {  	v28 =	vor.u32 $0x4, v28;
	_ =	sdelay $0x1  }
0x78: {  	s24 =	sadd.s32 $0x10, s24;
	v27 =	vadd.s32 $0x2DC6C0, v27  }
0x79: {  	s29 =	simm.s32 $0x10;
	s28 =	simm.s32 $0x13C80;
	s26 =	simm.s32 $0x10600;
	[tilespmem:s24+$0x0] =	vst v27  }
0x7a: {  	v27 =	vmov s29;
	[tilespmem:s26], [sflag:$0x1] =	stream.indirect.gather [hbm4b:s3+s10], $0x1, s28, s10, $0xb8;
	[tilespmem:$0x16A80] =	vst v63  }
0x7b: {  	v27 =	vshll.u32 v27, $0x7;
	v28 =	vld.idx.msk [tilespmem:v28+s2+$0x0], $0xffff  }
0x7c: {  	v27 =	vor.u32 v0, v27  }
0x7d: {  	v27 =	vor.u32 $0x4, v27;
	_ =	sdelay $0x2  }
0x7e: {  	s24 =	simm.s32 $0x13E80;
	v28 =	vadd.s32 $0x3D0900, v28  }
0x7f: {  	s29 =	simm.s32 $0x20;
	[tilespmem:s24+$0x0] =	vst v28  }
0x80: {  	s25 =	simm.s32 $0x30;
	v28 =	vmov s29;
	v27 =	vld.idx.msk [tilespmem:v27+s2+$0x0], $0xffff  }
.LBB2_10:
0x81: {  	p0 =	sne.s32 s25, $0x1F0;
	v28 =	vshll.u32 v28, $0x7  }
0x82: {  	v28 =	vor.u32 v0, v28  }
0x83: {  	v29 =	vor.u32 $0x4, v28  }
.Ltmp4:
0x84: {  	(pc) =	sbr.rel @p0 .LBB2_10-.Ltmp4, $4  }
0x85: {  	_ = 	snop  }
0x86: {  	s24 =	sadd.s32 $0x10, s24;
	v27 =	vadd.s32 $0x3D0900, v27  }
0x87: {  	[tilespmem:s24+$0x0] =	vst v27  }
0x88: {  	v28 =	vmov s25;
	s25 =	sadd.s32 $0x10, s25;
	v27 =	vld.idx.msk [tilespmem:v29+s2+$0x0], $0xffff  }
0x89: {  	v28 =	vshll.u32 v28, $0x7  }
0x8a: {  	v28 =	vor.u32 v0, v28  }
0x8b: {  	v28 =	vor.u32 $0x4, v28;
	_ =	sdelay $0x2  }
0x8c: {  	s24 =	sadd.s32 $0x10, s24;
	v27 =	vadd.s32 $0x3D0900, v27  }
0x8d: {  	s25 =	simm.s32 $0x0;
	[tilespmem:s24+$0x0] =	vst v27  }
0x8e: {  	v27 =	vld.idx.msk [tilespmem:v28+s2+$0x0], $0xffff;
	v28 =	vmov s25  }
0x8f: {  	v28 =	vshll.u32 v28, $0x7  }
0x90: {  	v28 =	vor.u32 v0, v28  }
0x91: {  	v28 =	vor.u32 $0x5, v28;
	_ =	sdelay $0x1  }
0x92: {  	s24 =	sadd.s32 $0x10, s24;
	v27 =	vadd.s32 $0x3D0900, v27  }
0x93: {  	s29 =	simm.s32 $0x10;
	s28 =	simm.s32 $0x13E80;
	s26 =	simm.s32 $0x10800;
	[tilespmem:s24+$0x0] =	vst v27  }
0x94: {  	v27 =	vmov s29;
	[tilespmem:s26], [sflag:$0x1] =	stream.indirect.gather [hbm4b:s3+s10], $0x1, s28, s10, $0xb8;
	[tilespmem:$0x16A80] =	vst v63  }
0x95: {  	v27 =	vshll.u32 v27, $0x7;
	v28 =	vld.idx.msk [tilespmem:v28+s2+$0x0], $0xffff  }
0x96: {  	v27 =	vor.u32 v0, v27  }
0x97: {  	v27 =	vor.u32 $0x5, v27;
	_ =	sdelay $0x2  }
0x98: {  	s24 =	simm.s32 $0x14080;
	v28 =	vadd.s32 $0x4C4B40, v28  }
0x99: {  	s29 =	simm.s32 $0x20;
	[tilespmem:s24+$0x0] =	vst v28  }
0x9a: {  	s25 =	simm.s32 $0x30;
	v28 =	vmov s29;
	v27 =	vld.idx.msk [tilespmem:v27+s2+$0x0], $0xffff  }
.LBB2_12:
0x9b: {  	p0 =	sne.s32 s25, $0x1F0;
	v28 =	vshll.u32 v28, $0x7  }
0x9c: {  	v28 =	vor.u32 v0, v28  }
0x9d: {  	v29 =	vor.u32 $0x5, v28  }
.Ltmp5:
0x9e: {  	(pc) =	sbr.rel @p0 .LBB2_12-.Ltmp5, $4  }
0x9f: {  	_ = 	snop  }
0xa0: {  	s24 =	sadd.s32 $0x10, s24;
	v27 =	vadd.s32 $0x4C4B40, v27  }
0xa1: {  	[tilespmem:s24+$0x0] =	vst v27  }
0xa2: {  	v28 =	vmov s25;
	s25 =	sadd.s32 $0x10, s25;
	v27 =	vld.idx.msk [tilespmem:v29+s2+$0x0], $0xffff  }
0xa3: {  	v28 =	vshll.u32 v28, $0x7  }
0xa4: {  	v28 =	vor.u32 v0, v28  }
0xa5: {  	v28 =	vor.u32 $0x5, v28;
	_ =	sdelay $0x2  }
0xa6: {  	s24 =	sadd.s32 $0x10, s24;
	v27 =	vadd.s32 $0x4C4B40, v27  }
0xa7: {  	s25 =	simm.s32 $0x0;
	[tilespmem:s24+$0x0] =	vst v27  }
0xa8: {  	v27 =	vld.idx.msk [tilespmem:v28+s2+$0x0], $0xffff;
	v28 =	vmov s25  }
0xa9: {  	v28 =	vshll.u32 v28, $0x7  }
0xaa: {  	v28 =	vor.u32 v0, v28  }
0xab: {  	v28 =	vor.u32 $0x6, v28;
	_ =	sdelay $0x1  }
0xac: {  	s24 =	sadd.s32 $0x10, s24;
	v27 =	vadd.s32 $0x4C4B40, v27  }
0xad: {  	s29 =	simm.s32 $0x10;
	s28 =	simm.s32 $0x14080;
	s26 =	simm.s32 $0x10A00;
	[tilespmem:s24+$0x0] =	vst v27  }
0xae: {  	v27 =	vmov s29;
	[tilespmem:s26], [sflag:$0x1] =	stream.indirect.gather [hbm4b:s3+s10], $0x1, s28, s10, $0xb8;
	[tilespmem:$0x16A80] =	vst v63  }
0xaf: {  	v27 =	vshll.u32 v27, $0x7;
	v28 =	vld.idx.msk [tilespmem:v28+s2+$0x0], $0xffff  }
0xb0: {  	v27 =	vor.u32 v0, v27  }
0xb1: {  	v27 =	vor.u32 $0x6, v27;
	_ =	sdelay $0x2  }
0xb2: {  	s24 =	simm.s32 $0x14280;
	v28 =	vadd.s32 $0x5B8D80, v28  }
0xb3: {  	s29 =	simm.s32 $0x20;
	[tilespmem:s24+$0x0] =	vst v28  }
0xb4: {  	s25 =	simm.s32 $0x30;
	v28 =	vmov s29;
	v27 =	vld.idx.msk [tilespmem:v27+s2+$0x0], $0xffff  }
.LBB2_14:
0xb5: {  	p0 =	sne.s32 s25, $0x1F0;
	v28 =	vshll.u32 v28, $0x7  }
0xb6: {  	v28 =	vor.u32 v0, v28  }
0xb7: {  	v29 =	vor.u32 $0x6, v28  }
.Ltmp6:
0xb8: {  	(pc) =	sbr.rel @p0 .LBB2_14-.Ltmp6, $4  }
0xb9: {  	_ = 	snop  }
0xba: {  	s24 =	sadd.s32 $0x10, s24;
	v27 =	vadd.s32 $0x5B8D80, v27  }
0xbb: {  	[tilespmem:s24+$0x0] =	vst v27  }
0xbc: {  	v28 =	vmov s25;
	s25 =	sadd.s32 $0x10, s25;
	v27 =	vld.idx.msk [tilespmem:v29+s2+$0x0], $0xffff  }
0xbd: {  	v28 =	vshll.u32 v28, $0x7  }
0xbe: {  	v28 =	vor.u32 v0, v28  }
0xbf: {  	v28 =	vor.u32 $0x6, v28;
	_ =	sdelay $0x2  }
0xc0: {  	s24 =	sadd.s32 $0x10, s24;
	v27 =	vadd.s32 $0x5B8D80, v27  }
0xc1: {  	s25 =	simm.s32 $0x0;
	[tilespmem:s24+$0x0] =	vst v27  }
0xc2: {  	v27 =	vld.idx.msk [tilespmem:v28+s2+$0x0], $0xffff;
	v28 =	vmov s25  }
0xc3: {  	v28 =	vshll.u32 v28, $0x7  }
0xc4: {  	v28 =	vor.u32 v0, v28  }
0xc5: {  	v28 =	vor.u32 $0x7, v28;
	_ =	sdelay $0x1  }
0xc6: {  	s24 =	sadd.s32 $0x10, s24;
	v27 =	vadd.s32 $0x5B8D80, v27  }
0xc7: {  	s29 =	simm.s32 $0x10;
	s28 =	simm.s32 $0x14280;
	s26 =	simm.s32 $0x10C00;
	[tilespmem:s24+$0x0] =	vst v27  }
0xc8: {  	v27 =	vmov s29;
	[tilespmem:s26], [sflag:$0x1] =	stream.indirect.gather [hbm4b:s3+s10], $0x1, s28, s10, $0xb8;
	[tilespmem:$0x16A80] =	vst v63  }
0xc9: {  	v27 =	vshll.u32 v27, $0x7;
	v28 =	vld.idx.msk [tilespmem:v28+s2+$0x0], $0xffff  }
0xca: {  	v27 =	vor.u32 v0, v27  }
0xcb: {  	v27 =	vor.u32 $0x7, v27;
	_ =	sdelay $0x2  }
0xcc: {  	s24 =	simm.s32 $0x14480;
	v28 =	vadd.s32 $0x6ACFC0, v28  }
0xcd: {  	s29 =	simm.s32 $0x20;
	[tilespmem:s24+$0x0] =	vst v28  }
0xce: {  	s25 =	simm.s32 $0x30;
	v28 =	vmov s29;
	v27 =	vld.idx.msk [tilespmem:v27+s2+$0x0], $0xffff  }
.LBB2_16:
0xcf: {  	p0 =	sne.s32 s25, $0x1F0;
	v28 =	vshll.u32 v28, $0x7  }
0xd0: {  	v28 =	vor.u32 v0, v28  }
0xd1: {  	v29 =	vor.u32 $0x7, v28  }
.Ltmp7:
0xd2: {  	(pc) =	sbr.rel @p0 .LBB2_16-.Ltmp7, $4  }
0xd3: {  	_ = 	snop  }
0xd4: {  	s24 =	sadd.s32 $0x10, s24;
	v27 =	vadd.s32 $0x6ACFC0, v27  }
0xd5: {  	[tilespmem:s24+$0x0] =	vst v27  }
0xd6: {  	v28 =	vmov s25;
	s25 =	sadd.s32 $0x10, s25;
	v27 =	vld.idx.msk [tilespmem:v29+s2+$0x0], $0xffff  }
0xd7: {  	v28 =	vshll.u32 v28, $0x7  }
0xd8: {  	v28 =	vor.u32 v0, v28  }
0xd9: {  	v28 =	vor.u32 $0x7, v28;
	_ =	sdelay $0x2  }
0xda: {  	s24 =	sadd.s32 $0x10, s24;
	v27 =	vadd.s32 $0x6ACFC0, v27  }
0xdb: {  	s25 =	simm.s32 $0x0;
	[tilespmem:s24+$0x0] =	vst v27  }
0xdc: {  	v27 =	vld.idx.msk [tilespmem:v28+s2+$0x0], $0xffff;
	v28 =	vmov s25  }
0xdd: {  	v28 =	vshll.u32 v28, $0x7  }
0xde: {  	v28 =	vor.u32 v0, v28  }
0xdf: {  	v28 =	vor.u32 $0x8, v28;
	_ =	sdelay $0x1  }
0xe0: {  	s24 =	sadd.s32 $0x10, s24;
	v27 =	vadd.s32 $0x6ACFC0, v27  }
0xe1: {  	s29 =	simm.s32 $0x10;
	s28 =	simm.s32 $0x14480;
	s26 =	simm.s32 $0x10E00;
	[tilespmem:s24+$0x0] =	vst v27  }
0xe2: {  	v27 =	vmov s29;
	[tilespmem:s26], [sflag:$0x1] =	stream.indirect.gather [hbm4b:s3+s10], $0x1, s28, s10, $0xb8;
	[tilespmem:$0x16A80] =	vst v63  }
0xe3: {  	v27 =	vshll.u32 v27, $0x7;
	v28 =	vld.idx.msk [tilespmem:v28+s2+$0x0], $0xffff  }
0xe4: {  	v27 =	vor.u32 v0, v27  }
0xe5: {  	v27 =	vor.u32 $0x8, v27;
	_ =	sdelay $0x2  }
0xe6: {  	s24 =	simm.s32 $0x14680;
	v28 =	vadd.s32 $0x7A1200, v28  }
0xe7: {  	s29 =	simm.s32 $0x20;
	[tilespmem:s24+$0x0] =	vst v28  }
0xe8: {  	s25 =	simm.s32 $0x30;
	v28 =	vmov s29;
	v27 =	vld.idx.msk [tilespmem:v27+s2+$0x0], $0xffff  }
.LBB2_18:
0xe9: {  	p0 =	sne.s32 s25, $0x1F0;
	v28 =	vshll.u32 v28, $0x7  }
0xea: {  	v28 =	vor.u32 v0, v28  }
0xeb: {  	v29 =	vor.u32 $0x8, v28  }
.Ltmp8:
0xec: {  	(pc) =	sbr.rel @p0 .LBB2_18-.Ltmp8, $4  }
0xed: {  	_ = 	snop  }
0xee: {  	s24 =	sadd.s32 $0x10, s24;
	v27 =	vadd.s32 $0x7A1200, v27  }
0xef: {  	[tilespmem:s24+$0x0] =	vst v27  }
0xf0: {  	v28 =	vmov s25;
	s25 =	sadd.s32 $0x10, s25;
	v27 =	vld.idx.msk [tilespmem:v29+s2+$0x0], $0xffff  }
0xf1: {  	v28 =	vshll.u32 v28, $0x7  }
0xf2: {  	v28 =	vor.u32 v0, v28  }
0xf3: {  	v28 =	vor.u32 $0x8, v28;
	_ =	sdelay $0x2  }
0xf4: {  	s24 =	sadd.s32 $0x10, s24;
	v27 =	vadd.s32 $0x7A1200, v27  }
0xf5: {  	s25 =	simm.s32 $0x0;
	[tilespmem:s24+$0x0] =	vst v27  }
0xf6: {  	v27 =	vld.idx.msk [tilespmem:v28+s2+$0x0], $0xffff;
	v28 =	vmov s25  }
0xf7: {  	v28 =	vshll.u32 v28, $0x7  }
0xf8: {  	v28 =	vor.u32 v0, v28  }
0xf9: {  	v28 =	vor.u32 $0x9, v28;
	_ =	sdelay $0x1  }
0xfa: {  	s24 =	sadd.s32 $0x10, s24;
	v27 =	vadd.s32 $0x7A1200, v27  }
0xfb: {  	s29 =	simm.s32 $0x10;
	s28 =	simm.s32 $0x14680;
	s26 =	simm.s32 $0x11000;
	[tilespmem:s24+$0x0] =	vst v27  }
0xfc: {  	v27 =	vmov s29;
	[tilespmem:s26], [sflag:$0x1] =	stream.indirect.gather [hbm4b:s3+s10], $0x1, s28, s10, $0xb8;
	[tilespmem:$0x16A80] =	vst v63  }
0xfd: {  	v27 =	vshll.u32 v27, $0x7;
	v28 =	vld.idx.msk [tilespmem:v28+s2+$0x0], $0xffff  }
0xfe: {  	v27 =	vor.u32 v0, v27  }
0xff: {  	v27 =	vor.u32 $0x9, v27;
	_ =	sdelay $0x2  }
0x100: {  	s24 =	simm.s32 $0x14880;
	v28 =	vadd.s32 $0x895440, v28  }
0x101: {  	s29 =	simm.s32 $0x20;
	[tilespmem:s24+$0x0] =	vst v28  }
0x102: {  	s25 =	simm.s32 $0x30;
	v28 =	vmov s29;
	v27 =	vld.idx.msk [tilespmem:v27+s2+$0x0], $0xffff  }
.LBB2_20:
0x103: {  	p0 =	sne.s32 s25, $0x1F0;
	v28 =	vshll.u32 v28, $0x7  }
0x104: {  	v28 =	vor.u32 v0, v28  }
0x105: {  	v29 =	vor.u32 $0x9, v28  }
.Ltmp9:
0x106: {  	(pc) =	sbr.rel @p0 .LBB2_20-.Ltmp9, $4  }
0x107: {  	_ = 	snop  }
0x108: {  	s24 =	sadd.s32 $0x10, s24;
	v27 =	vadd.s32 $0x895440, v27  }
0x109: {  	[tilespmem:s24+$0x0] =	vst v27  }
0x10a: {  	v28 =	vmov s25;
	s25 =	sadd.s32 $0x10, s25;
	v27 =	vld.idx.msk [tilespmem:v29+s2+$0x0], $0xffff  }
0x10b: {  	v28 =	vshll.u32 v28, $0x7  }
0x10c: {  	v28 =	vor.u32 v0, v28  }
0x10d: {  	v28 =	vor.u32 $0x9, v28;
	_ =	sdelay $0x2  }
0x10e: {  	s24 =	sadd.s32 $0x10, s24;
	v27 =	vadd.s32 $0x895440, v27  }
0x10f: {  	s25 =	simm.s32 $0x0;
	[tilespmem:s24+$0x0] =	vst v27  }
0x110: {  	v27 =	vld.idx.msk [tilespmem:v28+s2+$0x0], $0xffff;
	v28 =	vmov s25  }
0x111: {  	v28 =	vshll.u32 v28, $0x7  }
0x112: {  	v28 =	vor.u32 v0, v28  }
0x113: {  	v28 =	vor.u32 $0xA, v28;
	_ =	sdelay $0x1  }
0x114: {  	s24 =	sadd.s32 $0x10, s24;
	v27 =	vadd.s32 $0x895440, v27  }
0x115: {  	s29 =	simm.s32 $0x10;
	s28 =	simm.s32 $0x14880;
	s26 =	simm.s32 $0x11200;
	[tilespmem:s24+$0x0] =	vst v27  }
0x116: {  	v27 =	vmov s29;
	[tilespmem:s26], [sflag:$0x1] =	stream.indirect.gather [hbm4b:s3+s10], $0x1, s28, s10, $0xb8;
	[tilespmem:$0x16A80] =	vst v63  }
0x117: {  	v27 =	vshll.u32 v27, $0x7;
	v28 =	vld.idx.msk [tilespmem:v28+s2+$0x0], $0xffff  }
0x118: {  	v27 =	vor.u32 v0, v27  }
0x119: {  	v27 =	vor.u32 $0xA, v27;
	_ =	sdelay $0x2  }
0x11a: {  	s24 =	simm.s32 $0x14A80;
	v28 =	vadd.s32 $0x989680, v28  }
0x11b: {  	s29 =	simm.s32 $0x20;
	[tilespmem:s24+$0x0] =	vst v28  }
0x11c: {  	s25 =	simm.s32 $0x30;
	v28 =	vmov s29;
	v27 =	vld.idx.msk [tilespmem:v27+s2+$0x0], $0xffff  }
.LBB2_22:
0x11d: {  	p0 =	sne.s32 s25, $0x1F0;
	v28 =	vshll.u32 v28, $0x7  }
0x11e: {  	v28 =	vor.u32 v0, v28  }
0x11f: {  	v29 =	vor.u32 $0xA, v28  }
.Ltmp10:
0x120: {  	(pc) =	sbr.rel @p0 .LBB2_22-.Ltmp10, $4  }
0x121: {  	_ = 	snop  }
0x122: {  	s24 =	sadd.s32 $0x10, s24;
	v27 =	vadd.s32 $0x989680, v27  }
0x123: {  	[tilespmem:s24+$0x0] =	vst v27  }
0x124: {  	v28 =	vmov s25;
	s25 =	sadd.s32 $0x10, s25;
	v27 =	vld.idx.msk [tilespmem:v29+s2+$0x0], $0xffff  }
0x125: {  	v28 =	vshll.u32 v28, $0x7  }
0x126: {  	v28 =	vor.u32 v0, v28  }
0x127: {  	v28 =	vor.u32 $0xA, v28;
	_ =	sdelay $0x2  }
0x128: {  	s24 =	sadd.s32 $0x10, s24;
	v27 =	vadd.s32 $0x989680, v27  }
0x129: {  	s25 =	simm.s32 $0x0;
	[tilespmem:s24+$0x0] =	vst v27  }
0x12a: {  	v27 =	vld.idx.msk [tilespmem:v28+s2+$0x0], $0xffff;
	v28 =	vmov s25  }
0x12b: {  	v28 =	vshll.u32 v28, $0x7  }
0x12c: {  	v28 =	vor.u32 v0, v28  }
0x12d: {  	v28 =	vor.u32 $0xB, v28;
	_ =	sdelay $0x1  }
0x12e: {  	s24 =	sadd.s32 $0x10, s24;
	v27 =	vadd.s32 $0x989680, v27  }
0x12f: {  	s29 =	simm.s32 $0x10;
	s28 =	simm.s32 $0x14A80;
	s26 =	simm.s32 $0x11400;
	[tilespmem:s24+$0x0] =	vst v27  }
0x130: {  	v27 =	vmov s29;
	[tilespmem:s26], [sflag:$0x1] =	stream.indirect.gather [hbm4b:s3+s10], $0x1, s28, s10, $0xb8;
	[tilespmem:$0x16A80] =	vst v63  }
0x131: {  	v27 =	vshll.u32 v27, $0x7;
	v28 =	vld.idx.msk [tilespmem:v28+s2+$0x0], $0xffff  }
0x132: {  	v27 =	vor.u32 v0, v27  }
0x133: {  	v27 =	vor.u32 $0xB, v27;
	_ =	sdelay $0x2  }
0x134: {  	s24 =	simm.s32 $0x14C80;
	v28 =	vadd.s32 $0xA7D8C0, v28  }
0x135: {  	s29 =	simm.s32 $0x20;
	[tilespmem:s24+$0x0] =	vst v28  }
0x136: {  	s25 =	simm.s32 $0x30;
	v28 =	vmov s29;
	v27 =	vld.idx.msk [tilespmem:v27+s2+$0x0], $0xffff  }
.LBB2_24:
0x137: {  	p0 =	sne.s32 s25, $0x1F0;
	v28 =	vshll.u32 v28, $0x7  }
0x138: {  	v28 =	vor.u32 v0, v28  }
0x139: {  	v29 =	vor.u32 $0xB, v28  }
.Ltmp11:
0x13a: {  	(pc) =	sbr.rel @p0 .LBB2_24-.Ltmp11, $4  }
0x13b: {  	_ = 	snop  }
0x13c: {  	s24 =	sadd.s32 $0x10, s24;
	v27 =	vadd.s32 $0xA7D8C0, v27  }
0x13d: {  	[tilespmem:s24+$0x0] =	vst v27  }
0x13e: {  	v28 =	vmov s25;
	s25 =	sadd.s32 $0x10, s25;
	v27 =	vld.idx.msk [tilespmem:v29+s2+$0x0], $0xffff  }
0x13f: {  	v28 =	vshll.u32 v28, $0x7  }
0x140: {  	v28 =	vor.u32 v0, v28  }
0x141: {  	v28 =	vor.u32 $0xB, v28;
	_ =	sdelay $0x2  }
0x142: {  	s24 =	sadd.s32 $0x10, s24;
	v27 =	vadd.s32 $0xA7D8C0, v27  }
0x143: {  	s25 =	simm.s32 $0x0;
	[tilespmem:s24+$0x0] =	vst v27  }
0x144: {  	v27 =	vld.idx.msk [tilespmem:v28+s2+$0x0], $0xffff;
	v28 =	vmov s25  }
0x145: {  	v28 =	vshll.u32 v28, $0x7  }
0x146: {  	v28 =	vor.u32 v0, v28  }
0x147: {  	v28 =	vor.u32 $0xC, v28;
	_ =	sdelay $0x1  }
0x148: {  	s24 =	sadd.s32 $0x10, s24;
	v27 =	vadd.s32 $0xA7D8C0, v27  }
0x149: {  	s29 =	simm.s32 $0x10;
	s28 =	simm.s32 $0x14C80;
	s26 =	simm.s32 $0x11600;
	[tilespmem:s24+$0x0] =	vst v27  }
0x14a: {  	v27 =	vmov s29;
	[tilespmem:s26], [sflag:$0x1] =	stream.indirect.gather [hbm4b:s3+s10], $0x1, s28, s10, $0xb8;
	[tilespmem:$0x16A80] =	vst v63  }
0x14b: {  	v27 =	vshll.u32 v27, $0x7;
	v28 =	vld.idx.msk [tilespmem:v28+s2+$0x0], $0xffff  }
0x14c: {  	v27 =	vor.u32 v0, v27  }
0x14d: {  	v27 =	vor.u32 $0xC, v27;
	_ =	sdelay $0x2  }
0x14e: {  	s24 =	simm.s32 $0x14E80;
	v28 =	vadd.s32 $0xB71B00, v28  }
0x14f: {  	s29 =	simm.s32 $0x20;
	[tilespmem:s24+$0x0] =	vst v28  }
0x150: {  	s25 =	simm.s32 $0x30;
	v28 =	vmov s29;
	v27 =	vld.idx.msk [tilespmem:v27+s2+$0x0], $0xffff  }
.LBB2_26:
0x151: {  	p0 =	sne.s32 s25, $0x1F0;
	v28 =	vshll.u32 v28, $0x7  }
0x152: {  	v28 =	vor.u32 v0, v28  }
0x153: {  	v29 =	vor.u32 $0xC, v28  }
.Ltmp12:
0x154: {  	(pc) =	sbr.rel @p0 .LBB2_26-.Ltmp12, $4  }
0x155: {  	_ = 	snop  }
0x156: {  	s24 =	sadd.s32 $0x10, s24;
	v27 =	vadd.s32 $0xB71B00, v27  }
0x157: {  	[tilespmem:s24+$0x0] =	vst v27  }
0x158: {  	v28 =	vmov s25;
	s25 =	sadd.s32 $0x10, s25;
	v27 =	vld.idx.msk [tilespmem:v29+s2+$0x0], $0xffff  }
0x159: {  	v28 =	vshll.u32 v28, $0x7  }
0x15a: {  	v28 =	vor.u32 v0, v28  }
0x15b: {  	v28 =	vor.u32 $0xC, v28;
	_ =	sdelay $0x2  }
0x15c: {  	s24 =	sadd.s32 $0x10, s24;
	v27 =	vadd.s32 $0xB71B00, v27  }
0x15d: {  	s25 =	simm.s32 $0x0;
	[tilespmem:s24+$0x0] =	vst v27  }
0x15e: {  	v27 =	vld.idx.msk [tilespmem:v28+s2+$0x0], $0xffff;
	v28 =	vmov s25  }
0x15f: {  	v28 =	vshll.u32 v28, $0x7  }
0x160: {  	v28 =	vor.u32 v0, v28  }
0x161: {  	v28 =	vor.u32 $0xD, v28;
	_ =	sdelay $0x1  }
0x162: {  	s24 =	sadd.s32 $0x10, s24;
	v27 =	vadd.s32 $0xB71B00, v27  }
0x163: {  	s29 =	simm.s32 $0x10;
	s28 =	simm.s32 $0x14E80;
	s26 =	simm.s32 $0x11800;
	[tilespmem:s24+$0x0] =	vst v27  }
0x164: {  	v27 =	vmov s29;
	[tilespmem:s26], [sflag:$0x1] =	stream.indirect.gather [hbm4b:s3+s10], $0x1, s28, s10, $0xb8;
	[tilespmem:$0x16A80] =	vst v63  }
0x165: {  	v27 =	vshll.u32 v27, $0x7;
	v28 =	vld.idx.msk [tilespmem:v28+s2+$0x0], $0xffff  }
0x166: {  	v27 =	vor.u32 v0, v27  }
0x167: {  	v27 =	vor.u32 $0xD, v27;
	_ =	sdelay $0x2  }
0x168: {  	s24 =	simm.s32 $0x15080;
	v28 =	vadd.s32 $0xC65D40, v28  }
0x169: {  	s29 =	simm.s32 $0x20;
	[tilespmem:s24+$0x0] =	vst v28  }
0x16a: {  	s25 =	simm.s32 $0x30;
	v28 =	vmov s29;
	v27 =	vld.idx.msk [tilespmem:v27+s2+$0x0], $0xffff  }
.LBB2_28:
0x16b: {  	p0 =	sne.s32 s25, $0x1F0;
	v28 =	vshll.u32 v28, $0x7  }
0x16c: {  	v28 =	vor.u32 v0, v28  }
0x16d: {  	v29 =	vor.u32 $0xD, v28  }
.Ltmp13:
0x16e: {  	(pc) =	sbr.rel @p0 .LBB2_28-.Ltmp13, $4  }
0x16f: {  	_ = 	snop  }
0x170: {  	s24 =	sadd.s32 $0x10, s24;
	v27 =	vadd.s32 $0xC65D40, v27  }
0x171: {  	[tilespmem:s24+$0x0] =	vst v27  }
0x172: {  	v28 =	vmov s25;
	s25 =	sadd.s32 $0x10, s25;
	v27 =	vld.idx.msk [tilespmem:v29+s2+$0x0], $0xffff  }
0x173: {  	v28 =	vshll.u32 v28, $0x7  }
0x174: {  	v28 =	vor.u32 v0, v28  }
0x175: {  	v28 =	vor.u32 $0xD, v28;
	_ =	sdelay $0x2  }
0x176: {  	s24 =	sadd.s32 $0x10, s24;
	v27 =	vadd.s32 $0xC65D40, v27  }
0x177: {  	s25 =	simm.s32 $0x0;
	[tilespmem:s24+$0x0] =	vst v27  }
0x178: {  	v27 =	vld.idx.msk [tilespmem:v28+s2+$0x0], $0xffff;
	v28 =	vmov s25  }
0x179: {  	v28 =	vshll.u32 v28, $0x7  }
0x17a: {  	v28 =	vor.u32 v0, v28  }
0x17b: {  	v28 =	vor.u32 $0xE, v28;
	_ =	sdelay $0x1  }
0x17c: {  	s24 =	sadd.s32 $0x10, s24;
	v27 =	vadd.s32 $0xC65D40, v27  }
0x17d: {  	s29 =	simm.s32 $0x10;
	s28 =	simm.s32 $0x15080;
	s26 =	simm.s32 $0x11A00;
	[tilespmem:s24+$0x0] =	vst v27  }
0x17e: {  	v27 =	vmov s29;
	[tilespmem:s26], [sflag:$0x1] =	stream.indirect.gather [hbm4b:s3+s10], $0x1, s28, s10, $0xb8;
	[tilespmem:$0x16A80] =	vst v63  }
0x17f: {  	v27 =	vshll.u32 v27, $0x7;
	v28 =	vld.idx.msk [tilespmem:v28+s2+$0x0], $0xffff  }
0x180: {  	v27 =	vor.u32 v0, v27  }
0x181: {  	v27 =	vor.u32 $0xE, v27;
	_ =	sdelay $0x2  }
0x182: {  	s24 =	simm.s32 $0x15280;
	v28 =	vadd.s32 $0xD59F80, v28  }
0x183: {  	s29 =	simm.s32 $0x20;
	[tilespmem:s24+$0x0] =	vst v28  }
0x184: {  	s25 =	simm.s32 $0x30;
	v28 =	vmov s29;
	v27 =	vld.idx.msk [tilespmem:v27+s2+$0x0], $0xffff  }
.LBB2_30:
0x185: {  	p0 =	sne.s32 s25, $0x1F0;
	v28 =	vshll.u32 v28, $0x7  }
0x186: {  	v28 =	vor.u32 v0, v28  }
0x187: {  	v29 =	vor.u32 $0xE, v28  }
.Ltmp14:
0x188: {  	(pc) =	sbr.rel @p0 .LBB2_30-.Ltmp14, $4  }
0x189: {  	_ = 	snop  }
0x18a: {  	s24 =	sadd.s32 $0x10, s24;
	v27 =	vadd.s32 $0xD59F80, v27  }
0x18b: {  	[tilespmem:s24+$0x0] =	vst v27  }
0x18c: {  	v28 =	vmov s25;
	s25 =	sadd.s32 $0x10, s25;
	v27 =	vld.idx.msk [tilespmem:v29+s2+$0x0], $0xffff  }
0x18d: {  	v28 =	vshll.u32 v28, $0x7  }
0x18e: {  	v28 =	vor.u32 v0, v28  }
0x18f: {  	v28 =	vor.u32 $0xE, v28;
	_ =	sdelay $0x2  }
0x190: {  	s24 =	sadd.s32 $0x10, s24;
	v27 =	vadd.s32 $0xD59F80, v27  }
0x191: {  	s25 =	simm.s32 $0x0;
	[tilespmem:s24+$0x0] =	vst v27  }
0x192: {  	v27 =	vld.idx.msk [tilespmem:v28+s2+$0x0], $0xffff;
	v28 =	vmov s25  }
0x193: {  	v28 =	vshll.u32 v28, $0x7  }
0x194: {  	v28 =	vor.u32 v0, v28  }
0x195: {  	v28 =	vor.u32 $0xF, v28;
	_ =	sdelay $0x1  }
0x196: {  	s24 =	sadd.s32 $0x10, s24;
	v27 =	vadd.s32 $0xD59F80, v27  }
0x197: {  	s29 =	simm.s32 $0x10;
	s28 =	simm.s32 $0x15280;
	s26 =	simm.s32 $0x11C00;
	[tilespmem:s24+$0x0] =	vst v27  }
0x198: {  	v27 =	vmov s29;
	[tilespmem:s26], [sflag:$0x1] =	stream.indirect.gather [hbm4b:s3+s10], $0x1, s28, s10, $0xb8;
	[tilespmem:$0x16A80] =	vst v63  }
0x199: {  	v27 =	vshll.u32 v27, $0x7;
	v28 =	vld.idx.msk [tilespmem:v28+s2+$0x0], $0xffff  }
0x19a: {  	v27 =	vor.u32 v0, v27  }
0x19b: {  	v27 =	vor.u32 $0xF, v27;
	_ =	sdelay $0x2  }
0x19c: {  	s24 =	simm.s32 $0x15480;
	v28 =	vadd.s32 $0xE4E1C0, v28  }
0x19d: {  	s29 =	simm.s32 $0x20;
	[tilespmem:s24+$0x0] =	vst v28  }
0x19e: {  	s25 =	simm.s32 $0x30;
	v28 =	vmov s29;
	v27 =	vld.idx.msk [tilespmem:v27+s2+$0x0], $0xffff  }
.LBB2_32:
0x19f: {  	p0 =	sne.s32 s25, $0x1F0;
	v28 =	vshll.u32 v28, $0x7  }
0x1a0: {  	v28 =	vor.u32 v0, v28  }
0x1a1: {  	v29 =	vor.u32 $0xF, v28  }
.Ltmp15:
0x1a2: {  	(pc) =	sbr.rel @p0 .LBB2_32-.Ltmp15, $4  }
0x1a3: {  	_ = 	snop  }
0x1a4: {  	s24 =	sadd.s32 $0x10, s24;
	v27 =	vadd.s32 $0xE4E1C0, v27  }
0x1a5: {  	[tilespmem:s24+$0x0] =	vst v27  }
0x1a6: {  	v28 =	vmov s25;
	s25 =	sadd.s32 $0x10, s25;
	v27 =	vld.idx.msk [tilespmem:v29+s2+$0x0], $0xffff  }
0x1a7: {  	v28 =	vshll.u32 v28, $0x7  }
0x1a8: {  	v28 =	vor.u32 v0, v28  }
0x1a9: {  	v28 =	vor.u32 $0xF, v28;
	_ =	sdelay $0x2  }
0x1aa: {  	s24 =	sadd.s32 $0x10, s24;
	v27 =	vadd.s32 $0xE4E1C0, v27  }
0x1ab: {  	s25 =	simm.s32 $0x0;
	[tilespmem:s24+$0x0] =	vst v27  }
0x1ac: {  	v27 =	vld.idx.msk [tilespmem:v28+s2+$0x0], $0xffff;
	v28 =	vmov s25  }
0x1ad: {  	v28 =	vshll.u32 v28, $0x7  }
0x1ae: {  	v28 =	vor.u32 v0, v28  }
0x1af: {  	v28 =	vor.u32 $0x10, v28;
	_ =	sdelay $0x1  }
0x1b0: {  	s24 =	sadd.s32 $0x10, s24;
	v27 =	vadd.s32 $0xE4E1C0, v27  }
0x1b1: {  	s29 =	simm.s32 $0x10;
	s28 =	simm.s32 $0x15480;
	s26 =	simm.s32 $0x11E00;
	[tilespmem:s24+$0x0] =	vst v27  }
0x1b2: {  	v27 =	vmov s29;
	[tilespmem:s26], [sflag:$0x1] =	stream.indirect.gather [hbm4b:s3+s10], $0x1, s28, s10, $0xb8;
	[tilespmem:$0x16A80] =	vst v63  }
0x1b3: {  	v27 =	vshll.u32 v27, $0x7;
	v28 =	vld.idx.msk [tilespmem:v28+s2+$0x0], $0xffff  }
0x1b4: {  	v27 =	vor.u32 v0, v27  }
0x1b5: {  	v27 =	vor.u32 $0x10, v27;
	_ =	sdelay $0x2  }
0x1b6: {  	s24 =	simm.s32 $0x15680;
	v28 =	vadd.s32 $0xF42400, v28  }
0x1b7: {  	s29 =	simm.s32 $0x20;
	[tilespmem:s24+$0x0] =	vst v28  }
0x1b8: {  	s25 =	simm.s32 $0x30;
	v28 =	vmov s29;
	v27 =	vld.idx.msk [tilespmem:v27+s2+$0x0], $0xffff  }
.LBB2_34:
0x1b9: {  	p0 =	sne.s32 s25, $0x1F0;
	v28 =	vshll.u32 v28, $0x7  }
0x1ba: {  	v28 =	vor.u32 v0, v28  }
0x1bb: {  	v29 =	vor.u32 $0x10, v28  }
.Ltmp16:
0x1bc: {  	(pc) =	sbr.rel @p0 .LBB2_34-.Ltmp16, $4  }
0x1bd: {  	_ = 	snop  }
0x1be: {  	s24 =	sadd.s32 $0x10, s24;
	v27 =	vadd.s32 $0xF42400, v27  }
0x1bf: {  	[tilespmem:s24+$0x0] =	vst v27  }
0x1c0: {  	v28 =	vmov s25;
	s25 =	sadd.s32 $0x10, s25;
	v27 =	vld.idx.msk [tilespmem:v29+s2+$0x0], $0xffff  }
0x1c1: {  	v28 =	vshll.u32 v28, $0x7  }
0x1c2: {  	v28 =	vor.u32 v0, v28  }
0x1c3: {  	v28 =	vor.u32 $0x10, v28;
	_ =	sdelay $0x2  }
0x1c4: {  	s24 =	sadd.s32 $0x10, s24;
	v27 =	vadd.s32 $0xF42400, v27  }
0x1c5: {  	s25 =	simm.s32 $0x0;
	[tilespmem:s24+$0x0] =	vst v27  }
0x1c6: {  	v27 =	vld.idx.msk [tilespmem:v28+s2+$0x0], $0xffff;
	v28 =	vmov s25  }
0x1c7: {  	v28 =	vshll.u32 v28, $0x7  }
0x1c8: {  	v28 =	vor.u32 v0, v28  }
0x1c9: {  	v28 =	vor.u32 $0x11, v28;
	_ =	sdelay $0x1  }
0x1ca: {  	s24 =	sadd.s32 $0x10, s24;
	v27 =	vadd.s32 $0xF42400, v27  }
0x1cb: {  	s29 =	simm.s32 $0x10;
	s28 =	simm.s32 $0x15680;
	s26 =	simm.s32 $0x12000;
	[tilespmem:s24+$0x0] =	vst v27  }
0x1cc: {  	v27 =	vmov s29;
	[tilespmem:s26], [sflag:$0x1] =	stream.indirect.gather [hbm4b:s3+s10], $0x1, s28, s10, $0xb8;
	[tilespmem:$0x16A80] =	vst v63  }
0x1cd: {  	v27 =	vshll.u32 v27, $0x7;
	v28 =	vld.idx.msk [tilespmem:v28+s2+$0x0], $0xffff  }
0x1ce: {  	v27 =	vor.u32 v0, v27  }
0x1cf: {  	v27 =	vor.u32 $0x11, v27;
	_ =	sdelay $0x2  }
0x1d0: {  	s24 =	simm.s32 $0x15880;
	v28 =	vadd.s32 $0x1036640, v28  }
0x1d1: {  	s29 =	simm.s32 $0x20;
	[tilespmem:s24+$0x0] =	vst v28  }
0x1d2: {  	s25 =	simm.s32 $0x30;
	v28 =	vmov s29;
	v27 =	vld.idx.msk [tilespmem:v27+s2+$0x0], $0xffff  }
.LBB2_36:
0x1d3: {  	p0 =	sne.s32 s25, $0x1F0;
	v28 =	vshll.u32 v28, $0x7  }
0x1d4: {  	v28 =	vor.u32 v0, v28  }
0x1d5: {  	v29 =	vor.u32 $0x11, v28  }
.Ltmp17:
0x1d6: {  	(pc) =	sbr.rel @p0 .LBB2_36-.Ltmp17, $4  }
0x1d7: {  	_ = 	snop  }
0x1d8: {  	s24 =	sadd.s32 $0x10, s24;
	v27 =	vadd.s32 $0x1036640, v27  }
0x1d9: {  	[tilespmem:s24+$0x0] =	vst v27  }
0x1da: {  	v28 =	vmov s25;
	s25 =	sadd.s32 $0x10, s25;
	v27 =	vld.idx.msk [tilespmem:v29+s2+$0x0], $0xffff  }
0x1db: {  	v28 =	vshll.u32 v28, $0x7  }
0x1dc: {  	v28 =	vor.u32 v0, v28  }
0x1dd: {  	v28 =	vor.u32 $0x11, v28;
	_ =	sdelay $0x2  }
0x1de: {  	s24 =	sadd.s32 $0x10, s24;
	v27 =	vadd.s32 $0x1036640, v27  }
0x1df: {  	s25 =	simm.s32 $0x0;
	[tilespmem:s24+$0x0] =	vst v27  }
0x1e0: {  	v27 =	vld.idx.msk [tilespmem:v28+s2+$0x0], $0xffff;
	v28 =	vmov s25  }
0x1e1: {  	v28 =	vshll.u32 v28, $0x7  }
0x1e2: {  	v28 =	vor.u32 v0, v28  }
0x1e3: {  	v28 =	vor.u32 $0x12, v28;
	_ =	sdelay $0x1  }
0x1e4: {  	s24 =	sadd.s32 $0x10, s24;
	v27 =	vadd.s32 $0x1036640, v27  }
0x1e5: {  	s29 =	simm.s32 $0x10;
	s28 =	simm.s32 $0x15880;
	s26 =	simm.s32 $0x12200;
	[tilespmem:s24+$0x0] =	vst v27  }
0x1e6: {  	v27 =	vmov s29;
	[tilespmem:s26], [sflag:$0x1] =	stream.indirect.gather [hbm4b:s3+s10], $0x1, s28, s10, $0xb8;
	[tilespmem:$0x16A80] =	vst v63  }
0x1e7: {  	v27 =	vshll.u32 v27, $0x7;
	v28 =	vld.idx.msk [tilespmem:v28+s2+$0x0], $0xffff  }
0x1e8: {  	v27 =	vor.u32 v0, v27  }
0x1e9: {  	v27 =	vor.u32 $0x12, v27;
	_ =	sdelay $0x2  }
0x1ea: {  	s24 =	simm.s32 $0x15A80;
	v28 =	vadd.s32 $0x112A880, v28  }
0x1eb: {  	s29 =	simm.s32 $0x20;
	[tilespmem:s24+$0x0] =	vst v28  }
0x1ec: {  	s25 =	simm.s32 $0x30;
	v28 =	vmov s29;
	v27 =	vld.idx.msk [tilespmem:v27+s2+$0x0], $0xffff  }
.LBB2_38:
0x1ed: {  	p0 =	sne.s32 s25, $0x1F0;
	v28 =	vshll.u32 v28, $0x7  }
0x1ee: {  	v28 =	vor.u32 v0, v28  }
0x1ef: {  	v29 =	vor.u32 $0x12, v28  }
.Ltmp18:
0x1f0: {  	(pc) =	sbr.rel @p0 .LBB2_38-.Ltmp18, $4  }
0x1f1: {  	_ = 	snop  }
0x1f2: {  	s24 =	sadd.s32 $0x10, s24;
	v27 =	vadd.s32 $0x112A880, v27  }
0x1f3: {  	[tilespmem:s24+$0x0] =	vst v27  }
0x1f4: {  	v28 =	vmov s25;
	s25 =	sadd.s32 $0x10, s25;
	v27 =	vld.idx.msk [tilespmem:v29+s2+$0x0], $0xffff  }
0x1f5: {  	v28 =	vshll.u32 v28, $0x7  }
0x1f6: {  	v28 =	vor.u32 v0, v28  }
0x1f7: {  	v28 =	vor.u32 $0x12, v28;
	_ =	sdelay $0x2  }
0x1f8: {  	s24 =	sadd.s32 $0x10, s24;
	v27 =	vadd.s32 $0x112A880, v27  }
0x1f9: {  	s25 =	simm.s32 $0x0;
	[tilespmem:s24+$0x0] =	vst v27  }
0x1fa: {  	v27 =	vld.idx.msk [tilespmem:v28+s2+$0x0], $0xffff;
	v28 =	vmov s25  }
0x1fb: {  	v28 =	vshll.u32 v28, $0x7  }
0x1fc: {  	v28 =	vor.u32 v0, v28  }
0x1fd: {  	v28 =	vor.u32 $0x13, v28;
	_ =	sdelay $0x1  }
0x1fe: {  	s24 =	sadd.s32 $0x10, s24;
	v27 =	vadd.s32 $0x112A880, v27  }
0x1ff: {  	s29 =	simm.s32 $0x10;
	s28 =	simm.s32 $0x15A80;
	s26 =	simm.s32 $0x12400;
	[tilespmem:s24+$0x0] =	vst v27  }
0x200: {  	v27 =	vmov s29;
	[tilespmem:s26], [sflag:$0x1] =	stream.indirect.gather [hbm4b:s3+s10], $0x1, s28, s10, $0xb8;
	[tilespmem:$0x16A80] =	vst v63  }
0x201: {  	v27 =	vshll.u32 v27, $0x7;
	v28 =	vld.idx.msk [tilespmem:v28+s2+$0x0], $0xffff  }
0x202: {  	v27 =	vor.u32 v0, v27  }
0x203: {  	v27 =	vor.u32 $0x13, v27;
	_ =	sdelay $0x2  }
0x204: {  	s24 =	simm.s32 $0x15C80;
	v28 =	vadd.s32 $0x121EAC0, v28  }
0x205: {  	s29 =	simm.s32 $0x20;
	[tilespmem:s24+$0x0] =	vst v28  }
0x206: {  	s25 =	simm.s32 $0x30;
	v28 =	vmov s29;
	v27 =	vld.idx.msk [tilespmem:v27+s2+$0x0], $0xffff  }
.LBB2_40:
0x207: {  	p0 =	sne.s32 s25, $0x1F0;
	v28 =	vshll.u32 v28, $0x7  }
0x208: {  	v28 =	vor.u32 v0, v28  }
0x209: {  	v29 =	vor.u32 $0x13, v28  }
.Ltmp19:
0x20a: {  	(pc) =	sbr.rel @p0 .LBB2_40-.Ltmp19, $4  }
0x20b: {  	_ = 	snop  }
0x20c: {  	s24 =	sadd.s32 $0x10, s24;
	v27 =	vadd.s32 $0x121EAC0, v27  }
0x20d: {  	[tilespmem:s24+$0x0] =	vst v27  }
0x20e: {  	v28 =	vmov s25;
	s25 =	sadd.s32 $0x10, s25;
	v27 =	vld.idx.msk [tilespmem:v29+s2+$0x0], $0xffff  }
0x20f: {  	v28 =	vshll.u32 v28, $0x7  }
0x210: {  	v28 =	vor.u32 v0, v28  }
0x211: {  	v28 =	vor.u32 $0x13, v28;
	_ =	sdelay $0x2  }
0x212: {  	s24 =	sadd.s32 $0x10, s24;
	v27 =	vadd.s32 $0x121EAC0, v27  }
0x213: {  	s25 =	simm.s32 $0x0;
	[tilespmem:s24+$0x0] =	vst v27  }
0x214: {  	v27 =	vld.idx.msk [tilespmem:v28+s2+$0x0], $0xffff;
	v28 =	vmov s25  }
0x215: {  	v28 =	vshll.u32 v28, $0x7  }
0x216: {  	v28 =	vor.u32 v0, v28  }
0x217: {  	v28 =	vor.u32 $0x14, v28;
	_ =	sdelay $0x1  }
0x218: {  	s24 =	sadd.s32 $0x10, s24;
	v27 =	vadd.s32 $0x121EAC0, v27  }
0x219: {  	s26 =	simm.s32 $0x10;
	s28 =	simm.s32 $0x15C80;
	[tilespmem:s24+$0x0] =	vst v27  }
0x21a: {  	v27 =	vmov s26;
	[tilespmem:s30], [sflag:$0x1] =	stream.indirect.gather [hbm4b:s3+s10], $0x1, s28, s10, $0xb8;
	[tilespmem:$0x16A80] =	vst v63  }
0x21b: {  	v27 =	vshll.u32 v27, $0x7;
	v28 =	vld.idx.msk [tilespmem:v28+s2+$0x0], $0xffff  }
0x21c: {  	v27 =	vor.u32 v0, v27  }
0x21d: {  	v27 =	vor.u32 $0x14, v27;
	_ =	sdelay $0x2  }
0x21e: {  	s24 =	simm.s32 $0x15E80;
	v28 =	vadd.s32 $0x1312D00, v28  }
0x21f: {  	s29 =	simm.s32 $0x20;
	[tilespmem:s24+$0x0] =	vst v28  }
0x220: {  	s25 =	simm.s32 $0x30;
	v28 =	vmov s29;
	v27 =	vld.idx.msk [tilespmem:v27+s2+$0x0], $0xffff  }
.LBB2_42:
0x221: {  	p0 =	sne.s32 s25, $0x1F0;
	v28 =	vshll.u32 v28, $0x7  }
0x222: {  	v28 =	vor.u32 v0, v28  }
0x223: {  	v29 =	vor.u32 $0x14, v28  }
.Ltmp20:
0x224: {  	(pc) =	sbr.rel @p0 .LBB2_42-.Ltmp20, $4  }
0x225: {  	_ = 	snop  }
0x226: {  	s24 =	sadd.s32 $0x10, s24;
	v27 =	vadd.s32 $0x1312D00, v27  }
0x227: {  	[tilespmem:s24+$0x0] =	vst v27  }
0x228: {  	v28 =	vmov s25;
	s25 =	sadd.s32 $0x10, s25;
	v27 =	vld.idx.msk [tilespmem:v29+s2+$0x0], $0xffff  }
0x229: {  	v28 =	vshll.u32 v28, $0x7  }
0x22a: {  	v28 =	vor.u32 v0, v28  }
0x22b: {  	v28 =	vor.u32 $0x14, v28;
	_ =	sdelay $0x2  }
0x22c: {  	s24 =	sadd.s32 $0x10, s24;
	v27 =	vadd.s32 $0x1312D00, v27  }
0x22d: {  	s25 =	simm.s32 $0x0;
	[tilespmem:s24+$0x0] =	vst v27  }
0x22e: {  	v27 =	vld.idx.msk [tilespmem:v28+s2+$0x0], $0xffff;
	v28 =	vmov s25  }
0x22f: {  	v28 =	vshll.u32 v28, $0x7  }
0x230: {  	v28 =	vor.u32 v0, v28  }
0x231: {  	v28 =	vor.u32 $0x15, v28;
	_ =	sdelay $0x1  }
0x232: {  	s24 =	sadd.s32 $0x10, s24;
	v27 =	vadd.s32 $0x1312D00, v27  }
0x233: {  	s28 =	simm.s32 $0x10;
	[tilespmem:s24+$0x0] =	vst v27  }
0x234: {  	v27 =	vmov s28;
	[tilespmem:s1], [sflag:$0x1] =	stream.indirect.gather [hbm4b:s3+s10], $0x1, s31, s10, $0xb8;
	[tilespmem:$0x16A80] =	vst v63  }
0x235: {  	v27 =	vshll.u32 v27, $0x7;
	v28 =	vld.idx.msk [tilespmem:v28+s2+$0x0], $0xffff  }
0x236: {  	v27 =	vor.u32 v0, v27  }
0x237: {  	v27 =	vor.u32 $0x15, v27;
	_ =	sdelay $0x2  }
0x238: {  	s24 =	simm.s32 $0x16080;
	v28 =	vadd.s32 $0x1406F40, v28  }
0x239: {  	s29 =	simm.s32 $0x20;
	[tilespmem:s24+$0x0] =	vst v28  }
0x23a: {  	s25 =	simm.s32 $0x30;
	v28 =	vmov s29;
	v27 =	vld.idx.msk [tilespmem:v27+s2+$0x0], $0xffff  }
.LBB2_44:
0x23b: {  	p0 =	sne.s32 s25, $0x1F0;
	v28 =	vshll.u32 v28, $0x7  }
0x23c: {  	v28 =	vor.u32 v0, v28  }
0x23d: {  	v29 =	vor.u32 $0x15, v28  }
.Ltmp21:
0x23e: {  	(pc) =	sbr.rel @p0 .LBB2_44-.Ltmp21, $4  }
0x23f: {  	_ = 	snop  }
0x240: {  	s24 =	sadd.s32 $0x10, s24;
	v27 =	vadd.s32 $0x1406F40, v27  }
0x241: {  	[tilespmem:s24+$0x0] =	vst v27  }
0x242: {  	v28 =	vmov s25;
	s25 =	sadd.s32 $0x10, s25;
	v27 =	vld.idx.msk [tilespmem:v29+s2+$0x0], $0xffff  }
0x243: {  	v28 =	vshll.u32 v28, $0x7  }
0x244: {  	v28 =	vor.u32 v0, v28  }
0x245: {  	v28 =	vor.u32 $0x15, v28;
	_ =	sdelay $0x2  }
0x246: {  	s24 =	sadd.s32 $0x10, s24;
	v27 =	vadd.s32 $0x1406F40, v27  }
0x247: {  	s25 =	simm.s32 $0x0;
	[tilespmem:s24+$0x0] =	vst v27  }
0x248: {  	v27 =	vld.idx.msk [tilespmem:v28+s2+$0x0], $0xffff;
	v28 =	vmov s25  }
0x249: {  	v28 =	vshll.u32 v28, $0x7  }
0x24a: {  	v28 =	vor.u32 v0, v28  }
0x24b: {  	v28 =	vor.u32 $0x16, v28;
	_ =	sdelay $0x1  }
0x24c: {  	s24 =	sadd.s32 $0x10, s24;
	v27 =	vadd.s32 $0x1406F40, v27  }
0x24d: {  	s28 =	simm.s32 $0x10;
	[tilespmem:s24+$0x0] =	vst v27  }
0x24e: {  	v27 =	vmov s28;
	[tilespmem:s12], [sflag:$0x1] =	stream.indirect.gather [hbm4b:s3+s10], $0x1, s0, s10, $0xb8;
	[tilespmem:$0x16A80] =	vst v63  }
0x24f: {  	v27 =	vshll.u32 v27, $0x7;
	v28 =	vld.idx.msk [tilespmem:v28+s2+$0x0], $0xffff  }
0x250: {  	v27 =	vor.u32 v0, v27  }
0x251: {  	v27 =	vor.u32 $0x16, v27;
	_ =	sdelay $0x2  }
0x252: {  	s24 =	simm.s32 $0x16280;
	v28 =	vadd.s32 $0x14FB180, v28  }
0x253: {  	s29 =	simm.s32 $0x20;
	[tilespmem:s24+$0x0] =	vst v28  }
0x254: {  	s25 =	simm.s32 $0x30;
	v28 =	vmov s29;
	v27 =	vld.idx.msk [tilespmem:v27+s2+$0x0], $0xffff  }
.LBB2_46:
0x255: {  	p0 =	sne.s32 s25, $0x1F0;
	v28 =	vshll.u32 v28, $0x7  }
0x256: {  	v28 =	vor.u32 v0, v28  }
0x257: {  	v29 =	vor.u32 $0x16, v28  }
.Ltmp22:
0x258: {  	(pc) =	sbr.rel @p0 .LBB2_46-.Ltmp22, $4  }
0x259: {  	_ = 	snop  }
0x25a: {  	s24 =	sadd.s32 $0x10, s24;
	v27 =	vadd.s32 $0x14FB180, v27  }
0x25b: {  	[tilespmem:s24+$0x0] =	vst v27  }
0x25c: {  	v28 =	vmov s25;
	s25 =	sadd.s32 $0x10, s25;
	v27 =	vld.idx.msk [tilespmem:v29+s2+$0x0], $0xffff  }
0x25d: {  	v28 =	vshll.u32 v28, $0x7  }
0x25e: {  	v28 =	vor.u32 v0, v28  }
0x25f: {  	v28 =	vor.u32 $0x16, v28;
	_ =	sdelay $0x2  }
0x260: {  	s24 =	sadd.s32 $0x10, s24;
	v27 =	vadd.s32 $0x14FB180, v27  }
0x261: {  	s25 =	simm.s32 $0x0;
	[tilespmem:s24+$0x0] =	vst v27  }
0x262: {  	v27 =	vld.idx.msk [tilespmem:v28+s2+$0x0], $0xffff;
	v28 =	vmov s25  }
0x263: {  	v28 =	vshll.u32 v28, $0x7  }
0x264: {  	v28 =	vor.u32 v0, v28  }
0x265: {  	v28 =	vor.u32 $0x17, v28;
	_ =	sdelay $0x1  }
0x266: {  	s24 =	sadd.s32 $0x10, s24;
	v27 =	vadd.s32 $0x14FB180, v27  }
0x267: {  	s28 =	simm.s32 $0x10;
	[tilespmem:s24+$0x0] =	vst v27  }
0x268: {  	v27 =	vmov s28;
	[tilespmem:s14], [sflag:$0x1] =	stream.indirect.gather [hbm4b:s3+s10], $0x1, s13, s10, $0xb8;
	[tilespmem:$0x16A80] =	vst v63  }
0x269: {  	v27 =	vshll.u32 v27, $0x7;
	v28 =	vld.idx.msk [tilespmem:v28+s2+$0x0], $0xffff  }
0x26a: {  	v27 =	vor.u32 v0, v27  }
0x26b: {  	v27 =	vor.u32 $0x17, v27;
	_ =	sdelay $0x2  }
0x26c: {  	s24 =	simm.s32 $0x16480;
	v28 =	vadd.s32 $0x15EF3C0, v28  }
0x26d: {  	s29 =	simm.s32 $0x20;
	[tilespmem:s24+$0x0] =	vst v28  }
0x26e: {  	s25 =	simm.s32 $0x30;
	v28 =	vmov s29;
	v27 =	vld.idx.msk [tilespmem:v27+s2+$0x0], $0xffff  }
.LBB2_48:
0x26f: {  	p0 =	sne.s32 s25, $0x1F0;
	v28 =	vshll.u32 v28, $0x7  }
0x270: {  	v28 =	vor.u32 v0, v28  }
0x271: {  	v29 =	vor.u32 $0x17, v28  }
.Ltmp23:
0x272: {  	(pc) =	sbr.rel @p0 .LBB2_48-.Ltmp23, $4  }
0x273: {  	_ = 	snop  }
0x274: {  	s24 =	sadd.s32 $0x10, s24;
	v27 =	vadd.s32 $0x15EF3C0, v27  }
0x275: {  	[tilespmem:s24+$0x0] =	vst v27  }
0x276: {  	v28 =	vmov s25;
	s25 =	sadd.s32 $0x10, s25;
	v27 =	vld.idx.msk [tilespmem:v29+s2+$0x0], $0xffff  }
0x277: {  	v28 =	vshll.u32 v28, $0x7  }
0x278: {  	v28 =	vor.u32 v0, v28  }
0x279: {  	v28 =	vor.u32 $0x17, v28;
	_ =	sdelay $0x2  }
0x27a: {  	s24 =	sadd.s32 $0x10, s24;
	v27 =	vadd.s32 $0x15EF3C0, v27  }
0x27b: {  	s25 =	simm.s32 $0x0;
	[tilespmem:s24+$0x0] =	vst v27  }
0x27c: {  	v27 =	vld.idx.msk [tilespmem:v28+s2+$0x0], $0xffff;
	v28 =	vmov s25  }
0x27d: {  	v28 =	vshll.u32 v28, $0x7  }
0x27e: {  	v28 =	vor.u32 v0, v28  }
0x27f: {  	v28 =	vor.u32 $0x18, v28;
	_ =	sdelay $0x1  }
0x280: {  	s24 =	sadd.s32 $0x10, s24;
	v27 =	vadd.s32 $0x15EF3C0, v27  }
0x281: {  	s28 =	simm.s32 $0x10;
	[tilespmem:s24+$0x0] =	vst v27  }
0x282: {  	v27 =	vmov s28;
	[tilespmem:s16], [sflag:$0x1] =	stream.indirect.gather [hbm4b:s3+s10], $0x1, s15, s10, $0xb8;
	[tilespmem:$0x16A80] =	vst v63  }
0x283: {  	v27 =	vshll.u32 v27, $0x7;
	v28 =	vld.idx.msk [tilespmem:v28+s2+$0x0], $0xffff  }
0x284: {  	v27 =	vor.u32 v0, v27  }
0x285: {  	v27 =	vor.u32 $0x18, v27;
	_ =	sdelay $0x2  }
0x286: {  	s24 =	simm.s32 $0x16680;
	v28 =	vadd.s32 $0x16E3600, v28  }
0x287: {  	s29 =	simm.s32 $0x20;
	[tilespmem:s24+$0x0] =	vst v28  }
0x288: {  	s25 =	simm.s32 $0x30;
	v28 =	vmov s29;
	v27 =	vld.idx.msk [tilespmem:v27+s2+$0x0], $0xffff  }
.LBB2_50:
0x289: {  	p0 =	sne.s32 s25, $0x1F0;
	v28 =	vshll.u32 v28, $0x7  }
0x28a: {  	v28 =	vor.u32 v0, v28  }
0x28b: {  	v29 =	vor.u32 $0x18, v28  }
.Ltmp24:
0x28c: {  	(pc) =	sbr.rel @p0 .LBB2_50-.Ltmp24, $4  }
0x28d: {  	_ = 	snop  }
0x28e: {  	s24 =	sadd.s32 $0x10, s24;
	v27 =	vadd.s32 $0x16E3600, v27  }
0x28f: {  	[tilespmem:s24+$0x0] =	vst v27  }
0x290: {  	v28 =	vmov s25;
	s25 =	sadd.s32 $0x10, s25;
	v27 =	vld.idx.msk [tilespmem:v29+s2+$0x0], $0xffff  }
0x291: {  	v28 =	vshll.u32 v28, $0x7  }
0x292: {  	v28 =	vor.u32 v0, v28  }
0x293: {  	v28 =	vor.u32 $0x18, v28;
	_ =	sdelay $0x2  }
0x294: {  	s24 =	sadd.s32 $0x10, s24;
	v27 =	vadd.s32 $0x16E3600, v27  }
0x295: {  	s25 =	simm.s32 $0x0;
	[tilespmem:s24+$0x0] =	vst v27  }
0x296: {  	v27 =	vld.idx.msk [tilespmem:v28+s2+$0x0], $0xffff;
	v28 =	vmov s25  }
0x297: {  	v28 =	vshll.u32 v28, $0x7  }
0x298: {  	v28 =	vor.u32 v0, v28  }
0x299: {  	v28 =	vor.u32 $0x19, v28;
	_ =	sdelay $0x1  }
0x29a: {  	s24 =	sadd.s32 $0x10, s24;
	v27 =	vadd.s32 $0x16E3600, v27  }
0x29b: {  	s28 =	simm.s32 $0x10;
	[tilespmem:s24+$0x0] =	vst v27  }
0x29c: {  	v27 =	vmov s28;
	[tilespmem:s18], [sflag:$0x1] =	stream.indirect.gather [hbm4b:s3+s10], $0x1, s17, s10, $0xb8;
	[tilespmem:$0x16A80] =	vst v63  }
0x29d: {  	v27 =	vshll.u32 v27, $0x7;
	v28 =	vld.idx.msk [tilespmem:v28+s2+$0x0], $0xffff  }
0x29e: {  	v27 =	vor.u32 v0, v27  }
0x29f: {  	v27 =	vor.u32 $0x19, v27;
	_ =	sdelay $0x2  }
0x2a0: {  	s24 =	simm.s32 $0x16880;
	v28 =	vadd.s32 $0x17D7840, v28  }
0x2a1: {  	s29 =	simm.s32 $0x20;
	[tilespmem:s24+$0x0] =	vst v28  }
0x2a2: {  	s25 =	simm.s32 $0x30;
	v28 =	vmov s29;
	v27 =	vld.idx.msk [tilespmem:v27+s2+$0x0], $0xffff  }
.LBB2_52:
0x2a3: {  	p0 =	sne.s32 s25, $0x1F0;
	v28 =	vshll.u32 v28, $0x7  }
0x2a4: {  	v28 =	vor.u32 v0, v28  }
0x2a5: {  	v29 =	vor.u32 $0x19, v28  }
.Ltmp25:
0x2a6: {  	(pc) =	sbr.rel @p0 .LBB2_52-.Ltmp25, $4  }
0x2a7: {  	_ = 	snop  }
0x2a8: {  	s24 =	sadd.s32 $0x10, s24;
	v27 =	vadd.s32 $0x17D7840, v27  }
0x2a9: {  	[tilespmem:s24+$0x0] =	vst v27  }
0x2aa: {  	v28 =	vmov s25;
	s25 =	sadd.s32 $0x10, s25;
	v27 =	vld.idx.msk [tilespmem:v29+s2+$0x0], $0xffff  }
0x2ab: {  	v28 =	vshll.u32 v28, $0x7  }
0x2ac: {  	v28 =	vor.u32 v0, v28  }
0x2ad: {  	v28 =	vor.u32 $0x19, v28;
	_ =	sdelay $0x2  }
0x2ae: {  	s24 =	sadd.s32 $0x10, s24;
	v27 =	vadd.s32 $0x17D7840, v27  }
0x2af: {  	[tilespmem:s24+$0x0] =	vst v27  }
0x2b0: {  	v27 =	vld.idx.msk [tilespmem:v28+s2+$0x0], $0xffff;
	_ =	sdelay $0x4  }
0x2b1: {  	s24 =	sadd.s32 $0x10, s24;
	v27 =	vadd.s32 $0x17D7840, v27  }
0x2b2: {  	[tilespmem:s24+$0x0] =	vst v27  }
0x2b3: {  	[tilespmem:s20], [sflag:$0x1] =	stream.indirect.gather [hbm4b:s3+s10], $0x1, s19, s10, $0xb8;
	[tilespmem:$0x16A80] =	vst v63  }
0x2b4: {  	_ =	swait.ge [sflag:s21], $0x200  }
0x2b5: {  	[sflag:s21] =	ssyncset.done $0x0  }
0x2b6: {  	[sflag:s21] =	ssyncadd.s32 $0xFFFFFE00  }
0x2b7: {  	_ =	swait.ge [sflag:s21], $0x200  }
0x2b8: {  	[sflag:s21] =	ssyncset.done $0x0  }
0x2b9: {  	[sflag:s21] =	ssyncadd.s32 $0xFFFFFE00  }
0x2ba: {  	_ =	swait.ge [sflag:s21], $0x200  }
0x2bb: {  	[sflag:s21] =	ssyncset.done $0x0  }
0x2bc: {  	[sflag:s21] =	ssyncadd.s32 $0xFFFFFE00  }
0x2bd: {  	_ =	swait.ge [sflag:s21], $0x200  }
0x2be: {  	[sflag:s21] =	ssyncset.done $0x0  }
0x2bf: {  	[sflag:s21] =	ssyncadd.s32 $0xFFFFFE00  }
0x2c0: {  	_ =	swait.ge [sflag:s21], $0x200  }
0x2c1: {  	[sflag:s21] =	ssyncset.done $0x0  }
0x2c2: {  	[sflag:s21] =	ssyncadd.s32 $0xFFFFFE00  }
0x2c3: {  	_ =	swait.ge [sflag:s21], $0x200  }
0x2c4: {  	[sflag:s21] =	ssyncset.done $0x0  }
0x2c5: {  	[sflag:s21] =	ssyncadd.s32 $0xFFFFFE00  }
0x2c6: {  	_ =	swait.ge [sflag:s21], $0x200  }
0x2c7: {  	[sflag:s21] =	ssyncset.done $0x0  }
0x2c8: {  	[sflag:s21] =	ssyncadd.s32 $0xFFFFFE00  }
0x2c9: {  	_ =	swait.ge [sflag:s21], $0x200  }
0x2ca: {  	[sflag:s21] =	ssyncset.done $0x0  }
0x2cb: {  	[sflag:s21] =	ssyncadd.s32 $0xFFFFFE00  }
0x2cc: {  	_ =	swait.ge [sflag:s21], $0x200  }
0x2cd: {  	[sflag:s21] =	ssyncset.done $0x0  }
0x2ce: {  	[sflag:s21] =	ssyncadd.s32 $0xFFFFFE00  }
0x2cf: {  	_ =	swait.ge [sflag:s21], $0x200  }
0x2d0: {  	[sflag:s21] =	ssyncset.done $0x0  }
0x2d1: {  	[sflag:s21] =	ssyncadd.s32 $0xFFFFFE00  }
0x2d2: {  	_ =	swait.ge [sflag:s21], $0x200  }
0x2d3: {  	[sflag:s21] =	ssyncset.done $0x0  }
0x2d4: {  	[sflag:s21] =	ssyncadd.s32 $0xFFFFFE00  }
0x2d5: {  	_ =	swait.ge [sflag:s21], $0x200  }
0x2d6: {  	[sflag:s21] =	ssyncset.done $0x0  }
0x2d7: {  	[sflag:s21] =	ssyncadd.s32 $0xFFFFFE00  }
0x2d8: {  	_ =	swait.ge [sflag:s21], $0x200  }
0x2d9: {  	[sflag:s21] =	ssyncset.done $0x0  }
0x2da: {  	[sflag:s21] =	ssyncadd.s32 $0xFFFFFE00  }
0x2db: {  	_ =	swait.ge [sflag:s21], $0x200  }
0x2dc: {  	[sflag:s21] =	ssyncset.done $0x0  }
0x2dd: {  	[sflag:s21] =	ssyncadd.s32 $0xFFFFFE00  }
0x2de: {  	_ =	swait.ge [sflag:s21], $0x200  }
0x2df: {  	[sflag:s21] =	ssyncset.done $0x0  }
0x2e0: {  	[sflag:s21] =	ssyncadd.s32 $0xFFFFFE00  }
0x2e1: {  	_ =	swait.ge [sflag:s21], $0x200  }
0x2e2: {  	[sflag:s21] =	ssyncset.done $0x0  }
0x2e3: {  	[sflag:s21] =	ssyncadd.s32 $0xFFFFFE00  }
0x2e4: {  	_ =	swait.ge [sflag:s21], $0x200  }
0x2e5: {  	[sflag:s21] =	ssyncset.done $0x0  }
0x2e6: {  	[sflag:s21] =	ssyncadd.s32 $0xFFFFFE00  }
0x2e7: {  	_ =	swait.ge [sflag:s21], $0x200  }
0x2e8: {  	[sflag:s21] =	ssyncset.done $0x0  }
0x2e9: {  	[sflag:s21] =	ssyncadd.s32 $0xFFFFFE00  }
0x2ea: {  	_ =	swait.ge [sflag:s21], $0x200  }
0x2eb: {  	[sflag:s21] =	ssyncset.done $0x0  }
0x2ec: {  	[sflag:s21] =	ssyncadd.s32 $0xFFFFFE00  }
0x2ed: {  	_ =	swait.ge [sflag:s21], $0x200  }
0x2ee: {  	[sflag:s21] =	ssyncset.done $0x0  }
0x2ef: {  	[sflag:s21] =	ssyncadd.s32 $0xFFFFFE00  }
0x2f0: {  	_ =	swait.ge [sflag:s21], $0x200  }
0x2f1: {  	[sflag:s21] =	ssyncset.done $0x0  }
0x2f2: {  	[sflag:s21] =	ssyncadd.s32 $0xFFFFFE00  }
0x2f3: {  	_ =	swait.ge [sflag:s21], $0x200  }
0x2f4: {  	[sflag:s21] =	ssyncset.done $0x0  }
0x2f5: {  	[sflag:s21] =	ssyncadd.s32 $0xFFFFFE00  }
0x2f6: {  	_ =	swait.ge [sflag:s21], $0x200  }
0x2f7: {  	[sflag:s21] =	ssyncset.done $0x0  }
0x2f8: {  	[sflag:s21] =	ssyncadd.s32 $0xFFFFFE00  }
0x2f9: {  	_ =	swait.ge [sflag:s21], $0x200  }
0x2fa: {  	[sflag:s21] =	ssyncset.done $0x0  }
0x2fb: {  	[sflag:s21] =	ssyncadd.s32 $0xFFFFFE00  }
0x2fc: {  	_ =	swait.ge [sflag:s21], $0x200  }
0x2fd: {  	[sflag:s21] =	ssyncset.done $0x0  }
0x2fe: {  	[sflag:s21] =	ssyncadd.s32 $0xFFFFFE00  }
0x2ff: {  	_ =	swait.ge [sflag:s21], $0x200  }
0x300: {  	[sflag:s21] =	ssyncset.done $0x0  }
0x301: {  	[sflag:s21] =	ssyncadd.s32 $0xFFFFFE00  }
0x302: {  	v28 =	vld.msk [tilespmem:s9+$0x0], $0xffff  }
0x303: {  	s26 =	simm.s32 $0x10000;
	v27 =	vld.idx.msk [tilespmem:v1+s9+$0x0], $0xffff  }
0x304: {  	s25 =	simm.s32 $0x0;
	v30 =	vld [tilespmem:s26+$0x0]  }
0x305: {  	s29 =	sand.u32 $0x1F0, s25;
	v34 =	vld.idx.msk [tilespmem:v26+s9+$0x0], $0xffff  }
0x306: {  	v32 =	vld [tilespmem:s29+$0x10200]  }
0x307: {  	v31 =	vld.idx.msk [tilespmem:v2+s9+$0x0], $0xffff  }
0x308: {  	v33 =	vld [tilespmem:s29+$0x10400]  }
0x309: {  	v29 =	vld.idx.msk [tilespmem:v3+s9+$0x0], $0xffff;
	v35 =	vmul.f32 v30, v28  }
0x30a: {  	v36 =	vld [tilespmem:s29+$0x10600]  }
0x30b: {  	v38 =	vld [tilespmem:s29+$0x10800];
	v37 =	vmul.f32 v32, v27;
	v35 =	vadd.f32 v35, v34  }
0x30c: {  	v30 =	vld.idx.msk [tilespmem:v4+s9+$0x0], $0xffff  }
0x30d: {  	v39 =	vld [tilespmem:s29+$0x10A00];
	v62 =	vmul.f32 v33, v31;
	v35 =	vadd.f32 v37, v35  }
0x30e: {  	v32 =	vld.idx.msk [tilespmem:v5+s9+$0x0], $0xffff  }
0x30f: {  	v40 =	vld [tilespmem:s29+$0x10C00];
	v36 =	vmul.f32 v36, v29;
	v37 =	vadd.f32 v62, v35  }
0x310: {  	v33 =	vld.idx.msk [tilespmem:v6+s9+$0x0], $0xffff  }
0x311: {  	v41 =	vld [tilespmem:s29+$0x10E00];
	v38 =	vmul.f32 v38, v30;
	v37 =	vadd.f32 v36, v37  }
0x312: {  	v35 =	vld.idx.msk [tilespmem:v7+s9+$0x0], $0xffff  }
0x313: {  	v42 =	vld [tilespmem:s29+$0x11000];
	v39 =	vmul.f32 v39, v32;
	v38 =	vadd.f32 v38, v37  }
0x314: {  	v36 =	vld.idx.msk [tilespmem:v8+s9+$0x0], $0xffff  }
0x315: {  	v43 =	vld [tilespmem:s29+$0x11200];
	v40 =	vmul.f32 v40, v33;
	v39 =	vadd.f32 v39, v38  }
0x316: {  	v37 =	vld.idx.msk [tilespmem:v9+s9+$0x0], $0xffff  }
0x317: {  	v44 =	vld [tilespmem:s29+$0x11400];
	v41 =	vmul.f32 v41, v35;
	v40 =	vadd.f32 v40, v39  }
0x318: {  	v38 =	vld.idx.msk [tilespmem:v10+s9+$0x0], $0xffff  }
0x319: {  	v45 =	vld [tilespmem:s29+$0x11600];
	v42 =	vmul.f32 v42, v36;
	v41 =	vadd.f32 v41, v40  }
0x31a: {  	v39 =	vld.idx.msk [tilespmem:v11+s9+$0x0], $0xffff  }
0x31b: {  	v46 =	vld [tilespmem:s29+$0x11800];
	v43 =	vmul.f32 v43, v37;
	v42 =	vadd.f32 v42, v41  }
0x31c: {  	v40 =	vld.idx.msk [tilespmem:v12+s9+$0x0], $0xffff  }
0x31d: {  	v47 =	vld [tilespmem:s29+$0x11A00];
	v44 =	vmul.f32 v44, v38;
	v43 =	vadd.f32 v43, v42  }
0x31e: {  	v41 =	vld.idx.msk [tilespmem:v13+s9+$0x0], $0xffff  }
0x31f: {  	v48 =	vld [tilespmem:s29+$0x11C00];
	v45 =	vmul.f32 v45, v39;
	v44 =	vadd.f32 v44, v43  }
0x320: {  	v42 =	vld.idx.msk [tilespmem:v14+s9+$0x0], $0xffff  }
0x321: {  	v49 =	vld [tilespmem:s29+$0x11E00];
	v46 =	vmul.f32 v46, v40;
	v45 =	vadd.f32 v45, v44  }
0x322: {  	v43 =	vld.idx.msk [tilespmem:v15+s9+$0x0], $0xffff  }
0x323: {  	v50 =	vld [tilespmem:s29+$0x12000];
	v47 =	vmul.f32 v47, v41;
	v46 =	vadd.f32 v46, v45  }
0x324: {  	v44 =	vld.idx.msk [tilespmem:v16+s9+$0x0], $0xffff  }
0x325: {  	v51 =	vld [tilespmem:s29+$0x12200];
	v48 =	vmul.f32 v48, v42;
	v47 =	vadd.f32 v47, v46  }
0x326: {  	v45 =	vld.idx.msk [tilespmem:v17+s9+$0x0], $0xffff  }
0x327: {  	v52 =	vld [tilespmem:s29+$0x12400];
	v49 =	vmul.f32 v49, v43;
	v48 =	vadd.f32 v48, v47  }
0x328: {  	v46 =	vld.idx.msk [tilespmem:v18+s9+$0x0], $0xffff  }
0x329: {  	v53 =	vld [tilespmem:s29+$0x12600];
	v50 =	vmul.f32 v50, v44;
	v49 =	vadd.f32 v49, v48  }
0x32a: {  	v47 =	vld.idx.msk [tilespmem:v19+s9+$0x0], $0xffff  }
0x32b: {  	v54 =	vld [tilespmem:s29+$0x12800];
	v51 =	vmul.f32 v51, v45;
	v50 =	vadd.f32 v50, v49  }
0x32c: {  	v48 =	vld.idx.msk [tilespmem:v20+s9+$0x0], $0xffff  }
0x32d: {  	v55 =	vld [tilespmem:s29+$0x12A00];
	v52 =	vmul.f32 v52, v46;
	v51 =	vadd.f32 v51, v50  }
0x32e: {  	v49 =	vld.idx.msk [tilespmem:v21+s9+$0x0], $0xffff  }
0x32f: {  	v56 =	vld [tilespmem:s29+$0x12C00];
	v53 =	vmul.f32 v53, v47;
	v52 =	vadd.f32 v52, v51  }
0x330: {  	v50 =	vld.idx.msk [tilespmem:v22+s9+$0x0], $0xffff  }
0x331: {  	v57 =	vld [tilespmem:s29+$0x12E00];
	v54 =	vmul.f32 v54, v48;
	v53 =	vadd.f32 v53, v52  }
0x332: {  	v51 =	vld.idx.msk [tilespmem:v23+s9+$0x0], $0xffff  }
0x333: {  	v58 =	vld [tilespmem:s29+$0x13000];
	v55 =	vmul.f32 v55, v49;
	v54 =	vadd.f32 v54, v53  }
0x334: {  	v52 =	vld.idx.msk [tilespmem:v24+s9+$0x0], $0xffff  }
0x335: {  	v60 =	vld [tilespmem:s29+$0x13200];
	v63 =	vmul.f32 v56, v50;
	v54 =	vadd.f32 v55, v54  }
0x336: {  	v53 =	vld.idx.msk [tilespmem:v25+s9+$0x0], $0xffff  }
0x337: {  	v61 =	vmul.f32 v57, v51;
	v54 =	vadd.f32 v63, v54;
	_ =	sdelay $0x1  }
0x338: {  	v62 =	vmul.f32 v58, v52;
	v54 =	vadd.f32 v61, v54;
	_ =	sdelay $0x1  }
0x339: {  	v63 =	vmul.f32 v60, v53;
	v54 =	vadd.f32 v62, v54;
	_ =	sdelay $0x1  }
0x33a: {  	v54 =	vadd.f32 v63, v54;
	_ =	sdelay $0x1  }
0x33b: {  	v54 =	vsub.f32 $0.0e+00, v54;
	_ =	sdelay $0x1  }
0x33c: {  	v54 =	vmul.f32 $1.442695020e+00, v54;
	_ =	sdelay $0x1  }
0x33d: {  	(erf) = vpow2.f32 v54;
	_ =	sdelay $0x8  }
0x33e: {  	v54 =	vpop (erf)  }
0x33f: {  	v54 =	vadd.f32 $1.000000000e+00, v54;
	_ =	sdelay $0x1  }
0x340: {  	(erf) = vrcp.f32 v54;
	_ =	sdelay $0x8  }
0x341: {  	s24 =	simm.s32 $0x13400;
	v54 =	vpop (erf)  }
0x342: {  	s25 =	simm.s32 $0x10010;
	[tilespmem:s24+$0x0] =	vst v54  }
0x343: {  	s28 =	simm.s32 $0x20;
	s26 =	simm.s32 $0x10;
	v54 =	vld [tilespmem:s25+$0x0]  }
.LBB2_54:
0x344: {  	p0 =	sne.s32 s28, $0x1F0;
	s29 =	sand.u32 $0x1F0, s26;
	s26 =	smov.u32 s28  }
0x345: {  	v55 =	vld [tilespmem:s29+$0x10200];
	_ =	sdelay $0x1  }
0x346: {  	v56 =	vld [tilespmem:s29+$0x10400]  }
0x347: {  	v54 =	vmul.f32 v54, v28  }
0x348: {  	v57 =	vld [tilespmem:s29+$0x10600]  }
0x349: {  	v54 =	vadd.f32 v54, v34;
	v55 =	vmul.f32 v55, v27  }
0x34a: {  	v58 =	vld [tilespmem:s29+$0x10800]  }
0x34b: {  	v54 =	vadd.f32 v55, v54;
	v55 =	vmul.f32 v56, v31  }
0x34c: {  	v56 =	vld [tilespmem:s29+$0x10A00]  }
0x34d: {  	v54 =	vadd.f32 v55, v54;
	v55 =	vmul.f32 v57, v29  }
0x34e: {  	v57 =	vld [tilespmem:s29+$0x10C00]  }
0x34f: {  	v54 =	vadd.f32 v55, v54;
	v55 =	vmul.f32 v58, v30  }
0x350: {  	v58 =	vld [tilespmem:s29+$0x10E00]  }
0x351: {  	v54 =	vadd.f32 v55, v54;
	v55 =	vmul.f32 v56, v32  }
0x352: {  	v56 =	vld [tilespmem:s29+$0x11000]  }
0x353: {  	v54 =	vadd.f32 v55, v54;
	v55 =	vmul.f32 v57, v33  }
0x354: {  	v57 =	vld [tilespmem:s29+$0x11200]  }
0x355: {  	v54 =	vadd.f32 v55, v54;
	v55 =	vmul.f32 v58, v35  }
0x356: {  	v58 =	vld [tilespmem:s29+$0x11400]  }
0x357: {  	v54 =	vadd.f32 v55, v54;
	v55 =	vmul.f32 v56, v36  }
0x358: {  	v56 =	vld [tilespmem:s29+$0x11600]  }
0x359: {  	v54 =	vadd.f32 v55, v54;
	v55 =	vmul.f32 v57, v37  }
0x35a: {  	v57 =	vld [tilespmem:s29+$0x11800]  }
0x35b: {  	v54 =	vadd.f32 v55, v54;
	v55 =	vmul.f32 v58, v38  }
0x35c: {  	v58 =	vld [tilespmem:s29+$0x11A00]  }
0x35d: {  	v54 =	vadd.f32 v55, v54;
	v55 =	vmul.f32 v56, v39  }
0x35e: {  	v56 =	vld [tilespmem:s29+$0x11C00]  }
0x35f: {  	v54 =	vadd.f32 v55, v54;
	v55 =	vmul.f32 v57, v40  }
0x360: {  	v57 =	vld [tilespmem:s29+$0x11E00]  }
0x361: {  	v54 =	vadd.f32 v55, v54;
	v55 =	vmul.f32 v58, v41  }
0x362: {  	v58 =	vld [tilespmem:s29+$0x12000]  }
0x363: {  	v54 =	vadd.f32 v55, v54;
	v55 =	vmul.f32 v56, v42  }
0x364: {  	v56 =	vld [tilespmem:s29+$0x12200]  }
0x365: {  	v54 =	vadd.f32 v55, v54;
	v55 =	vmul.f32 v57, v43  }
0x366: {  	v57 =	vld [tilespmem:s29+$0x12400]  }
0x367: {  	v54 =	vadd.f32 v55, v54;
	v55 =	vmul.f32 v58, v44  }
0x368: {  	v58 =	vld [tilespmem:s29+$0x12600]  }
0x369: {  	v54 =	vadd.f32 v55, v54;
	v55 =	vmul.f32 v56, v45  }
0x36a: {  	v56 =	vld [tilespmem:s29+$0x12800]  }
0x36b: {  	v54 =	vadd.f32 v55, v54;
	v55 =	vmul.f32 v57, v46  }
0x36c: {  	v57 =	vld [tilespmem:s29+$0x12A00]  }
0x36d: {  	v54 =	vadd.f32 v55, v54;
	v55 =	vmul.f32 v58, v47  }
0x36e: {  	v58 =	vld [tilespmem:s29+$0x12C00]  }
0x36f: {  	v54 =	vadd.f32 v55, v54;
	v55 =	vmul.f32 v56, v48  }
0x370: {  	v56 =	vld [tilespmem:s29+$0x12E00]  }
0x371: {  	v54 =	vadd.f32 v55, v54;
	v55 =	vmul.f32 v57, v49  }
0x372: {  	v57 =	vld [tilespmem:s29+$0x13000]  }
0x373: {  	v54 =	vadd.f32 v55, v54;
	v55 =	vmul.f32 v58, v50  }
0x374: {  	v58 =	vld [tilespmem:s29+$0x13200]  }
0x375: {  	v54 =	vadd.f32 v55, v54;
	v55 =	vmul.f32 v56, v51;
	_ =	sdelay $0x1  }
0x376: {  	v54 =	vadd.f32 v55, v54;
	v55 =	vmul.f32 v57, v52;
	_ =	sdelay $0x1  }
0x377: {  	v54 =	vadd.f32 v55, v54;
	v55 =	vmul.f32 v58, v53;
	_ =	sdelay $0x1  }
0x378: {  	v54 =	vadd.f32 v55, v54;
	_ =	sdelay $0x1  }
0x379: {  	v54 =	vsub.f32 $0.0e+00, v54;
	_ =	sdelay $0x1  }
0x37a: {  	v54 =	vmul.f32 $1.442695020e+00, v54;
	_ =	sdelay $0x1  }
0x37b: {  	(erf) = vpow2.f32 v54;
	_ =	sdelay $0x8  }
0x37c: {  	v54 =	vpop (erf)  }
0x37d: {  	v54 =	vadd.f32 $1.000000000e+00, v54;
	_ =	sdelay $0x1  }
0x37e: {  	(erf) = vrcp.f32 v54;
	_ =	sdelay $0x6  }
.Ltmp26:
0x37f: {  	(pc) =	sbr.rel @p0 .LBB2_54-.Ltmp26, $4  }
0x380: {  	_ = 	snop  }
0x381: {  	s24 =	sadd.s32 $0x10, s24;
	v54 =	vpop (erf)  }
0x382: {  	s25 =	sadd.s32 $0x10, s25;
	[tilespmem:s24+$0x0] =	vst v54  }
0x383: {  	s28 =	sadd.s32 $0x10, s28;
	v54 =	vld [tilespmem:s25+$0x0]  }
0x384: {  	s25 =	sand.u32 $0x1F0, s26  }
0x385: {  	v55 =	vld [tilespmem:s25+$0x10200];
	_ =	sdelay $0x1  }
0x386: {  	v56 =	vld [tilespmem:s25+$0x10400]  }
0x387: {  	v28 =	vmul.f32 v54, v28  }
0x388: {  	v63 =	vld [tilespmem:s25+$0x10600]  }
0x389: {  	v28 =	vadd.f32 v28, v34;
	v27 =	vmul.f32 v55, v27  }
0x38a: {  	v55 =	vld [tilespmem:s25+$0x10800]  }
0x38b: {  	v56 =	vmul.f32 v56, v31;
	v27 =	vadd.f32 v27, v28  }
0x38c: {  	v57 =	vld [tilespmem:s25+$0x10A00]  }
0x38d: {  	v58 =	vmul.f32 v63, v29;
	v27 =	vadd.f32 v56, v27  }
0x38e: {  	v59 =	vld [tilespmem:s25+$0x10C00]  }
0x38f: {  	v60 =	vmul.f32 v55, v30;
	v27 =	vadd.f32 v58, v27  }
0x390: {  	v61 =	vld [tilespmem:s25+$0x10E00]  }
0x391: {  	v62 =	vmul.f32 v57, v32;
	v27 =	vadd.f32 v60, v27  }
0x392: {  	v63 =	vld [tilespmem:s25+$0x11000]  }
0x393: {  	v33 =	vmul.f32 v59, v33;
	v27 =	vadd.f32 v62, v27  }
0x394: {  	v34 =	vld [tilespmem:s25+$0x11200]  }
0x395: {  	v54 =	vmul.f32 v61, v35;
	v27 =	vadd.f32 v33, v27  }
0x396: {  	v55 =	vld [tilespmem:s25+$0x11400]  }
0x397: {  	v56 =	vmul.f32 v63, v36;
	v27 =	vadd.f32 v54, v27  }
0x398: {  	v57 =	vld [tilespmem:s25+$0x11600]  }
0x399: {  	v58 =	vmul.f32 v34, v37;
	v27 =	vadd.f32 v56, v27  }
0x39a: {  	v59 =	vld [tilespmem:s25+$0x11800]  }
0x39b: {  	v60 =	vmul.f32 v55, v38;
	v27 =	vadd.f32 v58, v27  }
0x39c: {  	v61 =	vld [tilespmem:s25+$0x11A00]  }
0x39d: {  	v62 =	vmul.f32 v57, v39;
	v27 =	vadd.f32 v60, v27  }
0x39e: {  	v63 =	vld [tilespmem:s25+$0x11C00]  }
0x39f: {  	v33 =	vmul.f32 v59, v40;
	v27 =	vadd.f32 v62, v27  }
0x3a0: {  	v34 =	vld [tilespmem:s25+$0x11E00]  }
0x3a1: {  	v35 =	vmul.f32 v61, v41;
	v27 =	vadd.f32 v33, v27  }
0x3a2: {  	v36 =	vld [tilespmem:s25+$0x12000]  }
0x3a3: {  	v37 =	vmul.f32 v63, v42;
	v27 =	vadd.f32 v35, v27  }
0x3a4: {  	v38 =	vld [tilespmem:s25+$0x12200]  }
0x3a5: {  	v39 =	vmul.f32 v34, v43;
	v27 =	vadd.f32 v37, v27  }
0x3a6: {  	v40 =	vld [tilespmem:s25+$0x12400]  }
0x3a7: {  	v41 =	vmul.f32 v36, v44;
	v27 =	vadd.f32 v39, v27  }
0x3a8: {  	v42 =	vld [tilespmem:s25+$0x12600]  }
0x3a9: {  	v43 =	vmul.f32 v38, v45;
	v27 =	vadd.f32 v41, v27  }
0x3aa: {  	v44 =	vld [tilespmem:s25+$0x12800]  }
0x3ab: {  	v45 =	vmul.f32 v40, v46;
	v27 =	vadd.f32 v43, v27  }
0x3ac: {  	v46 =	vld [tilespmem:s25+$0x12A00]  }
0x3ad: {  	v47 =	vmul.f32 v42, v47;
	v27 =	vadd.f32 v45, v27  }
0x3ae: {  	v54 =	vld [tilespmem:s25+$0x12C00]  }
0x3af: {  	v55 =	vmul.f32 v44, v48;
	v27 =	vadd.f32 v47, v27  }
0x3b0: {  	v56 =	vld [tilespmem:s25+$0x12E00]  }
0x3b1: {  	v57 =	vmul.f32 v46, v49;
	v27 =	vadd.f32 v55, v27  }
0x3b2: {  	v58 =	vld [tilespmem:s25+$0x13000]  }
0x3b3: {  	v59 =	vmul.f32 v54, v50;
	v27 =	vadd.f32 v57, v27  }
0x3b4: {  	v60 =	vld [tilespmem:s25+$0x13200]  }
0x3b5: {  	v61 =	vmul.f32 v56, v51;
	v27 =	vadd.f32 v59, v27;
	_ =	sdelay $0x1  }
0x3b6: {  	v62 =	vmul.f32 v58, v52;
	v27 =	vadd.f32 v61, v27;
	_ =	sdelay $0x1  }
0x3b7: {  	v63 =	vmul.f32 v60, v53;
	v27 =	vadd.f32 v62, v27;
	_ =	sdelay $0x1  }
0x3b8: {  	v27 =	vadd.f32 v63, v27;
	_ =	sdelay $0x1  }
0x3b9: {  	v27 =	vsub.f32 $0.0e+00, v27;
	_ =	sdelay $0x1  }
0x3ba: {  	v27 =	vmul.f32 $1.442695020e+00, v27;
	_ =	sdelay $0x1  }
0x3bb: {  	(erf) = vpow2.f32 v27;
	_ =	sdelay $0x8  }
0x3bc: {  	v27 =	vpop (erf)  }
0x3bd: {  	v27 =	vadd.f32 $1.000000000e+00, v27;
	_ =	sdelay $0x1  }
0x3be: {  	(erf) = vrcp.f32 v27;
	_ =	sdelay $0x7  }
0x3bf: {  	s23 =	sadd.s32 $0x1, s23  }
0x3c0: {  	s24 =	sadd.s32 $0x10, s24;
	p0 =	sne.s32 s23, s7;
	v27 =	vpop (erf)  }
.Ltmp27:
0x3c1: {  	[tilespmem:s24+$0x0] =	vst v27;
	(pc) =	sbr.rel @p0 .LBB2_1-.Ltmp27, $4  }
0x3c2: {  	[hbm4b:s6+s2] =	stream.linear.scatter [tilespmem:s22], [sflag:$0x2], $0x200, $0x38;
	[tilespmem:$0x16A80] =	vst v63  }
0x3c3: {  	_ =	swait.ge [sflag:s8], $0x200  }
0x3c4: {  	[sflag:s8] =	ssyncset.done $0x0  }
0x3c5: {  	[sflag:s8] =	ssyncadd.s32 $0xFFFFFE00  }
0x3c6: {  	_ =	sfence.sel $0x180000  }
0x3c7: {  	[bflag:$0x0] =	sbarrier.arrive $0xFFFF  }
0x3c8: {  	_ =	strace $0x9000004A  }
0x3c9: {  	s0 =	stileid.u32;
	[bflag:$0x2] =	sbarrier.arrive $0xFFFF  }
0x3ca: {  	p0 =	sne.s32 s0, $0x0;
	s0 =	rddreg [dreg:$0x2]  }
0x3cb: {  	s0 =	sadd.s32 @!p0 $0x100000, s0  }
0x3cc: {  	[sflag:s0] =	ssyncadd.tile.s32 @!p0 $0x1;
	_ =	shalt  }
.Lfunc_end2:
_tile_overlayer_lowered:
.L_overlay_start_2:
0x3cd: {  	(tag) =	ssettag $0x2  }
0x3ce: {  	s0 =	rddreg [dreg:$0x0];
	s2 =	stileid.u32  }
0x3cf: {  	s1 =	rddreg [dreg:$0x1];
	p0 =	sne.s32 s2, $0x0  }
0x3d0: {  	s3 =	rddreg [dreg:$0x2];
	[bflag:$0x3] =	sbarrier.arrive $0xFFFF;
	s2 =	simm.s32 @!p0 $0x1C02  }
0x3d1: {  	[timem:s3], [sflag:s2] =	dma.local @!p0 [hbm:s0], s1  }
0x3d2: {  	s0 =	simm.s32 @!p0 $0x2  }
0x3d3: {  	_ =	swait.ge @!p0 [sflag:s0], s1  }
0x3d4: {  	s1 =	ssub.s32 @!p0 $0x0, s1;
	[sflag:s0] =	ssyncset.done @!p0 $0x0  }
0x3d5: {  	[sflag:s0] =	ssyncadd.s32 @!p0 s1  }
0x3d6: {  	[bflag:$0x3] =	sbarrier.arrive $0xFFFF  }
0x3d7: {  	_ =	shalt  }

</sc_bundles>
